<compile_context>
chip_gen: v7x
topology: tpu7x:2x2x1
jax: 0.10.2.dev20260603
libtpu: 0.0.44.dev20260713+nightly
codegen_flags: <defaults>
</compile_context>

<pallas_src>
import functools

import jax
import jax.numpy as jnp
from jax import lax
from jax.experimental import pallas as pl
from jax.experimental.pallas import tpu as pltpu
from jax.experimental.pallas import tpu_sc as plsc

_NC = 2
_NS = 16
_LANES = 16


@functools.lru_cache(maxsize=None)
def _make_pool(B, L, V, DIM, G, BS):
  NW = _NC * _NS
  SPW = B // NW
  NBLK = SPW // BS
  GPB = BS * L // G
  GPS = L // G
  IDROWS_PW = SPW * L // G

  mesh = plsc.VectorSubcoreMesh(core_axis_name="c", subcore_axis_name="s")

  @functools.partial(
      pl.kernel,
      out_type=jax.ShapeDtypeStruct((B * DIM,), jnp.float32),
      mesh=mesh,
      compiler_params=pltpu.CompilerParams(use_tc_tiling_on_sc=False),
      scratch_types=[
          pltpu.VMEM((GPB, G), jnp.int32),
          pltpu.VMEM((2, G, DIM), jnp.float32),
          pltpu.VMEM((BS * DIM,), jnp.float32),
          pltpu.SemaphoreType.DMA,
          pltpu.SemaphoreType.DMA,
      ],
  )
  def pool(ids_hbm, emb_hbm, out_hbm, ids_v, rows_v, pooled_v, sem0, sem1):
    sems = (sem0, sem1)
    wid = lax.axis_index("s") * _NC + lax.axis_index("c")

    def block_body(blk, carry):
      idrow0 = wid * IDROWS_PW + blk * GPB
      pltpu.sync_copy(ids_hbm.at[pl.ds(idrow0, GPB), :], ids_v)

      copies = [None] * GPB
      copies[0] = pltpu.async_copy(
          emb_hbm.at[ids_v.at[0]], rows_v.at[0], sems[0])

      acc = None
      for j in range(GPB):
        if j + 1 < GPB:
          nb = (j + 1) % 2
          copies[j + 1] = pltpu.async_copy(
              emb_hbm.at[ids_v.at[j + 1]], rows_v.at[nb], sems[nb])
        copies[j].wait()

        s, h = divmod(j, GPS)
        if h == 0:
          acc = tuple(jnp.zeros((_LANES,), jnp.float32)
                      for _ in range(DIM // _LANES))
        buf = j % 2

        def acc_body(i, a, buf=buf):
          row = i * 4
          out = list(a)
          for u in range(4):
            for v in range(DIM // _LANES):
              out[v] = out[v] + rows_v[buf, row + u, pl.ds(v * _LANES, _LANES)]
          return tuple(out)

        acc = lax.fori_loop(0, G // 4, acc_body, acc)
        if h == GPS - 1:
          for v in range(DIM // _LANES):
            pooled_v[pl.ds(s * DIM + v * _LANES, _LANES)] = acc[v]

      pltpu.sync_copy(
          pooled_v,
          out_hbm.at[pl.ds(wid * SPW * DIM + blk * BS * DIM, BS * DIM)])
      return carry

    lax.fori_loop(0, NBLK, block_body, 0)

  return pool


def _linear(pooled, wt, b2):
  B, DIM = pooled.shape
  OUT = wt.shape[1]

  def body(x_ref, w_ref, b_ref, o_ref):
    o_ref[...] = jnp.dot(
        x_ref[...], w_ref[...], preferred_element_type=jnp.float32
    ) + b_ref[...]

  return pl.pallas_call(
      body,
      out_shape=jax.ShapeDtypeStruct((B, OUT), jnp.float32),
  )(pooled, wt, b2)


def kernel(ids, emb, W, b):
  B, L = ids.shape
  V, DIM = emb.shape
  OUT = W.shape[0]
  G = 100
  BS = 16

  ids2d = ids.reshape(B * L // G, G).astype(jnp.int32)
  sums = _make_pool(B, L, V, DIM, G, BS)(ids2d, emb)
  pooled = sums.reshape(B, DIM)
  wt = (W.astype(jnp.float32) * (1.0 / L)).T
  b2 = b.astype(jnp.float32).reshape(1, OUT)
  return _linear(pooled, wt, b2)

# --- scband reference (transcript-rebuilt; emitter-appended) ---
"""Pipeline reference for scband-nbo-w-4595615006982 (READ-ONLY COPY).

The authoritative reference and input builder live on the scoring server;
editing this copy changes nothing except your own understanding.
"""

import jax, jax.numpy as jnp
import numpy as np

VOCAB = 1000000
DIM = 32
OUT = 4
PAD = 0
B = 16384
L = 200


def setup_inputs(seed: int = 0) -> dict:
    key = jax.random.key(seed)
    k1, k2, k3, k4 = jax.random.split(key, 4)
    ids = jax.random.randint(k1, (B, L), 0, VOCAB)
    emb = jax.random.normal(k2, (VOCAB, DIM), dtype=jnp.float32)
    emb = emb.at[PAD].set(0.0)  # padding_idx row is zeros, like nn.Embedding(padding_idx=PAD)
    W = jax.random.normal(k3, (OUT, DIM), dtype=jnp.float32) * 0.05
    b = jax.random.normal(k4, (OUT,), dtype=jnp.float32) * 0.05
    return {"ids": ids, "emb": emb, "W": W, "b": b}


def reference(ids, emb, W, b):
    # nn.Embedding lookup (gather) -> SparseCore-friendly jnp.take
    embedded = jnp.take(emb, ids, axis=0)          # [B, L, DIM]
    # torch .mean(dim=1) includes padding positions in the denominator
    pooled = embedded.mean(axis=1)                 # [B, DIM]
    # nn.Linear: x @ W.T + b
    prediction = pooled @ W.T + b                  # [B, OUT]
    return prediction

if __name__ == "__main__":
    import jax
    _d = setup_inputs()
    print(jax.jit(kernel)(*tuple(_d.values())))

</pallas_src>

<mosaic_0001>
#map = affine_map<(d0, d1) -> (0, 0)>
#map1 = affine_map<(d0, d1) -> (0)>
module attributes {stable_mosaic.version = 14 : i64} {
  func.func @pool(%arg0: i32, %arg1: i32, %arg2: memref<32768x100xi32, #tpu.memory_space<hbm>>, %arg3: memref<1000000x32xf32, #tpu.memory_space<hbm>>, %arg4: memref<524288xf32, #tpu.memory_space<hbm>>, %arg5: memref<32x100xi32, #tpu.memory_space<vmem>>, %arg6: memref<2x100x32xf32, #tpu.memory_space<vmem>>, %arg7: memref<512xf32, #tpu.memory_space<vmem>>, %arg8: memref<!tpu.dma_semaphore, #tpu.memory_space<semaphore_mem>>, %arg9: memref<!tpu.dma_semaphore, #tpu.memory_space<semaphore_mem>>) attributes {dimension_semantics = [#tpu.dimension_semantics<core_parallel>, #tpu.dimension_semantics<subcore_parallel>], iteration_bounds = array<i64: 2, 16>, scalar_prefetch = 0 : i64, scratch_operands = 5 : i64, tpu.core_type = #tpu.core_type<sc_vector_subcore>, window_params = [{transform_indices = #map}, {transform_indices = #map}, {transform_indices = #map1}]} {
    %mul3A = arith.constant 2 : i32
    %mul3A_0 = arith.muli %arg1, %mul3A : i32
    %add3A = arith.addi %mul3A_0, %arg0 : i32
    %scan3A = arith.constant 0 : i32
    %scan3A_1 = arith.constant 0 : i32
    %scan3A_2 = arith.constant 32 : i32
    %scan3A_3 = arith.addi %scan3A_1, %scan3A_2 : i32
    %scan3A_4 = arith.constant 1 : i32
    scf.for %scan3A_6 = %scan3A_1 to %scan3A_3 step %scan3A_4  : i32 {
      %mul3A_7 = arith.constant 1024 : i32
      %mul3A_8 = arith.muli %add3A, %mul3A_7 : i32
      %mul3A_9 = arith.constant 32 : i32
      %mul3A_10 = arith.muli %scan3A_6, %mul3A_9 : i32
      %add3A_11 = arith.addi %mul3A_8, %mul3A_10 : i32
      "tpu.region"() ({
        %run_scoped3A = tpu.sem_alloc : memref<!tpu.dma_semaphore, #tpu.memory_space<semaphore_mem>>
        %dma_start3A_1169 = arith.constant 0 : i32
        %dma_start3A_1170 = tpu.memref_slice %arg2[%add3A_11, %dma_start3A_1169] : memref<32768x100xi32, #tpu.memory_space<hbm>> -> memref<32x100xi32, #tpu.memory_space<hbm>>
        %dma_start3A_1171 = arith.constant 0 : i32
        %dma_start3A_1172 = tpu.memref_slice %arg2[%add3A_11, %dma_start3A_1171] : memref<32768x100xi32, #tpu.memory_space<hbm>> -> memref<32x100xi32, #tpu.memory_space<hbm>>
        tpu.enqueue_dma source(%dma_start3A_1172 : memref<32x100xi32, #tpu.memory_space<hbm>>) target(%arg5 : memref<32x100xi32, #tpu.memory_space<vmem>>) target_semaphore(%run_scoped3A : memref<!tpu.dma_semaphore, #tpu.memory_space<semaphore_mem>>)
        %dma_wait3A_1173 = arith.constant 0 : i32
        %dma_wait3A_1174 = tpu.memref_slice %arg2[%add3A_11, %dma_wait3A_1173] : memref<32768x100xi32, #tpu.memory_space<hbm>> -> memref<32x100xi32, #tpu.memory_space<hbm>>
        %dma_wait3A_1175 = arith.constant 0 : i32
        %dma_wait3A_1176 = tpu.memref_slice %arg2[%add3A_11, %dma_wait3A_1175] : memref<32768x100xi32, #tpu.memory_space<hbm>> -> memref<32x100xi32, #tpu.memory_space<hbm>>
        tpu.wait_dma2 semaphore(%run_scoped3A : memref<!tpu.dma_semaphore, #tpu.memory_space<semaphore_mem>>) src(%dma_wait3A_1176 : memref<32x100xi32, #tpu.memory_space<hbm>>) dst(%arg5 : memref<32x100xi32, #tpu.memory_space<vmem>>)
        tpu.yield
      }) : () -> ()
      %dma_start3A = arith.constant 0 : i32
      %dma_start3A_12 = arith.constant 0 : i32
      %dma_start3A_13 = arith.constant 0 : i32
      %dma_start3A_14 = arith.constant 0 : i32
      %dma_start3A_15 = tpu.memref_slice %arg6[%dma_start3A_12, %dma_start3A_13, %dma_start3A_14] : memref<2x100x32xf32, #tpu.memory_space<vmem>> -> memref<1x100x32xf32, #tpu.memory_space<vmem>>
      %dma_start3A_16 = tpu.memref_squeeze %dma_start3A_15 : memref<1x100x32xf32, #tpu.memory_space<vmem>> -> memref<100x32xf32, #tpu.memory_space<vmem>>
      %dma_start3A_17 = arith.constant 0 : i32
      %dma_start3A_18 = tpu.memref_slice %arg5[%dma_start3A, %dma_start3A_17] : memref<32x100xi32, #tpu.memory_space<vmem>> -> memref<1x100xi32, #tpu.memory_space<vmem>>
      %dma_start3A_19 = tpu.memref_squeeze %dma_start3A_18 : memref<1x100xi32, #tpu.memory_space<vmem>> -> memref<100xi32, #tpu.memory_space<vmem>>
      %dma_start3A_20 = arith.constant 0 : i32
      %dma_start3A_21 = arith.constant 0 : i32
      %dma_start3A_22 = tpu.memref_slice %arg3[%dma_start3A_20, %dma_start3A_21] : memref<1000000x32xf32, #tpu.memory_space<hbm>> -> memref<1000000x32xf32, #tpu.memory_space<hbm>>
      tpu.enqueue_indirect_dma source(%dma_start3A_22 : memref<1000000x32xf32, #tpu.memory_space<hbm>>) target(%dma_start3A_16 : memref<100x32xf32, #tpu.memory_space<vmem>>) offsets(%dma_start3A_19 : memref<100xi32, #tpu.memory_space<vmem>>) semaphore(%arg8 : memref<!tpu.dma_semaphore, #tpu.memory_space<semaphore_mem>>)
      %dma_start3A_23 = arith.constant 1 : i32
      %dma_start3A_24 = arith.constant 1 : i32
      %dma_start3A_25 = arith.constant 0 : i32
      %dma_start3A_26 = arith.constant 0 : i32
      %dma_start3A_27 = tpu.memref_slice %arg6[%dma_start3A_24, %dma_start3A_25, %dma_start3A_26] : memref<2x100x32xf32, #tpu.memory_space<vmem>> -> memref<1x100x32xf32, #tpu.memory_space<vmem>>
      %dma_start3A_28 = tpu.memref_squeeze %dma_start3A_27 : memref<1x100x32xf32, #tpu.memory_space<vmem>> -> memref<100x32xf32, #tpu.memory_space<vmem>>
      %dma_start3A_29 = arith.constant 0 : i32
      %dma_start3A_30 = tpu.memref_slice %arg5[%dma_start3A_23, %dma_start3A_29] : memref<32x100xi32, #tpu.memory_space<vmem>> -> memref<1x100xi32, #tpu.memory_space<vmem>>
      %dma_start3A_31 = tpu.memref_squeeze %dma_start3A_30 : memref<1x100xi32, #tpu.memory_space<vmem>> -> memref<100xi32, #tpu.memory_space<vmem>>
      %dma_start3A_32 = arith.constant 0 : i32
      %dma_start3A_33 = arith.constant 0 : i32
      %dma_start3A_34 = tpu.memref_slice %arg3[%dma_start3A_32, %dma_start3A_33] : memref<1000000x32xf32, #tpu.memory_space<hbm>> -> memref<1000000x32xf32, #tpu.memory_space<hbm>>
      tpu.enqueue_indirect_dma source(%dma_start3A_34 : memref<1000000x32xf32, #tpu.memory_space<hbm>>) target(%dma_start3A_28 : memref<100x32xf32, #tpu.memory_space<vmem>>) offsets(%dma_start3A_31 : memref<100xi32, #tpu.memory_space<vmem>>) semaphore(%arg9 : memref<!tpu.dma_semaphore, #tpu.memory_space<semaphore_mem>>)
      %dma_wait3A = arith.constant 0 : i32
      %dma_wait3A_35 = arith.constant 0 : i32
      %dma_wait3A_36 = arith.constant 0 : i32
      %dma_wait3A_37 = arith.constant 0 : i32
      %dma_wait3A_38 = tpu.memref_slice %arg6[%dma_wait3A_35, %dma_wait3A_36, %dma_wait3A_37] : memref<2x100x32xf32, #tpu.memory_space<vmem>> -> memref<1x100x32xf32, #tpu.memory_space<vmem>>
      %dma_wait3A_39 = tpu.memref_squeeze %dma_wait3A_38 : memref<1x100x32xf32, #tpu.memory_space<vmem>> -> memref<100x32xf32, #tpu.memory_space<vmem>>
      %dma_wait3A_40 = arith.constant 0 : i32
      %dma_wait3A_41 = tpu.memref_slice %arg5[%dma_wait3A, %dma_wait3A_40] : memref<32x100xi32, #tpu.memory_space<vmem>> -> memref<1x100xi32, #tpu.memory_space<vmem>>
      %dma_wait3A_42 = tpu.memref_squeeze %dma_wait3A_41 : memref<1x100xi32, #tpu.memory_space<vmem>> -> memref<100xi32, #tpu.memory_space<vmem>>
      %dma_wait3A_43 = arith.constant 0 : i32
      %dma_wait3A_44 = arith.constant 0 : i32
      %dma_wait3A_45 = tpu.memref_slice %arg3[%dma_wait3A_43, %dma_wait3A_44] : memref<1000000x32xf32, #tpu.memory_space<hbm>> -> memref<1000000x32xf32, #tpu.memory_space<hbm>>
      tpu.wait_indirect_dma semaphore(%arg8 : memref<!tpu.dma_semaphore, #tpu.memory_space<semaphore_mem>>) src(%dma_wait3A_45 : memref<1000000x32xf32, #tpu.memory_space<hbm>>) dst(%dma_wait3A_39 : memref<100x32xf32, #tpu.memory_space<vmem>>)
      %broadcast_in_dim3A = arith.constant 0.000000e+00 : f32
      %broadcast_in_dim3A_46 = vector.broadcast %broadcast_in_dim3A : f32 to vector<16xf32>
      %broadcast_in_dim3A_47 = arith.constant 0.000000e+00 : f32
      %broadcast_in_dim3A_48 = vector.broadcast %broadcast_in_dim3A_47 : f32 to vector<16xf32>
      %scan3A_49 = arith.constant 0 : i32
      %scan3A_50 = arith.constant 25 : i32
      %scan3A_51 = arith.addi %scan3A_49, %scan3A_50 : i32
      %scan3A_52 = arith.constant 1 : i32
      %scan3A_53:2 = scf.for %scan3A_1169 = %scan3A_49 to %scan3A_51 step %scan3A_52 iter_args(%scan3A_1170 = %broadcast_in_dim3A_46, %scan3A_1171 = %broadcast_in_dim3A_48) -> (vector<16xf32>, vector<16xf32>)  : i32 {
        %mul3A_1172 = arith.constant 4 : i32
        %mul3A_1173 = arith.muli %scan3A_1169, %mul3A_1172 : i32
        %add3A_1174 = arith.constant 0 : i32
        %add3A_1175 = arith.addi %mul3A_1173, %add3A_1174 : i32
        %get3A = arith.constant 0 : i32
        %get3A_1176 = arith.index_cast %get3A : i32 to index
        %get3A_1177 = arith.index_cast %add3A_1175 : i32 to index
        %get3A_1178 = arith.constant 0 : index
        %get3A_1179 = tpu.vector_load %arg6[%get3A_1176, %get3A_1177, %get3A_1178] {strides = array<i32>} : memref<2x100x32xf32, #tpu.memory_space<vmem>>, vector<1x1x16xf32>,
        %get3A_1180 = vector.shape_cast %get3A_1179 : vector<1x1x16xf32> to vector<16xf32>
        %add3A_1181 = arith.addf %scan3A_1170, %get3A_1180 : vector<16xf32>
        %add3A_1182 = arith.constant 0 : i32
        %add3A_1183 = arith.addi %mul3A_1173, %add3A_1182 : i32
        %get3A_1184 = arith.constant 0 : i32
        %get3A_1185 = arith.index_cast %get3A_1184 : i32 to index
        %get3A_1186 = arith.index_cast %add3A_1183 : i32 to index
        %get3A_1187 = arith.constant 16 : index
        %get3A_1188 = tpu.vector_load %arg6[%get3A_1185, %get3A_1186, %get3A_1187] {strides = array<i32>} : memref<2x100x32xf32, #tpu.memory_space<vmem>>, vector<1x1x16xf32>,
        %get3A_1189 = vector.shape_cast %get3A_1188 : vector<1x1x16xf32> to vector<16xf32>
        %add3A_1190 = arith.addf %scan3A_1171, %get3A_1189 : vector<16xf32>
        %add3A_1191 = arith.constant 1 : i32
        %add3A_1192 = arith.addi %mul3A_1173, %add3A_1191 : i32
        %get3A_1193 = arith.constant 0 : i32
        %get3A_1194 = arith.index_cast %get3A_1193 : i32 to index
        %get3A_1195 = arith.index_cast %add3A_1192 : i32 to index
        %get3A_1196 = arith.constant 0 : index
        %get3A_1197 = tpu.vector_load %arg6[%get3A_1194, %get3A_1195, %get3A_1196] {strides = array<i32>} : memref<2x100x32xf32, #tpu.memory_space<vmem>>, vector<1x1x16xf32>,
        %get3A_1198 = vector.shape_cast %get3A_1197 : vector<1x1x16xf32> to vector<16xf32>
        %add3A_1199 = arith.addf %add3A_1181, %get3A_1198 : vector<16xf32>
        %add3A_1200 = arith.constant 1 : i32
        %add3A_1201 = arith.addi %mul3A_1173, %add3A_1200 : i32
        %get3A_1202 = arith.constant 0 : i32
        %get3A_1203 = arith.index_cast %get3A_1202 : i32 to index
        %get3A_1204 = arith.index_cast %add3A_1201 : i32 to index
        %get3A_1205 = arith.constant 16 : index
        %get3A_1206 = tpu.vector_load %arg6[%get3A_1203, %get3A_1204, %get3A_1205] {strides = array<i32>} : memref<2x100x32xf32, #tpu.memory_space<vmem>>, vector<1x1x16xf32>,
        %get3A_1207 = vector.shape_cast %get3A_1206 : vector<1x1x16xf32> to vector<16xf32>
        %add3A_1208 = arith.addf %add3A_1190, %get3A_1207 : vector<16xf32>
        %add3A_1209 = arith.constant 2 : i32
        %add3A_1210 = arith.addi %mul3A_1173, %add3A_1209 : i32
        %get3A_1211 = arith.constant 0 : i32
        %get3A_1212 = arith.index_cast %get3A_1211 : i32 to index
        %get3A_1213 = arith.index_cast %add3A_1210 : i32 to index
        %get3A_1214 = arith.constant 0 : index
        %get3A_1215 = tpu.vector_load %arg6[%get3A_1212, %get3A_1213, %get3A_1214] {strides = array<i32>} : memref<2x100x32xf32, #tpu.memory_space<vmem>>, vector<1x1x16xf32>,
        %get3A_1216 = vector.shape_cast %get3A_1215 : vector<1x1x16xf32> to vector<16xf32>
        %add3A_1217 = arith.addf %add3A_1199, %get3A_1216 : vector<16xf32>
        %add3A_1218 = arith.constant 2 : i32
        %add3A_1219 = arith.addi %mul3A_1173, %add3A_1218 : i32
        %get3A_1220 = arith.constant 0 : i32
        %get3A_1221 = arith.index_cast %get3A_1220 : i32 to index
        %get3A_1222 = arith.index_cast %add3A_1219 : i32 to index
        %get3A_1223 = arith.constant 16 : index
        %get3A_1224 = tpu.vector_load %arg6[%get3A_1221, %get3A_1222, %get3A_1223] {strides = array<i32>} : memref<2x100x32xf32, #tpu.memory_space<vmem>>, vector<1x1x16xf32>,
        %get3A_1225 = vector.shape_cast %get3A_1224 : vector<1x1x16xf32> to vector<16xf32>
        %add3A_1226 = arith.addf %add3A_1208, %get3A_1225 : vector<16xf32>
        %add3A_1227 = arith.constant 3 : i32
        %add3A_1228 = arith.addi %mul3A_1173, %add3A_1227 : i32
        %get3A_1229 = arith.constant 0 : i32
        %get3A_1230 = arith.index_cast %get3A_1229 : i32 to index
        %get3A_1231 = arith.index_cast %add3A_1228 : i32 to index
        %get3A_1232 = arith.constant 0 : index
        %get3A_1233 = tpu.vector_load %arg6[%get3A_1230, %get3A_1231, %get3A_1232] {strides = array<i32>} : memref<2x100x32xf32, #tpu.memory_space<vmem>>, vector<1x1x16xf32>,
        %get3A_1234 = vector.shape_cast %get3A_1233 : vector<1x1x16xf32> to vector<16xf32>
        %add3A_1235 = arith.addf %add3A_1217, %get3A_1234 : vector<16xf32>
        %add3A_1236 = arith.constant 3 : i32
        %add3A_1237 = arith.addi %mul3A_1173, %add3A_1236 : i32
        %get3A_1238 = arith.constant 0 : i32
        %get3A_1239 = arith.index_cast %get3A_1238 : i32 to index
        %get3A_1240 = arith.index_cast %add3A_1237 : i32 to index
        %get3A_1241 = arith.constant 16 : index
        %get3A_1242 = tpu.vector_load %arg6[%get3A_1239, %get3A_1240, %get3A_1241] {strides = array<i32>} : memref<2x100x32xf32, #tpu.memory_space<vmem>>, vector<1x1x16xf32>,
        %get3A_1243 = vector.shape_cast %get3A_1242 : vector<1x1x16xf32> to vector<16xf32>
        %add3A_1244 = arith.addf %add3A_1226, %get3A_1243 : vector<16xf32>
        scf.yield %add3A_1235, %add3A_1244 : vector<16xf32>, vector<16xf32>
      }
      %scan3A_54 = arith.constant 25 : i32
      %dma_start3A_55 = arith.constant 2 : i32
      %dma_start3A_56 = arith.constant 0 : i32
      %dma_start3A_57 = arith.constant 0 : i32
      %dma_start3A_58 = arith.constant 0 : i32
      %dma_start3A_59 = tpu.memref_slice %arg6[%dma_start3A_56, %dma_start3A_57, %dma_start3A_58] : memref<2x100x32xf32, #tpu.memory_space<vmem>> -> memref<1x100x32xf32, #tpu.memory_space<vmem>>
      %dma_start3A_60 = tpu.memref_squeeze %dma_start3A_59 : memref<1x100x32xf32, #tpu.memory_space<vmem>> -> memref<100x32xf32, #tpu.memory_space<vmem>>
      %dma_start3A_61 = arith.constant 0 : i32
      %dma_start3A_62 = tpu.memref_slice %arg5[%dma_start3A_55, %dma_start3A_61] : memref<32x100xi32, #tpu.memory_space<vmem>> -> memref<1x100xi32, #tpu.memory_space<vmem>>
      %dma_start3A_63 = tpu.memref_squeeze %dma_start3A_62 : memref<1x100xi32, #tpu.memory_space<vmem>> -> memref<100xi32, #tpu.memory_space<vmem>>
      %dma_start3A_64 = arith.constant 0 : i32
      %dma_start3A_65 = arith.constant 0 : i32
      %dma_start3A_66 = tpu.memref_slice %arg3[%dma_start3A_64, %dma_start3A_65] : memref<1000000x32xf32, #tpu.memory_space<hbm>> -> memref<1000000x32xf32, #tpu.memory_space<hbm>>
      tpu.enqueue_indirect_dma source(%dma_start3A_66 : memref<1000000x32xf32, #tpu.memory_space<hbm>>) target(%dma_start3A_60 : memref<100x32xf32, #tpu.memory_space<vmem>>) offsets(%dma_start3A_63 : memref<100xi32, #tpu.memory_space<vmem>>) semaphore(%arg8 : memref<!tpu.dma_semaphore, #tpu.memory_space<semaphore_mem>>)
      %dma_wait3A_67 = arith.constant 1 : i32
      %dma_wait3A_68 = arith.constant 1 : i32
      %dma_wait3A_69 = arith.constant 0 : i32
      %dma_wait3A_70 = arith.constant 0 : i32
      %dma_wait3A_71 = tpu.memref_slice %arg6[%dma_wait3A_68, %dma_wait3A_69, %dma_wait3A_70] : memref<2x100x32xf32, #tpu.memory_space<vmem>> -> memref<1x100x32xf32, #tpu.memory_space<vmem>>
      %dma_wait3A_72 = tpu.memref_squeeze %dma_wait3A_71 : memref<1x100x32xf32, #tpu.memory_space<vmem>> -> memref<100x32xf32, #tpu.memory_space<vmem>>
      %dma_wait3A_73 = arith.constant 0 : i32
      %dma_wait3A_74 = tpu.memref_slice %arg5[%dma_wait3A_67, %dma_wait3A_73] : memref<32x100xi32, #tpu.memory_space<vmem>> -> memref<1x100xi32, #tpu.memory_space<vmem>>
      %dma_wait3A_75 = tpu.memref_squeeze %dma_wait3A_74 : memref<1x100xi32, #tpu.memory_space<vmem>> -> memref<100xi32, #tpu.memory_space<vmem>>
      %dma_wait3A_76 = arith.constant 0 : i32
      %dma_wait3A_77 = arith.constant 0 : i32
      %dma_wait3A_78 = tpu.memref_slice %arg3[%dma_wait3A_76, %dma_wait3A_77] : memref<1000000x32xf32, #tpu.memory_space<hbm>> -> memref<1000000x32xf32, #tpu.memory_space<hbm>>
      tpu.wait_indirect_dma semaphore(%arg9 : memref<!tpu.dma_semaphore, #tpu.memory_space<semaphore_mem>>) src(%dma_wait3A_78 : memref<1000000x32xf32, #tpu.memory_space<hbm>>) dst(%dma_wait3A_72 : memref<100x32xf32, #tpu.memory_space<vmem>>)
      %scan3A_79 = arith.constant 0 : i32
      %scan3A_80 = arith.constant 25 : i32
      %scan3A_81 = arith.addi %scan3A_79, %scan3A_80 : i32
      %scan3A_82 = arith.constant 1 : i32
      %scan3A_83:2 = scf.for %scan3A_1169 = %scan3A_79 to %scan3A_81 step %scan3A_82 iter_args(%scan3A_1170 = %scan3A_53#0, %scan3A_1171 = %scan3A_53#1) -> (vector<16xf32>, vector<16xf32>)  : i32 {
        %mul3A_1172 = arith.constant 4 : i32
        %mul3A_1173 = arith.muli %scan3A_1169, %mul3A_1172 : i32
        %add3A_1174 = arith.constant 0 : i32
        %add3A_1175 = arith.addi %mul3A_1173, %add3A_1174 : i32
        %get3A = arith.constant 1 : i32
        %get3A_1176 = arith.index_cast %get3A : i32 to index
        %get3A_1177 = arith.index_cast %add3A_1175 : i32 to index
        %get3A_1178 = arith.constant 0 : index
        %get3A_1179 = tpu.vector_load %arg6[%get3A_1176, %get3A_1177, %get3A_1178] {strides = array<i32>} : memref<2x100x32xf32, #tpu.memory_space<vmem>>, vector<1x1x16xf32>,
        %get3A_1180 = vector.shape_cast %get3A_1179 : vector<1x1x16xf32> to vector<16xf32>
        %add3A_1181 = arith.addf %scan3A_1170, %get3A_1180 : vector<16xf32>
        %add3A_1182 = arith.constant 0 : i32
        %add3A_1183 = arith.addi %mul3A_1173, %add3A_1182 : i32
        %get3A_1184 = arith.constant 1 : i32
        %get3A_1185 = arith.index_cast %get3A_1184 : i32 to index
        %get3A_1186 = arith.index_cast %add3A_1183 : i32 to index
        %get3A_1187 = arith.constant 16 : index
        %get3A_1188 = tpu.vector_load %arg6[%get3A_1185, %get3A_1186, %get3A_1187] {strides = array<i32>} : memref<2x100x32xf32, #tpu.memory_space<vmem>>, vector<1x1x16xf32>,
        %get3A_1189 = vector.shape_cast %get3A_1188 : vector<1x1x16xf32> to vector<16xf32>
        %add3A_1190 = arith.addf %scan3A_1171, %get3A_1189 : vector<16xf32>
        %add3A_1191 = arith.constant 1 : i32
        %add3A_1192 = arith.addi %mul3A_1173, %add3A_1191 : i32
        %get3A_1193 = arith.constant 1 : i32
        %get3A_1194 = arith.index_cast %get3A_1193 : i32 to index
        %get3A_1195 = arith.index_cast %add3A_1192 : i32 to index
        %get3A_1196 = arith.constant 0 : index
        %get3A_1197 = tpu.vector_load %arg6[%get3A_1194, %get3A_1195, %get3A_1196] {strides = array<i32>} : memref<2x100x32xf32, #tpu.memory_space<vmem>>, vector<1x1x16xf32>,
        %get3A_1198 = vector.shape_cast %get3A_1197 : vector<1x1x16xf32> to vector<16xf32>
        %add3A_1199 = arith.addf %add3A_1181, %get3A_1198 : vector<16xf32>
        %add3A_1200 = arith.constant 1 : i32
        %add3A_1201 = arith.addi %mul3A_1173, %add3A_1200 : i32
        %get3A_1202 = arith.constant 1 : i32
        %get3A_1203 = arith.index_cast %get3A_1202 : i32 to index
        %get3A_1204 = arith.index_cast %add3A_1201 : i32 to index
        %get3A_1205 = arith.constant 16 : index
        %get3A_1206 = tpu.vector_load %arg6[%get3A_1203, %get3A_1204, %get3A_1205] {strides = array<i32>} : memref<2x100x32xf32, #tpu.memory_space<vmem>>, vector<1x1x16xf32>,
        %get3A_1207 = vector.shape_cast %get3A_1206 : vector<1x1x16xf32> to vector<16xf32>
        %add3A_1208 = arith.addf %add3A_1190, %get3A_1207 : vector<16xf32>
        %add3A_1209 = arith.constant 2 : i32
        %add3A_1210 = arith.addi %mul3A_1173, %add3A_1209 : i32
        %get3A_1211 = arith.constant 1 : i32
        %get3A_1212 = arith.index_cast %get3A_1211 : i32 to index
        %get3A_1213 = arith.index_cast %add3A_1210 : i32 to index
        %get3A_1214 = arith.constant 0 : index
        %get3A_1215 = tpu.vector_load %arg6[%get3A_1212, %get3A_1213, %get3A_1214] {strides = array<i32>} : memref<2x100x32xf32, #tpu.memory_space<vmem>>, vector<1x1x16xf32>,
        %get3A_1216 = vector.shape_cast %get3A_1215 : vector<1x1x16xf32> to vector<16xf32>
        %add3A_1217 = arith.addf %add3A_1199, %get3A_1216 : vector<16xf32>
        %add3A_1218 = arith.constant 2 : i32
        %add3A_1219 = arith.addi %mul3A_1173, %add3A_1218 : i32
        %get3A_1220 = arith.constant 1 : i32
        %get3A_1221 = arith.index_cast %get3A_1220 : i32 to index
        %get3A_1222 = arith.index_cast %add3A_1219 : i32 to index
        %get3A_1223 = arith.constant 16 : index
        %get3A_1224 = tpu.vector_load %arg6[%get3A_1221, %get3A_1222, %get3A_1223] {strides = array<i32>} : memref<2x100x32xf32, #tpu.memory_space<vmem>>, vector<1x1x16xf32>,
        %get3A_1225 = vector.shape_cast %get3A_1224 : vector<1x1x16xf32> to vector<16xf32>
        %add3A_1226 = arith.addf %add3A_1208, %get3A_1225 : vector<16xf32>
        %add3A_1227 = arith.constant 3 : i32
        %add3A_1228 = arith.addi %mul3A_1173, %add3A_1227 : i32
        %get3A_1229 = arith.constant 1 : i32
        %get3A_1230 = arith.index_cast %get3A_1229 : i32 to index
        %get3A_1231 = arith.index_cast %add3A_1228 : i32 to index
        %get3A_1232 = arith.constant 0 : index
        %get3A_1233 = tpu.vector_load %arg6[%get3A_1230, %get3A_1231, %get3A_1232] {strides = array<i32>} : memref<2x100x32xf32, #tpu.memory_space<vmem>>, vector<1x1x16xf32>,
        %get3A_1234 = vector.shape_cast %get3A_1233 : vector<1x1x16xf32> to vector<16xf32>
        %add3A_1235 = arith.addf %add3A_1217, %get3A_1234 : vector<16xf32>
        %add3A_1236 = arith.constant 3 : i32
        %add3A_1237 = arith.addi %mul3A_1173, %add3A_1236 : i32
        %get3A_1238 = arith.constant 1 : i32
        %get3A_1239 = arith.index_cast %get3A_1238 : i32 to index
        %get3A_1240 = arith.index_cast %add3A_1237 : i32 to index
        %get3A_1241 = arith.constant 16 : index
        %get3A_1242 = tpu.vector_load %arg6[%get3A_1239, %get3A_1240, %get3A_1241] {strides = array<i32>} : memref<2x100x32xf32, #tpu.memory_space<vmem>>, vector<1x1x16xf32>,
        %get3A_1243 = vector.shape_cast %get3A_1242 : vector<1x1x16xf32> to vector<16xf32>
        %add3A_1244 = arith.addf %add3A_1226, %get3A_1243 : vector<16xf32>
        scf.yield %add3A_1235, %add3A_1244 : vector<16xf32>, vector<16xf32>
      }
      %scan3A_84 = arith.constant 25 : i32
      %swap3A = arith.constant 0 : index
      %swap3A_85 = tpu.vector_load %arg7[%swap3A] {strides = array<i32>} : memref<512xf32, #tpu.memory_space<vmem>>, vector<16xf32>,
      %swap3A_86 = vector.shape_cast %swap3A_85 : vector<16xf32> to vector<16xf32>
      %swap3A_87 = vector.shape_cast %scan3A_83#0 : vector<16xf32> to vector<16xf32>
      tpu.vector_store %arg7[%swap3A], %swap3A_87 {strides = array<i32>} : memref<512xf32, #tpu.memory_space<vmem>>, vector<16xf32>,
      %swap3A_88 = arith.constant 16 : index
      %swap3A_89 = tpu.vector_load %arg7[%swap3A_88] {strides = array<i32>} : memref<512xf32, #tpu.memory_space<vmem>>, vector<16xf32>,
      %swap3A_90 = vector.shape_cast %swap3A_89 : vector<16xf32> to vector<16xf32>
      %swap3A_91 = vector.shape_cast %scan3A_83#1 : vector<16xf32> to vector<16xf32>
      tpu.vector_store %arg7[%swap3A_88], %swap3A_91 {strides = array<i32>} : memref<512xf32, #tpu.memory_space<vmem>>, vector<16xf32>,
      %dma_start3A_92 = arith.constant 3 : i32
      %dma_start3A_93 = arith.constant 1 : i32
      %dma_start3A_94 = arith.constant 0 : i32
      %dma_start3A_95 = arith.constant 0 : i32
      %dma_start3A_96 = tpu.memref_slice %arg6[%dma_start3A_93, %dma_start3A_94, %dma_start3A_95] : memref<2x100x32xf32, #tpu.memory_space<vmem>> -> memref<1x100x32xf32, #tpu.memory_space<vmem>>
      %dma_start3A_97 = tpu.memref_squeeze %dma_start3A_96 : memref<1x100x32xf32, #tpu.memory_space<vmem>> -> memref<100x32xf32, #tpu.memory_space<vmem>>
      %dma_start3A_98 = arith.constant 0 : i32
      %dma_start3A_99 = tpu.memref_slice %arg5[%dma_start3A_92, %dma_start3A_98] : memref<32x100xi32, #tpu.memory_space<vmem>> -> memref<1x100xi32, #tpu.memory_space<vmem>>
      %dma_start3A_100 = tpu.memref_squeeze %dma_start3A_99 : memref<1x100xi32, #tpu.memory_space<vmem>> -> memref<100xi32, #tpu.memory_space<vmem>>
      %dma_start3A_101 = arith.constant 0 : i32
      %dma_start3A_102 = arith.constant 0 : i32
      %dma_start3A_103 = tpu.memref_slice %arg3[%dma_start3A_101, %dma_start3A_102] : memref<1000000x32xf32, #tpu.memory_space<hbm>> -> memref<1000000x32xf32, #tpu.memory_space<hbm>>
      tpu.enqueue_indirect_dma source(%dma_start3A_103 : memref<1000000x32xf32, #tpu.memory_space<hbm>>) target(%dma_start3A_97 : memref<100x32xf32, #tpu.memory_space<vmem>>) offsets(%dma_start3A_100 : memref<100xi32, #tpu.memory_space<vmem>>) semaphore(%arg9 : memref<!tpu.dma_semaphore, #tpu.memory_space<semaphore_mem>>)
      %dma_wait3A_104 = arith.constant 2 : i32
      %dma_wait3A_105 = arith.constant 0 : i32
      %dma_wait3A_106 = arith.constant 0 : i32
      %dma_wait3A_107 = arith.constant 0 : i32
      %dma_wait3A_108 = tpu.memref_slice %arg6[%dma_wait3A_105, %dma_wait3A_106, %dma_wait3A_107] : memref<2x100x32xf32, #tpu.memory_space<vmem>> -> memref<1x100x32xf32, #tpu.memory_space<vmem>>
      %dma_wait3A_109 = tpu.memref_squeeze %dma_wait3A_108 : memref<1x100x32xf32, #tpu.memory_space<vmem>> -> memref<100x32xf32, #tpu.memory_space<vmem>>
      %dma_wait3A_110 = arith.constant 0 : i32
      %dma_wait3A_111 = tpu.memref_slice %arg5[%dma_wait3A_104, %dma_wait3A_110] : memref<32x100xi32, #tpu.memory_space<vmem>> -> memref<1x100xi32, #tpu.memory_space<vmem>>
      %dma_wait3A_112 = tpu.memref_squeeze %dma_wait3A_111 : memref<1x100xi32, #tpu.memory_space<vmem>> -> memref<100xi32, #tpu.memory_space<vmem>>
      %dma_wait3A_113 = arith.constant 0 : i32
      %dma_wait3A_114 = arith.constant 0 : i32
      %dma_wait3A_115 = tpu.memref_slice %arg3[%dma_wait3A_113, %dma_wait3A_114] : memref<1000000x32xf32, #tpu.memory_space<hbm>> -> memref<1000000x32xf32, #tpu.memory_space<hbm>>
      tpu.wait_indirect_dma semaphore(%arg8 : memref<!tpu.dma_semaphore, #tpu.memory_space<semaphore_mem>>) src(%dma_wait3A_115 : memref<1000000x32xf32, #tpu.memory_space<hbm>>) dst(%dma_wait3A_109 : memref<100x32xf32, #tpu.memory_space<vmem>>)
      %broadcast_in_dim3A_116 = arith.constant 0.000000e+00 : f32
      %broadcast_in_dim3A_117 = vector.broadcast %broadcast_in_dim3A_116 : f32 to vector<16xf32>
      %broadcast_in_dim3A_118 = arith.constant 0.000000e+00 : f32
      %broadcast_in_dim3A_119 = vector.broadcast %broadcast_in_dim3A_118 : f32 to vector<16xf32>
      %scan3A_120 = arith.constant 0 : i32
      %scan3A_121 = arith.constant 25 : i32
      %scan3A_122 = arith.addi %scan3A_120, %scan3A_121 : i32
      %scan3A_123 = arith.constant 1 : i32
      %scan3A_124:2 = scf.for %scan3A_1169 = %scan3A_120 to %scan3A_122 step %scan3A_123 iter_args(%scan3A_1170 = %broadcast_in_dim3A_117, %scan3A_1171 = %broadcast_in_dim3A_119) -> (vector<16xf32>, vector<16xf32>)  : i32 {
        %mul3A_1172 = arith.constant 4 : i32
        %mul3A_1173 = arith.muli %scan3A_1169, %mul3A_1172 : i32
        %add3A_1174 = arith.constant 0 : i32
        %add3A_1175 = arith.addi %mul3A_1173, %add3A_1174 : i32
        %get3A = arith.constant 0 : i32
        %get3A_1176 = arith.index_cast %get3A : i32 to index
        %get3A_1177 = arith.index_cast %add3A_1175 : i32 to index
        %get3A_1178 = arith.constant 0 : index
        %get3A_1179 = tpu.vector_load %arg6[%get3A_1176, %get3A_1177, %get3A_1178] {strides = array<i32>} : memref<2x100x32xf32, #tpu.memory_space<vmem>>, vector<1x1x16xf32>,
        %get3A_1180 = vector.shape_cast %get3A_1179 : vector<1x1x16xf32> to vector<16xf32>
        %add3A_1181 = arith.addf %scan3A_1170, %get3A_1180 : vector<16xf32>
        %add3A_1182 = arith.constant 0 : i32
        %add3A_1183 = arith.addi %mul3A_1173, %add3A_1182 : i32
        %get3A_1184 = arith.constant 0 : i32
        %get3A_1185 = arith.index_cast %get3A_1184 : i32 to index
        %get3A_1186 = arith.index_cast %add3A_1183 : i32 to index
        %get3A_1187 = arith.constant 16 : index
        %get3A_1188 = tpu.vector_load %arg6[%get3A_1185, %get3A_1186, %get3A_1187] {strides = array<i32>} : memref<2x100x32xf32, #tpu.memory_space<vmem>>, vector<1x1x16xf32>,
        %get3A_1189 = vector.shape_cast %get3A_1188 : vector<1x1x16xf32> to vector<16xf32>
        %add3A_1190 = arith.addf %scan3A_1171, %get3A_1189 : vector<16xf32>
        %add3A_1191 = arith.constant 1 : i32
        %add3A_1192 = arith.addi %mul3A_1173, %add3A_1191 : i32
        %get3A_1193 = arith.constant 0 : i32
        %get3A_1194 = arith.index_cast %get3A_1193 : i32 to index
        %get3A_1195 = arith.index_cast %add3A_1192 : i32 to index
        %get3A_1196 = arith.constant 0 : index
        %get3A_1197 = tpu.vector_load %arg6[%get3A_1194, %get3A_1195, %get3A_1196] {strides = array<i32>} : memref<2x100x32xf32, #tpu.memory_space<vmem>>, vector<1x1x16xf32>,
        %get3A_1198 = vector.shape_cast %get3A_1197 : vector<1x1x16xf32> to vector<16xf32>
        %add3A_1199 = arith.addf %add3A_1181, %get3A_1198 : vector<16xf32>
        %add3A_1200 = arith.constant 1 : i32
        %add3A_1201 = arith.addi %mul3A_1173, %add3A_1200 : i32
        %get3A_1202 = arith.constant 0 : i32
        %get3A_1203 = arith.index_cast %get3A_1202 : i32 to index
        %get3A_1204 = arith.index_cast %add3A_1201 : i32 to index
        %get3A_1205 = arith.constant 16 : index
        %get3A_1206 = tpu.vector_load %arg6[%get3A_1203, %get3A_1204, %get3A_1205] {strides = array<i32>} : memref<2x100x32xf32, #tpu.memory_space<vmem>>, vector<1x1x16xf32>,
        %get3A_1207 = vector.shape_cast %get3A_1206 : vector<1x1x16xf32> to vector<16xf32>
        %add3A_1208 = arith.addf %add3A_1190, %get3A_1207 : vector<16xf32>
        %add3A_1209 = arith.constant 2 : i32
        %add3A_1210 = arith.addi %mul3A_1173, %add3A_1209 : i32
        %get3A_1211 = arith.constant 0 : i32
        %get3A_1212 = arith.index_cast %get3A_1211 : i32 to index
        %get3A_1213 = arith.index_cast %add3A_1210 : i32 to index
        %get3A_1214 = arith.constant 0 : index
        %get3A_1215 = tpu.vector_load %arg6[%get3A_1212, %get3A_1213, %get3A_1214] {strides = array<i32>} : memref<2x100x32xf32, #tpu.memory_space<vmem>>, vector<1x1x16xf32>,
        %get3A_1216 = vector.shape_cast %get3A_1215 : vector<1x1x16xf32> to vector<16xf32>
        %add3A_1217 = arith.addf %add3A_1199, %get3A_1216 : vector<16xf32>
        %add3A_1218 = arith.constant 2 : i32
        %add3A_1219 = arith.addi %mul3A_1173, %add3A_1218 : i32
        %get3A_1220 = arith.constant 0 : i32
        %get3A_1221 = arith.index_cast %get3A_1220 : i32 to index
        %get3A_1222 = arith.index_cast %add3A_1219 : i32 to index
        %get3A_1223 = arith.constant 16 : index
        %get3A_1224 = tpu.vector_load %arg6[%get3A_1221, %get3A_1222, %get3A_1223] {strides = array<i32>} : memref<2x100x32xf32, #tpu.memory_space<vmem>>, vector<1x1x16xf32>,
        %get3A_1225 = vector.shape_cast %get3A_1224 : vector<1x1x16xf32> to vector<16xf32>
        %add3A_1226 = arith.addf %add3A_1208, %get3A_1225 : vector<16xf32>
        %add3A_1227 = arith.constant 3 : i32
        %add3A_1228 = arith.addi %mul3A_1173, %add3A_1227 : i32
        %get3A_1229 = arith.constant 0 : i32
        %get3A_1230 = arith.index_cast %get3A_1229 : i32 to index
        %get3A_1231 = arith.index_cast %add3A_1228 : i32 to index
        %get3A_1232 = arith.constant 0 : index
        %get3A_1233 = tpu.vector_load %arg6[%get3A_1230, %get3A_1231, %get3A_1232] {strides = array<i32>} : memref<2x100x32xf32, #tpu.memory_space<vmem>>, vector<1x1x16xf32>,
        %get3A_1234 = vector.shape_cast %get3A_1233 : vector<1x1x16xf32> to vector<16xf32>
        %add3A_1235 = arith.addf %add3A_1217, %get3A_1234 : vector<16xf32>
        %add3A_1236 = arith.constant 3 : i32
        %add3A_1237 = arith.addi %mul3A_1173, %add3A_1236 : i32
        %get3A_1238 = arith.constant 0 : i32
        %get3A_1239 = arith.index_cast %get3A_1238 : i32 to index
        %get3A_1240 = arith.index_cast %add3A_1237 : i32 to index
        %get3A_1241 = arith.constant 16 : index
        %get3A_1242 = tpu.vector_load %arg6[%get3A_1239, %get3A_1240, %get3A_1241] {strides = array<i32>} : memref<2x100x32xf32, #tpu.memory_space<vmem>>, vector<1x1x16xf32>,
        %get3A_1243 = vector.shape_cast %get3A_1242 : vector<1x1x16xf32> to vector<16xf32>
        %add3A_1244 = arith.addf %add3A_1226, %get3A_1243 : vector<16xf32>
        scf.yield %add3A_1235, %add3A_1244 : vector<16xf32>, vector<16xf32>
      }
      %scan3A_125 = arith.constant 25 : i32
      %dma_start3A_126 = arith.constant 4 : i32
      %dma_start3A_127 = arith.constant 0 : i32
      %dma_start3A_128 = arith.constant 0 : i32
      %dma_start3A_129 = arith.constant 0 : i32
      %dma_start3A_130 = tpu.memref_slice %arg6[%dma_start3A_127, %dma_start3A_128, %dma_start3A_129] : memref<2x100x32xf32, #tpu.memory_space<vmem>> -> memref<1x100x32xf32, #tpu.memory_space<vmem>>
      %dma_start3A_131 = tpu.memref_squeeze %dma_start3A_130 : memref<1x100x32xf32, #tpu.memory_space<vmem>> -> memref<100x32xf32, #tpu.memory_space<vmem>>
      %dma_start3A_132 = arith.constant 0 : i32
      %dma_start3A_133 = tpu.memref_slice %arg5[%dma_start3A_126, %dma_start3A_132] : memref<32x100xi32, #tpu.memory_space<vmem>> -> memref<1x100xi32, #tpu.memory_space<vmem>>
      %dma_start3A_134 = tpu.memref_squeeze %dma_start3A_133 : memref<1x100xi32, #tpu.memory_space<vmem>> -> memref<100xi32, #tpu.memory_space<vmem>>
      %dma_start3A_135 = arith.constant 0 : i32
      %dma_start3A_136 = arith.constant 0 : i32
      %dma_start3A_137 = tpu.memref_slice %arg3[%dma_start3A_135, %dma_start3A_136] : memref<1000000x32xf32, #tpu.memory_space<hbm>> -> memref<1000000x32xf32, #tpu.memory_space<hbm>>
      tpu.enqueue_indirect_dma source(%dma_start3A_137 : memref<1000000x32xf32, #tpu.memory_space<hbm>>) target(%dma_start3A_131 : memref<100x32xf32, #tpu.memory_space<vmem>>) offsets(%dma_start3A_134 : memref<100xi32, #tpu.memory_space<vmem>>) semaphore(%arg8 : memref<!tpu.dma_semaphore, #tpu.memory_space<semaphore_mem>>)
      %dma_wait3A_138 = arith.constant 3 : i32
      %dma_wait3A_139 = arith.constant 1 : i32
      %dma_wait3A_140 = arith.constant 0 : i32
      %dma_wait3A_141 = arith.constant 0 : i32
      %dma_wait3A_142 = tpu.memref_slice %arg6[%dma_wait3A_139, %dma_wait3A_140, %dma_wait3A_141] : memref<2x100x32xf32, #tpu.memory_space<vmem>> -> memref<1x100x32xf32, #tpu.memory_space<vmem>>
      %dma_wait3A_143 = tpu.memref_squeeze %dma_wait3A_142 : memref<1x100x32xf32, #tpu.memory_space<vmem>> -> memref<100x32xf32, #tpu.memory_space<vmem>>
      %dma_wait3A_144 = arith.constant 0 : i32
      %dma_wait3A_145 = tpu.memref_slice %arg5[%dma_wait3A_138, %dma_wait3A_144] : memref<32x100xi32, #tpu.memory_space<vmem>> -> memref<1x100xi32, #tpu.memory_space<vmem>>
      %dma_wait3A_146 = tpu.memref_squeeze %dma_wait3A_145 : memref<1x100xi32, #tpu.memory_space<vmem>> -> memref<100xi32, #tpu.memory_space<vmem>>
      %dma_wait3A_147 = arith.constant 0 : i32
      %dma_wait3A_148 = arith.constant 0 : i32
      %dma_wait3A_149 = tpu.memref_slice %arg3[%dma_wait3A_147, %dma_wait3A_148] : memref<1000000x32xf32, #tpu.memory_space<hbm>> -> memref<1000000x32xf32, #tpu.memory_space<hbm>>
      tpu.wait_indirect_dma semaphore(%arg9 : memref<!tpu.dma_semaphore, #tpu.memory_space<semaphore_mem>>) src(%dma_wait3A_149 : memref<1000000x32xf32, #tpu.memory_space<hbm>>) dst(%dma_wait3A_143 : memref<100x32xf32, #tpu.memory_space<vmem>>)
      %scan3A_150 = arith.constant 0 : i32
      %scan3A_151 = arith.constant 25 : i32
      %scan3A_152 = arith.addi %scan3A_150, %scan3A_151 : i32
      %scan3A_153 = arith.constant 1 : i32
      %scan3A_154:2 = scf.for %scan3A_1169 = %scan3A_150 to %scan3A_152 step %scan3A_153 iter_args(%scan3A_1170 = %scan3A_124#0, %scan3A_1171 = %scan3A_124#1) -> (vector<16xf32>, vector<16xf32>)  : i32 {
        %mul3A_1172 = arith.constant 4 : i32
        %mul3A_1173 = arith.muli %scan3A_1169, %mul3A_1172 : i32
        %add3A_1174 = arith.constant 0 : i32
        %add3A_1175 = arith.addi %mul3A_1173, %add3A_1174 : i32
        %get3A = arith.constant 1 : i32
        %get3A_1176 = arith.index_cast %get3A : i32 to index
        %get3A_1177 = arith.index_cast %add3A_1175 : i32 to index
        %get3A_1178 = arith.constant 0 : index
        %get3A_1179 = tpu.vector_load %arg6[%get3A_1176, %get3A_1177, %get3A_1178] {strides = array<i32>} : memref<2x100x32xf32, #tpu.memory_space<vmem>>, vector<1x1x16xf32>,
        %get3A_1180 = vector.shape_cast %get3A_1179 : vector<1x1x16xf32> to vector<16xf32>
        %add3A_1181 = arith.addf %scan3A_1170, %get3A_1180 : vector<16xf32>
        %add3A_1182 = arith.constant 0 : i32
        %add3A_1183 = arith.addi %mul3A_1173, %add3A_1182 : i32
        %get3A_1184 = arith.constant 1 : i32
        %get3A_1185 = arith.index_cast %get3A_1184 : i32 to index
        %get3A_1186 = arith.index_cast %add3A_1183 : i32 to index
        %get3A_1187 = arith.constant 16 : index
        %get3A_1188 = tpu.vector_load %arg6[%get3A_1185, %get3A_1186, %get3A_1187] {strides = array<i32>} : memref<2x100x32xf32, #tpu.memory_space<vmem>>, vector<1x1x16xf32>,
        %get3A_1189 = vector.shape_cast %get3A_1188 : vector<1x1x16xf32> to vector<16xf32>
        %add3A_1190 = arith.addf %scan3A_1171, %get3A_1189 : vector<16xf32>
        %add3A_1191 = arith.constant 1 : i32
        %add3A_1192 = arith.addi %mul3A_1173, %add3A_1191 : i32
        %get3A_1193 = arith.constant 1 : i32
        %get3A_1194 = arith.index_cast %get3A_1193 : i32 to index
        %get3A_1195 = arith.index_cast %add3A_1192 : i32 to index
        %get3A_1196 = arith.constant 0 : index
        %get3A_1197 = tpu.vector_load %arg6[%get3A_1194, %get3A_1195, %get3A_1196] {strides = array<i32>} : memref<2x100x32xf32, #tpu.memory_space<vmem>>, vector<1x1x16xf32>,
        %get3A_1198 = vector.shape_cast %get3A_1197 : vector<1x1x16xf32> to vector<16xf32>
        %add3A_1199 = arith.addf %add3A_1181, %get3A_1198 : vector<16xf32>
        %add3A_1200 = arith.constant 1 : i32
        %add3A_1201 = arith.addi %mul3A_1173, %add3A_1200 : i32
        %get3A_1202 = arith.constant 1 : i32
        %get3A_1203 = arith.index_cast %get3A_1202 : i32 to index
        %get3A_1204 = arith.index_cast %add3A_1201 : i32 to index
        %get3A_1205 = arith.constant 16 : index
        %get3A_1206 = tpu.vector_load %arg6[%get3A_1203, %get3A_1204, %get3A_1205] {strides = array<i32>} : memref<2x100x32xf32, #tpu.memory_space<vmem>>, vector<1x1x16xf32>,
        %get3A_1207 = vector.shape_cast %get3A_1206 : vector<1x1x16xf32> to vector<16xf32>
        %add3A_1208 = arith.addf %add3A_1190, %get3A_1207 : vector<16xf32>
        %add3A_1209 = arith.constant 2 : i32
        %add3A_1210 = arith.addi %mul3A_1173, %add3A_1209 : i32
        %get3A_1211 = arith.constant 1 : i32
        %get3A_1212 = arith.index_cast %get3A_1211 : i32 to index
        %get3A_1213 = arith.index_cast %add3A_1210 : i32 to index
        %get3A_1214 = arith.constant 0 : index
        %get3A_1215 = tpu.vector_load %arg6[%get3A_1212, %get3A_1213, %get3A_1214] {strides = array<i32>} : memref<2x100x32xf32, #tpu.memory_space<vmem>>, vector<1x1x16xf32>,
        %get3A_1216 = vector.shape_cast %get3A_1215 : vector<1x1x16xf32> to vector<16xf32>
        %add3A_1217 = arith.addf %add3A_1199, %get3A_1216 : vector<16xf32>
        %add3A_1218 = arith.constant 2 : i32
        %add3A_1219 = arith.addi %mul3A_1173, %add3A_1218 : i32
        %get3A_1220 = arith.constant 1 : i32
        %get3A_1221 = arith.index_cast %get3A_1220 : i32 to index
        %get3A_1222 = arith.index_cast %add3A_1219 : i32 to index
        %get3A_1223 = arith.constant 16 : index
        %get3A_1224 = tpu.vector_load %arg6[%get3A_1221, %get3A_1222, %get3A_1223] {strides = array<i32>} : memref<2x100x32xf32, #tpu.memory_space<vmem>>, vector<1x1x16xf32>,
        %get3A_1225 = vector.shape_cast %get3A_1224 : vector<1x1x16xf32> to vector<16xf32>
        %add3A_1226 = arith.addf %add3A_1208, %get3A_1225 : vector<16xf32>
        %add3A_1227 = arith.constant 3 : i32
        %add3A_1228 = arith.addi %mul3A_1173, %add3A_1227 : i32
        %get3A_1229 = arith.constant 1 : i32
        %get3A_1230 = arith.index_cast %get3A_1229 : i32 to index
        %get3A_1231 = arith.index_cast %add3A_1228 : i32 to index
        %get3A_1232 = arith.constant 0 : index
        %get3A_1233 = tpu.vector_load %arg6[%get3A_1230, %get3A_1231, %get3A_1232] {strides = array<i32>} : memref<2x100x32xf32, #tpu.memory_space<vmem>>, vector<1x1x16xf32>,
        %get3A_1234 = vector.shape_cast %get3A_1233 : vector<1x1x16xf32> to vector<16xf32>
        %add3A_1235 = arith.addf %add3A_1217, %get3A_1234 : vector<16xf32>
        %add3A_1236 = arith.constant 3 : i32
        %add3A_1237 = arith.addi %mul3A_1173, %add3A_1236 : i32
        %get3A_1238 = arith.constant 1 : i32
        %get3A_1239 = arith.index_cast %get3A_1238 : i32 to index
        %get3A_1240 = arith.index_cast %add3A_1237 : i32 to index
        %get3A_1241 = arith.constant 16 : index
        %get3A_1242 = tpu.vector_load %arg6[%get3A_1239, %get3A_1240, %get3A_1241] {strides = array<i32>} : memref<2x100x32xf32, #tpu.memory_space<vmem>>, vector<1x1x16xf32>,
        %get3A_1243 = vector.shape_cast %get3A_1242 : vector<1x1x16xf32> to vector<16xf32>
        %add3A_1244 = arith.addf %add3A_1226, %get3A_1243 : vector<16xf32>
        scf.yield %add3A_1235, %add3A_1244 : vector<16xf32>, vector<16xf32>
      }
      %scan3A_155 = arith.constant 25 : i32
      %swap3A_156 = arith.constant 32 : index
      %swap3A_157 = tpu.vector_load %arg7[%swap3A_156] {strides = array<i32>} : memref<512xf32, #tpu.memory_space<vmem>>, vector<16xf32>,
      %swap3A_158 = vector.shape_cast %swap3A_157 : vector<16xf32> to vector<16xf32>
      %swap3A_159 = vector.shape_cast %scan3A_154#0 : vector<16xf32> to vector<16xf32>
      tpu.vector_store %arg7[%swap3A_156], %swap3A_159 {strides = array<i32>} : memref<512xf32, #tpu.memory_space<vmem>>, vector<16xf32>,
      %swap3A_160 = arith.constant 48 : index
      %swap3A_161 = tpu.vector_load %arg7[%swap3A_160] {strides = array<i32>} : memref<512xf32, #tpu.memory_space<vmem>>, vector<16xf32>,
      %swap3A_162 = vector.shape_cast %swap3A_161 : vector<16xf32> to vector<16xf32>
      %swap3A_163 = vector.shape_cast %scan3A_154#1 : vector<16xf32> to vector<16xf32>
      tpu.vector_store %arg7[%swap3A_160], %swap3A_163 {strides = array<i32>} : memref<512xf32, #tpu.memory_space<vmem>>, vector<16xf32>,
      %dma_start3A_164 = arith.constant 5 : i32
      %dma_start3A_165 = arith.constant 1 : i32
      %dma_start3A_166 = arith.constant 0 : i32
      %dma_start3A_167 = arith.constant 0 : i32
      %dma_start3A_168 = tpu.memref_slice %arg6[%dma_start3A_165, %dma_start3A_166, %dma_start3A_167] : memref<2x100x32xf32, #tpu.memory_space<vmem>> -> memref<1x100x32xf32, #tpu.memory_space<vmem>>
      %dma_start3A_169 = tpu.memref_squeeze %dma_start3A_168 : memref<1x100x32xf32, #tpu.memory_space<vmem>> -> memref<100x32xf32, #tpu.memory_space<vmem>>
      %dma_start3A_170 = arith.constant 0 : i32
      %dma_start3A_171 = tpu.memref_slice %arg5[%dma_start3A_164, %dma_start3A_170] : memref<32x100xi32, #tpu.memory_space<vmem>> -> memref<1x100xi32, #tpu.memory_space<vmem>>
      %dma_start3A_172 = tpu.memref_squeeze %dma_start3A_171 : memref<1x100xi32, #tpu.memory_space<vmem>> -> memref<100xi32, #tpu.memory_space<vmem>>
      %dma_start3A_173 = arith.constant 0 : i32
      %dma_start3A_174 = arith.constant 0 : i32
      %dma_start3A_175 = tpu.memref_slice %arg3[%dma_start3A_173, %dma_start3A_174] : memref<1000000x32xf32, #tpu.memory_space<hbm>> -> memref<1000000x32xf32, #tpu.memory_space<hbm>>
      tpu.enqueue_indirect_dma source(%dma_start3A_175 : memref<1000000x32xf32, #tpu.memory_space<hbm>>) target(%dma_start3A_169 : memref<100x32xf32, #tpu.memory_space<vmem>>) offsets(%dma_start3A_172 : memref<100xi32, #tpu.memory_space<vmem>>) semaphore(%arg9 : memref<!tpu.dma_semaphore, #tpu.memory_space<semaphore_mem>>)
      %dma_wait3A_176 = arith.constant 4 : i32
      %dma_wait3A_177 = arith.constant 0 : i32
      %dma_wait3A_178 = arith.constant 0 : i32
      %dma_wait3A_179 = arith.constant 0 : i32
      %dma_wait3A_180 = tpu.memref_slice %arg6[%dma_wait3A_177, %dma_wait3A_178, %dma_wait3A_179] : memref<2x100x32xf32, #tpu.memory_space<vmem>> -> memref<1x100x32xf32, #tpu.memory_space<vmem>>
      %dma_wait3A_181 = tpu.memref_squeeze %dma_wait3A_180 : memref<1x100x32xf32, #tpu.memory_space<vmem>> -> memref<100x32xf32, #tpu.memory_space<vmem>>
      %dma_wait3A_182 = arith.constant 0 : i32
      %dma_wait3A_183 = tpu.memref_slice %arg5[%dma_wait3A_176, %dma_wait3A_182] : memref<32x100xi32, #tpu.memory_space<vmem>> -> memref<1x100xi32, #tpu.memory_space<vmem>>
      %dma_wait3A_184 = tpu.memref_squeeze %dma_wait3A_183 : memref<1x100xi32, #tpu.memory_space<vmem>> -> memref<100xi32, #tpu.memory_space<vmem>>
      %dma_wait3A_185 = arith.constant 0 : i32
      %dma_wait3A_186 = arith.constant 0 : i32
      %dma_wait3A_187 = tpu.memref_slice %arg3[%dma_wait3A_185, %dma_wait3A_186] : memref<1000000x32xf32, #tpu.memory_space<hbm>> -> memref<1000000x32xf32, #tpu.memory_space<hbm>>
      tpu.wait_indirect_dma semaphore(%arg8 : memref<!tpu.dma_semaphore, #tpu.memory_space<semaphore_mem>>) src(%dma_wait3A_187 : memref<1000000x32xf32, #tpu.memory_space<hbm>>) dst(%dma_wait3A_181 : memref<100x32xf32, #tpu.memory_space<vmem>>)
      %broadcast_in_dim3A_188 = arith.constant 0.000000e+00 : f32
      %broadcast_in_dim3A_189 = vector.broadcast %broadcast_in_dim3A_188 : f32 to vector<16xf32>
      %broadcast_in_dim3A_190 = arith.constant 0.000000e+00 : f32
      %broadcast_in_dim3A_191 = vector.broadcast %broadcast_in_dim3A_190 : f32 to vector<16xf32>
      %scan3A_192 = arith.constant 0 : i32
      %scan3A_193 = arith.constant 25 : i32
      %scan3A_194 = arith.addi %scan3A_192, %scan3A_193 : i32
      %scan3A_195 = arith.constant 1 : i32
      %scan3A_196:2 = scf.for %scan3A_1169 = %scan3A_192 to %scan3A_194 step %scan3A_195 iter_args(%scan3A_1170 = %broadcast_in_dim3A_189, %scan3A_1171 = %broadcast_in_dim3A_191) -> (vector<16xf32>, vector<16xf32>)  : i32 {
        %mul3A_1172 = arith.constant 4 : i32
        %mul3A_1173 = arith.muli %scan3A_1169, %mul3A_1172 : i32
        %add3A_1174 = arith.constant 0 : i32
        %add3A_1175 = arith.addi %mul3A_1173, %add3A_1174 : i32
        %get3A = arith.constant 0 : i32
        %get3A_1176 = arith.index_cast %get3A : i32 to index
        %get3A_1177 = arith.index_cast %add3A_1175 : i32 to index
        %get3A_1178 = arith.constant 0 : index
        %get3A_1179 = tpu.vector_load %arg6[%get3A_1176, %get3A_1177, %get3A_1178] {strides = array<i32>} : memref<2x100x32xf32, #tpu.memory_space<vmem>>, vector<1x1x16xf32>,
        %get3A_1180 = vector.shape_cast %get3A_1179 : vector<1x1x16xf32> to vector<16xf32>
        %add3A_1181 = arith.addf %scan3A_1170, %get3A_1180 : vector<16xf32>
        %add3A_1182 = arith.constant 0 : i32
        %add3A_1183 = arith.addi %mul3A_1173, %add3A_1182 : i32
        %get3A_1184 = arith.constant 0 : i32
        %get3A_1185 = arith.index_cast %get3A_1184 : i32 to index
        %get3A_1186 = arith.index_cast %add3A_1183 : i32 to index
        %get3A_1187 = arith.constant 16 : index
        %get3A_1188 = tpu.vector_load %arg6[%get3A_1185, %get3A_1186, %get3A_1187] {strides = array<i32>} : memref<2x100x32xf32, #tpu.memory_space<vmem>>, vector<1x1x16xf32>,
        %get3A_1189 = vector.shape_cast %get3A_1188 : vector<1x1x16xf32> to vector<16xf32>
        %add3A_1190 = arith.addf %scan3A_1171, %get3A_1189 : vector<16xf32>
        %add3A_1191 = arith.constant 1 : i32
        %add3A_1192 = arith.addi %mul3A_1173, %add3A_1191 : i32
        %get3A_1193 = arith.constant 0 : i32
        %get3A_1194 = arith.index_cast %get3A_1193 : i32 to index
        %get3A_1195 = arith.index_cast %add3A_1192 : i32 to index
        %get3A_1196 = arith.constant 0 : index
        %get3A_1197 = tpu.vector_load %arg6[%get3A_1194, %get3A_1195, %get3A_1196] {strides = array<i32>} : memref<2x100x32xf32, #tpu.memory_space<vmem>>, vector<1x1x16xf32>,
        %get3A_1198 = vector.shape_cast %get3A_1197 : vector<1x1x16xf32> to vector<16xf32>
        %add3A_1199 = arith.addf %add3A_1181, %get3A_1198 : vector<16xf32>
        %add3A_1200 = arith.constant 1 : i32
        %add3A_1201 = arith.addi %mul3A_1173, %add3A_1200 : i32
        %get3A_1202 = arith.constant 0 : i32
        %get3A_1203 = arith.index_cast %get3A_1202 : i32 to index
        %get3A_1204 = arith.index_cast %add3A_1201 : i32 to index
        %get3A_1205 = arith.constant 16 : index
        %get3A_1206 = tpu.vector_load %arg6[%get3A_1203, %get3A_1204, %get3A_1205] {strides = array<i32>} : memref<2x100x32xf32, #tpu.memory_space<vmem>>, vector<1x1x16xf32>,
        %get3A_1207 = vector.shape_cast %get3A_1206 : vector<1x1x16xf32> to vector<16xf32>
        %add3A_1208 = arith.addf %add3A_1190, %get3A_1207 : vector<16xf32>
        %add3A_1209 = arith.constant 2 : i32
        %add3A_1210 = arith.addi %mul3A_1173, %add3A_1209 : i32
        %get3A_1211 = arith.constant 0 : i32
        %get3A_1212 = arith.index_cast %get3A_1211 : i32 to index
        %get3A_1213 = arith.index_cast %add3A_1210 : i32 to index
        %get3A_1214 = arith.constant 0 : index
        %get3A_1215 = tpu.vector_load %arg6[%get3A_1212, %get3A_1213, %get3A_1214] {strides = array<i32>} : memref<2x100x32xf32, #tpu.memory_space<vmem>>, vector<1x1x16xf32>,
        %get3A_1216 = vector.shape_cast %get3A_1215 : vector<1x1x16xf32> to vector<16xf32>
        %add3A_1217 = arith.addf %add3A_1199, %get3A_1216 : vector<16xf32>
        %add3A_1218 = arith.constant 2 : i32
        %add3A_1219 = arith.addi %mul3A_1173, %add3A_1218 : i32
        %get3A_1220 = arith.constant 0 : i32
        %get3A_1221 = arith.index_cast %get3A_1220 : i32 to index
        %get3A_1222 = arith.index_cast %add3A_1219 : i32 to index
        %get3A_1223 = arith.constant 16 : index
        %get3A_1224 = tpu.vector_load %arg6[%get3A_1221, %get3A_1222, %get3A_1223] {strides = array<i32>} : memref<2x100x32xf32, #tpu.memory_space<vmem>>, vector<1x1x16xf32>,
        %get3A_1225 = vector.shape_cast %get3A_1224 : vector<1x1x16xf32> to vector<16xf32>
        %add3A_1226 = arith.addf %add3A_1208, %get3A_1225 : vector<16xf32>
        %add3A_1227 = arith.constant 3 : i32
        %add3A_1228 = arith.addi %mul3A_1173, %add3A_1227 : i32
        %get3A_1229 = arith.constant 0 : i32
        %get3A_1230 = arith.index_cast %get3A_1229 : i32 to index
        %get3A_1231 = arith.index_cast %add3A_1228 : i32 to index
        %get3A_1232 = arith.constant 0 : index
        %get3A_1233 = tpu.vector_load %arg6[%get3A_1230, %get3A_1231, %get3A_1232] {strides = array<i32>} : memref<2x100x32xf32, #tpu.memory_space<vmem>>, vector<1x1x16xf32>,
        %get3A_1234 = vector.shape_cast %get3A_1233 : vector<1x1x16xf32> to vector<16xf32>
        %add3A_1235 = arith.addf %add3A_1217, %get3A_1234 : vector<16xf32>
        %add3A_1236 = arith.constant 3 : i32
        %add3A_1237 = arith.addi %mul3A_1173, %add3A_1236 : i32
        %get3A_1238 = arith.constant 0 : i32
        %get3A_1239 = arith.index_cast %get3A_1238 : i32 to index
        %get3A_1240 = arith.index_cast %add3A_1237 : i32 to index
        %get3A_1241 = arith.constant 16 : index
        %get3A_1242 = tpu.vector_load %arg6[%get3A_1239, %get3A_1240, %get3A_1241] {strides = array<i32>} : memref<2x100x32xf32, #tpu.memory_space<vmem>>, vector<1x1x16xf32>,
        %get3A_1243 = vector.shape_cast %get3A_1242 : vector<1x1x16xf32> to vector<16xf32>
        %add3A_1244 = arith.addf %add3A_1226, %get3A_1243 : vector<16xf32>
        scf.yield %add3A_1235, %add3A_1244 : vector<16xf32>, vector<16xf32>
      }
      %scan3A_197 = arith.constant 25 : i32
      %dma_start3A_198 = arith.constant 6 : i32
      %dma_start3A_199 = arith.constant 0 : i32
      %dma_start3A_200 = arith.constant 0 : i32
      %dma_start3A_201 = arith.constant 0 : i32
      %dma_start3A_202 = tpu.memref_slice %arg6[%dma_start3A_199, %dma_start3A_200, %dma_start3A_201] : memref<2x100x32xf32, #tpu.memory_space<vmem>> -> memref<1x100x32xf32, #tpu.memory_space<vmem>>
      %dma_start3A_203 = tpu.memref_squeeze %dma_start3A_202 : memref<1x100x32xf32, #tpu.memory_space<vmem>> -> memref<100x32xf32, #tpu.memory_space<vmem>>
      %dma_start3A_204 = arith.constant 0 : i32
      %dma_start3A_205 = tpu.memref_slice %arg5[%dma_start3A_198, %dma_start3A_204] : memref<32x100xi32, #tpu.memory_space<vmem>> -> memref<1x100xi32, #tpu.memory_space<vmem>>
      %dma_start3A_206 = tpu.memref_squeeze %dma_start3A_205 : memref<1x100xi32, #tpu.memory_space<vmem>> -> memref<100xi32, #tpu.memory_space<vmem>>
      %dma_start3A_207 = arith.constant 0 : i32
      %dma_start3A_208 = arith.constant 0 : i32
      %dma_start3A_209 = tpu.memref_slice %arg3[%dma_start3A_207, %dma_start3A_208] : memref<1000000x32xf32, #tpu.memory_space<hbm>> -> memref<1000000x32xf32, #tpu.memory_space<hbm>>
      tpu.enqueue_indirect_dma source(%dma_start3A_209 : memref<1000000x32xf32, #tpu.memory_space<hbm>>) target(%dma_start3A_203 : memref<100x32xf32, #tpu.memory_space<vmem>>) offsets(%dma_start3A_206 : memref<100xi32, #tpu.memory_space<vmem>>) semaphore(%arg8 : memref<!tpu.dma_semaphore, #tpu.memory_space<semaphore_mem>>)
      %dma_wait3A_210 = arith.constant 5 : i32
      %dma_wait3A_211 = arith.constant 1 : i32
      %dma_wait3A_212 = arith.constant 0 : i32
      %dma_wait3A_213 = arith.constant 0 : i32
      %dma_wait3A_214 = tpu.memref_slice %arg6[%dma_wait3A_211, %dma_wait3A_212, %dma_wait3A_213] : memref<2x100x32xf32, #tpu.memory_space<vmem>> -> memref<1x100x32xf32, #tpu.memory_space<vmem>>
      %dma_wait3A_215 = tpu.memref_squeeze %dma_wait3A_214 : memref<1x100x32xf32, #tpu.memory_space<vmem>> -> memref<100x32xf32, #tpu.memory_space<vmem>>
      %dma_wait3A_216 = arith.constant 0 : i32
      %dma_wait3A_217 = tpu.memref_slice %arg5[%dma_wait3A_210, %dma_wait3A_216] : memref<32x100xi32, #tpu.memory_space<vmem>> -> memref<1x100xi32, #tpu.memory_space<vmem>>
      %dma_wait3A_218 = tpu.memref_squeeze %dma_wait3A_217 : memref<1x100xi32, #tpu.memory_space<vmem>> -> memref<100xi32, #tpu.memory_space<vmem>>
      %dma_wait3A_219 = arith.constant 0 : i32
      %dma_wait3A_220 = arith.constant 0 : i32
      %dma_wait3A_221 = tpu.memref_slice %arg3[%dma_wait3A_219, %dma_wait3A_220] : memref<1000000x32xf32, #tpu.memory_space<hbm>> -> memref<1000000x32xf32, #tpu.memory_space<hbm>>
      tpu.wait_indirect_dma semaphore(%arg9 : memref<!tpu.dma_semaphore, #tpu.memory_space<semaphore_mem>>) src(%dma_wait3A_221 : memref<1000000x32xf32, #tpu.memory_space<hbm>>) dst(%dma_wait3A_215 : memref<100x32xf32, #tpu.memory_space<vmem>>)
      %scan3A_222 = arith.constant 0 : i32
      %scan3A_223 = arith.constant 25 : i32
      %scan3A_224 = arith.addi %scan3A_222, %scan3A_223 : i32
      %scan3A_225 = arith.constant 1 : i32
      %scan3A_226:2 = scf.for %scan3A_1169 = %scan3A_222 to %scan3A_224 step %scan3A_225 iter_args(%scan3A_1170 = %scan3A_196#0, %scan3A_1171 = %scan3A_196#1) -> (vector<16xf32>, vector<16xf32>)  : i32 {
        %mul3A_1172 = arith.constant 4 : i32
        %mul3A_1173 = arith.muli %scan3A_1169, %mul3A_1172 : i32
        %add3A_1174 = arith.constant 0 : i32
        %add3A_1175 = arith.addi %mul3A_1173, %add3A_1174 : i32
        %get3A = arith.constant 1 : i32
        %get3A_1176 = arith.index_cast %get3A : i32 to index
        %get3A_1177 = arith.index_cast %add3A_1175 : i32 to index
        %get3A_1178 = arith.constant 0 : index
        %get3A_1179 = tpu.vector_load %arg6[%get3A_1176, %get3A_1177, %get3A_1178] {strides = array<i32>} : memref<2x100x32xf32, #tpu.memory_space<vmem>>, vector<1x1x16xf32>,
        %get3A_1180 = vector.shape_cast %get3A_1179 : vector<1x1x16xf32> to vector<16xf32>
        %add3A_1181 = arith.addf %scan3A_1170, %get3A_1180 : vector<16xf32>
        %add3A_1182 = arith.constant 0 : i32
        %add3A_1183 = arith.addi %mul3A_1173, %add3A_1182 : i32
        %get3A_1184 = arith.constant 1 : i32
        %get3A_1185 = arith.index_cast %get3A_1184 : i32 to index
        %get3A_1186 = arith.index_cast %add3A_1183 : i32 to index
        %get3A_1187 = arith.constant 16 : index
        %get3A_1188 = tpu.vector_load %arg6[%get3A_1185, %get3A_1186, %get3A_1187] {strides = array<i32>} : memref<2x100x32xf32, #tpu.memory_space<vmem>>, vector<1x1x16xf32>,
        %get3A_1189 = vector.shape_cast %get3A_1188 : vector<1x1x16xf32> to vector<16xf32>
        %add3A_1190 = arith.addf %scan3A_1171, %get3A_1189 : vector<16xf32>
        %add3A_1191 = arith.constant 1 : i32
        %add3A_1192 = arith.addi %mul3A_1173, %add3A_1191 : i32
        %get3A_1193 = arith.constant 1 : i32
        %get3A_1194 = arith.index_cast %get3A_1193 : i32 to index
        %get3A_1195 = arith.index_cast %add3A_1192 : i32 to index
        %get3A_1196 = arith.constant 0 : index
        %get3A_1197 = tpu.vector_load %arg6[%get3A_1194, %get3A_1195, %get3A_1196] {strides = array<i32>} : memref<2x100x32xf32, #tpu.memory_space<vmem>>, vector<1x1x16xf32>,
        %get3A_1198 = vector.shape_cast %get3A_1197 : vector<1x1x16xf32> to vector<16xf32>
        %add3A_1199 = arith.addf %add3A_1181, %get3A_1198 : vector<16xf32>
        %add3A_1200 = arith.constant 1 : i32
        %add3A_1201 = arith.addi %mul3A_1173, %add3A_1200 : i32
        %get3A_1202 = arith.constant 1 : i32
        %get3A_1203 = arith.index_cast %get3A_1202 : i32 to index
        %get3A_1204 = arith.index_cast %add3A_1201 : i32 to index
        %get3A_1205 = arith.constant 16 : index
        %get3A_1206 = tpu.vector_load %arg6[%get3A_1203, %get3A_1204, %get3A_1205] {strides = array<i32>} : memref<2x100x32xf32, #tpu.memory_space<vmem>>, vector<1x1x16xf32>,
        %get3A_1207 = vector.shape_cast %get3A_1206 : vector<1x1x16xf32> to vector<16xf32>
        %add3A_1208 = arith.addf %add3A_1190, %get3A_1207 : vector<16xf32>
        %add3A_1209 = arith.constant 2 : i32
        %add3A_1210 = arith.addi %mul3A_1173, %add3A_1209 : i32
        %get3A_1211 = arith.constant 1 : i32
        %get3A_1212 = arith.index_cast %get3A_1211 : i32 to index
        %get3A_1213 = arith.index_cast %add3A_1210 : i32 to index
        %get3A_1214 = arith.constant 0 : index
        %get3A_1215 = tpu.vector_load %arg6[%get3A_1212, %get3A_1213, %get3A_1214] {strides = array<i32>} : memref<2x100x32xf32, #tpu.memory_space<vmem>>, vector<1x1x16xf32>,
        %get3A_1216 = vector.shape_cast %get3A_1215 : vector<1x1x16xf32> to vector<16xf32>
        %add3A_1217 = arith.addf %add3A_1199, %get3A_1216 : vector<16xf32>
        %add3A_1218 = arith.constant 2 : i32
        %add3A_1219 = arith.addi %mul3A_1173, %add3A_1218 : i32
        %get3A_1220 = arith.constant 1 : i32
        %get3A_1221 = arith.index_cast %get3A_1220 : i32 to index
        %get3A_1222 = arith.index_cast %add3A_1219 : i32 to index
        %get3A_1223 = arith.constant 16 : index
        %get3A_1224 = tpu.vector_load %arg6[%get3A_1221, %get3A_1222, %get3A_1223] {strides = array<i32>} : memref<2x100x32xf32, #tpu.memory_space<vmem>>, vector<1x1x16xf32>,
        %get3A_1225 = vector.shape_cast %get3A_1224 : vector<1x1x16xf32> to vector<16xf32>
        %add3A_1226 = arith.addf %add3A_1208, %get3A_1225 : vector<16xf32>
        %add3A_1227 = arith.constant 3 : i32
        %add3A_1228 = arith.addi %mul3A_1173, %add3A_1227 : i32
        %get3A_1229 = arith.constant 1 : i32
        %get3A_1230 = arith.index_cast %get3A_1229 : i32 to index
        %get3A_1231 = arith.index_cast %add3A_1228 : i32 to index
        %get3A_1232 = arith.constant 0 : index
        %get3A_1233 = tpu.vector_load %arg6[%get3A_1230, %get3A_1231, %get3A_1232] {strides = array<i32>} : memref<2x100x32xf32, #tpu.memory_space<vmem>>, vector<1x1x16xf32>,
        %get3A_1234 = vector.shape_cast %get3A_1233 : vector<1x1x16xf32> to vector<16xf32>
        %add3A_1235 = arith.addf %add3A_1217, %get3A_1234 : vector<16xf32>
        %add3A_1236 = arith.constant 3 : i32
        %add3A_1237 = arith.addi %mul3A_1173, %add3A_1236 : i32
        %get3A_1238 = arith.constant 1 : i32
        %get3A_1239 = arith.index_cast %get3A_1238 : i32 to index
        %get3A_1240 = arith.index_cast %add3A_1237 : i32 to index
        %get3A_1241 = arith.constant 16 : index
        %get3A_1242 = tpu.vector_load %arg6[%get3A_1239, %get3A_1240, %get3A_1241] {strides = array<i32>} : memref<2x100x32xf32, #tpu.memory_space<vmem>>, vector<1x1x16xf32>,
        %get3A_1243 = vector.shape_cast %get3A_1242 : vector<1x1x16xf32> to vector<16xf32>
        %add3A_1244 = arith.addf %add3A_1226, %get3A_1243 : vector<16xf32>
        scf.yield %add3A_1235, %add3A_1244 : vector<16xf32>, vector<16xf32>
      }
      %scan3A_227 = arith.constant 25 : i32
      %swap3A_228 = arith.constant 64 : index
      %swap3A_229 = tpu.vector_load %arg7[%swap3A_228] {strides = array<i32>} : memref<512xf32, #tpu.memory_space<vmem>>, vector<16xf32>,
      %swap3A_230 = vector.shape_cast %swap3A_229 : vector<16xf32> to vector<16xf32>
      %swap3A_231 = vector.shape_cast %scan3A_226#0 : vector<16xf32> to vector<16xf32>
      tpu.vector_store %arg7[%swap3A_228], %swap3A_231 {strides = array<i32>} : memref<512xf32, #tpu.memory_space<vmem>>, vector<16xf32>,
      %swap3A_232 = arith.constant 80 : index
      %swap3A_233 = tpu.vector_load %arg7[%swap3A_232] {strides = array<i32>} : memref<512xf32, #tpu.memory_space<vmem>>, vector<16xf32>,
      %swap3A_234 = vector.shape_cast %swap3A_233 : vector<16xf32> to vector<16xf32>
      %swap3A_235 = vector.shape_cast %scan3A_226#1 : vector<16xf32> to vector<16xf32>
      tpu.vector_store %arg7[%swap3A_232], %swap3A_235 {strides = array<i32>} : memref<512xf32, #tpu.memory_space<vmem>>, vector<16xf32>,
      %dma_start3A_236 = arith.constant 7 : i32
      %dma_start3A_237 = arith.constant 1 : i32
      %dma_start3A_238 = arith.constant 0 : i32
      %dma_start3A_239 = arith.constant 0 : i32
      %dma_start3A_240 = tpu.memref_slice %arg6[%dma_start3A_237, %dma_start3A_238, %dma_start3A_239] : memref<2x100x32xf32, #tpu.memory_space<vmem>> -> memref<1x100x32xf32, #tpu.memory_space<vmem>>
      %dma_start3A_241 = tpu.memref_squeeze %dma_start3A_240 : memref<1x100x32xf32, #tpu.memory_space<vmem>> -> memref<100x32xf32, #tpu.memory_space<vmem>>
      %dma_start3A_242 = arith.constant 0 : i32
      %dma_start3A_243 = tpu.memref_slice %arg5[%dma_start3A_236, %dma_start3A_242] : memref<32x100xi32, #tpu.memory_space<vmem>> -> memref<1x100xi32, #tpu.memory_space<vmem>>
      %dma_start3A_244 = tpu.memref_squeeze %dma_start3A_243 : memref<1x100xi32, #tpu.memory_space<vmem>> -> memref<100xi32, #tpu.memory_space<vmem>>
      %dma_start3A_245 = arith.constant 0 : i32
      %dma_start3A_246 = arith.constant 0 : i32
      %dma_start3A_247 = tpu.memref_slice %arg3[%dma_start3A_245, %dma_start3A_246] : memref<1000000x32xf32, #tpu.memory_space<hbm>> -> memref<1000000x32xf32, #tpu.memory_space<hbm>>
      tpu.enqueue_indirect_dma source(%dma_start3A_247 : memref<1000000x32xf32, #tpu.memory_space<hbm>>) target(%dma_start3A_241 : memref<100x32xf32, #tpu.memory_space<vmem>>) offsets(%dma_start3A_244 : memref<100xi32, #tpu.memory_space<vmem>>) semaphore(%arg9 : memref<!tpu.dma_semaphore, #tpu.memory_space<semaphore_mem>>)
      %dma_wait3A_248 = arith.constant 6 : i32
      %dma_wait3A_249 = arith.constant 0 : i32
      %dma_wait3A_250 = arith.constant 0 : i32
      %dma_wait3A_251 = arith.constant 0 : i32
      %dma_wait3A_252 = tpu.memref_slice %arg6[%dma_wait3A_249, %dma_wait3A_250, %dma_wait3A_251] : memref<2x100x32xf32, #tpu.memory_space<vmem>> -> memref<1x100x32xf32, #tpu.memory_space<vmem>>
      %dma_wait3A_253 = tpu.memref_squeeze %dma_wait3A_252 : memref<1x100x32xf32, #tpu.memory_space<vmem>> -> memref<100x32xf32, #tpu.memory_space<vmem>>
      %dma_wait3A_254 = arith.constant 0 : i32
      %dma_wait3A_255 = tpu.memref_slice %arg5[%dma_wait3A_248, %dma_wait3A_254] : memref<32x100xi32, #tpu.memory_space<vmem>> -> memref<1x100xi32, #tpu.memory_space<vmem>>
      %dma_wait3A_256 = tpu.memref_squeeze %dma_wait3A_255 : memref<1x100xi32, #tpu.memory_space<vmem>> -> memref<100xi32, #tpu.memory_space<vmem>>
      %dma_wait3A_257 = arith.constant 0 : i32
      %dma_wait3A_258 = arith.constant 0 : i32
      %dma_wait3A_259 = tpu.memref_slice %arg3[%dma_wait3A_257, %dma_wait3A_258] : memref<1000000x32xf32, #tpu.memory_space<hbm>> -> memref<1000000x32xf32, #tpu.memory_space<hbm>>
      tpu.wait_indirect_dma semaphore(%arg8 : memref<!tpu.dma_semaphore, #tpu.memory_space<semaphore_mem>>) src(%dma_wait3A_259 : memref<1000000x32xf32, #tpu.memory_space<hbm>>) dst(%dma_wait3A_253 : memref<100x32xf32, #tpu.memory_space<vmem>>)
      %broadcast_in_dim3A_260 = arith.constant 0.000000e+00 : f32
      %broadcast_in_dim3A_261 = vector.broadcast %broadcast_in_dim3A_260 : f32 to vector<16xf32>
      %broadcast_in_dim3A_262 = arith.constant 0.000000e+00 : f32
      %broadcast_in_dim3A_263 = vector.broadcast %broadcast_in_dim3A_262 : f32 to vector<16xf32>
      %scan3A_264 = arith.constant 0 : i32
      %scan3A_265 = arith.constant 25 : i32
      %scan3A_266 = arith.addi %scan3A_264, %scan3A_265 : i32
      %scan3A_267 = arith.constant 1 : i32
      %scan3A_268:2 = scf.for %scan3A_1169 = %scan3A_264 to %scan3A_266 step %scan3A_267 iter_args(%scan3A_1170 = %broadcast_in_dim3A_261, %scan3A_1171 = %broadcast_in_dim3A_263) -> (vector<16xf32>, vector<16xf32>)  : i32 {
        %mul3A_1172 = arith.constant 4 : i32
        %mul3A_1173 = arith.muli %scan3A_1169, %mul3A_1172 : i32
        %add3A_1174 = arith.constant 0 : i32
        %add3A_1175 = arith.addi %mul3A_1173, %add3A_1174 : i32
        %get3A = arith.constant 0 : i32
        %get3A_1176 = arith.index_cast %get3A : i32 to index
        %get3A_1177 = arith.index_cast %add3A_1175 : i32 to index
        %get3A_1178 = arith.constant 0 : index
        %get3A_1179 = tpu.vector_load %arg6[%get3A_1176, %get3A_1177, %get3A_1178] {strides = array<i32>} : memref<2x100x32xf32, #tpu.memory_space<vmem>>, vector<1x1x16xf32>,
        %get3A_1180 = vector.shape_cast %get3A_1179 : vector<1x1x16xf32> to vector<16xf32>
        %add3A_1181 = arith.addf %scan3A_1170, %get3A_1180 : vector<16xf32>
        %add3A_1182 = arith.constant 0 : i32
        %add3A_1183 = arith.addi %mul3A_1173, %add3A_1182 : i32
        %get3A_1184 = arith.constant 0 : i32
        %get3A_1185 = arith.index_cast %get3A_1184 : i32 to index
        %get3A_1186 = arith.index_cast %add3A_1183 : i32 to index
        %get3A_1187 = arith.constant 16 : index
        %get3A_1188 = tpu.vector_load %arg6[%get3A_1185, %get3A_1186, %get3A_1187] {strides = array<i32>} : memref<2x100x32xf32, #tpu.memory_space<vmem>>, vector<1x1x16xf32>,
        %get3A_1189 = vector.shape_cast %get3A_1188 : vector<1x1x16xf32> to vector<16xf32>
        %add3A_1190 = arith.addf %scan3A_1171, %get3A_1189 : vector<16xf32>
        %add3A_1191 = arith.constant 1 : i32
        %add3A_1192 = arith.addi %mul3A_1173, %add3A_1191 : i32
        %get3A_1193 = arith.constant 0 : i32
        %get3A_1194 = arith.index_cast %get3A_1193 : i32 to index
        %get3A_1195 = arith.index_cast %add3A_1192 : i32 to index
        %get3A_1196 = arith.constant 0 : index
        %get3A_1197 = tpu.vector_load %arg6[%get3A_1194, %get3A_1195, %get3A_1196] {strides = array<i32>} : memref<2x100x32xf32, #tpu.memory_space<vmem>>, vector<1x1x16xf32>,
        %get3A_1198 = vector.shape_cast %get3A_1197 : vector<1x1x16xf32> to vector<16xf32>
        %add3A_1199 = arith.addf %add3A_1181, %get3A_1198 : vector<16xf32>
        %add3A_1200 = arith.constant 1 : i32
        %add3A_1201 = arith.addi %mul3A_1173, %add3A_1200 : i32
        %get3A_1202 = arith.constant 0 : i32
        %get3A_1203 = arith.index_cast %get3A_1202 : i32 to index
        %get3A_1204 = arith.index_cast %add3A_1201 : i32 to index
        %get3A_1205 = arith.constant 16 : index
        %get3A_1206 = tpu.vector_load %arg6[%get3A_1203, %get3A_1204, %get3A_1205] {strides = array<i32>} : memref<2x100x32xf32, #tpu.memory_space<vmem>>, vector<1x1x16xf32>,
        %get3A_1207 = vector.shape_cast %get3A_1206 : vector<1x1x16xf32> to vector<16xf32>
        %add3A_1208 = arith.addf %add3A_1190, %get3A_1207 : vector<16xf32>
        %add3A_1209 = arith.constant 2 : i32
        %add3A_1210 = arith.addi %mul3A_1173, %add3A_1209 : i32
        %get3A_1211 = arith.constant 0 : i32
        %get3A_1212 = arith.index_cast %get3A_1211 : i32 to index
        %get3A_1213 = arith.index_cast %add3A_1210 : i32 to index
        %get3A_1214 = arith.constant 0 : index
        %get3A_1215 = tpu.vector_load %arg6[%get3A_1212, %get3A_1213, %get3A_1214] {strides = array<i32>} : memref<2x100x32xf32, #tpu.memory_space<vmem>>, vector<1x1x16xf32>,
        %get3A_1216 = vector.shape_cast %get3A_1215 : vector<1x1x16xf32> to vector<16xf32>
        %add3A_1217 = arith.addf %add3A_1199, %get3A_1216 : vector<16xf32>
        %add3A_1218 = arith.constant 2 : i32
        %add3A_1219 = arith.addi %mul3A_1173, %add3A_1218 : i32
        %get3A_1220 = arith.constant 0 : i32
        %get3A_1221 = arith.index_cast %get3A_1220 : i32 to index
        %get3A_1222 = arith.index_cast %add3A_1219 : i32 to index
        %get3A_1223 = arith.constant 16 : index
        %get3A_1224 = tpu.vector_load %arg6[%get3A_1221, %get3A_1222, %get3A_1223] {strides = array<i32>} : memref<2x100x32xf32, #tpu.memory_space<vmem>>, vector<1x1x16xf32>,
        %get3A_1225 = vector.shape_cast %get3A_1224 : vector<1x1x16xf32> to vector<16xf32>
        %add3A_1226 = arith.addf %add3A_1208, %get3A_1225 : vector<16xf32>
        %add3A_1227 = arith.constant 3 : i32
        %add3A_1228 = arith.addi %mul3A_1173, %add3A_1227 : i32
        %get3A_1229 = arith.constant 0 : i32
        %get3A_1230 = arith.index_cast %get3A_1229 : i32 to index
        %get3A_1231 = arith.index_cast %add3A_1228 : i32 to index
        %get3A_1232 = arith.constant 0 : index
        %get3A_1233 = tpu.vector_load %arg6[%get3A_1230, %get3A_1231, %get3A_1232] {strides = array<i32>} : memref<2x100x32xf32, #tpu.memory_space<vmem>>, vector<1x1x16xf32>,
        %get3A_1234 = vector.shape_cast %get3A_1233 : vector<1x1x16xf32> to vector<16xf32>
        %add3A_1235 = arith.addf %add3A_1217, %get3A_1234 : vector<16xf32>
        %add3A_1236 = arith.constant 3 : i32
        %add3A_1237 = arith.addi %mul3A_1173, %add3A_1236 : i32
        %get3A_1238 = arith.constant 0 : i32
        %get3A_1239 = arith.index_cast %get3A_1238 : i32 to index
        %get3A_1240 = arith.index_cast %add3A_1237 : i32 to index
        %get3A_1241 = arith.constant 16 : index
        %get3A_1242 = tpu.vector_load %arg6[%get3A_1239, %get3A_1240, %get3A_1241] {strides = array<i32>} : memref<2x100x32xf32, #tpu.memory_space<vmem>>, vector<1x1x16xf32>,
        %get3A_1243 = vector.shape_cast %get3A_1242 : vector<1x1x16xf32> to vector<16xf32>
        %add3A_1244 = arith.addf %add3A_1226, %get3A_1243 : vector<16xf32>
        scf.yield %add3A_1235, %add3A_1244 : vector<16xf32>, vector<16xf32>
      }
      %scan3A_269 = arith.constant 25 : i32
      %dma_start3A_270 = arith.constant 8 : i32
      %dma_start3A_271 = arith.constant 0 : i32
      %dma_start3A_272 = arith.constant 0 : i32
      %dma_start3A_273 = arith.constant 0 : i32
      %dma_start3A_274 = tpu.memref_slice %arg6[%dma_start3A_271, %dma_start3A_272, %dma_start3A_273] : memref<2x100x32xf32, #tpu.memory_space<vmem>> -> memref<1x100x32xf32, #tpu.memory_space<vmem>>
      %dma_start3A_275 = tpu.memref_squeeze %dma_start3A_274 : memref<1x100x32xf32, #tpu.memory_space<vmem>> -> memref<100x32xf32, #tpu.memory_space<vmem>>
      %dma_start3A_276 = arith.constant 0 : i32
      %dma_start3A_277 = tpu.memref_slice %arg5[%dma_start3A_270, %dma_start3A_276] : memref<32x100xi32, #tpu.memory_space<vmem>> -> memref<1x100xi32, #tpu.memory_space<vmem>>
      %dma_start3A_278 = tpu.memref_squeeze %dma_start3A_277 : memref<1x100xi32, #tpu.memory_space<vmem>> -> memref<100xi32, #tpu.memory_space<vmem>>
      %dma_start3A_279 = arith.constant 0 : i32
      %dma_start3A_280 = arith.constant 0 : i32
      %dma_start3A_281 = tpu.memref_slice %arg3[%dma_start3A_279, %dma_start3A_280] : memref<1000000x32xf32, #tpu.memory_space<hbm>> -> memref<1000000x32xf32, #tpu.memory_space<hbm>>
      tpu.enqueue_indirect_dma source(%dma_start3A_281 : memref<1000000x32xf32, #tpu.memory_space<hbm>>) target(%dma_start3A_275 : memref<100x32xf32, #tpu.memory_space<vmem>>) offsets(%dma_start3A_278 : memref<100xi32, #tpu.memory_space<vmem>>) semaphore(%arg8 : memref<!tpu.dma_semaphore, #tpu.memory_space<semaphore_mem>>)
      %dma_wait3A_282 = arith.constant 7 : i32
      %dma_wait3A_283 = arith.constant 1 : i32
      %dma_wait3A_284 = arith.constant 0 : i32
      %dma_wait3A_285 = arith.constant 0 : i32
      %dma_wait3A_286 = tpu.memref_slice %arg6[%dma_wait3A_283, %dma_wait3A_284, %dma_wait3A_285] : memref<2x100x32xf32, #tpu.memory_space<vmem>> -> memref<1x100x32xf32, #tpu.memory_space<vmem>>
      %dma_wait3A_287 = tpu.memref_squeeze %dma_wait3A_286 : memref<1x100x32xf32, #tpu.memory_space<vmem>> -> memref<100x32xf32, #tpu.memory_space<vmem>>
      %dma_wait3A_288 = arith.constant 0 : i32
      %dma_wait3A_289 = tpu.memref_slice %arg5[%dma_wait3A_282, %dma_wait3A_288] : memref<32x100xi32, #tpu.memory_space<vmem>> -> memref<1x100xi32, #tpu.memory_space<vmem>>
      %dma_wait3A_290 = tpu.memref_squeeze %dma_wait3A_289 : memref<1x100xi32, #tpu.memory_space<vmem>> -> memref<100xi32, #tpu.memory_space<vmem>>
      %dma_wait3A_291 = arith.constant 0 : i32
      %dma_wait3A_292 = arith.constant 0 : i32
      %dma_wait3A_293 = tpu.memref_slice %arg3[%dma_wait3A_291, %dma_wait3A_292] : memref<1000000x32xf32, #tpu.memory_space<hbm>> -> memref<1000000x32xf32, #tpu.memory_space<hbm>>
      tpu.wait_indirect_dma semaphore(%arg9 : memref<!tpu.dma_semaphore, #tpu.memory_space<semaphore_mem>>) src(%dma_wait3A_293 : memref<1000000x32xf32, #tpu.memory_space<hbm>>) dst(%dma_wait3A_287 : memref<100x32xf32, #tpu.memory_space<vmem>>)
      %scan3A_294 = arith.constant 0 : i32
      %scan3A_295 = arith.constant 25 : i32
      %scan3A_296 = arith.addi %scan3A_294, %scan3A_295 : i32
      %scan3A_297 = arith.constant 1 : i32
      %scan3A_298:2 = scf.for %scan3A_1169 = %scan3A_294 to %scan3A_296 step %scan3A_297 iter_args(%scan3A_1170 = %scan3A_268#0, %scan3A_1171 = %scan3A_268#1) -> (vector<16xf32>, vector<16xf32>)  : i32 {
        %mul3A_1172 = arith.constant 4 : i32
        %mul3A_1173 = arith.muli %scan3A_1169, %mul3A_1172 : i32
        %add3A_1174 = arith.constant 0 : i32
        %add3A_1175 = arith.addi %mul3A_1173, %add3A_1174 : i32
        %get3A = arith.constant 1 : i32
        %get3A_1176 = arith.index_cast %get3A : i32 to index
        %get3A_1177 = arith.index_cast %add3A_1175 : i32 to index
        %get3A_1178 = arith.constant 0 : index
        %get3A_1179 = tpu.vector_load %arg6[%get3A_1176, %get3A_1177, %get3A_1178] {strides = array<i32>} : memref<2x100x32xf32, #tpu.memory_space<vmem>>, vector<1x1x16xf32>,
        %get3A_1180 = vector.shape_cast %get3A_1179 : vector<1x1x16xf32> to vector<16xf32>
        %add3A_1181 = arith.addf %scan3A_1170, %get3A_1180 : vector<16xf32>
        %add3A_1182 = arith.constant 0 : i32
        %add3A_1183 = arith.addi %mul3A_1173, %add3A_1182 : i32
        %get3A_1184 = arith.constant 1 : i32
        %get3A_1185 = arith.index_cast %get3A_1184 : i32 to index
        %get3A_1186 = arith.index_cast %add3A_1183 : i32 to index
        %get3A_1187 = arith.constant 16 : index
        %get3A_1188 = tpu.vector_load %arg6[%get3A_1185, %get3A_1186, %get3A_1187] {strides = array<i32>} : memref<2x100x32xf32, #tpu.memory_space<vmem>>, vector<1x1x16xf32>,
        %get3A_1189 = vector.shape_cast %get3A_1188 : vector<1x1x16xf32> to vector<16xf32>
        %add3A_1190 = arith.addf %scan3A_1171, %get3A_1189 : vector<16xf32>
        %add3A_1191 = arith.constant 1 : i32
        %add3A_1192 = arith.addi %mul3A_1173, %add3A_1191 : i32
        %get3A_1193 = arith.constant 1 : i32
        %get3A_1194 = arith.index_cast %get3A_1193 : i32 to index
        %get3A_1195 = arith.index_cast %add3A_1192 : i32 to index
        %get3A_1196 = arith.constant 0 : index
        %get3A_1197 = tpu.vector_load %arg6[%get3A_1194, %get3A_1195, %get3A_1196] {strides = array<i32>} : memref<2x100x32xf32, #tpu.memory_space<vmem>>, vector<1x1x16xf32>,
        %get3A_1198 = vector.shape_cast %get3A_1197 : vector<1x1x16xf32> to vector<16xf32>
        %add3A_1199 = arith.addf %add3A_1181, %get3A_1198 : vector<16xf32>
        %add3A_1200 = arith.constant 1 : i32
        %add3A_1201 = arith.addi %mul3A_1173, %add3A_1200 : i32
        %get3A_1202 = arith.constant 1 : i32
        %get3A_1203 = arith.index_cast %get3A_1202 : i32 to index
        %get3A_1204 = arith.index_cast %add3A_1201 : i32 to index
        %get3A_1205 = arith.constant 16 : index
        %get3A_1206 = tpu.vector_load %arg6[%get3A_1203, %get3A_1204, %get3A_1205] {strides = array<i32>} : memref<2x100x32xf32, #tpu.memory_space<vmem>>, vector<1x1x16xf32>,
        %get3A_1207 = vector.shape_cast %get3A_1206 : vector<1x1x16xf32> to vector<16xf32>
        %add3A_1208 = arith.addf %add3A_1190, %get3A_1207 : vector<16xf32>
        %add3A_1209 = arith.constant 2 : i32
        %add3A_1210 = arith.addi %mul3A_1173, %add3A_1209 : i32
        %get3A_1211 = arith.constant 1 : i32
        %get3A_1212 = arith.index_cast %get3A_1211 : i32 to index
        %get3A_1213 = arith.index_cast %add3A_1210 : i32 to index
        %get3A_1214 = arith.constant 0 : index
        %get3A_1215 = tpu.vector_load %arg6[%get3A_1212, %get3A_1213, %get3A_1214] {strides = array<i32>} : memref<2x100x32xf32, #tpu.memory_space<vmem>>, vector<1x1x16xf32>,
        %get3A_1216 = vector.shape_cast %get3A_1215 : vector<1x1x16xf32> to vector<16xf32>
        %add3A_1217 = arith.addf %add3A_1199, %get3A_1216 : vector<16xf32>
        %add3A_1218 = arith.constant 2 : i32
        %add3A_1219 = arith.addi %mul3A_1173, %add3A_1218 : i32
        %get3A_1220 = arith.constant 1 : i32
        %get3A_1221 = arith.index_cast %get3A_1220 : i32 to index
        %get3A_1222 = arith.index_cast %add3A_1219 : i32 to index
        %get3A_1223 = arith.constant 16 : index
        %get3A_1224 = tpu.vector_load %arg6[%get3A_1221, %get3A_1222, %get3A_1223] {strides = array<i32>} : memref<2x100x32xf32, #tpu.memory_space<vmem>>, vector<1x1x16xf32>,
        %get3A_1225 = vector.shape_cast %get3A_1224 : vector<1x1x16xf32> to vector<16xf32>
        %add3A_1226 = arith.addf %add3A_1208, %get3A_1225 : vector<16xf32>
        %add3A_1227 = arith.constant 3 : i32
        %add3A_1228 = arith.addi %mul3A_1173, %add3A_1227 : i32
        %get3A_1229 = arith.constant 1 : i32
        %get3A_1230 = arith.index_cast %get3A_1229 : i32 to index
        %get3A_1231 = arith.index_cast %add3A_1228 : i32 to index
        %get3A_1232 = arith.constant 0 : index
        %get3A_1233 = tpu.vector_load %arg6[%get3A_1230, %get3A_1231, %get3A_1232] {strides = array<i32>} : memref<2x100x32xf32, #tpu.memory_space<vmem>>, vector<1x1x16xf32>,
        %get3A_1234 = vector.shape_cast %get3A_1233 : vector<1x1x16xf32> to vector<16xf32>
        %add3A_1235 = arith.addf %add3A_1217, %get3A_1234 : vector<16xf32>
        %add3A_1236 = arith.constant 3 : i32
        %add3A_1237 = arith.addi %mul3A_1173, %add3A_1236 : i32
        %get3A_1238 = arith.constant 1 : i32
        %get3A_1239 = arith.index_cast %get3A_1238 : i32 to index
        %get3A_1240 = arith.index_cast %add3A_1237 : i32 to index
        %get3A_1241 = arith.constant 16 : index
        %get3A_1242 = tpu.vector_load %arg6[%get3A_1239, %get3A_1240, %get3A_1241] {strides = array<i32>} : memref<2x100x32xf32, #tpu.memory_space<vmem>>, vector<1x1x16xf32>,
        %get3A_1243 = vector.shape_cast %get3A_1242 : vector<1x1x16xf32> to vector<16xf32>
        %add3A_1244 = arith.addf %add3A_1226, %get3A_1243 : vector<16xf32>
        scf.yield %add3A_1235, %add3A_1244 : vector<16xf32>, vector<16xf32>
      }
      %scan3A_299 = arith.constant 25 : i32
      %swap3A_300 = arith.constant 96 : index
      %swap3A_301 = tpu.vector_load %arg7[%swap3A_300] {strides = array<i32>} : memref<512xf32, #tpu.memory_space<vmem>>, vector<16xf32>,
      %swap3A_302 = vector.shape_cast %swap3A_301 : vector<16xf32> to vector<16xf32>
      %swap3A_303 = vector.shape_cast %scan3A_298#0 : vector<16xf32> to vector<16xf32>
      tpu.vector_store %arg7[%swap3A_300], %swap3A_303 {strides = array<i32>} : memref<512xf32, #tpu.memory_space<vmem>>, vector<16xf32>,
      %swap3A_304 = arith.constant 112 : index
      %swap3A_305 = tpu.vector_load %arg7[%swap3A_304] {strides = array<i32>} : memref<512xf32, #tpu.memory_space<vmem>>, vector<16xf32>,
      %swap3A_306 = vector.shape_cast %swap3A_305 : vector<16xf32> to vector<16xf32>
      %swap3A_307 = vector.shape_cast %scan3A_298#1 : vector<16xf32> to vector<16xf32>
      tpu.vector_store %arg7[%swap3A_304], %swap3A_307 {strides = array<i32>} : memref<512xf32, #tpu.memory_space<vmem>>, vector<16xf32>,
      %dma_start3A_308 = arith.constant 9 : i32
      %dma_start3A_309 = arith.constant 1 : i32
      %dma_start3A_310 = arith.constant 0 : i32
      %dma_start3A_311 = arith.constant 0 : i32
      %dma_start3A_312 = tpu.memref_slice %arg6[%dma_start3A_309, %dma_start3A_310, %dma_start3A_311] : memref<2x100x32xf32, #tpu.memory_space<vmem>> -> memref<1x100x32xf32, #tpu.memory_space<vmem>>
      %dma_start3A_313 = tpu.memref_squeeze %dma_start3A_312 : memref<1x100x32xf32, #tpu.memory_space<vmem>> -> memref<100x32xf32, #tpu.memory_space<vmem>>
      %dma_start3A_314 = arith.constant 0 : i32
      %dma_start3A_315 = tpu.memref_slice %arg5[%dma_start3A_308, %dma_start3A_314] : memref<32x100xi32, #tpu.memory_space<vmem>> -> memref<1x100xi32, #tpu.memory_space<vmem>>
      %dma_start3A_316 = tpu.memref_squeeze %dma_start3A_315 : memref<1x100xi32, #tpu.memory_space<vmem>> -> memref<100xi32, #tpu.memory_space<vmem>>
      %dma_start3A_317 = arith.constant 0 : i32
      %dma_start3A_318 = arith.constant 0 : i32
      %dma_start3A_319 = tpu.memref_slice %arg3[%dma_start3A_317, %dma_start3A_318] : memref<1000000x32xf32, #tpu.memory_space<hbm>> -> memref<1000000x32xf32, #tpu.memory_space<hbm>>
      tpu.enqueue_indirect_dma source(%dma_start3A_319 : memref<1000000x32xf32, #tpu.memory_space<hbm>>) target(%dma_start3A_313 : memref<100x32xf32, #tpu.memory_space<vmem>>) offsets(%dma_start3A_316 : memref<100xi32, #tpu.memory_space<vmem>>) semaphore(%arg9 : memref<!tpu.dma_semaphore, #tpu.memory_space<semaphore_mem>>)
      %dma_wait3A_320 = arith.constant 8 : i32
      %dma_wait3A_321 = arith.constant 0 : i32
      %dma_wait3A_322 = arith.constant 0 : i32
      %dma_wait3A_323 = arith.constant 0 : i32
      %dma_wait3A_324 = tpu.memref_slice %arg6[%dma_wait3A_321, %dma_wait3A_322, %dma_wait3A_323] : memref<2x100x32xf32, #tpu.memory_space<vmem>> -> memref<1x100x32xf32, #tpu.memory_space<vmem>>
      %dma_wait3A_325 = tpu.memref_squeeze %dma_wait3A_324 : memref<1x100x32xf32, #tpu.memory_space<vmem>> -> memref<100x32xf32, #tpu.memory_space<vmem>>
      %dma_wait3A_326 = arith.constant 0 : i32
      %dma_wait3A_327 = tpu.memref_slice %arg5[%dma_wait3A_320, %dma_wait3A_326] : memref<32x100xi32, #tpu.memory_space<vmem>> -> memref<1x100xi32, #tpu.memory_space<vmem>>
      %dma_wait3A_328 = tpu.memref_squeeze %dma_wait3A_327 : memref<1x100xi32, #tpu.memory_space<vmem>> -> memref<100xi32, #tpu.memory_space<vmem>>
      %dma_wait3A_329 = arith.constant 0 : i32
      %dma_wait3A_330 = arith.constant 0 : i32
      %dma_wait3A_331 = tpu.memref_slice %arg3[%dma_wait3A_329, %dma_wait3A_330] : memref<1000000x32xf32, #tpu.memory_space<hbm>> -> memref<1000000x32xf32, #tpu.memory_space<hbm>>
      tpu.wait_indirect_dma semaphore(%arg8 : memref<!tpu.dma_semaphore, #tpu.memory_space<semaphore_mem>>) src(%dma_wait3A_331 : memref<1000000x32xf32, #tpu.memory_space<hbm>>) dst(%dma_wait3A_325 : memref<100x32xf32, #tpu.memory_space<vmem>>)
      %broadcast_in_dim3A_332 = arith.constant 0.000000e+00 : f32
      %broadcast_in_dim3A_333 = vector.broadcast %broadcast_in_dim3A_332 : f32 to vector<16xf32>
      %broadcast_in_dim3A_334 = arith.constant 0.000000e+00 : f32
      %broadcast_in_dim3A_335 = vector.broadcast %broadcast_in_dim3A_334 : f32 to vector<16xf32>
      %scan3A_336 = arith.constant 0 : i32
      %scan3A_337 = arith.constant 25 : i32
      %scan3A_338 = arith.addi %scan3A_336, %scan3A_337 : i32
      %scan3A_339 = arith.constant 1 : i32
      %scan3A_340:2 = scf.for %scan3A_1169 = %scan3A_336 to %scan3A_338 step %scan3A_339 iter_args(%scan3A_1170 = %broadcast_in_dim3A_333, %scan3A_1171 = %broadcast_in_dim3A_335) -> (vector<16xf32>, vector<16xf32>)  : i32 {
        %mul3A_1172 = arith.constant 4 : i32
        %mul3A_1173 = arith.muli %scan3A_1169, %mul3A_1172 : i32
        %add3A_1174 = arith.constant 0 : i32
        %add3A_1175 = arith.addi %mul3A_1173, %add3A_1174 : i32
        %get3A = arith.constant 0 : i32
        %get3A_1176 = arith.index_cast %get3A : i32 to index
        %get3A_1177 = arith.index_cast %add3A_1175 : i32 to index
        %get3A_1178 = arith.constant 0 : index
        %get3A_1179 = tpu.vector_load %arg6[%get3A_1176, %get3A_1177, %get3A_1178] {strides = array<i32>} : memref<2x100x32xf32, #tpu.memory_space<vmem>>, vector<1x1x16xf32>,
        %get3A_1180 = vector.shape_cast %get3A_1179 : vector<1x1x16xf32> to vector<16xf32>
        %add3A_1181 = arith.addf %scan3A_1170, %get3A_1180 : vector<16xf32>
        %add3A_1182 = arith.constant 0 : i32
        %add3A_1183 = arith.addi %mul3A_1173, %add3A_1182 : i32
        %get3A_1184 = arith.constant 0 : i32
        %get3A_1185 = arith.index_cast %get3A_1184 : i32 to index
        %get3A_1186 = arith.index_cast %add3A_1183 : i32 to index
        %get3A_1187 = arith.constant 16 : index
        %get3A_1188 = tpu.vector_load %arg6[%get3A_1185, %get3A_1186, %get3A_1187] {strides = array<i32>} : memref<2x100x32xf32, #tpu.memory_space<vmem>>, vector<1x1x16xf32>,
        %get3A_1189 = vector.shape_cast %get3A_1188 : vector<1x1x16xf32> to vector<16xf32>
        %add3A_1190 = arith.addf %scan3A_1171, %get3A_1189 : vector<16xf32>
        %add3A_1191 = arith.constant 1 : i32
        %add3A_1192 = arith.addi %mul3A_1173, %add3A_1191 : i32
        %get3A_1193 = arith.constant 0 : i32
        %get3A_1194 = arith.index_cast %get3A_1193 : i32 to index
        %get3A_1195 = arith.index_cast %add3A_1192 : i32 to index
        %get3A_1196 = arith.constant 0 : index
        %get3A_1197 = tpu.vector_load %arg6[%get3A_1194, %get3A_1195, %get3A_1196] {strides = array<i32>} : memref<2x100x32xf32, #tpu.memory_space<vmem>>, vector<1x1x16xf32>,
        %get3A_1198 = vector.shape_cast %get3A_1197 : vector<1x1x16xf32> to vector<16xf32>
        %add3A_1199 = arith.addf %add3A_1181, %get3A_1198 : vector<16xf32>
        %add3A_1200 = arith.constant 1 : i32
        %add3A_1201 = arith.addi %mul3A_1173, %add3A_1200 : i32
        %get3A_1202 = arith.constant 0 : i32
        %get3A_1203 = arith.index_cast %get3A_1202 : i32 to index
        %get3A_1204 = arith.index_cast %add3A_1201 : i32 to index
        %get3A_1205 = arith.constant 16 : index
        %get3A_1206 = tpu.vector_load %arg6[%get3A_1203, %get3A_1204, %get3A_1205] {strides = array<i32>} : memref<2x100x32xf32, #tpu.memory_space<vmem>>, vector<1x1x16xf32>,
        %get3A_1207 = vector.shape_cast %get3A_1206 : vector<1x1x16xf32> to vector<16xf32>
        %add3A_1208 = arith.addf %add3A_1190, %get3A_1207 : vector<16xf32>
        %add3A_1209 = arith.constant 2 : i32
        %add3A_1210 = arith.addi %mul3A_1173, %add3A_1209 : i32
        %get3A_1211 = arith.constant 0 : i32
        %get3A_1212 = arith.index_cast %get3A_1211 : i32 to index
        %get3A_1213 = arith.index_cast %add3A_1210 : i32 to index
        %get3A_1214 = arith.constant 0 : index
        %get3A_1215 = tpu.vector_load %arg6[%get3A_1212, %get3A_1213, %get3A_1214] {strides = array<i32>} : memref<2x100x32xf32, #tpu.memory_space<vmem>>, vector<1x1x16xf32>,
        %get3A_1216 = vector.shape_cast %get3A_1215 : vector<1x1x16xf32> to vector<16xf32>
        %add3A_1217 = arith.addf %add3A_1199, %get3A_1216 : vector<16xf32>
        %add3A_1218 = arith.constant 2 : i32
        %add3A_1219 = arith.addi %mul3A_1173, %add3A_1218 : i32
        %get3A_1220 = arith.constant 0 : i32
        %get3A_1221 = arith.index_cast %get3A_1220 : i32 to index
        %get3A_1222 = arith.index_cast %add3A_1219 : i32 to index
        %get3A_1223 = arith.constant 16 : index
        %get3A_1224 = tpu.vector_load %arg6[%get3A_1221, %get3A_1222, %get3A_1223] {strides = array<i32>} : memref<2x100x32xf32, #tpu.memory_space<vmem>>, vector<1x1x16xf32>,
        %get3A_1225 = vector.shape_cast %get3A_1224 : vector<1x1x16xf32> to vector<16xf32>
        %add3A_1226 = arith.addf %add3A_1208, %get3A_1225 : vector<16xf32>
        %add3A_1227 = arith.constant 3 : i32
        %add3A_1228 = arith.addi %mul3A_1173, %add3A_1227 : i32
        %get3A_1229 = arith.constant 0 : i32
        %get3A_1230 = arith.index_cast %get3A_1229 : i32 to index
        %get3A_1231 = arith.index_cast %add3A_1228 : i32 to index
        %get3A_1232 = arith.constant 0 : index
        %get3A_1233 = tpu.vector_load %arg6[%get3A_1230, %get3A_1231, %get3A_1232] {strides = array<i32>} : memref<2x100x32xf32, #tpu.memory_space<vmem>>, vector<1x1x16xf32>,
        %get3A_1234 = vector.shape_cast %get3A_1233 : vector<1x1x16xf32> to vector<16xf32>
        %add3A_1235 = arith.addf %add3A_1217, %get3A_1234 : vector<16xf32>
        %add3A_1236 = arith.constant 3 : i32
        %add3A_1237 = arith.addi %mul3A_1173, %add3A_1236 : i32
        %get3A_1238 = arith.constant 0 : i32
        %get3A_1239 = arith.index_cast %get3A_1238 : i32 to index
        %get3A_1240 = arith.index_cast %add3A_1237 : i32 to index
        %get3A_1241 = arith.constant 16 : index
        %get3A_1242 = tpu.vector_load %arg6[%get3A_1239, %get3A_1240, %get3A_1241] {strides = array<i32>} : memref<2x100x32xf32, #tpu.memory_space<vmem>>, vector<1x1x16xf32>,
        %get3A_1243 = vector.shape_cast %get3A_1242 : vector<1x1x16xf32> to vector<16xf32>
        %add3A_1244 = arith.addf %add3A_1226, %get3A_1243 : vector<16xf32>
        scf.yield %add3A_1235, %add3A_1244 : vector<16xf32>, vector<16xf32>
      }
      %scan3A_341 = arith.constant 25 : i32
      %dma_start3A_342 = arith.constant 10 : i32
      %dma_start3A_343 = arith.constant 0 : i32
      %dma_start3A_344 = arith.constant 0 : i32
      %dma_start3A_345 = arith.constant 0 : i32
      %dma_start3A_346 = tpu.memref_slice %arg6[%dma_start3A_343, %dma_start3A_344, %dma_start3A_345] : memref<2x100x32xf32, #tpu.memory_space<vmem>> -> memref<1x100x32xf32, #tpu.memory_space<vmem>>
      %dma_start3A_347 = tpu.memref_squeeze %dma_start3A_346 : memref<1x100x32xf32, #tpu.memory_space<vmem>> -> memref<100x32xf32, #tpu.memory_space<vmem>>
      %dma_start3A_348 = arith.constant 0 : i32
      %dma_start3A_349 = tpu.memref_slice %arg5[%dma_start3A_342, %dma_start3A_348] : memref<32x100xi32, #tpu.memory_space<vmem>> -> memref<1x100xi32, #tpu.memory_space<vmem>>
      %dma_start3A_350 = tpu.memref_squeeze %dma_start3A_349 : memref<1x100xi32, #tpu.memory_space<vmem>> -> memref<100xi32, #tpu.memory_space<vmem>>
      %dma_start3A_351 = arith.constant 0 : i32
      %dma_start3A_352 = arith.constant 0 : i32
      %dma_start3A_353 = tpu.memref_slice %arg3[%dma_start3A_351, %dma_start3A_352] : memref<1000000x32xf32, #tpu.memory_space<hbm>> -> memref<1000000x32xf32, #tpu.memory_space<hbm>>
      tpu.enqueue_indirect_dma source(%dma_start3A_353 : memref<1000000x32xf32, #tpu.memory_space<hbm>>) target(%dma_start3A_347 : memref<100x32xf32, #tpu.memory_space<vmem>>) offsets(%dma_start3A_350 : memref<100xi32, #tpu.memory_space<vmem>>) semaphore(%arg8 : memref<!tpu.dma_semaphore, #tpu.memory_space<semaphore_mem>>)
      %dma_wait3A_354 = arith.constant 9 : i32
      %dma_wait3A_355 = arith.constant 1 : i32
      %dma_wait3A_356 = arith.constant 0 : i32
      %dma_wait3A_357 = arith.constant 0 : i32
      %dma_wait3A_358 = tpu.memref_slice %arg6[%dma_wait3A_355, %dma_wait3A_356, %dma_wait3A_357] : memref<2x100x32xf32, #tpu.memory_space<vmem>> -> memref<1x100x32xf32, #tpu.memory_space<vmem>>
      %dma_wait3A_359 = tpu.memref_squeeze %dma_wait3A_358 : memref<1x100x32xf32, #tpu.memory_space<vmem>> -> memref<100x32xf32, #tpu.memory_space<vmem>>
      %dma_wait3A_360 = arith.constant 0 : i32
      %dma_wait3A_361 = tpu.memref_slice %arg5[%dma_wait3A_354, %dma_wait3A_360] : memref<32x100xi32, #tpu.memory_space<vmem>> -> memref<1x100xi32, #tpu.memory_space<vmem>>
      %dma_wait3A_362 = tpu.memref_squeeze %dma_wait3A_361 : memref<1x100xi32, #tpu.memory_space<vmem>> -> memref<100xi32, #tpu.memory_space<vmem>>
      %dma_wait3A_363 = arith.constant 0 : i32
      %dma_wait3A_364 = arith.constant 0 : i32
      %dma_wait3A_365 = tpu.memref_slice %arg3[%dma_wait3A_363, %dma_wait3A_364] : memref<1000000x32xf32, #tpu.memory_space<hbm>> -> memref<1000000x32xf32, #tpu.memory_space<hbm>>
      tpu.wait_indirect_dma semaphore(%arg9 : memref<!tpu.dma_semaphore, #tpu.memory_space<semaphore_mem>>) src(%dma_wait3A_365 : memref<1000000x32xf32, #tpu.memory_space<hbm>>) dst(%dma_wait3A_359 : memref<100x32xf32, #tpu.memory_space<vmem>>)
      %scan3A_366 = arith.constant 0 : i32
      %scan3A_367 = arith.constant 25 : i32
      %scan3A_368 = arith.addi %scan3A_366, %scan3A_367 : i32
      %scan3A_369 = arith.constant 1 : i32
      %scan3A_370:2 = scf.for %scan3A_1169 = %scan3A_366 to %scan3A_368 step %scan3A_369 iter_args(%scan3A_1170 = %scan3A_340#0, %scan3A_1171 = %scan3A_340#1) -> (vector<16xf32>, vector<16xf32>)  : i32 {
        %mul3A_1172 = arith.constant 4 : i32
        %mul3A_1173 = arith.muli %scan3A_1169, %mul3A_1172 : i32
        %add3A_1174 = arith.constant 0 : i32
        %add3A_1175 = arith.addi %mul3A_1173, %add3A_1174 : i32
        %get3A = arith.constant 1 : i32
        %get3A_1176 = arith.index_cast %get3A : i32 to index
        %get3A_1177 = arith.index_cast %add3A_1175 : i32 to index
        %get3A_1178 = arith.constant 0 : index
        %get3A_1179 = tpu.vector_load %arg6[%get3A_1176, %get3A_1177, %get3A_1178] {strides = array<i32>} : memref<2x100x32xf32, #tpu.memory_space<vmem>>, vector<1x1x16xf32>,
        %get3A_1180 = vector.shape_cast %get3A_1179 : vector<1x1x16xf32> to vector<16xf32>
        %add3A_1181 = arith.addf %scan3A_1170, %get3A_1180 : vector<16xf32>
        %add3A_1182 = arith.constant 0 : i32
        %add3A_1183 = arith.addi %mul3A_1173, %add3A_1182 : i32
        %get3A_1184 = arith.constant 1 : i32
        %get3A_1185 = arith.index_cast %get3A_1184 : i32 to index
        %get3A_1186 = arith.index_cast %add3A_1183 : i32 to index
        %get3A_1187 = arith.constant 16 : index
        %get3A_1188 = tpu.vector_load %arg6[%get3A_1185, %get3A_1186, %get3A_1187] {strides = array<i32>} : memref<2x100x32xf32, #tpu.memory_space<vmem>>, vector<1x1x16xf32>,
        %get3A_1189 = vector.shape_cast %get3A_1188 : vector<1x1x16xf32> to vector<16xf32>
        %add3A_1190 = arith.addf %scan3A_1171, %get3A_1189 : vector<16xf32>
        %add3A_1191 = arith.constant 1 : i32
        %add3A_1192 = arith.addi %mul3A_1173, %add3A_1191 : i32
        %get3A_1193 = arith.constant 1 : i32
        %get3A_1194 = arith.index_cast %get3A_1193 : i32 to index
        %get3A_1195 = arith.index_cast %add3A_1192 : i32 to index
        %get3A_1196 = arith.constant 0 : index
        %get3A_1197 = tpu.vector_load %arg6[%get3A_1194, %get3A_1195, %get3A_1196] {strides = array<i32>} : memref<2x100x32xf32, #tpu.memory_space<vmem>>, vector<1x1x16xf32>,
        %get3A_1198 = vector.shape_cast %get3A_1197 : vector<1x1x16xf32> to vector<16xf32>
        %add3A_1199 = arith.addf %add3A_1181, %get3A_1198 : vector<16xf32>
        %add3A_1200 = arith.constant 1 : i32
        %add3A_1201 = arith.addi %mul3A_1173, %add3A_1200 : i32
        %get3A_1202 = arith.constant 1 : i32
        %get3A_1203 = arith.index_cast %get3A_1202 : i32 to index
        %get3A_1204 = arith.index_cast %add3A_1201 : i32 to index
        %get3A_1205 = arith.constant 16 : index
        %get3A_1206 = tpu.vector_load %arg6[%get3A_1203, %get3A_1204, %get3A_1205] {strides = array<i32>} : memref<2x100x32xf32, #tpu.memory_space<vmem>>, vector<1x1x16xf32>,
        %get3A_1207 = vector.shape_cast %get3A_1206 : vector<1x1x16xf32> to vector<16xf32>
        %add3A_1208 = arith.addf %add3A_1190, %get3A_1207 : vector<16xf32>
        %add3A_1209 = arith.constant 2 : i32
        %add3A_1210 = arith.addi %mul3A_1173, %add3A_1209 : i32
        %get3A_1211 = arith.constant 1 : i32
        %get3A_1212 = arith.index_cast %get3A_1211 : i32 to index
        %get3A_1213 = arith.index_cast %add3A_1210 : i32 to index
        %get3A_1214 = arith.constant 0 : index
        %get3A_1215 = tpu.vector_load %arg6[%get3A_1212, %get3A_1213, %get3A_1214] {strides = array<i32>} : memref<2x100x32xf32, #tpu.memory_space<vmem>>, vector<1x1x16xf32>,
        %get3A_1216 = vector.shape_cast %get3A_1215 : vector<1x1x16xf32> to vector<16xf32>
        %add3A_1217 = arith.addf %add3A_1199, %get3A_1216 : vector<16xf32>
        %add3A_1218 = arith.constant 2 : i32
        %add3A_1219 = arith.addi %mul3A_1173, %add3A_1218 : i32
        %get3A_1220 = arith.constant 1 : i32
        %get3A_1221 = arith.index_cast %get3A_1220 : i32 to index
        %get3A_1222 = arith.index_cast %add3A_1219 : i32 to index
        %get3A_1223 = arith.constant 16 : index
        %get3A_1224 = tpu.vector_load %arg6[%get3A_1221, %get3A_1222, %get3A_1223] {strides = array<i32>} : memref<2x100x32xf32, #tpu.memory_space<vmem>>, vector<1x1x16xf32>,
        %get3A_1225 = vector.shape_cast %get3A_1224 : vector<1x1x16xf32> to vector<16xf32>
        %add3A_1226 = arith.addf %add3A_1208, %get3A_1225 : vector<16xf32>
        %add3A_1227 = arith.constant 3 : i32
        %add3A_1228 = arith.addi %mul3A_1173, %add3A_1227 : i32
        %get3A_1229 = arith.constant 1 : i32
        %get3A_1230 = arith.index_cast %get3A_1229 : i32 to index
        %get3A_1231 = arith.index_cast %add3A_1228 : i32 to index
        %get3A_1232 = arith.constant 0 : index
        %get3A_1233 = tpu.vector_load %arg6[%get3A_1230, %get3A_1231, %get3A_1232] {strides = array<i32>} : memref<2x100x32xf32, #tpu.memory_space<vmem>>, vector<1x1x16xf32>,
        %get3A_1234 = vector.shape_cast %get3A_1233 : vector<1x1x16xf32> to vector<16xf32>
        %add3A_1235 = arith.addf %add3A_1217, %get3A_1234 : vector<16xf32>
        %add3A_1236 = arith.constant 3 : i32
        %add3A_1237 = arith.addi %mul3A_1173, %add3A_1236 : i32
        %get3A_1238 = arith.constant 1 : i32
        %get3A_1239 = arith.index_cast %get3A_1238 : i32 to index
        %get3A_1240 = arith.index_cast %add3A_1237 : i32 to index
        %get3A_1241 = arith.constant 16 : index
        %get3A_1242 = tpu.vector_load %arg6[%get3A_1239, %get3A_1240, %get3A_1241] {strides = array<i32>} : memref<2x100x32xf32, #tpu.memory_space<vmem>>, vector<1x1x16xf32>,
        %get3A_1243 = vector.shape_cast %get3A_1242 : vector<1x1x16xf32> to vector<16xf32>
        %add3A_1244 = arith.addf %add3A_1226, %get3A_1243 : vector<16xf32>
        scf.yield %add3A_1235, %add3A_1244 : vector<16xf32>, vector<16xf32>
      }
      %scan3A_371 = arith.constant 25 : i32
      %swap3A_372 = arith.constant 128 : index
      %swap3A_373 = tpu.vector_load %arg7[%swap3A_372] {strides = array<i32>} : memref<512xf32, #tpu.memory_space<vmem>>, vector<16xf32>,
      %swap3A_374 = vector.shape_cast %swap3A_373 : vector<16xf32> to vector<16xf32>
      %swap3A_375 = vector.shape_cast %scan3A_370#0 : vector<16xf32> to vector<16xf32>
      tpu.vector_store %arg7[%swap3A_372], %swap3A_375 {strides = array<i32>} : memref<512xf32, #tpu.memory_space<vmem>>, vector<16xf32>,
      %swap3A_376 = arith.constant 144 : index
      %swap3A_377 = tpu.vector_load %arg7[%swap3A_376] {strides = array<i32>} : memref<512xf32, #tpu.memory_space<vmem>>, vector<16xf32>,
      %swap3A_378 = vector.shape_cast %swap3A_377 : vector<16xf32> to vector<16xf32>
      %swap3A_379 = vector.shape_cast %scan3A_370#1 : vector<16xf32> to vector<16xf32>
      tpu.vector_store %arg7[%swap3A_376], %swap3A_379 {strides = array<i32>} : memref<512xf32, #tpu.memory_space<vmem>>, vector<16xf32>,
      %dma_start3A_380 = arith.constant 11 : i32
      %dma_start3A_381 = arith.constant 1 : i32
      %dma_start3A_382 = arith.constant 0 : i32
      %dma_start3A_383 = arith.constant 0 : i32
      %dma_start3A_384 = tpu.memref_slice %arg6[%dma_start3A_381, %dma_start3A_382, %dma_start3A_383] : memref<2x100x32xf32, #tpu.memory_space<vmem>> -> memref<1x100x32xf32, #tpu.memory_space<vmem>>
      %dma_start3A_385 = tpu.memref_squeeze %dma_start3A_384 : memref<1x100x32xf32, #tpu.memory_space<vmem>> -> memref<100x32xf32, #tpu.memory_space<vmem>>
      %dma_start3A_386 = arith.constant 0 : i32
      %dma_start3A_387 = tpu.memref_slice %arg5[%dma_start3A_380, %dma_start3A_386] : memref<32x100xi32, #tpu.memory_space<vmem>> -> memref<1x100xi32, #tpu.memory_space<vmem>>
      %dma_start3A_388 = tpu.memref_squeeze %dma_start3A_387 : memref<1x100xi32, #tpu.memory_space<vmem>> -> memref<100xi32, #tpu.memory_space<vmem>>
      %dma_start3A_389 = arith.constant 0 : i32
      %dma_start3A_390 = arith.constant 0 : i32
      %dma_start3A_391 = tpu.memref_slice %arg3[%dma_start3A_389, %dma_start3A_390] : memref<1000000x32xf32, #tpu.memory_space<hbm>> -> memref<1000000x32xf32, #tpu.memory_space<hbm>>
      tpu.enqueue_indirect_dma source(%dma_start3A_391 : memref<1000000x32xf32, #tpu.memory_space<hbm>>) target(%dma_start3A_385 : memref<100x32xf32, #tpu.memory_space<vmem>>) offsets(%dma_start3A_388 : memref<100xi32, #tpu.memory_space<vmem>>) semaphore(%arg9 : memref<!tpu.dma_semaphore, #tpu.memory_space<semaphore_mem>>)
      %dma_wait3A_392 = arith.constant 10 : i32
      %dma_wait3A_393 = arith.constant 0 : i32
      %dma_wait3A_394 = arith.constant 0 : i32
      %dma_wait3A_395 = arith.constant 0 : i32
      %dma_wait3A_396 = tpu.memref_slice %arg6[%dma_wait3A_393, %dma_wait3A_394, %dma_wait3A_395] : memref<2x100x32xf32, #tpu.memory_space<vmem>> -> memref<1x100x32xf32, #tpu.memory_space<vmem>>
      %dma_wait3A_397 = tpu.memref_squeeze %dma_wait3A_396 : memref<1x100x32xf32, #tpu.memory_space<vmem>> -> memref<100x32xf32, #tpu.memory_space<vmem>>
      %dma_wait3A_398 = arith.constant 0 : i32
      %dma_wait3A_399 = tpu.memref_slice %arg5[%dma_wait3A_392, %dma_wait3A_398] : memref<32x100xi32, #tpu.memory_space<vmem>> -> memref<1x100xi32, #tpu.memory_space<vmem>>
      %dma_wait3A_400 = tpu.memref_squeeze %dma_wait3A_399 : memref<1x100xi32, #tpu.memory_space<vmem>> -> memref<100xi32, #tpu.memory_space<vmem>>
      %dma_wait3A_401 = arith.constant 0 : i32
      %dma_wait3A_402 = arith.constant 0 : i32
      %dma_wait3A_403 = tpu.memref_slice %arg3[%dma_wait3A_401, %dma_wait3A_402] : memref<1000000x32xf32, #tpu.memory_space<hbm>> -> memref<1000000x32xf32, #tpu.memory_space<hbm>>
      tpu.wait_indirect_dma semaphore(%arg8 : memref<!tpu.dma_semaphore, #tpu.memory_space<semaphore_mem>>) src(%dma_wait3A_403 : memref<1000000x32xf32, #tpu.memory_space<hbm>>) dst(%dma_wait3A_397 : memref<100x32xf32, #tpu.memory_space<vmem>>)
      %broadcast_in_dim3A_404 = arith.constant 0.000000e+00 : f32
      %broadcast_in_dim3A_405 = vector.broadcast %broadcast_in_dim3A_404 : f32 to vector<16xf32>
      %broadcast_in_dim3A_406 = arith.constant 0.000000e+00 : f32
      %broadcast_in_dim3A_407 = vector.broadcast %broadcast_in_dim3A_406 : f32 to vector<16xf32>
      %scan3A_408 = arith.constant 0 : i32
      %scan3A_409 = arith.constant 25 : i32
      %scan3A_410 = arith.addi %scan3A_408, %scan3A_409 : i32
      %scan3A_411 = arith.constant 1 : i32
      %scan3A_412:2 = scf.for %scan3A_1169 = %scan3A_408 to %scan3A_410 step %scan3A_411 iter_args(%scan3A_1170 = %broadcast_in_dim3A_405, %scan3A_1171 = %broadcast_in_dim3A_407) -> (vector<16xf32>, vector<16xf32>)  : i32 {
        %mul3A_1172 = arith.constant 4 : i32
        %mul3A_1173 = arith.muli %scan3A_1169, %mul3A_1172 : i32
        %add3A_1174 = arith.constant 0 : i32
        %add3A_1175 = arith.addi %mul3A_1173, %add3A_1174 : i32
        %get3A = arith.constant 0 : i32
        %get3A_1176 = arith.index_cast %get3A : i32 to index
        %get3A_1177 = arith.index_cast %add3A_1175 : i32 to index
        %get3A_1178 = arith.constant 0 : index
        %get3A_1179 = tpu.vector_load %arg6[%get3A_1176, %get3A_1177, %get3A_1178] {strides = array<i32>} : memref<2x100x32xf32, #tpu.memory_space<vmem>>, vector<1x1x16xf32>,
        %get3A_1180 = vector.shape_cast %get3A_1179 : vector<1x1x16xf32> to vector<16xf32>
        %add3A_1181 = arith.addf %scan3A_1170, %get3A_1180 : vector<16xf32>
        %add3A_1182 = arith.constant 0 : i32
        %add3A_1183 = arith.addi %mul3A_1173, %add3A_1182 : i32
        %get3A_1184 = arith.constant 0 : i32
        %get3A_1185 = arith.index_cast %get3A_1184 : i32 to index
        %get3A_1186 = arith.index_cast %add3A_1183 : i32 to index
        %get3A_1187 = arith.constant 16 : index
        %get3A_1188 = tpu.vector_load %arg6[%get3A_1185, %get3A_1186, %get3A_1187] {strides = array<i32>} : memref<2x100x32xf32, #tpu.memory_space<vmem>>, vector<1x1x16xf32>,
        %get3A_1189 = vector.shape_cast %get3A_1188 : vector<1x1x16xf32> to vector<16xf32>
        %add3A_1190 = arith.addf %scan3A_1171, %get3A_1189 : vector<16xf32>
        %add3A_1191 = arith.constant 1 : i32
        %add3A_1192 = arith.addi %mul3A_1173, %add3A_1191 : i32
        %get3A_1193 = arith.constant 0 : i32
        %get3A_1194 = arith.index_cast %get3A_1193 : i32 to index
        %get3A_1195 = arith.index_cast %add3A_1192 : i32 to index
        %get3A_1196 = arith.constant 0 : index
        %get3A_1197 = tpu.vector_load %arg6[%get3A_1194, %get3A_1195, %get3A_1196] {strides = array<i32>} : memref<2x100x32xf32, #tpu.memory_space<vmem>>, vector<1x1x16xf32>,
        %get3A_1198 = vector.shape_cast %get3A_1197 : vector<1x1x16xf32> to vector<16xf32>
        %add3A_1199 = arith.addf %add3A_1181, %get3A_1198 : vector<16xf32>
        %add3A_1200 = arith.constant 1 : i32
        %add3A_1201 = arith.addi %mul3A_1173, %add3A_1200 : i32
        %get3A_1202 = arith.constant 0 : i32
        %get3A_1203 = arith.index_cast %get3A_1202 : i32 to index
        %get3A_1204 = arith.index_cast %add3A_1201 : i32 to index
        %get3A_1205 = arith.constant 16 : index
        %get3A_1206 = tpu.vector_load %arg6[%get3A_1203, %get3A_1204, %get3A_1205] {strides = array<i32>} : memref<2x100x32xf32, #tpu.memory_space<vmem>>, vector<1x1x16xf32>,
        %get3A_1207 = vector.shape_cast %get3A_1206 : vector<1x1x16xf32> to vector<16xf32>
        %add3A_1208 = arith.addf %add3A_1190, %get3A_1207 : vector<16xf32>
        %add3A_1209 = arith.constant 2 : i32
        %add3A_1210 = arith.addi %mul3A_1173, %add3A_1209 : i32
        %get3A_1211 = arith.constant 0 : i32
        %get3A_1212 = arith.index_cast %get3A_1211 : i32 to index
        %get3A_1213 = arith.index_cast %add3A_1210 : i32 to index
        %get3A_1214 = arith.constant 0 : index
        %get3A_1215 = tpu.vector_load %arg6[%get3A_1212, %get3A_1213, %get3A_1214] {strides = array<i32>} : memref<2x100x32xf32, #tpu.memory_space<vmem>>, vector<1x1x16xf32>,
        %get3A_1216 = vector.shape_cast %get3A_1215 : vector<1x1x16xf32> to vector<16xf32>
        %add3A_1217 = arith.addf %add3A_1199, %get3A_1216 : vector<16xf32>
        %add3A_1218 = arith.constant 2 : i32
        %add3A_1219 = arith.addi %mul3A_1173, %add3A_1218 : i32
        %get3A_1220 = arith.constant 0 : i32
        %get3A_1221 = arith.index_cast %get3A_1220 : i32 to index
        %get3A_1222 = arith.index_cast %add3A_1219 : i32 to index
        %get3A_1223 = arith.constant 16 : index
        %get3A_1224 = tpu.vector_load %arg6[%get3A_1221, %get3A_1222, %get3A_1223] {strides = array<i32>} : memref<2x100x32xf32, #tpu.memory_space<vmem>>, vector<1x1x16xf32>,
        %get3A_1225 = vector.shape_cast %get3A_1224 : vector<1x1x16xf32> to vector<16xf32>
        %add3A_1226 = arith.addf %add3A_1208, %get3A_1225 : vector<16xf32>
        %add3A_1227 = arith.constant 3 : i32
        %add3A_1228 = arith.addi %mul3A_1173, %add3A_1227 : i32
        %get3A_1229 = arith.constant 0 : i32
        %get3A_1230 = arith.index_cast %get3A_1229 : i32 to index
        %get3A_1231 = arith.index_cast %add3A_1228 : i32 to index
        %get3A_1232 = arith.constant 0 : index
        %get3A_1233 = tpu.vector_load %arg6[%get3A_1230, %get3A_1231, %get3A_1232] {strides = array<i32>} : memref<2x100x32xf32, #tpu.memory_space<vmem>>, vector<1x1x16xf32>,
        %get3A_1234 = vector.shape_cast %get3A_1233 : vector<1x1x16xf32> to vector<16xf32>
        %add3A_1235 = arith.addf %add3A_1217, %get3A_1234 : vector<16xf32>
        %add3A_1236 = arith.constant 3 : i32
        %add3A_1237 = arith.addi %mul3A_1173, %add3A_1236 : i32
        %get3A_1238 = arith.constant 0 : i32
        %get3A_1239 = arith.index_cast %get3A_1238 : i32 to index
        %get3A_1240 = arith.index_cast %add3A_1237 : i32 to index
        %get3A_1241 = arith.constant 16 : index
        %get3A_1242 = tpu.vector_load %arg6[%get3A_1239, %get3A_1240, %get3A_1241] {strides = array<i32>} : memref<2x100x32xf32, #tpu.memory_space<vmem>>, vector<1x1x16xf32>,
        %get3A_1243 = vector.shape_cast %get3A_1242 : vector<1x1x16xf32> to vector<16xf32>
        %add3A_1244 = arith.addf %add3A_1226, %get3A_1243 : vector<16xf32>
        scf.yield %add3A_1235, %add3A_1244 : vector<16xf32>, vector<16xf32>
      }
      %scan3A_413 = arith.constant 25 : i32
      %dma_start3A_414 = arith.constant 12 : i32
      %dma_start3A_415 = arith.constant 0 : i32
      %dma_start3A_416 = arith.constant 0 : i32
      %dma_start3A_417 = arith.constant 0 : i32
      %dma_start3A_418 = tpu.memref_slice %arg6[%dma_start3A_415, %dma_start3A_416, %dma_start3A_417] : memref<2x100x32xf32, #tpu.memory_space<vmem>> -> memref<1x100x32xf32, #tpu.memory_space<vmem>>
      %dma_start3A_419 = tpu.memref_squeeze %dma_start3A_418 : memref<1x100x32xf32, #tpu.memory_space<vmem>> -> memref<100x32xf32, #tpu.memory_space<vmem>>
      %dma_start3A_420 = arith.constant 0 : i32
      %dma_start3A_421 = tpu.memref_slice %arg5[%dma_start3A_414, %dma_start3A_420] : memref<32x100xi32, #tpu.memory_space<vmem>> -> memref<1x100xi32, #tpu.memory_space<vmem>>
      %dma_start3A_422 = tpu.memref_squeeze %dma_start3A_421 : memref<1x100xi32, #tpu.memory_space<vmem>> -> memref<100xi32, #tpu.memory_space<vmem>>
      %dma_start3A_423 = arith.constant 0 : i32
      %dma_start3A_424 = arith.constant 0 : i32
      %dma_start3A_425 = tpu.memref_slice %arg3[%dma_start3A_423, %dma_start3A_424] : memref<1000000x32xf32, #tpu.memory_space<hbm>> -> memref<1000000x32xf32, #tpu.memory_space<hbm>>
      tpu.enqueue_indirect_dma source(%dma_start3A_425 : memref<1000000x32xf32, #tpu.memory_space<hbm>>) target(%dma_start3A_419 : memref<100x32xf32, #tpu.memory_space<vmem>>) offsets(%dma_start3A_422 : memref<100xi32, #tpu.memory_space<vmem>>) semaphore(%arg8 : memref<!tpu.dma_semaphore, #tpu.memory_space<semaphore_mem>>)
      %dma_wait3A_426 = arith.constant 11 : i32
      %dma_wait3A_427 = arith.constant 1 : i32
      %dma_wait3A_428 = arith.constant 0 : i32
      %dma_wait3A_429 = arith.constant 0 : i32
      %dma_wait3A_430 = tpu.memref_slice %arg6[%dma_wait3A_427, %dma_wait3A_428, %dma_wait3A_429] : memref<2x100x32xf32, #tpu.memory_space<vmem>> -> memref<1x100x32xf32, #tpu.memory_space<vmem>>
      %dma_wait3A_431 = tpu.memref_squeeze %dma_wait3A_430 : memref<1x100x32xf32, #tpu.memory_space<vmem>> -> memref<100x32xf32, #tpu.memory_space<vmem>>
      %dma_wait3A_432 = arith.constant 0 : i32
      %dma_wait3A_433 = tpu.memref_slice %arg5[%dma_wait3A_426, %dma_wait3A_432] : memref<32x100xi32, #tpu.memory_space<vmem>> -> memref<1x100xi32, #tpu.memory_space<vmem>>
      %dma_wait3A_434 = tpu.memref_squeeze %dma_wait3A_433 : memref<1x100xi32, #tpu.memory_space<vmem>> -> memref<100xi32, #tpu.memory_space<vmem>>
      %dma_wait3A_435 = arith.constant 0 : i32
      %dma_wait3A_436 = arith.constant 0 : i32
      %dma_wait3A_437 = tpu.memref_slice %arg3[%dma_wait3A_435, %dma_wait3A_436] : memref<1000000x32xf32, #tpu.memory_space<hbm>> -> memref<1000000x32xf32, #tpu.memory_space<hbm>>
      tpu.wait_indirect_dma semaphore(%arg9 : memref<!tpu.dma_semaphore, #tpu.memory_space<semaphore_mem>>) src(%dma_wait3A_437 : memref<1000000x32xf32, #tpu.memory_space<hbm>>) dst(%dma_wait3A_431 : memref<100x32xf32, #tpu.memory_space<vmem>>)
      %scan3A_438 = arith.constant 0 : i32
      %scan3A_439 = arith.constant 25 : i32
      %scan3A_440 = arith.addi %scan3A_438, %scan3A_439 : i32
      %scan3A_441 = arith.constant 1 : i32
      %scan3A_442:2 = scf.for %scan3A_1169 = %scan3A_438 to %scan3A_440 step %scan3A_441 iter_args(%scan3A_1170 = %scan3A_412#0, %scan3A_1171 = %scan3A_412#1) -> (vector<16xf32>, vector<16xf32>)  : i32 {
        %mul3A_1172 = arith.constant 4 : i32
        %mul3A_1173 = arith.muli %scan3A_1169, %mul3A_1172 : i32
        %add3A_1174 = arith.constant 0 : i32
        %add3A_1175 = arith.addi %mul3A_1173, %add3A_1174 : i32
        %get3A = arith.constant 1 : i32
        %get3A_1176 = arith.index_cast %get3A : i32 to index
        %get3A_1177 = arith.index_cast %add3A_1175 : i32 to index
        %get3A_1178 = arith.constant 0 : index
        %get3A_1179 = tpu.vector_load %arg6[%get3A_1176, %get3A_1177, %get3A_1178] {strides = array<i32>} : memref<2x100x32xf32, #tpu.memory_space<vmem>>, vector<1x1x16xf32>,
        %get3A_1180 = vector.shape_cast %get3A_1179 : vector<1x1x16xf32> to vector<16xf32>
        %add3A_1181 = arith.addf %scan3A_1170, %get3A_1180 : vector<16xf32>
        %add3A_1182 = arith.constant 0 : i32
        %add3A_1183 = arith.addi %mul3A_1173, %add3A_1182 : i32
        %get3A_1184 = arith.constant 1 : i32
        %get3A_1185 = arith.index_cast %get3A_1184 : i32 to index
        %get3A_1186 = arith.index_cast %add3A_1183 : i32 to index
        %get3A_1187 = arith.constant 16 : index
        %get3A_1188 = tpu.vector_load %arg6[%get3A_1185, %get3A_1186, %get3A_1187] {strides = array<i32>} : memref<2x100x32xf32, #tpu.memory_space<vmem>>, vector<1x1x16xf32>,
        %get3A_1189 = vector.shape_cast %get3A_1188 : vector<1x1x16xf32> to vector<16xf32>
        %add3A_1190 = arith.addf %scan3A_1171, %get3A_1189 : vector<16xf32>
        %add3A_1191 = arith.constant 1 : i32
        %add3A_1192 = arith.addi %mul3A_1173, %add3A_1191 : i32
        %get3A_1193 = arith.constant 1 : i32
        %get3A_1194 = arith.index_cast %get3A_1193 : i32 to index
        %get3A_1195 = arith.index_cast %add3A_1192 : i32 to index
        %get3A_1196 = arith.constant 0 : index
        %get3A_1197 = tpu.vector_load %arg6[%get3A_1194, %get3A_1195, %get3A_1196] {strides = array<i32>} : memref<2x100x32xf32, #tpu.memory_space<vmem>>, vector<1x1x16xf32>,
        %get3A_1198 = vector.shape_cast %get3A_1197 : vector<1x1x16xf32> to vector<16xf32>
        %add3A_1199 = arith.addf %add3A_1181, %get3A_1198 : vector<16xf32>
        %add3A_1200 = arith.constant 1 : i32
        %add3A_1201 = arith.addi %mul3A_1173, %add3A_1200 : i32
        %get3A_1202 = arith.constant 1 : i32
        %get3A_1203 = arith.index_cast %get3A_1202 : i32 to index
        %get3A_1204 = arith.index_cast %add3A_1201 : i32 to index
        %get3A_1205 = arith.constant 16 : index
        %get3A_1206 = tpu.vector_load %arg6[%get3A_1203, %get3A_1204, %get3A_1205] {strides = array<i32>} : memref<2x100x32xf32, #tpu.memory_space<vmem>>, vector<1x1x16xf32>,
        %get3A_1207 = vector.shape_cast %get3A_1206 : vector<1x1x16xf32> to vector<16xf32>
        %add3A_1208 = arith.addf %add3A_1190, %get3A_1207 : vector<16xf32>
        %add3A_1209 = arith.constant 2 : i32
        %add3A_1210 = arith.addi %mul3A_1173, %add3A_1209 : i32
        %get3A_1211 = arith.constant 1 : i32
        %get3A_1212 = arith.index_cast %get3A_1211 : i32 to index
        %get3A_1213 = arith.index_cast %add3A_1210 : i32 to index
        %get3A_1214 = arith.constant 0 : index
        %get3A_1215 = tpu.vector_load %arg6[%get3A_1212, %get3A_1213, %get3A_1214] {strides = array<i32>} : memref<2x100x32xf32, #tpu.memory_space<vmem>>, vector<1x1x16xf32>,
        %get3A_1216 = vector.shape_cast %get3A_1215 : vector<1x1x16xf32> to vector<16xf32>
        %add3A_1217 = arith.addf %add3A_1199, %get3A_1216 : vector<16xf32>
        %add3A_1218 = arith.constant 2 : i32
        %add3A_1219 = arith.addi %mul3A_1173, %add3A_1218 : i32
        %get3A_1220 = arith.constant 1 : i32
        %get3A_1221 = arith.index_cast %get3A_1220 : i32 to index
        %get3A_1222 = arith.index_cast %add3A_1219 : i32 to index
        %get3A_1223 = arith.constant 16 : index
        %get3A_1224 = tpu.vector_load %arg6[%get3A_1221, %get3A_1222, %get3A_1223] {strides = array<i32>} : memref<2x100x32xf32, #tpu.memory_space<vmem>>, vector<1x1x16xf32>,
        %get3A_1225 = vector.shape_cast %get3A_1224 : vector<1x1x16xf32> to vector<16xf32>
        %add3A_1226 = arith.addf %add3A_1208, %get3A_1225 : vector<16xf32>
        %add3A_1227 = arith.constant 3 : i32
        %add3A_1228 = arith.addi %mul3A_1173, %add3A_1227 : i32
        %get3A_1229 = arith.constant 1 : i32
        %get3A_1230 = arith.index_cast %get3A_1229 : i32 to index
        %get3A_1231 = arith.index_cast %add3A_1228 : i32 to index
        %get3A_1232 = arith.constant 0 : index
        %get3A_1233 = tpu.vector_load %arg6[%get3A_1230, %get3A_1231, %get3A_1232] {strides = array<i32>} : memref<2x100x32xf32, #tpu.memory_space<vmem>>, vector<1x1x16xf32>,
        %get3A_1234 = vector.shape_cast %get3A_1233 : vector<1x1x16xf32> to vector<16xf32>
        %add3A_1235 = arith.addf %add3A_1217, %get3A_1234 : vector<16xf32>
        %add3A_1236 = arith.constant 3 : i32
        %add3A_1237 = arith.addi %mul3A_1173, %add3A_1236 : i32
        %get3A_1238 = arith.constant 1 : i32
        %get3A_1239 = arith.index_cast %get3A_1238 : i32 to index
        %get3A_1240 = arith.index_cast %add3A_1237 : i32 to index
        %get3A_1241 = arith.constant 16 : index
        %get3A_1242 = tpu.vector_load %arg6[%get3A_1239, %get3A_1240, %get3A_1241] {strides = array<i32>} : memref<2x100x32xf32, #tpu.memory_space<vmem>>, vector<1x1x16xf32>,
        %get3A_1243 = vector.shape_cast %get3A_1242 : vector<1x1x16xf32> to vector<16xf32>
        %add3A_1244 = arith.addf %add3A_1226, %get3A_1243 : vector<16xf32>
        scf.yield %add3A_1235, %add3A_1244 : vector<16xf32>, vector<16xf32>
      }
      %scan3A_443 = arith.constant 25 : i32
      %swap3A_444 = arith.constant 160 : index
      %swap3A_445 = tpu.vector_load %arg7[%swap3A_444] {strides = array<i32>} : memref<512xf32, #tpu.memory_space<vmem>>, vector<16xf32>,
      %swap3A_446 = vector.shape_cast %swap3A_445 : vector<16xf32> to vector<16xf32>
      %swap3A_447 = vector.shape_cast %scan3A_442#0 : vector<16xf32> to vector<16xf32>
      tpu.vector_store %arg7[%swap3A_444], %swap3A_447 {strides = array<i32>} : memref<512xf32, #tpu.memory_space<vmem>>, vector<16xf32>,
      %swap3A_448 = arith.constant 176 : index
      %swap3A_449 = tpu.vector_load %arg7[%swap3A_448] {strides = array<i32>} : memref<512xf32, #tpu.memory_space<vmem>>, vector<16xf32>,
      %swap3A_450 = vector.shape_cast %swap3A_449 : vector<16xf32> to vector<16xf32>
      %swap3A_451 = vector.shape_cast %scan3A_442#1 : vector<16xf32> to vector<16xf32>
      tpu.vector_store %arg7[%swap3A_448], %swap3A_451 {strides = array<i32>} : memref<512xf32, #tpu.memory_space<vmem>>, vector<16xf32>,
      %dma_start3A_452 = arith.constant 13 : i32
      %dma_start3A_453 = arith.constant 1 : i32
      %dma_start3A_454 = arith.constant 0 : i32
      %dma_start3A_455 = arith.constant 0 : i32
      %dma_start3A_456 = tpu.memref_slice %arg6[%dma_start3A_453, %dma_start3A_454, %dma_start3A_455] : memref<2x100x32xf32, #tpu.memory_space<vmem>> -> memref<1x100x32xf32, #tpu.memory_space<vmem>>
      %dma_start3A_457 = tpu.memref_squeeze %dma_start3A_456 : memref<1x100x32xf32, #tpu.memory_space<vmem>> -> memref<100x32xf32, #tpu.memory_space<vmem>>
      %dma_start3A_458 = arith.constant 0 : i32
      %dma_start3A_459 = tpu.memref_slice %arg5[%dma_start3A_452, %dma_start3A_458] : memref<32x100xi32, #tpu.memory_space<vmem>> -> memref<1x100xi32, #tpu.memory_space<vmem>>
      %dma_start3A_460 = tpu.memref_squeeze %dma_start3A_459 : memref<1x100xi32, #tpu.memory_space<vmem>> -> memref<100xi32, #tpu.memory_space<vmem>>
      %dma_start3A_461 = arith.constant 0 : i32
      %dma_start3A_462 = arith.constant 0 : i32
      %dma_start3A_463 = tpu.memref_slice %arg3[%dma_start3A_461, %dma_start3A_462] : memref<1000000x32xf32, #tpu.memory_space<hbm>> -> memref<1000000x32xf32, #tpu.memory_space<hbm>>
      tpu.enqueue_indirect_dma source(%dma_start3A_463 : memref<1000000x32xf32, #tpu.memory_space<hbm>>) target(%dma_start3A_457 : memref<100x32xf32, #tpu.memory_space<vmem>>) offsets(%dma_start3A_460 : memref<100xi32, #tpu.memory_space<vmem>>) semaphore(%arg9 : memref<!tpu.dma_semaphore, #tpu.memory_space<semaphore_mem>>)
      %dma_wait3A_464 = arith.constant 12 : i32
      %dma_wait3A_465 = arith.constant 0 : i32
      %dma_wait3A_466 = arith.constant 0 : i32
      %dma_wait3A_467 = arith.constant 0 : i32
      %dma_wait3A_468 = tpu.memref_slice %arg6[%dma_wait3A_465, %dma_wait3A_466, %dma_wait3A_467] : memref<2x100x32xf32, #tpu.memory_space<vmem>> -> memref<1x100x32xf32, #tpu.memory_space<vmem>>
      %dma_wait3A_469 = tpu.memref_squeeze %dma_wait3A_468 : memref<1x100x32xf32, #tpu.memory_space<vmem>> -> memref<100x32xf32, #tpu.memory_space<vmem>>
      %dma_wait3A_470 = arith.constant 0 : i32
      %dma_wait3A_471 = tpu.memref_slice %arg5[%dma_wait3A_464, %dma_wait3A_470] : memref<32x100xi32, #tpu.memory_space<vmem>> -> memref<1x100xi32, #tpu.memory_space<vmem>>
      %dma_wait3A_472 = tpu.memref_squeeze %dma_wait3A_471 : memref<1x100xi32, #tpu.memory_space<vmem>> -> memref<100xi32, #tpu.memory_space<vmem>>
      %dma_wait3A_473 = arith.constant 0 : i32
      %dma_wait3A_474 = arith.constant 0 : i32
      %dma_wait3A_475 = tpu.memref_slice %arg3[%dma_wait3A_473, %dma_wait3A_474] : memref<1000000x32xf32, #tpu.memory_space<hbm>> -> memref<1000000x32xf32, #tpu.memory_space<hbm>>
      tpu.wait_indirect_dma semaphore(%arg8 : memref<!tpu.dma_semaphore, #tpu.memory_space<semaphore_mem>>) src(%dma_wait3A_475 : memref<1000000x32xf32, #tpu.memory_space<hbm>>) dst(%dma_wait3A_469 : memref<100x32xf32, #tpu.memory_space<vmem>>)
      %broadcast_in_dim3A_476 = arith.constant 0.000000e+00 : f32
      %broadcast_in_dim3A_477 = vector.broadcast %broadcast_in_dim3A_476 : f32 to vector<16xf32>
      %broadcast_in_dim3A_478 = arith.constant 0.000000e+00 : f32
      %broadcast_in_dim3A_479 = vector.broadcast %broadcast_in_dim3A_478 : f32 to vector<16xf32>
      %scan3A_480 = arith.constant 0 : i32
      %scan3A_481 = arith.constant 25 : i32
      %scan3A_482 = arith.addi %scan3A_480, %scan3A_481 : i32
      %scan3A_483 = arith.constant 1 : i32
      %scan3A_484:2 = scf.for %scan3A_1169 = %scan3A_480 to %scan3A_482 step %scan3A_483 iter_args(%scan3A_1170 = %broadcast_in_dim3A_477, %scan3A_1171 = %broadcast_in_dim3A_479) -> (vector<16xf32>, vector<16xf32>)  : i32 {
        %mul3A_1172 = arith.constant 4 : i32
        %mul3A_1173 = arith.muli %scan3A_1169, %mul3A_1172 : i32
        %add3A_1174 = arith.constant 0 : i32
        %add3A_1175 = arith.addi %mul3A_1173, %add3A_1174 : i32
        %get3A = arith.constant 0 : i32
        %get3A_1176 = arith.index_cast %get3A : i32 to index
        %get3A_1177 = arith.index_cast %add3A_1175 : i32 to index
        %get3A_1178 = arith.constant 0 : index
        %get3A_1179 = tpu.vector_load %arg6[%get3A_1176, %get3A_1177, %get3A_1178] {strides = array<i32>} : memref<2x100x32xf32, #tpu.memory_space<vmem>>, vector<1x1x16xf32>,
        %get3A_1180 = vector.shape_cast %get3A_1179 : vector<1x1x16xf32> to vector<16xf32>
        %add3A_1181 = arith.addf %scan3A_1170, %get3A_1180 : vector<16xf32>
        %add3A_1182 = arith.constant 0 : i32
        %add3A_1183 = arith.addi %mul3A_1173, %add3A_1182 : i32
        %get3A_1184 = arith.constant 0 : i32
        %get3A_1185 = arith.index_cast %get3A_1184 : i32 to index
        %get3A_1186 = arith.index_cast %add3A_1183 : i32 to index
        %get3A_1187 = arith.constant 16 : index
        %get3A_1188 = tpu.vector_load %arg6[%get3A_1185, %get3A_1186, %get3A_1187] {strides = array<i32>} : memref<2x100x32xf32, #tpu.memory_space<vmem>>, vector<1x1x16xf32>,
        %get3A_1189 = vector.shape_cast %get3A_1188 : vector<1x1x16xf32> to vector<16xf32>
        %add3A_1190 = arith.addf %scan3A_1171, %get3A_1189 : vector<16xf32>
        %add3A_1191 = arith.constant 1 : i32
        %add3A_1192 = arith.addi %mul3A_1173, %add3A_1191 : i32
        %get3A_1193 = arith.constant 0 : i32
        %get3A_1194 = arith.index_cast %get3A_1193 : i32 to index
        %get3A_1195 = arith.index_cast %add3A_1192 : i32 to index
        %get3A_1196 = arith.constant 0 : index
        %get3A_1197 = tpu.vector_load %arg6[%get3A_1194, %get3A_1195, %get3A_1196] {strides = array<i32>} : memref<2x100x32xf32, #tpu.memory_space<vmem>>, vector<1x1x16xf32>,
        %get3A_1198 = vector.shape_cast %get3A_1197 : vector<1x1x16xf32> to vector<16xf32>
        %add3A_1199 = arith.addf %add3A_1181, %get3A_1198 : vector<16xf32>
        %add3A_1200 = arith.constant 1 : i32
        %add3A_1201 = arith.addi %mul3A_1173, %add3A_1200 : i32
        %get3A_1202 = arith.constant 0 : i32
        %get3A_1203 = arith.index_cast %get3A_1202 : i32 to index
        %get3A_1204 = arith.index_cast %add3A_1201 : i32 to index
        %get3A_1205 = arith.constant 16 : index
        %get3A_1206 = tpu.vector_load %arg6[%get3A_1203, %get3A_1204, %get3A_1205] {strides = array<i32>} : memref<2x100x32xf32, #tpu.memory_space<vmem>>, vector<1x1x16xf32>,
        %get3A_1207 = vector.shape_cast %get3A_1206 : vector<1x1x16xf32> to vector<16xf32>
        %add3A_1208 = arith.addf %add3A_1190, %get3A_1207 : vector<16xf32>
        %add3A_1209 = arith.constant 2 : i32
        %add3A_1210 = arith.addi %mul3A_1173, %add3A_1209 : i32
        %get3A_1211 = arith.constant 0 : i32
        %get3A_1212 = arith.index_cast %get3A_1211 : i32 to index
        %get3A_1213 = arith.index_cast %add3A_1210 : i32 to index
        %get3A_1214 = arith.constant 0 : index
        %get3A_1215 = tpu.vector_load %arg6[%get3A_1212, %get3A_1213, %get3A_1214] {strides = array<i32>} : memref<2x100x32xf32, #tpu.memory_space<vmem>>, vector<1x1x16xf32>,
        %get3A_1216 = vector.shape_cast %get3A_1215 : vector<1x1x16xf32> to vector<16xf32>
        %add3A_1217 = arith.addf %add3A_1199, %get3A_1216 : vector<16xf32>
        %add3A_1218 = arith.constant 2 : i32
        %add3A_1219 = arith.addi %mul3A_1173, %add3A_1218 : i32
        %get3A_1220 = arith.constant 0 : i32
        %get3A_1221 = arith.index_cast %get3A_1220 : i32 to index
        %get3A_1222 = arith.index_cast %add3A_1219 : i32 to index
        %get3A_1223 = arith.constant 16 : index
        %get3A_1224 = tpu.vector_load %arg6[%get3A_1221, %get3A_1222, %get3A_1223] {strides = array<i32>} : memref<2x100x32xf32, #tpu.memory_space<vmem>>, vector<1x1x16xf32>,
        %get3A_1225 = vector.shape_cast %get3A_1224 : vector<1x1x16xf32> to vector<16xf32>
        %add3A_1226 = arith.addf %add3A_1208, %get3A_1225 : vector<16xf32>
        %add3A_1227 = arith.constant 3 : i32
        %add3A_1228 = arith.addi %mul3A_1173, %add3A_1227 : i32
        %get3A_1229 = arith.constant 0 : i32
        %get3A_1230 = arith.index_cast %get3A_1229 : i32 to index
        %get3A_1231 = arith.index_cast %add3A_1228 : i32 to index
        %get3A_1232 = arith.constant 0 : index
        %get3A_1233 = tpu.vector_load %arg6[%get3A_1230, %get3A_1231, %get3A_1232] {strides = array<i32>} : memref<2x100x32xf32, #tpu.memory_space<vmem>>, vector<1x1x16xf32>,
        %get3A_1234 = vector.shape_cast %get3A_1233 : vector<1x1x16xf32> to vector<16xf32>
        %add3A_1235 = arith.addf %add3A_1217, %get3A_1234 : vector<16xf32>
        %add3A_1236 = arith.constant 3 : i32
        %add3A_1237 = arith.addi %mul3A_1173, %add3A_1236 : i32
        %get3A_1238 = arith.constant 0 : i32
        %get3A_1239 = arith.index_cast %get3A_1238 : i32 to index
        %get3A_1240 = arith.index_cast %add3A_1237 : i32 to index
        %get3A_1241 = arith.constant 16 : index
        %get3A_1242 = tpu.vector_load %arg6[%get3A_1239, %get3A_1240, %get3A_1241] {strides = array<i32>} : memref<2x100x32xf32, #tpu.memory_space<vmem>>, vector<1x1x16xf32>,
        %get3A_1243 = vector.shape_cast %get3A_1242 : vector<1x1x16xf32> to vector<16xf32>
        %add3A_1244 = arith.addf %add3A_1226, %get3A_1243 : vector<16xf32>
        scf.yield %add3A_1235, %add3A_1244 : vector<16xf32>, vector<16xf32>
      }
      %scan3A_485 = arith.constant 25 : i32
      %dma_start3A_486 = arith.constant 14 : i32
      %dma_start3A_487 = arith.constant 0 : i32
      %dma_start3A_488 = arith.constant 0 : i32
      %dma_start3A_489 = arith.constant 0 : i32
      %dma_start3A_490 = tpu.memref_slice %arg6[%dma_start3A_487, %dma_start3A_488, %dma_start3A_489] : memref<2x100x32xf32, #tpu.memory_space<vmem>> -> memref<1x100x32xf32, #tpu.memory_space<vmem>>
      %dma_start3A_491 = tpu.memref_squeeze %dma_start3A_490 : memref<1x100x32xf32, #tpu.memory_space<vmem>> -> memref<100x32xf32, #tpu.memory_space<vmem>>
      %dma_start3A_492 = arith.constant 0 : i32
      %dma_start3A_493 = tpu.memref_slice %arg5[%dma_start3A_486, %dma_start3A_492] : memref<32x100xi32, #tpu.memory_space<vmem>> -> memref<1x100xi32, #tpu.memory_space<vmem>>
      %dma_start3A_494 = tpu.memref_squeeze %dma_start3A_493 : memref<1x100xi32, #tpu.memory_space<vmem>> -> memref<100xi32, #tpu.memory_space<vmem>>
      %dma_start3A_495 = arith.constant 0 : i32
      %dma_start3A_496 = arith.constant 0 : i32
      %dma_start3A_497 = tpu.memref_slice %arg3[%dma_start3A_495, %dma_start3A_496] : memref<1000000x32xf32, #tpu.memory_space<hbm>> -> memref<1000000x32xf32, #tpu.memory_space<hbm>>
      tpu.enqueue_indirect_dma source(%dma_start3A_497 : memref<1000000x32xf32, #tpu.memory_space<hbm>>) target(%dma_start3A_491 : memref<100x32xf32, #tpu.memory_space<vmem>>) offsets(%dma_start3A_494 : memref<100xi32, #tpu.memory_space<vmem>>) semaphore(%arg8 : memref<!tpu.dma_semaphore, #tpu.memory_space<semaphore_mem>>)
      %dma_wait3A_498 = arith.constant 13 : i32
      %dma_wait3A_499 = arith.constant 1 : i32
      %dma_wait3A_500 = arith.constant 0 : i32
      %dma_wait3A_501 = arith.constant 0 : i32
      %dma_wait3A_502 = tpu.memref_slice %arg6[%dma_wait3A_499, %dma_wait3A_500, %dma_wait3A_501] : memref<2x100x32xf32, #tpu.memory_space<vmem>> -> memref<1x100x32xf32, #tpu.memory_space<vmem>>
      %dma_wait3A_503 = tpu.memref_squeeze %dma_wait3A_502 : memref<1x100x32xf32, #tpu.memory_space<vmem>> -> memref<100x32xf32, #tpu.memory_space<vmem>>
      %dma_wait3A_504 = arith.constant 0 : i32
      %dma_wait3A_505 = tpu.memref_slice %arg5[%dma_wait3A_498, %dma_wait3A_504] : memref<32x100xi32, #tpu.memory_space<vmem>> -> memref<1x100xi32, #tpu.memory_space<vmem>>
      %dma_wait3A_506 = tpu.memref_squeeze %dma_wait3A_505 : memref<1x100xi32, #tpu.memory_space<vmem>> -> memref<100xi32, #tpu.memory_space<vmem>>
      %dma_wait3A_507 = arith.constant 0 : i32
      %dma_wait3A_508 = arith.constant 0 : i32
      %dma_wait3A_509 = tpu.memref_slice %arg3[%dma_wait3A_507, %dma_wait3A_508] : memref<1000000x32xf32, #tpu.memory_space<hbm>> -> memref<1000000x32xf32, #tpu.memory_space<hbm>>
      tpu.wait_indirect_dma semaphore(%arg9 : memref<!tpu.dma_semaphore, #tpu.memory_space<semaphore_mem>>) src(%dma_wait3A_509 : memref<1000000x32xf32, #tpu.memory_space<hbm>>) dst(%dma_wait3A_503 : memref<100x32xf32, #tpu.memory_space<vmem>>)
      %scan3A_510 = arith.constant 0 : i32
      %scan3A_511 = arith.constant 25 : i32
      %scan3A_512 = arith.addi %scan3A_510, %scan3A_511 : i32
      %scan3A_513 = arith.constant 1 : i32
      %scan3A_514:2 = scf.for %scan3A_1169 = %scan3A_510 to %scan3A_512 step %scan3A_513 iter_args(%scan3A_1170 = %scan3A_484#0, %scan3A_1171 = %scan3A_484#1) -> (vector<16xf32>, vector<16xf32>)  : i32 {
        %mul3A_1172 = arith.constant 4 : i32
        %mul3A_1173 = arith.muli %scan3A_1169, %mul3A_1172 : i32
        %add3A_1174 = arith.constant 0 : i32
        %add3A_1175 = arith.addi %mul3A_1173, %add3A_1174 : i32
        %get3A = arith.constant 1 : i32
        %get3A_1176 = arith.index_cast %get3A : i32 to index
        %get3A_1177 = arith.index_cast %add3A_1175 : i32 to index
        %get3A_1178 = arith.constant 0 : index
        %get3A_1179 = tpu.vector_load %arg6[%get3A_1176, %get3A_1177, %get3A_1178] {strides = array<i32>} : memref<2x100x32xf32, #tpu.memory_space<vmem>>, vector<1x1x16xf32>,
        %get3A_1180 = vector.shape_cast %get3A_1179 : vector<1x1x16xf32> to vector<16xf32>
        %add3A_1181 = arith.addf %scan3A_1170, %get3A_1180 : vector<16xf32>
        %add3A_1182 = arith.constant 0 : i32
        %add3A_1183 = arith.addi %mul3A_1173, %add3A_1182 : i32
        %get3A_1184 = arith.constant 1 : i32
        %get3A_1185 = arith.index_cast %get3A_1184 : i32 to index
        %get3A_1186 = arith.index_cast %add3A_1183 : i32 to index
        %get3A_1187 = arith.constant 16 : index
        %get3A_1188 = tpu.vector_load %arg6[%get3A_1185, %get3A_1186, %get3A_1187] {strides = array<i32>} : memref<2x100x32xf32, #tpu.memory_space<vmem>>, vector<1x1x16xf32>,
        %get3A_1189 = vector.shape_cast %get3A_1188 : vector<1x1x16xf32> to vector<16xf32>
        %add3A_1190 = arith.addf %scan3A_1171, %get3A_1189 : vector<16xf32>
        %add3A_1191 = arith.constant 1 : i32
        %add3A_1192 = arith.addi %mul3A_1173, %add3A_1191 : i32
        %get3A_1193 = arith.constant 1 : i32
        %get3A_1194 = arith.index_cast %get3A_1193 : i32 to index
        %get3A_1195 = arith.index_cast %add3A_1192 : i32 to index
        %get3A_1196 = arith.constant 0 : index
        %get3A_1197 = tpu.vector_load %arg6[%get3A_1194, %get3A_1195, %get3A_1196] {strides = array<i32>} : memref<2x100x32xf32, #tpu.memory_space<vmem>>, vector<1x1x16xf32>,
        %get3A_1198 = vector.shape_cast %get3A_1197 : vector<1x1x16xf32> to vector<16xf32>
        %add3A_1199 = arith.addf %add3A_1181, %get3A_1198 : vector<16xf32>
        %add3A_1200 = arith.constant 1 : i32
        %add3A_1201 = arith.addi %mul3A_1173, %add3A_1200 : i32
        %get3A_1202 = arith.constant 1 : i32
        %get3A_1203 = arith.index_cast %get3A_1202 : i32 to index
        %get3A_1204 = arith.index_cast %add3A_1201 : i32 to index
        %get3A_1205 = arith.constant 16 : index
        %get3A_1206 = tpu.vector_load %arg6[%get3A_1203, %get3A_1204, %get3A_1205] {strides = array<i32>} : memref<2x100x32xf32, #tpu.memory_space<vmem>>, vector<1x1x16xf32>,
        %get3A_1207 = vector.shape_cast %get3A_1206 : vector<1x1x16xf32> to vector<16xf32>
        %add3A_1208 = arith.addf %add3A_1190, %get3A_1207 : vector<16xf32>
        %add3A_1209 = arith.constant 2 : i32
        %add3A_1210 = arith.addi %mul3A_1173, %add3A_1209 : i32
        %get3A_1211 = arith.constant 1 : i32
        %get3A_1212 = arith.index_cast %get3A_1211 : i32 to index
        %get3A_1213 = arith.index_cast %add3A_1210 : i32 to index
        %get3A_1214 = arith.constant 0 : index
        %get3A_1215 = tpu.vector_load %arg6[%get3A_1212, %get3A_1213, %get3A_1214] {strides = array<i32>} : memref<2x100x32xf32, #tpu.memory_space<vmem>>, vector<1x1x16xf32>,
        %get3A_1216 = vector.shape_cast %get3A_1215 : vector<1x1x16xf32> to vector<16xf32>
        %add3A_1217 = arith.addf %add3A_1199, %get3A_1216 : vector<16xf32>
        %add3A_1218 = arith.constant 2 : i32
        %add3A_1219 = arith.addi %mul3A_1173, %add3A_1218 : i32
        %get3A_1220 = arith.constant 1 : i32
        %get3A_1221 = arith.index_cast %get3A_1220 : i32 to index
        %get3A_1222 = arith.index_cast %add3A_1219 : i32 to index
        %get3A_1223 = arith.constant 16 : index
        %get3A_1224 = tpu.vector_load %arg6[%get3A_1221, %get3A_1222, %get3A_1223] {strides = array<i32>} : memref<2x100x32xf32, #tpu.memory_space<vmem>>, vector<1x1x16xf32>,
        %get3A_1225 = vector.shape_cast %get3A_1224 : vector<1x1x16xf32> to vector<16xf32>
        %add3A_1226 = arith.addf %add3A_1208, %get3A_1225 : vector<16xf32>
        %add3A_1227 = arith.constant 3 : i32
        %add3A_1228 = arith.addi %mul3A_1173, %add3A_1227 : i32
        %get3A_1229 = arith.constant 1 : i32
        %get3A_1230 = arith.index_cast %get3A_1229 : i32 to index
        %get3A_1231 = arith.index_cast %add3A_1228 : i32 to index
        %get3A_1232 = arith.constant 0 : index
        %get3A_1233 = tpu.vector_load %arg6[%get3A_1230, %get3A_1231, %get3A_1232] {strides = array<i32>} : memref<2x100x32xf32, #tpu.memory_space<vmem>>, vector<1x1x16xf32>,
        %get3A_1234 = vector.shape_cast %get3A_1233 : vector<1x1x16xf32> to vector<16xf32>
        %add3A_1235 = arith.addf %add3A_1217, %get3A_1234 : vector<16xf32>
        %add3A_1236 = arith.constant 3 : i32
        %add3A_1237 = arith.addi %mul3A_1173, %add3A_1236 : i32
        %get3A_1238 = arith.constant 1 : i32
        %get3A_1239 = arith.index_cast %get3A_1238 : i32 to index
        %get3A_1240 = arith.index_cast %add3A_1237 : i32 to index
        %get3A_1241 = arith.constant 16 : index
        %get3A_1242 = tpu.vector_load %arg6[%get3A_1239, %get3A_1240, %get3A_1241] {strides = array<i32>} : memref<2x100x32xf32, #tpu.memory_space<vmem>>, vector<1x1x16xf32>,
        %get3A_1243 = vector.shape_cast %get3A_1242 : vector<1x1x16xf32> to vector<16xf32>
        %add3A_1244 = arith.addf %add3A_1226, %get3A_1243 : vector<16xf32>
        scf.yield %add3A_1235, %add3A_1244 : vector<16xf32>, vector<16xf32>
      }
      %scan3A_515 = arith.constant 25 : i32
      %swap3A_516 = arith.constant 192 : index
      %swap3A_517 = tpu.vector_load %arg7[%swap3A_516] {strides = array<i32>} : memref<512xf32, #tpu.memory_space<vmem>>, vector<16xf32>,
      %swap3A_518 = vector.shape_cast %swap3A_517 : vector<16xf32> to vector<16xf32>
      %swap3A_519 = vector.shape_cast %scan3A_514#0 : vector<16xf32> to vector<16xf32>
      tpu.vector_store %arg7[%swap3A_516], %swap3A_519 {strides = array<i32>} : memref<512xf32, #tpu.memory_space<vmem>>, vector<16xf32>,
      %swap3A_520 = arith.constant 208 : index
      %swap3A_521 = tpu.vector_load %arg7[%swap3A_520] {strides = array<i32>} : memref<512xf32, #tpu.memory_space<vmem>>, vector<16xf32>,
      %swap3A_522 = vector.shape_cast %swap3A_521 : vector<16xf32> to vector<16xf32>
      %swap3A_523 = vector.shape_cast %scan3A_514#1 : vector<16xf32> to vector<16xf32>
      tpu.vector_store %arg7[%swap3A_520], %swap3A_523 {strides = array<i32>} : memref<512xf32, #tpu.memory_space<vmem>>, vector<16xf32>,
      %dma_start3A_524 = arith.constant 15 : i32
      %dma_start3A_525 = arith.constant 1 : i32
      %dma_start3A_526 = arith.constant 0 : i32
      %dma_start3A_527 = arith.constant 0 : i32
      %dma_start3A_528 = tpu.memref_slice %arg6[%dma_start3A_525, %dma_start3A_526, %dma_start3A_527] : memref<2x100x32xf32, #tpu.memory_space<vmem>> -> memref<1x100x32xf32, #tpu.memory_space<vmem>>
      %dma_start3A_529 = tpu.memref_squeeze %dma_start3A_528 : memref<1x100x32xf32, #tpu.memory_space<vmem>> -> memref<100x32xf32, #tpu.memory_space<vmem>>
      %dma_start3A_530 = arith.constant 0 : i32
      %dma_start3A_531 = tpu.memref_slice %arg5[%dma_start3A_524, %dma_start3A_530] : memref<32x100xi32, #tpu.memory_space<vmem>> -> memref<1x100xi32, #tpu.memory_space<vmem>>
      %dma_start3A_532 = tpu.memref_squeeze %dma_start3A_531 : memref<1x100xi32, #tpu.memory_space<vmem>> -> memref<100xi32, #tpu.memory_space<vmem>>
      %dma_start3A_533 = arith.constant 0 : i32
      %dma_start3A_534 = arith.constant 0 : i32
      %dma_start3A_535 = tpu.memref_slice %arg3[%dma_start3A_533, %dma_start3A_534] : memref<1000000x32xf32, #tpu.memory_space<hbm>> -> memref<1000000x32xf32, #tpu.memory_space<hbm>>
      tpu.enqueue_indirect_dma source(%dma_start3A_535 : memref<1000000x32xf32, #tpu.memory_space<hbm>>) target(%dma_start3A_529 : memref<100x32xf32, #tpu.memory_space<vmem>>) offsets(%dma_start3A_532 : memref<100xi32, #tpu.memory_space<vmem>>) semaphore(%arg9 : memref<!tpu.dma_semaphore, #tpu.memory_space<semaphore_mem>>)
      %dma_wait3A_536 = arith.constant 14 : i32
      %dma_wait3A_537 = arith.constant 0 : i32
      %dma_wait3A_538 = arith.constant 0 : i32
      %dma_wait3A_539 = arith.constant 0 : i32
      %dma_wait3A_540 = tpu.memref_slice %arg6[%dma_wait3A_537, %dma_wait3A_538, %dma_wait3A_539] : memref<2x100x32xf32, #tpu.memory_space<vmem>> -> memref<1x100x32xf32, #tpu.memory_space<vmem>>
      %dma_wait3A_541 = tpu.memref_squeeze %dma_wait3A_540 : memref<1x100x32xf32, #tpu.memory_space<vmem>> -> memref<100x32xf32, #tpu.memory_space<vmem>>
      %dma_wait3A_542 = arith.constant 0 : i32
      %dma_wait3A_543 = tpu.memref_slice %arg5[%dma_wait3A_536, %dma_wait3A_542] : memref<32x100xi32, #tpu.memory_space<vmem>> -> memref<1x100xi32, #tpu.memory_space<vmem>>
      %dma_wait3A_544 = tpu.memref_squeeze %dma_wait3A_543 : memref<1x100xi32, #tpu.memory_space<vmem>> -> memref<100xi32, #tpu.memory_space<vmem>>
      %dma_wait3A_545 = arith.constant 0 : i32
      %dma_wait3A_546 = arith.constant 0 : i32
      %dma_wait3A_547 = tpu.memref_slice %arg3[%dma_wait3A_545, %dma_wait3A_546] : memref<1000000x32xf32, #tpu.memory_space<hbm>> -> memref<1000000x32xf32, #tpu.memory_space<hbm>>
      tpu.wait_indirect_dma semaphore(%arg8 : memref<!tpu.dma_semaphore, #tpu.memory_space<semaphore_mem>>) src(%dma_wait3A_547 : memref<1000000x32xf32, #tpu.memory_space<hbm>>) dst(%dma_wait3A_541 : memref<100x32xf32, #tpu.memory_space<vmem>>)
      %broadcast_in_dim3A_548 = arith.constant 0.000000e+00 : f32
      %broadcast_in_dim3A_549 = vector.broadcast %broadcast_in_dim3A_548 : f32 to vector<16xf32>
      %broadcast_in_dim3A_550 = arith.constant 0.000000e+00 : f32
      %broadcast_in_dim3A_551 = vector.broadcast %broadcast_in_dim3A_550 : f32 to vector<16xf32>
      %scan3A_552 = arith.constant 0 : i32
      %scan3A_553 = arith.constant 25 : i32
      %scan3A_554 = arith.addi %scan3A_552, %scan3A_553 : i32
      %scan3A_555 = arith.constant 1 : i32
      %scan3A_556:2 = scf.for %scan3A_1169 = %scan3A_552 to %scan3A_554 step %scan3A_555 iter_args(%scan3A_1170 = %broadcast_in_dim3A_549, %scan3A_1171 = %broadcast_in_dim3A_551) -> (vector<16xf32>, vector<16xf32>)  : i32 {
        %mul3A_1172 = arith.constant 4 : i32
        %mul3A_1173 = arith.muli %scan3A_1169, %mul3A_1172 : i32
        %add3A_1174 = arith.constant 0 : i32
        %add3A_1175 = arith.addi %mul3A_1173, %add3A_1174 : i32
        %get3A = arith.constant 0 : i32
        %get3A_1176 = arith.index_cast %get3A : i32 to index
        %get3A_1177 = arith.index_cast %add3A_1175 : i32 to index
        %get3A_1178 = arith.constant 0 : index
        %get3A_1179 = tpu.vector_load %arg6[%get3A_1176, %get3A_1177, %get3A_1178] {strides = array<i32>} : memref<2x100x32xf32, #tpu.memory_space<vmem>>, vector<1x1x16xf32>,
        %get3A_1180 = vector.shape_cast %get3A_1179 : vector<1x1x16xf32> to vector<16xf32>
        %add3A_1181 = arith.addf %scan3A_1170, %get3A_1180 : vector<16xf32>
        %add3A_1182 = arith.constant 0 : i32
        %add3A_1183 = arith.addi %mul3A_1173, %add3A_1182 : i32
        %get3A_1184 = arith.constant 0 : i32
        %get3A_1185 = arith.index_cast %get3A_1184 : i32 to index
        %get3A_1186 = arith.index_cast %add3A_1183 : i32 to index
        %get3A_1187 = arith.constant 16 : index
        %get3A_1188 = tpu.vector_load %arg6[%get3A_1185, %get3A_1186, %get3A_1187] {strides = array<i32>} : memref<2x100x32xf32, #tpu.memory_space<vmem>>, vector<1x1x16xf32>,
        %get3A_1189 = vector.shape_cast %get3A_1188 : vector<1x1x16xf32> to vector<16xf32>
        %add3A_1190 = arith.addf %scan3A_1171, %get3A_1189 : vector<16xf32>
        %add3A_1191 = arith.constant 1 : i32
        %add3A_1192 = arith.addi %mul3A_1173, %add3A_1191 : i32
        %get3A_1193 = arith.constant 0 : i32
        %get3A_1194 = arith.index_cast %get3A_1193 : i32 to index
        %get3A_1195 = arith.index_cast %add3A_1192 : i32 to index
        %get3A_1196 = arith.constant 0 : index
        %get3A_1197 = tpu.vector_load %arg6[%get3A_1194, %get3A_1195, %get3A_1196] {strides = array<i32>} : memref<2x100x32xf32, #tpu.memory_space<vmem>>, vector<1x1x16xf32>,
        %get3A_1198 = vector.shape_cast %get3A_1197 : vector<1x1x16xf32> to vector<16xf32>
        %add3A_1199 = arith.addf %add3A_1181, %get3A_1198 : vector<16xf32>
        %add3A_1200 = arith.constant 1 : i32
        %add3A_1201 = arith.addi %mul3A_1173, %add3A_1200 : i32
        %get3A_1202 = arith.constant 0 : i32
        %get3A_1203 = arith.index_cast %get3A_1202 : i32 to index
        %get3A_1204 = arith.index_cast %add3A_1201 : i32 to index
        %get3A_1205 = arith.constant 16 : index
        %get3A_1206 = tpu.vector_load %arg6[%get3A_1203, %get3A_1204, %get3A_1205] {strides = array<i32>} : memref<2x100x32xf32, #tpu.memory_space<vmem>>, vector<1x1x16xf32>,
        %get3A_1207 = vector.shape_cast %get3A_1206 : vector<1x1x16xf32> to vector<16xf32>
        %add3A_1208 = arith.addf %add3A_1190, %get3A_1207 : vector<16xf32>
        %add3A_1209 = arith.constant 2 : i32
        %add3A_1210 = arith.addi %mul3A_1173, %add3A_1209 : i32
        %get3A_1211 = arith.constant 0 : i32
        %get3A_1212 = arith.index_cast %get3A_1211 : i32 to index
        %get3A_1213 = arith.index_cast %add3A_1210 : i32 to index
        %get3A_1214 = arith.constant 0 : index
        %get3A_1215 = tpu.vector_load %arg6[%get3A_1212, %get3A_1213, %get3A_1214] {strides = array<i32>} : memref<2x100x32xf32, #tpu.memory_space<vmem>>, vector<1x1x16xf32>,
        %get3A_1216 = vector.shape_cast %get3A_1215 : vector<1x1x16xf32> to vector<16xf32>
        %add3A_1217 = arith.addf %add3A_1199, %get3A_1216 : vector<16xf32>
        %add3A_1218 = arith.constant 2 : i32
        %add3A_1219 = arith.addi %mul3A_1173, %add3A_1218 : i32
        %get3A_1220 = arith.constant 0 : i32
        %get3A_1221 = arith.index_cast %get3A_1220 : i32 to index
        %get3A_1222 = arith.index_cast %add3A_1219 : i32 to index
        %get3A_1223 = arith.constant 16 : index
        %get3A_1224 = tpu.vector_load %arg6[%get3A_1221, %get3A_1222, %get3A_1223] {strides = array<i32>} : memref<2x100x32xf32, #tpu.memory_space<vmem>>, vector<1x1x16xf32>,
        %get3A_1225 = vector.shape_cast %get3A_1224 : vector<1x1x16xf32> to vector<16xf32>
        %add3A_1226 = arith.addf %add3A_1208, %get3A_1225 : vector<16xf32>
        %add3A_1227 = arith.constant 3 : i32
        %add3A_1228 = arith.addi %mul3A_1173, %add3A_1227 : i32
        %get3A_1229 = arith.constant 0 : i32
        %get3A_1230 = arith.index_cast %get3A_1229 : i32 to index
        %get3A_1231 = arith.index_cast %add3A_1228 : i32 to index
        %get3A_1232 = arith.constant 0 : index
        %get3A_1233 = tpu.vector_load %arg6[%get3A_1230, %get3A_1231, %get3A_1232] {strides = array<i32>} : memref<2x100x32xf32, #tpu.memory_space<vmem>>, vector<1x1x16xf32>,
        %get3A_1234 = vector.shape_cast %get3A_1233 : vector<1x1x16xf32> to vector<16xf32>
        %add3A_1235 = arith.addf %add3A_1217, %get3A_1234 : vector<16xf32>
        %add3A_1236 = arith.constant 3 : i32
        %add3A_1237 = arith.addi %mul3A_1173, %add3A_1236 : i32
        %get3A_1238 = arith.constant 0 : i32
        %get3A_1239 = arith.index_cast %get3A_1238 : i32 to index
        %get3A_1240 = arith.index_cast %add3A_1237 : i32 to index
        %get3A_1241 = arith.constant 16 : index
        %get3A_1242 = tpu.vector_load %arg6[%get3A_1239, %get3A_1240, %get3A_1241] {strides = array<i32>} : memref<2x100x32xf32, #tpu.memory_space<vmem>>, vector<1x1x16xf32>,
        %get3A_1243 = vector.shape_cast %get3A_1242 : vector<1x1x16xf32> to vector<16xf32>
        %add3A_1244 = arith.addf %add3A_1226, %get3A_1243 : vector<16xf32>
        scf.yield %add3A_1235, %add3A_1244 : vector<16xf32>, vector<16xf32>
      }
      %scan3A_557 = arith.constant 25 : i32
      %dma_start3A_558 = arith.constant 16 : i32
      %dma_start3A_559 = arith.constant 0 : i32
      %dma_start3A_560 = arith.constant 0 : i32
      %dma_start3A_561 = arith.constant 0 : i32
      %dma_start3A_562 = tpu.memref_slice %arg6[%dma_start3A_559, %dma_start3A_560, %dma_start3A_561] : memref<2x100x32xf32, #tpu.memory_space<vmem>> -> memref<1x100x32xf32, #tpu.memory_space<vmem>>
      %dma_start3A_563 = tpu.memref_squeeze %dma_start3A_562 : memref<1x100x32xf32, #tpu.memory_space<vmem>> -> memref<100x32xf32, #tpu.memory_space<vmem>>
      %dma_start3A_564 = arith.constant 0 : i32
      %dma_start3A_565 = tpu.memref_slice %arg5[%dma_start3A_558, %dma_start3A_564] : memref<32x100xi32, #tpu.memory_space<vmem>> -> memref<1x100xi32, #tpu.memory_space<vmem>>
      %dma_start3A_566 = tpu.memref_squeeze %dma_start3A_565 : memref<1x100xi32, #tpu.memory_space<vmem>> -> memref<100xi32, #tpu.memory_space<vmem>>
      %dma_start3A_567 = arith.constant 0 : i32
      %dma_start3A_568 = arith.constant 0 : i32
      %dma_start3A_569 = tpu.memref_slice %arg3[%dma_start3A_567, %dma_start3A_568] : memref<1000000x32xf32, #tpu.memory_space<hbm>> -> memref<1000000x32xf32, #tpu.memory_space<hbm>>
      tpu.enqueue_indirect_dma source(%dma_start3A_569 : memref<1000000x32xf32, #tpu.memory_space<hbm>>) target(%dma_start3A_563 : memref<100x32xf32, #tpu.memory_space<vmem>>) offsets(%dma_start3A_566 : memref<100xi32, #tpu.memory_space<vmem>>) semaphore(%arg8 : memref<!tpu.dma_semaphore, #tpu.memory_space<semaphore_mem>>)
      %dma_wait3A_570 = arith.constant 15 : i32
      %dma_wait3A_571 = arith.constant 1 : i32
      %dma_wait3A_572 = arith.constant 0 : i32
      %dma_wait3A_573 = arith.constant 0 : i32
      %dma_wait3A_574 = tpu.memref_slice %arg6[%dma_wait3A_571, %dma_wait3A_572, %dma_wait3A_573] : memref<2x100x32xf32, #tpu.memory_space<vmem>> -> memref<1x100x32xf32, #tpu.memory_space<vmem>>
      %dma_wait3A_575 = tpu.memref_squeeze %dma_wait3A_574 : memref<1x100x32xf32, #tpu.memory_space<vmem>> -> memref<100x32xf32, #tpu.memory_space<vmem>>
      %dma_wait3A_576 = arith.constant 0 : i32
      %dma_wait3A_577 = tpu.memref_slice %arg5[%dma_wait3A_570, %dma_wait3A_576] : memref<32x100xi32, #tpu.memory_space<vmem>> -> memref<1x100xi32, #tpu.memory_space<vmem>>
      %dma_wait3A_578 = tpu.memref_squeeze %dma_wait3A_577 : memref<1x100xi32, #tpu.memory_space<vmem>> -> memref<100xi32, #tpu.memory_space<vmem>>
      %dma_wait3A_579 = arith.constant 0 : i32
      %dma_wait3A_580 = arith.constant 0 : i32
      %dma_wait3A_581 = tpu.memref_slice %arg3[%dma_wait3A_579, %dma_wait3A_580] : memref<1000000x32xf32, #tpu.memory_space<hbm>> -> memref<1000000x32xf32, #tpu.memory_space<hbm>>
      tpu.wait_indirect_dma semaphore(%arg9 : memref<!tpu.dma_semaphore, #tpu.memory_space<semaphore_mem>>) src(%dma_wait3A_581 : memref<1000000x32xf32, #tpu.memory_space<hbm>>) dst(%dma_wait3A_575 : memref<100x32xf32, #tpu.memory_space<vmem>>)
      %scan3A_582 = arith.constant 0 : i32
      %scan3A_583 = arith.constant 25 : i32
      %scan3A_584 = arith.addi %scan3A_582, %scan3A_583 : i32
      %scan3A_585 = arith.constant 1 : i32
      %scan3A_586:2 = scf.for %scan3A_1169 = %scan3A_582 to %scan3A_584 step %scan3A_585 iter_args(%scan3A_1170 = %scan3A_556#0, %scan3A_1171 = %scan3A_556#1) -> (vector<16xf32>, vector<16xf32>)  : i32 {
        %mul3A_1172 = arith.constant 4 : i32
        %mul3A_1173 = arith.muli %scan3A_1169, %mul3A_1172 : i32
        %add3A_1174 = arith.constant 0 : i32
        %add3A_1175 = arith.addi %mul3A_1173, %add3A_1174 : i32
        %get3A = arith.constant 1 : i32
        %get3A_1176 = arith.index_cast %get3A : i32 to index
        %get3A_1177 = arith.index_cast %add3A_1175 : i32 to index
        %get3A_1178 = arith.constant 0 : index
        %get3A_1179 = tpu.vector_load %arg6[%get3A_1176, %get3A_1177, %get3A_1178] {strides = array<i32>} : memref<2x100x32xf32, #tpu.memory_space<vmem>>, vector<1x1x16xf32>,
        %get3A_1180 = vector.shape_cast %get3A_1179 : vector<1x1x16xf32> to vector<16xf32>
        %add3A_1181 = arith.addf %scan3A_1170, %get3A_1180 : vector<16xf32>
        %add3A_1182 = arith.constant 0 : i32
        %add3A_1183 = arith.addi %mul3A_1173, %add3A_1182 : i32
        %get3A_1184 = arith.constant 1 : i32
        %get3A_1185 = arith.index_cast %get3A_1184 : i32 to index
        %get3A_1186 = arith.index_cast %add3A_1183 : i32 to index
        %get3A_1187 = arith.constant 16 : index
        %get3A_1188 = tpu.vector_load %arg6[%get3A_1185, %get3A_1186, %get3A_1187] {strides = array<i32>} : memref<2x100x32xf32, #tpu.memory_space<vmem>>, vector<1x1x16xf32>,
        %get3A_1189 = vector.shape_cast %get3A_1188 : vector<1x1x16xf32> to vector<16xf32>
        %add3A_1190 = arith.addf %scan3A_1171, %get3A_1189 : vector<16xf32>
        %add3A_1191 = arith.constant 1 : i32
        %add3A_1192 = arith.addi %mul3A_1173, %add3A_1191 : i32
        %get3A_1193 = arith.constant 1 : i32
        %get3A_1194 = arith.index_cast %get3A_1193 : i32 to index
        %get3A_1195 = arith.index_cast %add3A_1192 : i32 to index
        %get3A_1196 = arith.constant 0 : index
        %get3A_1197 = tpu.vector_load %arg6[%get3A_1194, %get3A_1195, %get3A_1196] {strides = array<i32>} : memref<2x100x32xf32, #tpu.memory_space<vmem>>, vector<1x1x16xf32>,
        %get3A_1198 = vector.shape_cast %get3A_1197 : vector<1x1x16xf32> to vector<16xf32>
        %add3A_1199 = arith.addf %add3A_1181, %get3A_1198 : vector<16xf32>
        %add3A_1200 = arith.constant 1 : i32
        %add3A_1201 = arith.addi %mul3A_1173, %add3A_1200 : i32
        %get3A_1202 = arith.constant 1 : i32
        %get3A_1203 = arith.index_cast %get3A_1202 : i32 to index
        %get3A_1204 = arith.index_cast %add3A_1201 : i32 to index
        %get3A_1205 = arith.constant 16 : index
        %get3A_1206 = tpu.vector_load %arg6[%get3A_1203, %get3A_1204, %get3A_1205] {strides = array<i32>} : memref<2x100x32xf32, #tpu.memory_space<vmem>>, vector<1x1x16xf32>,
        %get3A_1207 = vector.shape_cast %get3A_1206 : vector<1x1x16xf32> to vector<16xf32>
        %add3A_1208 = arith.addf %add3A_1190, %get3A_1207 : vector<16xf32>
        %add3A_1209 = arith.constant 2 : i32
        %add3A_1210 = arith.addi %mul3A_1173, %add3A_1209 : i32
        %get3A_1211 = arith.constant 1 : i32
        %get3A_1212 = arith.index_cast %get3A_1211 : i32 to index
        %get3A_1213 = arith.index_cast %add3A_1210 : i32 to index
        %get3A_1214 = arith.constant 0 : index
        %get3A_1215 = tpu.vector_load %arg6[%get3A_1212, %get3A_1213, %get3A_1214] {strides = array<i32>} : memref<2x100x32xf32, #tpu.memory_space<vmem>>, vector<1x1x16xf32>,
        %get3A_1216 = vector.shape_cast %get3A_1215 : vector<1x1x16xf32> to vector<16xf32>
        %add3A_1217 = arith.addf %add3A_1199, %get3A_1216 : vector<16xf32>
        %add3A_1218 = arith.constant 2 : i32
        %add3A_1219 = arith.addi %mul3A_1173, %add3A_1218 : i32
        %get3A_1220 = arith.constant 1 : i32
        %get3A_1221 = arith.index_cast %get3A_1220 : i32 to index
        %get3A_1222 = arith.index_cast %add3A_1219 : i32 to index
        %get3A_1223 = arith.constant 16 : index
        %get3A_1224 = tpu.vector_load %arg6[%get3A_1221, %get3A_1222, %get3A_1223] {strides = array<i32>} : memref<2x100x32xf32, #tpu.memory_space<vmem>>, vector<1x1x16xf32>,
        %get3A_1225 = vector.shape_cast %get3A_1224 : vector<1x1x16xf32> to vector<16xf32>
        %add3A_1226 = arith.addf %add3A_1208, %get3A_1225 : vector<16xf32>
        %add3A_1227 = arith.constant 3 : i32
        %add3A_1228 = arith.addi %mul3A_1173, %add3A_1227 : i32
        %get3A_1229 = arith.constant 1 : i32
        %get3A_1230 = arith.index_cast %get3A_1229 : i32 to index
        %get3A_1231 = arith.index_cast %add3A_1228 : i32 to index
        %get3A_1232 = arith.constant 0 : index
        %get3A_1233 = tpu.vector_load %arg6[%get3A_1230, %get3A_1231, %get3A_1232] {strides = array<i32>} : memref<2x100x32xf32, #tpu.memory_space<vmem>>, vector<1x1x16xf32>,
        %get3A_1234 = vector.shape_cast %get3A_1233 : vector<1x1x16xf32> to vector<16xf32>
        %add3A_1235 = arith.addf %add3A_1217, %get3A_1234 : vector<16xf32>
        %add3A_1236 = arith.constant 3 : i32
        %add3A_1237 = arith.addi %mul3A_1173, %add3A_1236 : i32
        %get3A_1238 = arith.constant 1 : i32
        %get3A_1239 = arith.index_cast %get3A_1238 : i32 to index
        %get3A_1240 = arith.index_cast %add3A_1237 : i32 to index
        %get3A_1241 = arith.constant 16 : index
        %get3A_1242 = tpu.vector_load %arg6[%get3A_1239, %get3A_1240, %get3A_1241] {strides = array<i32>} : memref<2x100x32xf32, #tpu.memory_space<vmem>>, vector<1x1x16xf32>,
        %get3A_1243 = vector.shape_cast %get3A_1242 : vector<1x1x16xf32> to vector<16xf32>
        %add3A_1244 = arith.addf %add3A_1226, %get3A_1243 : vector<16xf32>
        scf.yield %add3A_1235, %add3A_1244 : vector<16xf32>, vector<16xf32>
      }
      %scan3A_587 = arith.constant 25 : i32
      %swap3A_588 = arith.constant 224 : index
      %swap3A_589 = tpu.vector_load %arg7[%swap3A_588] {strides = array<i32>} : memref<512xf32, #tpu.memory_space<vmem>>, vector<16xf32>,
      %swap3A_590 = vector.shape_cast %swap3A_589 : vector<16xf32> to vector<16xf32>
      %swap3A_591 = vector.shape_cast %scan3A_586#0 : vector<16xf32> to vector<16xf32>
      tpu.vector_store %arg7[%swap3A_588], %swap3A_591 {strides = array<i32>} : memref<512xf32, #tpu.memory_space<vmem>>, vector<16xf32>,
      %swap3A_592 = arith.constant 240 : index
      %swap3A_593 = tpu.vector_load %arg7[%swap3A_592] {strides = array<i32>} : memref<512xf32, #tpu.memory_space<vmem>>, vector<16xf32>,
      %swap3A_594 = vector.shape_cast %swap3A_593 : vector<16xf32> to vector<16xf32>
      %swap3A_595 = vector.shape_cast %scan3A_586#1 : vector<16xf32> to vector<16xf32>
      tpu.vector_store %arg7[%swap3A_592], %swap3A_595 {strides = array<i32>} : memref<512xf32, #tpu.memory_space<vmem>>, vector<16xf32>,
      %dma_start3A_596 = arith.constant 17 : i32
      %dma_start3A_597 = arith.constant 1 : i32
      %dma_start3A_598 = arith.constant 0 : i32
      %dma_start3A_599 = arith.constant 0 : i32
      %dma_start3A_600 = tpu.memref_slice %arg6[%dma_start3A_597, %dma_start3A_598, %dma_start3A_599] : memref<2x100x32xf32, #tpu.memory_space<vmem>> -> memref<1x100x32xf32, #tpu.memory_space<vmem>>
      %dma_start3A_601 = tpu.memref_squeeze %dma_start3A_600 : memref<1x100x32xf32, #tpu.memory_space<vmem>> -> memref<100x32xf32, #tpu.memory_space<vmem>>
      %dma_start3A_602 = arith.constant 0 : i32
      %dma_start3A_603 = tpu.memref_slice %arg5[%dma_start3A_596, %dma_start3A_602] : memref<32x100xi32, #tpu.memory_space<vmem>> -> memref<1x100xi32, #tpu.memory_space<vmem>>
      %dma_start3A_604 = tpu.memref_squeeze %dma_start3A_603 : memref<1x100xi32, #tpu.memory_space<vmem>> -> memref<100xi32, #tpu.memory_space<vmem>>
      %dma_start3A_605 = arith.constant 0 : i32
      %dma_start3A_606 = arith.constant 0 : i32
      %dma_start3A_607 = tpu.memref_slice %arg3[%dma_start3A_605, %dma_start3A_606] : memref<1000000x32xf32, #tpu.memory_space<hbm>> -> memref<1000000x32xf32, #tpu.memory_space<hbm>>
      tpu.enqueue_indirect_dma source(%dma_start3A_607 : memref<1000000x32xf32, #tpu.memory_space<hbm>>) target(%dma_start3A_601 : memref<100x32xf32, #tpu.memory_space<vmem>>) offsets(%dma_start3A_604 : memref<100xi32, #tpu.memory_space<vmem>>) semaphore(%arg9 : memref<!tpu.dma_semaphore, #tpu.memory_space<semaphore_mem>>)
      %dma_wait3A_608 = arith.constant 16 : i32
      %dma_wait3A_609 = arith.constant 0 : i32
      %dma_wait3A_610 = arith.constant 0 : i32
      %dma_wait3A_611 = arith.constant 0 : i32
      %dma_wait3A_612 = tpu.memref_slice %arg6[%dma_wait3A_609, %dma_wait3A_610, %dma_wait3A_611] : memref<2x100x32xf32, #tpu.memory_space<vmem>> -> memref<1x100x32xf32, #tpu.memory_space<vmem>>
      %dma_wait3A_613 = tpu.memref_squeeze %dma_wait3A_612 : memref<1x100x32xf32, #tpu.memory_space<vmem>> -> memref<100x32xf32, #tpu.memory_space<vmem>>
      %dma_wait3A_614 = arith.constant 0 : i32
      %dma_wait3A_615 = tpu.memref_slice %arg5[%dma_wait3A_608, %dma_wait3A_614] : memref<32x100xi32, #tpu.memory_space<vmem>> -> memref<1x100xi32, #tpu.memory_space<vmem>>
      %dma_wait3A_616 = tpu.memref_squeeze %dma_wait3A_615 : memref<1x100xi32, #tpu.memory_space<vmem>> -> memref<100xi32, #tpu.memory_space<vmem>>
      %dma_wait3A_617 = arith.constant 0 : i32
      %dma_wait3A_618 = arith.constant 0 : i32
      %dma_wait3A_619 = tpu.memref_slice %arg3[%dma_wait3A_617, %dma_wait3A_618] : memref<1000000x32xf32, #tpu.memory_space<hbm>> -> memref<1000000x32xf32, #tpu.memory_space<hbm>>
      tpu.wait_indirect_dma semaphore(%arg8 : memref<!tpu.dma_semaphore, #tpu.memory_space<semaphore_mem>>) src(%dma_wait3A_619 : memref<1000000x32xf32, #tpu.memory_space<hbm>>) dst(%dma_wait3A_613 : memref<100x32xf32, #tpu.memory_space<vmem>>)
      %broadcast_in_dim3A_620 = arith.constant 0.000000e+00 : f32
      %broadcast_in_dim3A_621 = vector.broadcast %broadcast_in_dim3A_620 : f32 to vector<16xf32>
      %broadcast_in_dim3A_622 = arith.constant 0.000000e+00 : f32
      %broadcast_in_dim3A_623 = vector.broadcast %broadcast_in_dim3A_622 : f32 to vector<16xf32>
      %scan3A_624 = arith.constant 0 : i32
      %scan3A_625 = arith.constant 25 : i32
      %scan3A_626 = arith.addi %scan3A_624, %scan3A_625 : i32
      %scan3A_627 = arith.constant 1 : i32
      %scan3A_628:2 = scf.for %scan3A_1169 = %scan3A_624 to %scan3A_626 step %scan3A_627 iter_args(%scan3A_1170 = %broadcast_in_dim3A_621, %scan3A_1171 = %broadcast_in_dim3A_623) -> (vector<16xf32>, vector<16xf32>)  : i32 {
        %mul3A_1172 = arith.constant 4 : i32
        %mul3A_1173 = arith.muli %scan3A_1169, %mul3A_1172 : i32
        %add3A_1174 = arith.constant 0 : i32
        %add3A_1175 = arith.addi %mul3A_1173, %add3A_1174 : i32
        %get3A = arith.constant 0 : i32
        %get3A_1176 = arith.index_cast %get3A : i32 to index
        %get3A_1177 = arith.index_cast %add3A_1175 : i32 to index
        %get3A_1178 = arith.constant 0 : index
        %get3A_1179 = tpu.vector_load %arg6[%get3A_1176, %get3A_1177, %get3A_1178] {strides = array<i32>} : memref<2x100x32xf32, #tpu.memory_space<vmem>>, vector<1x1x16xf32>,
        %get3A_1180 = vector.shape_cast %get3A_1179 : vector<1x1x16xf32> to vector<16xf32>
        %add3A_1181 = arith.addf %scan3A_1170, %get3A_1180 : vector<16xf32>
        %add3A_1182 = arith.constant 0 : i32
        %add3A_1183 = arith.addi %mul3A_1173, %add3A_1182 : i32
        %get3A_1184 = arith.constant 0 : i32
        %get3A_1185 = arith.index_cast %get3A_1184 : i32 to index
        %get3A_1186 = arith.index_cast %add3A_1183 : i32 to index
        %get3A_1187 = arith.constant 16 : index
        %get3A_1188 = tpu.vector_load %arg6[%get3A_1185, %get3A_1186, %get3A_1187] {strides = array<i32>} : memref<2x100x32xf32, #tpu.memory_space<vmem>>, vector<1x1x16xf32>,
        %get3A_1189 = vector.shape_cast %get3A_1188 : vector<1x1x16xf32> to vector<16xf32>
        %add3A_1190 = arith.addf %scan3A_1171, %get3A_1189 : vector<16xf32>
        %add3A_1191 = arith.constant 1 : i32
        %add3A_1192 = arith.addi %mul3A_1173, %add3A_1191 : i32
        %get3A_1193 = arith.constant 0 : i32
        %get3A_1194 = arith.index_cast %get3A_1193 : i32 to index
        %get3A_1195 = arith.index_cast %add3A_1192 : i32 to index
        %get3A_1196 = arith.constant 0 : index
        %get3A_1197 = tpu.vector_load %arg6[%get3A_1194, %get3A_1195, %get3A_1196] {strides = array<i32>} : memref<2x100x32xf32, #tpu.memory_space<vmem>>, vector<1x1x16xf32>,
        %get3A_1198 = vector.shape_cast %get3A_1197 : vector<1x1x16xf32> to vector<16xf32>
        %add3A_1199 = arith.addf %add3A_1181, %get3A_1198 : vector<16xf32>
        %add3A_1200 = arith.constant 1 : i32
        %add3A_1201 = arith.addi %mul3A_1173, %add3A_1200 : i32
        %get3A_1202 = arith.constant 0 : i32
        %get3A_1203 = arith.index_cast %get3A_1202 : i32 to index
        %get3A_1204 = arith.index_cast %add3A_1201 : i32 to index
        %get3A_1205 = arith.constant 16 : index
        %get3A_1206 = tpu.vector_load %arg6[%get3A_1203, %get3A_1204, %get3A_1205] {strides = array<i32>} : memref<2x100x32xf32, #tpu.memory_space<vmem>>, vector<1x1x16xf32>,
        %get3A_1207 = vector.shape_cast %get3A_1206 : vector<1x1x16xf32> to vector<16xf32>
        %add3A_1208 = arith.addf %add3A_1190, %get3A_1207 : vector<16xf32>
        %add3A_1209 = arith.constant 2 : i32
        %add3A_1210 = arith.addi %mul3A_1173, %add3A_1209 : i32
        %get3A_1211 = arith.constant 0 : i32
        %get3A_1212 = arith.index_cast %get3A_1211 : i32 to index
        %get3A_1213 = arith.index_cast %add3A_1210 : i32 to index
        %get3A_1214 = arith.constant 0 : index
        %get3A_1215 = tpu.vector_load %arg6[%get3A_1212, %get3A_1213, %get3A_1214] {strides = array<i32>} : memref<2x100x32xf32, #tpu.memory_space<vmem>>, vector<1x1x16xf32>,
        %get3A_1216 = vector.shape_cast %get3A_1215 : vector<1x1x16xf32> to vector<16xf32>
        %add3A_1217 = arith.addf %add3A_1199, %get3A_1216 : vector<16xf32>
        %add3A_1218 = arith.constant 2 : i32
        %add3A_1219 = arith.addi %mul3A_1173, %add3A_1218 : i32
        %get3A_1220 = arith.constant 0 : i32
        %get3A_1221 = arith.index_cast %get3A_1220 : i32 to index
        %get3A_1222 = arith.index_cast %add3A_1219 : i32 to index
        %get3A_1223 = arith.constant 16 : index
        %get3A_1224 = tpu.vector_load %arg6[%get3A_1221, %get3A_1222, %get3A_1223] {strides = array<i32>} : memref<2x100x32xf32, #tpu.memory_space<vmem>>, vector<1x1x16xf32>,
        %get3A_1225 = vector.shape_cast %get3A_1224 : vector<1x1x16xf32> to vector<16xf32>
        %add3A_1226 = arith.addf %add3A_1208, %get3A_1225 : vector<16xf32>
        %add3A_1227 = arith.constant 3 : i32
        %add3A_1228 = arith.addi %mul3A_1173, %add3A_1227 : i32
        %get3A_1229 = arith.constant 0 : i32
        %get3A_1230 = arith.index_cast %get3A_1229 : i32 to index
        %get3A_1231 = arith.index_cast %add3A_1228 : i32 to index
        %get3A_1232 = arith.constant 0 : index
        %get3A_1233 = tpu.vector_load %arg6[%get3A_1230, %get3A_1231, %get3A_1232] {strides = array<i32>} : memref<2x100x32xf32, #tpu.memory_space<vmem>>, vector<1x1x16xf32>,
        %get3A_1234 = vector.shape_cast %get3A_1233 : vector<1x1x16xf32> to vector<16xf32>
        %add3A_1235 = arith.addf %add3A_1217, %get3A_1234 : vector<16xf32>
        %add3A_1236 = arith.constant 3 : i32
        %add3A_1237 = arith.addi %mul3A_1173, %add3A_1236 : i32
        %get3A_1238 = arith.constant 0 : i32
        %get3A_1239 = arith.index_cast %get3A_1238 : i32 to index
        %get3A_1240 = arith.index_cast %add3A_1237 : i32 to index
        %get3A_1241 = arith.constant 16 : index
        %get3A_1242 = tpu.vector_load %arg6[%get3A_1239, %get3A_1240, %get3A_1241] {strides = array<i32>} : memref<2x100x32xf32, #tpu.memory_space<vmem>>, vector<1x1x16xf32>,
        %get3A_1243 = vector.shape_cast %get3A_1242 : vector<1x1x16xf32> to vector<16xf32>
        %add3A_1244 = arith.addf %add3A_1226, %get3A_1243 : vector<16xf32>
        scf.yield %add3A_1235, %add3A_1244 : vector<16xf32>, vector<16xf32>
      }
      %scan3A_629 = arith.constant 25 : i32
      %dma_start3A_630 = arith.constant 18 : i32
      %dma_start3A_631 = arith.constant 0 : i32
      %dma_start3A_632 = arith.constant 0 : i32
      %dma_start3A_633 = arith.constant 0 : i32
      %dma_start3A_634 = tpu.memref_slice %arg6[%dma_start3A_631, %dma_start3A_632, %dma_start3A_633] : memref<2x100x32xf32, #tpu.memory_space<vmem>> -> memref<1x100x32xf32, #tpu.memory_space<vmem>>
      %dma_start3A_635 = tpu.memref_squeeze %dma_start3A_634 : memref<1x100x32xf32, #tpu.memory_space<vmem>> -> memref<100x32xf32, #tpu.memory_space<vmem>>
      %dma_start3A_636 = arith.constant 0 : i32
      %dma_start3A_637 = tpu.memref_slice %arg5[%dma_start3A_630, %dma_start3A_636] : memref<32x100xi32, #tpu.memory_space<vmem>> -> memref<1x100xi32, #tpu.memory_space<vmem>>
      %dma_start3A_638 = tpu.memref_squeeze %dma_start3A_637 : memref<1x100xi32, #tpu.memory_space<vmem>> -> memref<100xi32, #tpu.memory_space<vmem>>
      %dma_start3A_639 = arith.constant 0 : i32
      %dma_start3A_640 = arith.constant 0 : i32
      %dma_start3A_641 = tpu.memref_slice %arg3[%dma_start3A_639, %dma_start3A_640] : memref<1000000x32xf32, #tpu.memory_space<hbm>> -> memref<1000000x32xf32, #tpu.memory_space<hbm>>
      tpu.enqueue_indirect_dma source(%dma_start3A_641 : memref<1000000x32xf32, #tpu.memory_space<hbm>>) target(%dma_start3A_635 : memref<100x32xf32, #tpu.memory_space<vmem>>) offsets(%dma_start3A_638 : memref<100xi32, #tpu.memory_space<vmem>>) semaphore(%arg8 : memref<!tpu.dma_semaphore, #tpu.memory_space<semaphore_mem>>)
      %dma_wait3A_642 = arith.constant 17 : i32
      %dma_wait3A_643 = arith.constant 1 : i32
      %dma_wait3A_644 = arith.constant 0 : i32
      %dma_wait3A_645 = arith.constant 0 : i32
      %dma_wait3A_646 = tpu.memref_slice %arg6[%dma_wait3A_643, %dma_wait3A_644, %dma_wait3A_645] : memref<2x100x32xf32, #tpu.memory_space<vmem>> -> memref<1x100x32xf32, #tpu.memory_space<vmem>>
      %dma_wait3A_647 = tpu.memref_squeeze %dma_wait3A_646 : memref<1x100x32xf32, #tpu.memory_space<vmem>> -> memref<100x32xf32, #tpu.memory_space<vmem>>
      %dma_wait3A_648 = arith.constant 0 : i32
      %dma_wait3A_649 = tpu.memref_slice %arg5[%dma_wait3A_642, %dma_wait3A_648] : memref<32x100xi32, #tpu.memory_space<vmem>> -> memref<1x100xi32, #tpu.memory_space<vmem>>
      %dma_wait3A_650 = tpu.memref_squeeze %dma_wait3A_649 : memref<1x100xi32, #tpu.memory_space<vmem>> -> memref<100xi32, #tpu.memory_space<vmem>>
      %dma_wait3A_651 = arith.constant 0 : i32
      %dma_wait3A_652 = arith.constant 0 : i32
      %dma_wait3A_653 = tpu.memref_slice %arg3[%dma_wait3A_651, %dma_wait3A_652] : memref<1000000x32xf32, #tpu.memory_space<hbm>> -> memref<1000000x32xf32, #tpu.memory_space<hbm>>
      tpu.wait_indirect_dma semaphore(%arg9 : memref<!tpu.dma_semaphore, #tpu.memory_space<semaphore_mem>>) src(%dma_wait3A_653 : memref<1000000x32xf32, #tpu.memory_space<hbm>>) dst(%dma_wait3A_647 : memref<100x32xf32, #tpu.memory_space<vmem>>)
      %scan3A_654 = arith.constant 0 : i32
      %scan3A_655 = arith.constant 25 : i32
      %scan3A_656 = arith.addi %scan3A_654, %scan3A_655 : i32
      %scan3A_657 = arith.constant 1 : i32
      %scan3A_658:2 = scf.for %scan3A_1169 = %scan3A_654 to %scan3A_656 step %scan3A_657 iter_args(%scan3A_1170 = %scan3A_628#0, %scan3A_1171 = %scan3A_628#1) -> (vector<16xf32>, vector<16xf32>)  : i32 {
        %mul3A_1172 = arith.constant 4 : i32
        %mul3A_1173 = arith.muli %scan3A_1169, %mul3A_1172 : i32
        %add3A_1174 = arith.constant 0 : i32
        %add3A_1175 = arith.addi %mul3A_1173, %add3A_1174 : i32
        %get3A = arith.constant 1 : i32
        %get3A_1176 = arith.index_cast %get3A : i32 to index
        %get3A_1177 = arith.index_cast %add3A_1175 : i32 to index
        %get3A_1178 = arith.constant 0 : index
        %get3A_1179 = tpu.vector_load %arg6[%get3A_1176, %get3A_1177, %get3A_1178] {strides = array<i32>} : memref<2x100x32xf32, #tpu.memory_space<vmem>>, vector<1x1x16xf32>,
        %get3A_1180 = vector.shape_cast %get3A_1179 : vector<1x1x16xf32> to vector<16xf32>
        %add3A_1181 = arith.addf %scan3A_1170, %get3A_1180 : vector<16xf32>
        %add3A_1182 = arith.constant 0 : i32
        %add3A_1183 = arith.addi %mul3A_1173, %add3A_1182 : i32
        %get3A_1184 = arith.constant 1 : i32
        %get3A_1185 = arith.index_cast %get3A_1184 : i32 to index
        %get3A_1186 = arith.index_cast %add3A_1183 : i32 to index
        %get3A_1187 = arith.constant 16 : index
        %get3A_1188 = tpu.vector_load %arg6[%get3A_1185, %get3A_1186, %get3A_1187] {strides = array<i32>} : memref<2x100x32xf32, #tpu.memory_space<vmem>>, vector<1x1x16xf32>,
        %get3A_1189 = vector.shape_cast %get3A_1188 : vector<1x1x16xf32> to vector<16xf32>
        %add3A_1190 = arith.addf %scan3A_1171, %get3A_1189 : vector<16xf32>
        %add3A_1191 = arith.constant 1 : i32
        %add3A_1192 = arith.addi %mul3A_1173, %add3A_1191 : i32
        %get3A_1193 = arith.constant 1 : i32
        %get3A_1194 = arith.index_cast %get3A_1193 : i32 to index
        %get3A_1195 = arith.index_cast %add3A_1192 : i32 to index
        %get3A_1196 = arith.constant 0 : index
        %get3A_1197 = tpu.vector_load %arg6[%get3A_1194, %get3A_1195, %get3A_1196] {strides = array<i32>} : memref<2x100x32xf32, #tpu.memory_space<vmem>>, vector<1x1x16xf32>,
        %get3A_1198 = vector.shape_cast %get3A_1197 : vector<1x1x16xf32> to vector<16xf32>
        %add3A_1199 = arith.addf %add3A_1181, %get3A_1198 : vector<16xf32>
        %add3A_1200 = arith.constant 1 : i32
        %add3A_1201 = arith.addi %mul3A_1173, %add3A_1200 : i32
        %get3A_1202 = arith.constant 1 : i32
        %get3A_1203 = arith.index_cast %get3A_1202 : i32 to index
        %get3A_1204 = arith.index_cast %add3A_1201 : i32 to index
        %get3A_1205 = arith.constant 16 : index
        %get3A_1206 = tpu.vector_load %arg6[%get3A_1203, %get3A_1204, %get3A_1205] {strides = array<i32>} : memref<2x100x32xf32, #tpu.memory_space<vmem>>, vector<1x1x16xf32>,
        %get3A_1207 = vector.shape_cast %get3A_1206 : vector<1x1x16xf32> to vector<16xf32>
        %add3A_1208 = arith.addf %add3A_1190, %get3A_1207 : vector<16xf32>
        %add3A_1209 = arith.constant 2 : i32
        %add3A_1210 = arith.addi %mul3A_1173, %add3A_1209 : i32
        %get3A_1211 = arith.constant 1 : i32
        %get3A_1212 = arith.index_cast %get3A_1211 : i32 to index
        %get3A_1213 = arith.index_cast %add3A_1210 : i32 to index
        %get3A_1214 = arith.constant 0 : index
        %get3A_1215 = tpu.vector_load %arg6[%get3A_1212, %get3A_1213, %get3A_1214] {strides = array<i32>} : memref<2x100x32xf32, #tpu.memory_space<vmem>>, vector<1x1x16xf32>,
        %get3A_1216 = vector.shape_cast %get3A_1215 : vector<1x1x16xf32> to vector<16xf32>
        %add3A_1217 = arith.addf %add3A_1199, %get3A_1216 : vector<16xf32>
        %add3A_1218 = arith.constant 2 : i32
        %add3A_1219 = arith.addi %mul3A_1173, %add3A_1218 : i32
        %get3A_1220 = arith.constant 1 : i32
        %get3A_1221 = arith.index_cast %get3A_1220 : i32 to index
        %get3A_1222 = arith.index_cast %add3A_1219 : i32 to index
        %get3A_1223 = arith.constant 16 : index
        %get3A_1224 = tpu.vector_load %arg6[%get3A_1221, %get3A_1222, %get3A_1223] {strides = array<i32>} : memref<2x100x32xf32, #tpu.memory_space<vmem>>, vector<1x1x16xf32>,
        %get3A_1225 = vector.shape_cast %get3A_1224 : vector<1x1x16xf32> to vector<16xf32>
        %add3A_1226 = arith.addf %add3A_1208, %get3A_1225 : vector<16xf32>
        %add3A_1227 = arith.constant 3 : i32
        %add3A_1228 = arith.addi %mul3A_1173, %add3A_1227 : i32
        %get3A_1229 = arith.constant 1 : i32
        %get3A_1230 = arith.index_cast %get3A_1229 : i32 to index
        %get3A_1231 = arith.index_cast %add3A_1228 : i32 to index
        %get3A_1232 = arith.constant 0 : index
        %get3A_1233 = tpu.vector_load %arg6[%get3A_1230, %get3A_1231, %get3A_1232] {strides = array<i32>} : memref<2x100x32xf32, #tpu.memory_space<vmem>>, vector<1x1x16xf32>,
        %get3A_1234 = vector.shape_cast %get3A_1233 : vector<1x1x16xf32> to vector<16xf32>
        %add3A_1235 = arith.addf %add3A_1217, %get3A_1234 : vector<16xf32>
        %add3A_1236 = arith.constant 3 : i32
        %add3A_1237 = arith.addi %mul3A_1173, %add3A_1236 : i32
        %get3A_1238 = arith.constant 1 : i32
        %get3A_1239 = arith.index_cast %get3A_1238 : i32 to index
        %get3A_1240 = arith.index_cast %add3A_1237 : i32 to index
        %get3A_1241 = arith.constant 16 : index
        %get3A_1242 = tpu.vector_load %arg6[%get3A_1239, %get3A_1240, %get3A_1241] {strides = array<i32>} : memref<2x100x32xf32, #tpu.memory_space<vmem>>, vector<1x1x16xf32>,
        %get3A_1243 = vector.shape_cast %get3A_1242 : vector<1x1x16xf32> to vector<16xf32>
        %add3A_1244 = arith.addf %add3A_1226, %get3A_1243 : vector<16xf32>
        scf.yield %add3A_1235, %add3A_1244 : vector<16xf32>, vector<16xf32>
      }
      %scan3A_659 = arith.constant 25 : i32
      %swap3A_660 = arith.constant 256 : index
      %swap3A_661 = tpu.vector_load %arg7[%swap3A_660] {strides = array<i32>} : memref<512xf32, #tpu.memory_space<vmem>>, vector<16xf32>,
      %swap3A_662 = vector.shape_cast %swap3A_661 : vector<16xf32> to vector<16xf32>
      %swap3A_663 = vector.shape_cast %scan3A_658#0 : vector<16xf32> to vector<16xf32>
      tpu.vector_store %arg7[%swap3A_660], %swap3A_663 {strides = array<i32>} : memref<512xf32, #tpu.memory_space<vmem>>, vector<16xf32>,
      %swap3A_664 = arith.constant 272 : index
      %swap3A_665 = tpu.vector_load %arg7[%swap3A_664] {strides = array<i32>} : memref<512xf32, #tpu.memory_space<vmem>>, vector<16xf32>,
      %swap3A_666 = vector.shape_cast %swap3A_665 : vector<16xf32> to vector<16xf32>
      %swap3A_667 = vector.shape_cast %scan3A_658#1 : vector<16xf32> to vector<16xf32>
      tpu.vector_store %arg7[%swap3A_664], %swap3A_667 {strides = array<i32>} : memref<512xf32, #tpu.memory_space<vmem>>, vector<16xf32>,
      %dma_start3A_668 = arith.constant 19 : i32
      %dma_start3A_669 = arith.constant 1 : i32
      %dma_start3A_670 = arith.constant 0 : i32
      %dma_start3A_671 = arith.constant 0 : i32
      %dma_start3A_672 = tpu.memref_slice %arg6[%dma_start3A_669, %dma_start3A_670, %dma_start3A_671] : memref<2x100x32xf32, #tpu.memory_space<vmem>> -> memref<1x100x32xf32, #tpu.memory_space<vmem>>
      %dma_start3A_673 = tpu.memref_squeeze %dma_start3A_672 : memref<1x100x32xf32, #tpu.memory_space<vmem>> -> memref<100x32xf32, #tpu.memory_space<vmem>>
      %dma_start3A_674 = arith.constant 0 : i32
      %dma_start3A_675 = tpu.memref_slice %arg5[%dma_start3A_668, %dma_start3A_674] : memref<32x100xi32, #tpu.memory_space<vmem>> -> memref<1x100xi32, #tpu.memory_space<vmem>>
      %dma_start3A_676 = tpu.memref_squeeze %dma_start3A_675 : memref<1x100xi32, #tpu.memory_space<vmem>> -> memref<100xi32, #tpu.memory_space<vmem>>
      %dma_start3A_677 = arith.constant 0 : i32
      %dma_start3A_678 = arith.constant 0 : i32
      %dma_start3A_679 = tpu.memref_slice %arg3[%dma_start3A_677, %dma_start3A_678] : memref<1000000x32xf32, #tpu.memory_space<hbm>> -> memref<1000000x32xf32, #tpu.memory_space<hbm>>
      tpu.enqueue_indirect_dma source(%dma_start3A_679 : memref<1000000x32xf32, #tpu.memory_space<hbm>>) target(%dma_start3A_673 : memref<100x32xf32, #tpu.memory_space<vmem>>) offsets(%dma_start3A_676 : memref<100xi32, #tpu.memory_space<vmem>>) semaphore(%arg9 : memref<!tpu.dma_semaphore, #tpu.memory_space<semaphore_mem>>)
      %dma_wait3A_680 = arith.constant 18 : i32
      %dma_wait3A_681 = arith.constant 0 : i32
      %dma_wait3A_682 = arith.constant 0 : i32
      %dma_wait3A_683 = arith.constant 0 : i32
      %dma_wait3A_684 = tpu.memref_slice %arg6[%dma_wait3A_681, %dma_wait3A_682, %dma_wait3A_683] : memref<2x100x32xf32, #tpu.memory_space<vmem>> -> memref<1x100x32xf32, #tpu.memory_space<vmem>>
      %dma_wait3A_685 = tpu.memref_squeeze %dma_wait3A_684 : memref<1x100x32xf32, #tpu.memory_space<vmem>> -> memref<100x32xf32, #tpu.memory_space<vmem>>
      %dma_wait3A_686 = arith.constant 0 : i32
      %dma_wait3A_687 = tpu.memref_slice %arg5[%dma_wait3A_680, %dma_wait3A_686] : memref<32x100xi32, #tpu.memory_space<vmem>> -> memref<1x100xi32, #tpu.memory_space<vmem>>
      %dma_wait3A_688 = tpu.memref_squeeze %dma_wait3A_687 : memref<1x100xi32, #tpu.memory_space<vmem>> -> memref<100xi32, #tpu.memory_space<vmem>>
      %dma_wait3A_689 = arith.constant 0 : i32
      %dma_wait3A_690 = arith.constant 0 : i32
      %dma_wait3A_691 = tpu.memref_slice %arg3[%dma_wait3A_689, %dma_wait3A_690] : memref<1000000x32xf32, #tpu.memory_space<hbm>> -> memref<1000000x32xf32, #tpu.memory_space<hbm>>
      tpu.wait_indirect_dma semaphore(%arg8 : memref<!tpu.dma_semaphore, #tpu.memory_space<semaphore_mem>>) src(%dma_wait3A_691 : memref<1000000x32xf32, #tpu.memory_space<hbm>>) dst(%dma_wait3A_685 : memref<100x32xf32, #tpu.memory_space<vmem>>)
      %broadcast_in_dim3A_692 = arith.constant 0.000000e+00 : f32
      %broadcast_in_dim3A_693 = vector.broadcast %broadcast_in_dim3A_692 : f32 to vector<16xf32>
      %broadcast_in_dim3A_694 = arith.constant 0.000000e+00 : f32
      %broadcast_in_dim3A_695 = vector.broadcast %broadcast_in_dim3A_694 : f32 to vector<16xf32>
      %scan3A_696 = arith.constant 0 : i32
      %scan3A_697 = arith.constant 25 : i32
      %scan3A_698 = arith.addi %scan3A_696, %scan3A_697 : i32
      %scan3A_699 = arith.constant 1 : i32
      %scan3A_700:2 = scf.for %scan3A_1169 = %scan3A_696 to %scan3A_698 step %scan3A_699 iter_args(%scan3A_1170 = %broadcast_in_dim3A_693, %scan3A_1171 = %broadcast_in_dim3A_695) -> (vector<16xf32>, vector<16xf32>)  : i32 {
        %mul3A_1172 = arith.constant 4 : i32
        %mul3A_1173 = arith.muli %scan3A_1169, %mul3A_1172 : i32
        %add3A_1174 = arith.constant 0 : i32
        %add3A_1175 = arith.addi %mul3A_1173, %add3A_1174 : i32
        %get3A = arith.constant 0 : i32
        %get3A_1176 = arith.index_cast %get3A : i32 to index
        %get3A_1177 = arith.index_cast %add3A_1175 : i32 to index
        %get3A_1178 = arith.constant 0 : index
        %get3A_1179 = tpu.vector_load %arg6[%get3A_1176, %get3A_1177, %get3A_1178] {strides = array<i32>} : memref<2x100x32xf32, #tpu.memory_space<vmem>>, vector<1x1x16xf32>,
        %get3A_1180 = vector.shape_cast %get3A_1179 : vector<1x1x16xf32> to vector<16xf32>
        %add3A_1181 = arith.addf %scan3A_1170, %get3A_1180 : vector<16xf32>
        %add3A_1182 = arith.constant 0 : i32
        %add3A_1183 = arith.addi %mul3A_1173, %add3A_1182 : i32
        %get3A_1184 = arith.constant 0 : i32
        %get3A_1185 = arith.index_cast %get3A_1184 : i32 to index
        %get3A_1186 = arith.index_cast %add3A_1183 : i32 to index
        %get3A_1187 = arith.constant 16 : index
        %get3A_1188 = tpu.vector_load %arg6[%get3A_1185, %get3A_1186, %get3A_1187] {strides = array<i32>} : memref<2x100x32xf32, #tpu.memory_space<vmem>>, vector<1x1x16xf32>,
        %get3A_1189 = vector.shape_cast %get3A_1188 : vector<1x1x16xf32> to vector<16xf32>
        %add3A_1190 = arith.addf %scan3A_1171, %get3A_1189 : vector<16xf32>
        %add3A_1191 = arith.constant 1 : i32
        %add3A_1192 = arith.addi %mul3A_1173, %add3A_1191 : i32
        %get3A_1193 = arith.constant 0 : i32
        %get3A_1194 = arith.index_cast %get3A_1193 : i32 to index
        %get3A_1195 = arith.index_cast %add3A_1192 : i32 to index
        %get3A_1196 = arith.constant 0 : index
        %get3A_1197 = tpu.vector_load %arg6[%get3A_1194, %get3A_1195, %get3A_1196] {strides = array<i32>} : memref<2x100x32xf32, #tpu.memory_space<vmem>>, vector<1x1x16xf32>,
        %get3A_1198 = vector.shape_cast %get3A_1197 : vector<1x1x16xf32> to vector<16xf32>
        %add3A_1199 = arith.addf %add3A_1181, %get3A_1198 : vector<16xf32>
        %add3A_1200 = arith.constant 1 : i32
        %add3A_1201 = arith.addi %mul3A_1173, %add3A_1200 : i32
        %get3A_1202 = arith.constant 0 : i32
        %get3A_1203 = arith.index_cast %get3A_1202 : i32 to index
        %get3A_1204 = arith.index_cast %add3A_1201 : i32 to index
        %get3A_1205 = arith.constant 16 : index
        %get3A_1206 = tpu.vector_load %arg6[%get3A_1203, %get3A_1204, %get3A_1205] {strides = array<i32>} : memref<2x100x32xf32, #tpu.memory_space<vmem>>, vector<1x1x16xf32>,
        %get3A_1207 = vector.shape_cast %get3A_1206 : vector<1x1x16xf32> to vector<16xf32>
        %add3A_1208 = arith.addf %add3A_1190, %get3A_1207 : vector<16xf32>
        %add3A_1209 = arith.constant 2 : i32
        %add3A_1210 = arith.addi %mul3A_1173, %add3A_1209 : i32
        %get3A_1211 = arith.constant 0 : i32
        %get3A_1212 = arith.index_cast %get3A_1211 : i32 to index
        %get3A_1213 = arith.index_cast %add3A_1210 : i32 to index
        %get3A_1214 = arith.constant 0 : index
        %get3A_1215 = tpu.vector_load %arg6[%get3A_1212, %get3A_1213, %get3A_1214] {strides = array<i32>} : memref<2x100x32xf32, #tpu.memory_space<vmem>>, vector<1x1x16xf32>,
        %get3A_1216 = vector.shape_cast %get3A_1215 : vector<1x1x16xf32> to vector<16xf32>
        %add3A_1217 = arith.addf %add3A_1199, %get3A_1216 : vector<16xf32>
        %add3A_1218 = arith.constant 2 : i32
        %add3A_1219 = arith.addi %mul3A_1173, %add3A_1218 : i32
        %get3A_1220 = arith.constant 0 : i32
        %get3A_1221 = arith.index_cast %get3A_1220 : i32 to index
        %get3A_1222 = arith.index_cast %add3A_1219 : i32 to index
        %get3A_1223 = arith.constant 16 : index
        %get3A_1224 = tpu.vector_load %arg6[%get3A_1221, %get3A_1222, %get3A_1223] {strides = array<i32>} : memref<2x100x32xf32, #tpu.memory_space<vmem>>, vector<1x1x16xf32>,
        %get3A_1225 = vector.shape_cast %get3A_1224 : vector<1x1x16xf32> to vector<16xf32>
        %add3A_1226 = arith.addf %add3A_1208, %get3A_1225 : vector<16xf32>
        %add3A_1227 = arith.constant 3 : i32
        %add3A_1228 = arith.addi %mul3A_1173, %add3A_1227 : i32
        %get3A_1229 = arith.constant 0 : i32
        %get3A_1230 = arith.index_cast %get3A_1229 : i32 to index
        %get3A_1231 = arith.index_cast %add3A_1228 : i32 to index
        %get3A_1232 = arith.constant 0 : index
        %get3A_1233 = tpu.vector_load %arg6[%get3A_1230, %get3A_1231, %get3A_1232] {strides = array<i32>} : memref<2x100x32xf32, #tpu.memory_space<vmem>>, vector<1x1x16xf32>,
        %get3A_1234 = vector.shape_cast %get3A_1233 : vector<1x1x16xf32> to vector<16xf32>
        %add3A_1235 = arith.addf %add3A_1217, %get3A_1234 : vector<16xf32>
        %add3A_1236 = arith.constant 3 : i32
        %add3A_1237 = arith.addi %mul3A_1173, %add3A_1236 : i32
        %get3A_1238 = arith.constant 0 : i32
        %get3A_1239 = arith.index_cast %get3A_1238 : i32 to index
        %get3A_1240 = arith.index_cast %add3A_1237 : i32 to index
        %get3A_1241 = arith.constant 16 : index
        %get3A_1242 = tpu.vector_load %arg6[%get3A_1239, %get3A_1240, %get3A_1241] {strides = array<i32>} : memref<2x100x32xf32, #tpu.memory_space<vmem>>, vector<1x1x16xf32>,
        %get3A_1243 = vector.shape_cast %get3A_1242 : vector<1x1x16xf32> to vector<16xf32>
        %add3A_1244 = arith.addf %add3A_1226, %get3A_1243 : vector<16xf32>
        scf.yield %add3A_1235, %add3A_1244 : vector<16xf32>, vector<16xf32>
      }
      %scan3A_701 = arith.constant 25 : i32
      %dma_start3A_702 = arith.constant 20 : i32
      %dma_start3A_703 = arith.constant 0 : i32
      %dma_start3A_704 = arith.constant 0 : i32
      %dma_start3A_705 = arith.constant 0 : i32
      %dma_start3A_706 = tpu.memref_slice %arg6[%dma_start3A_703, %dma_start3A_704, %dma_start3A_705] : memref<2x100x32xf32, #tpu.memory_space<vmem>> -> memref<1x100x32xf32, #tpu.memory_space<vmem>>
      %dma_start3A_707 = tpu.memref_squeeze %dma_start3A_706 : memref<1x100x32xf32, #tpu.memory_space<vmem>> -> memref<100x32xf32, #tpu.memory_space<vmem>>
      %dma_start3A_708 = arith.constant 0 : i32
      %dma_start3A_709 = tpu.memref_slice %arg5[%dma_start3A_702, %dma_start3A_708] : memref<32x100xi32, #tpu.memory_space<vmem>> -> memref<1x100xi32, #tpu.memory_space<vmem>>
      %dma_start3A_710 = tpu.memref_squeeze %dma_start3A_709 : memref<1x100xi32, #tpu.memory_space<vmem>> -> memref<100xi32, #tpu.memory_space<vmem>>
      %dma_start3A_711 = arith.constant 0 : i32
      %dma_start3A_712 = arith.constant 0 : i32
      %dma_start3A_713 = tpu.memref_slice %arg3[%dma_start3A_711, %dma_start3A_712] : memref<1000000x32xf32, #tpu.memory_space<hbm>> -> memref<1000000x32xf32, #tpu.memory_space<hbm>>
      tpu.enqueue_indirect_dma source(%dma_start3A_713 : memref<1000000x32xf32, #tpu.memory_space<hbm>>) target(%dma_start3A_707 : memref<100x32xf32, #tpu.memory_space<vmem>>) offsets(%dma_start3A_710 : memref<100xi32, #tpu.memory_space<vmem>>) semaphore(%arg8 : memref<!tpu.dma_semaphore, #tpu.memory_space<semaphore_mem>>)
      %dma_wait3A_714 = arith.constant 19 : i32
      %dma_wait3A_715 = arith.constant 1 : i32
      %dma_wait3A_716 = arith.constant 0 : i32
      %dma_wait3A_717 = arith.constant 0 : i32
      %dma_wait3A_718 = tpu.memref_slice %arg6[%dma_wait3A_715, %dma_wait3A_716, %dma_wait3A_717] : memref<2x100x32xf32, #tpu.memory_space<vmem>> -> memref<1x100x32xf32, #tpu.memory_space<vmem>>
      %dma_wait3A_719 = tpu.memref_squeeze %dma_wait3A_718 : memref<1x100x32xf32, #tpu.memory_space<vmem>> -> memref<100x32xf32, #tpu.memory_space<vmem>>
      %dma_wait3A_720 = arith.constant 0 : i32
      %dma_wait3A_721 = tpu.memref_slice %arg5[%dma_wait3A_714, %dma_wait3A_720] : memref<32x100xi32, #tpu.memory_space<vmem>> -> memref<1x100xi32, #tpu.memory_space<vmem>>
      %dma_wait3A_722 = tpu.memref_squeeze %dma_wait3A_721 : memref<1x100xi32, #tpu.memory_space<vmem>> -> memref<100xi32, #tpu.memory_space<vmem>>
      %dma_wait3A_723 = arith.constant 0 : i32
      %dma_wait3A_724 = arith.constant 0 : i32
      %dma_wait3A_725 = tpu.memref_slice %arg3[%dma_wait3A_723, %dma_wait3A_724] : memref<1000000x32xf32, #tpu.memory_space<hbm>> -> memref<1000000x32xf32, #tpu.memory_space<hbm>>
      tpu.wait_indirect_dma semaphore(%arg9 : memref<!tpu.dma_semaphore, #tpu.memory_space<semaphore_mem>>) src(%dma_wait3A_725 : memref<1000000x32xf32, #tpu.memory_space<hbm>>) dst(%dma_wait3A_719 : memref<100x32xf32, #tpu.memory_space<vmem>>)
      %scan3A_726 = arith.constant 0 : i32
      %scan3A_727 = arith.constant 25 : i32
      %scan3A_728 = arith.addi %scan3A_726, %scan3A_727 : i32
      %scan3A_729 = arith.constant 1 : i32
      %scan3A_730:2 = scf.for %scan3A_1169 = %scan3A_726 to %scan3A_728 step %scan3A_729 iter_args(%scan3A_1170 = %scan3A_700#0, %scan3A_1171 = %scan3A_700#1) -> (vector<16xf32>, vector<16xf32>)  : i32 {
        %mul3A_1172 = arith.constant 4 : i32
        %mul3A_1173 = arith.muli %scan3A_1169, %mul3A_1172 : i32
        %add3A_1174 = arith.constant 0 : i32
        %add3A_1175 = arith.addi %mul3A_1173, %add3A_1174 : i32
        %get3A = arith.constant 1 : i32
        %get3A_1176 = arith.index_cast %get3A : i32 to index
        %get3A_1177 = arith.index_cast %add3A_1175 : i32 to index
        %get3A_1178 = arith.constant 0 : index
        %get3A_1179 = tpu.vector_load %arg6[%get3A_1176, %get3A_1177, %get3A_1178] {strides = array<i32>} : memref<2x100x32xf32, #tpu.memory_space<vmem>>, vector<1x1x16xf32>,
        %get3A_1180 = vector.shape_cast %get3A_1179 : vector<1x1x16xf32> to vector<16xf32>
        %add3A_1181 = arith.addf %scan3A_1170, %get3A_1180 : vector<16xf32>
        %add3A_1182 = arith.constant 0 : i32
        %add3A_1183 = arith.addi %mul3A_1173, %add3A_1182 : i32
        %get3A_1184 = arith.constant 1 : i32
        %get3A_1185 = arith.index_cast %get3A_1184 : i32 to index
        %get3A_1186 = arith.index_cast %add3A_1183 : i32 to index
        %get3A_1187 = arith.constant 16 : index
        %get3A_1188 = tpu.vector_load %arg6[%get3A_1185, %get3A_1186, %get3A_1187] {strides = array<i32>} : memref<2x100x32xf32, #tpu.memory_space<vmem>>, vector<1x1x16xf32>,
        %get3A_1189 = vector.shape_cast %get3A_1188 : vector<1x1x16xf32> to vector<16xf32>
        %add3A_1190 = arith.addf %scan3A_1171, %get3A_1189 : vector<16xf32>
        %add3A_1191 = arith.constant 1 : i32
        %add3A_1192 = arith.addi %mul3A_1173, %add3A_1191 : i32
        %get3A_1193 = arith.constant 1 : i32
        %get3A_1194 = arith.index_cast %get3A_1193 : i32 to index
        %get3A_1195 = arith.index_cast %add3A_1192 : i32 to index
        %get3A_1196 = arith.constant 0 : index
        %get3A_1197 = tpu.vector_load %arg6[%get3A_1194, %get3A_1195, %get3A_1196] {strides = array<i32>} : memref<2x100x32xf32, #tpu.memory_space<vmem>>, vector<1x1x16xf32>,
        %get3A_1198 = vector.shape_cast %get3A_1197 : vector<1x1x16xf32> to vector<16xf32>
        %add3A_1199 = arith.addf %add3A_1181, %get3A_1198 : vector<16xf32>
        %add3A_1200 = arith.constant 1 : i32
        %add3A_1201 = arith.addi %mul3A_1173, %add3A_1200 : i32
        %get3A_1202 = arith.constant 1 : i32
        %get3A_1203 = arith.index_cast %get3A_1202 : i32 to index
        %get3A_1204 = arith.index_cast %add3A_1201 : i32 to index
        %get3A_1205 = arith.constant 16 : index
        %get3A_1206 = tpu.vector_load %arg6[%get3A_1203, %get3A_1204, %get3A_1205] {strides = array<i32>} : memref<2x100x32xf32, #tpu.memory_space<vmem>>, vector<1x1x16xf32>,
        %get3A_1207 = vector.shape_cast %get3A_1206 : vector<1x1x16xf32> to vector<16xf32>
        %add3A_1208 = arith.addf %add3A_1190, %get3A_1207 : vector<16xf32>
        %add3A_1209 = arith.constant 2 : i32
        %add3A_1210 = arith.addi %mul3A_1173, %add3A_1209 : i32
        %get3A_1211 = arith.constant 1 : i32
        %get3A_1212 = arith.index_cast %get3A_1211 : i32 to index
        %get3A_1213 = arith.index_cast %add3A_1210 : i32 to index
        %get3A_1214 = arith.constant 0 : index
        %get3A_1215 = tpu.vector_load %arg6[%get3A_1212, %get3A_1213, %get3A_1214] {strides = array<i32>} : memref<2x100x32xf32, #tpu.memory_space<vmem>>, vector<1x1x16xf32>,
        %get3A_1216 = vector.shape_cast %get3A_1215 : vector<1x1x16xf32> to vector<16xf32>
        %add3A_1217 = arith.addf %add3A_1199, %get3A_1216 : vector<16xf32>
        %add3A_1218 = arith.constant 2 : i32
        %add3A_1219 = arith.addi %mul3A_1173, %add3A_1218 : i32
        %get3A_1220 = arith.constant 1 : i32
        %get3A_1221 = arith.index_cast %get3A_1220 : i32 to index
        %get3A_1222 = arith.index_cast %add3A_1219 : i32 to index
        %get3A_1223 = arith.constant 16 : index
        %get3A_1224 = tpu.vector_load %arg6[%get3A_1221, %get3A_1222, %get3A_1223] {strides = array<i32>} : memref<2x100x32xf32, #tpu.memory_space<vmem>>, vector<1x1x16xf32>,
        %get3A_1225 = vector.shape_cast %get3A_1224 : vector<1x1x16xf32> to vector<16xf32>
        %add3A_1226 = arith.addf %add3A_1208, %get3A_1225 : vector<16xf32>
        %add3A_1227 = arith.constant 3 : i32
        %add3A_1228 = arith.addi %mul3A_1173, %add3A_1227 : i32
        %get3A_1229 = arith.constant 1 : i32
        %get3A_1230 = arith.index_cast %get3A_1229 : i32 to index
        %get3A_1231 = arith.index_cast %add3A_1228 : i32 to index
        %get3A_1232 = arith.constant 0 : index
        %get3A_1233 = tpu.vector_load %arg6[%get3A_1230, %get3A_1231, %get3A_1232] {strides = array<i32>} : memref<2x100x32xf32, #tpu.memory_space<vmem>>, vector<1x1x16xf32>,
        %get3A_1234 = vector.shape_cast %get3A_1233 : vector<1x1x16xf32> to vector<16xf32>
        %add3A_1235 = arith.addf %add3A_1217, %get3A_1234 : vector<16xf32>
        %add3A_1236 = arith.constant 3 : i32
        %add3A_1237 = arith.addi %mul3A_1173, %add3A_1236 : i32
        %get3A_1238 = arith.constant 1 : i32
        %get3A_1239 = arith.index_cast %get3A_1238 : i32 to index
        %get3A_1240 = arith.index_cast %add3A_1237 : i32 to index
        %get3A_1241 = arith.constant 16 : index
        %get3A_1242 = tpu.vector_load %arg6[%get3A_1239, %get3A_1240, %get3A_1241] {strides = array<i32>} : memref<2x100x32xf32, #tpu.memory_space<vmem>>, vector<1x1x16xf32>,
        %get3A_1243 = vector.shape_cast %get3A_1242 : vector<1x1x16xf32> to vector<16xf32>
        %add3A_1244 = arith.addf %add3A_1226, %get3A_1243 : vector<16xf32>
        scf.yield %add3A_1235, %add3A_1244 : vector<16xf32>, vector<16xf32>
      }
      %scan3A_731 = arith.constant 25 : i32
      %swap3A_732 = arith.constant 288 : index
      %swap3A_733 = tpu.vector_load %arg7[%swap3A_732] {strides = array<i32>} : memref<512xf32, #tpu.memory_space<vmem>>, vector<16xf32>,
      %swap3A_734 = vector.shape_cast %swap3A_733 : vector<16xf32> to vector<16xf32>
      %swap3A_735 = vector.shape_cast %scan3A_730#0 : vector<16xf32> to vector<16xf32>
      tpu.vector_store %arg7[%swap3A_732], %swap3A_735 {strides = array<i32>} : memref<512xf32, #tpu.memory_space<vmem>>, vector<16xf32>,
      %swap3A_736 = arith.constant 304 : index
      %swap3A_737 = tpu.vector_load %arg7[%swap3A_736] {strides = array<i32>} : memref<512xf32, #tpu.memory_space<vmem>>, vector<16xf32>,
      %swap3A_738 = vector.shape_cast %swap3A_737 : vector<16xf32> to vector<16xf32>
      %swap3A_739 = vector.shape_cast %scan3A_730#1 : vector<16xf32> to vector<16xf32>
      tpu.vector_store %arg7[%swap3A_736], %swap3A_739 {strides = array<i32>} : memref<512xf32, #tpu.memory_space<vmem>>, vector<16xf32>,
      %dma_start3A_740 = arith.constant 21 : i32
      %dma_start3A_741 = arith.constant 1 : i32
      %dma_start3A_742 = arith.constant 0 : i32
      %dma_start3A_743 = arith.constant 0 : i32
      %dma_start3A_744 = tpu.memref_slice %arg6[%dma_start3A_741, %dma_start3A_742, %dma_start3A_743] : memref<2x100x32xf32, #tpu.memory_space<vmem>> -> memref<1x100x32xf32, #tpu.memory_space<vmem>>
      %dma_start3A_745 = tpu.memref_squeeze %dma_start3A_744 : memref<1x100x32xf32, #tpu.memory_space<vmem>> -> memref<100x32xf32, #tpu.memory_space<vmem>>
      %dma_start3A_746 = arith.constant 0 : i32
      %dma_start3A_747 = tpu.memref_slice %arg5[%dma_start3A_740, %dma_start3A_746] : memref<32x100xi32, #tpu.memory_space<vmem>> -> memref<1x100xi32, #tpu.memory_space<vmem>>
      %dma_start3A_748 = tpu.memref_squeeze %dma_start3A_747 : memref<1x100xi32, #tpu.memory_space<vmem>> -> memref<100xi32, #tpu.memory_space<vmem>>
      %dma_start3A_749 = arith.constant 0 : i32
      %dma_start3A_750 = arith.constant 0 : i32
      %dma_start3A_751 = tpu.memref_slice %arg3[%dma_start3A_749, %dma_start3A_750] : memref<1000000x32xf32, #tpu.memory_space<hbm>> -> memref<1000000x32xf32, #tpu.memory_space<hbm>>
      tpu.enqueue_indirect_dma source(%dma_start3A_751 : memref<1000000x32xf32, #tpu.memory_space<hbm>>) target(%dma_start3A_745 : memref<100x32xf32, #tpu.memory_space<vmem>>) offsets(%dma_start3A_748 : memref<100xi32, #tpu.memory_space<vmem>>) semaphore(%arg9 : memref<!tpu.dma_semaphore, #tpu.memory_space<semaphore_mem>>)
      %dma_wait3A_752 = arith.constant 20 : i32
      %dma_wait3A_753 = arith.constant 0 : i32
      %dma_wait3A_754 = arith.constant 0 : i32
      %dma_wait3A_755 = arith.constant 0 : i32
      %dma_wait3A_756 = tpu.memref_slice %arg6[%dma_wait3A_753, %dma_wait3A_754, %dma_wait3A_755] : memref<2x100x32xf32, #tpu.memory_space<vmem>> -> memref<1x100x32xf32, #tpu.memory_space<vmem>>
      %dma_wait3A_757 = tpu.memref_squeeze %dma_wait3A_756 : memref<1x100x32xf32, #tpu.memory_space<vmem>> -> memref<100x32xf32, #tpu.memory_space<vmem>>
      %dma_wait3A_758 = arith.constant 0 : i32
      %dma_wait3A_759 = tpu.memref_slice %arg5[%dma_wait3A_752, %dma_wait3A_758] : memref<32x100xi32, #tpu.memory_space<vmem>> -> memref<1x100xi32, #tpu.memory_space<vmem>>
      %dma_wait3A_760 = tpu.memref_squeeze %dma_wait3A_759 : memref<1x100xi32, #tpu.memory_space<vmem>> -> memref<100xi32, #tpu.memory_space<vmem>>
      %dma_wait3A_761 = arith.constant 0 : i32
      %dma_wait3A_762 = arith.constant 0 : i32
      %dma_wait3A_763 = tpu.memref_slice %arg3[%dma_wait3A_761, %dma_wait3A_762] : memref<1000000x32xf32, #tpu.memory_space<hbm>> -> memref<1000000x32xf32, #tpu.memory_space<hbm>>
      tpu.wait_indirect_dma semaphore(%arg8 : memref<!tpu.dma_semaphore, #tpu.memory_space<semaphore_mem>>) src(%dma_wait3A_763 : memref<1000000x32xf32, #tpu.memory_space<hbm>>) dst(%dma_wait3A_757 : memref<100x32xf32, #tpu.memory_space<vmem>>)
      %broadcast_in_dim3A_764 = arith.constant 0.000000e+00 : f32
      %broadcast_in_dim3A_765 = vector.broadcast %broadcast_in_dim3A_764 : f32 to vector<16xf32>
      %broadcast_in_dim3A_766 = arith.constant 0.000000e+00 : f32
      %broadcast_in_dim3A_767 = vector.broadcast %broadcast_in_dim3A_766 : f32 to vector<16xf32>
      %scan3A_768 = arith.constant 0 : i32
      %scan3A_769 = arith.constant 25 : i32
      %scan3A_770 = arith.addi %scan3A_768, %scan3A_769 : i32
      %scan3A_771 = arith.constant 1 : i32
      %scan3A_772:2 = scf.for %scan3A_1169 = %scan3A_768 to %scan3A_770 step %scan3A_771 iter_args(%scan3A_1170 = %broadcast_in_dim3A_765, %scan3A_1171 = %broadcast_in_dim3A_767) -> (vector<16xf32>, vector<16xf32>)  : i32 {
        %mul3A_1172 = arith.constant 4 : i32
        %mul3A_1173 = arith.muli %scan3A_1169, %mul3A_1172 : i32
        %add3A_1174 = arith.constant 0 : i32
        %add3A_1175 = arith.addi %mul3A_1173, %add3A_1174 : i32
        %get3A = arith.constant 0 : i32
        %get3A_1176 = arith.index_cast %get3A : i32 to index
        %get3A_1177 = arith.index_cast %add3A_1175 : i32 to index
        %get3A_1178 = arith.constant 0 : index
        %get3A_1179 = tpu.vector_load %arg6[%get3A_1176, %get3A_1177, %get3A_1178] {strides = array<i32>} : memref<2x100x32xf32, #tpu.memory_space<vmem>>, vector<1x1x16xf32>,
        %get3A_1180 = vector.shape_cast %get3A_1179 : vector<1x1x16xf32> to vector<16xf32>
        %add3A_1181 = arith.addf %scan3A_1170, %get3A_1180 : vector<16xf32>
        %add3A_1182 = arith.constant 0 : i32
        %add3A_1183 = arith.addi %mul3A_1173, %add3A_1182 : i32
        %get3A_1184 = arith.constant 0 : i32
        %get3A_1185 = arith.index_cast %get3A_1184 : i32 to index
        %get3A_1186 = arith.index_cast %add3A_1183 : i32 to index
        %get3A_1187 = arith.constant 16 : index
        %get3A_1188 = tpu.vector_load %arg6[%get3A_1185, %get3A_1186, %get3A_1187] {strides = array<i32>} : memref<2x100x32xf32, #tpu.memory_space<vmem>>, vector<1x1x16xf32>,
        %get3A_1189 = vector.shape_cast %get3A_1188 : vector<1x1x16xf32> to vector<16xf32>
        %add3A_1190 = arith.addf %scan3A_1171, %get3A_1189 : vector<16xf32>
        %add3A_1191 = arith.constant 1 : i32
        %add3A_1192 = arith.addi %mul3A_1173, %add3A_1191 : i32
        %get3A_1193 = arith.constant 0 : i32
        %get3A_1194 = arith.index_cast %get3A_1193 : i32 to index
        %get3A_1195 = arith.index_cast %add3A_1192 : i32 to index
        %get3A_1196 = arith.constant 0 : index
        %get3A_1197 = tpu.vector_load %arg6[%get3A_1194, %get3A_1195, %get3A_1196] {strides = array<i32>} : memref<2x100x32xf32, #tpu.memory_space<vmem>>, vector<1x1x16xf32>,
        %get3A_1198 = vector.shape_cast %get3A_1197 : vector<1x1x16xf32> to vector<16xf32>
        %add3A_1199 = arith.addf %add3A_1181, %get3A_1198 : vector<16xf32>
        %add3A_1200 = arith.constant 1 : i32
        %add3A_1201 = arith.addi %mul3A_1173, %add3A_1200 : i32
        %get3A_1202 = arith.constant 0 : i32
        %get3A_1203 = arith.index_cast %get3A_1202 : i32 to index
        %get3A_1204 = arith.index_cast %add3A_1201 : i32 to index
        %get3A_1205 = arith.constant 16 : index
        %get3A_1206 = tpu.vector_load %arg6[%get3A_1203, %get3A_1204, %get3A_1205] {strides = array<i32>} : memref<2x100x32xf32, #tpu.memory_space<vmem>>, vector<1x1x16xf32>,
        %get3A_1207 = vector.shape_cast %get3A_1206 : vector<1x1x16xf32> to vector<16xf32>
        %add3A_1208 = arith.addf %add3A_1190, %get3A_1207 : vector<16xf32>
        %add3A_1209 = arith.constant 2 : i32
        %add3A_1210 = arith.addi %mul3A_1173, %add3A_1209 : i32
        %get3A_1211 = arith.constant 0 : i32
        %get3A_1212 = arith.index_cast %get3A_1211 : i32 to index
        %get3A_1213 = arith.index_cast %add3A_1210 : i32 to index
        %get3A_1214 = arith.constant 0 : index
        %get3A_1215 = tpu.vector_load %arg6[%get3A_1212, %get3A_1213, %get3A_1214] {strides = array<i32>} : memref<2x100x32xf32, #tpu.memory_space<vmem>>, vector<1x1x16xf32>,
        %get3A_1216 = vector.shape_cast %get3A_1215 : vector<1x1x16xf32> to vector<16xf32>
        %add3A_1217 = arith.addf %add3A_1199, %get3A_1216 : vector<16xf32>
        %add3A_1218 = arith.constant 2 : i32
        %add3A_1219 = arith.addi %mul3A_1173, %add3A_1218 : i32
        %get3A_1220 = arith.constant 0 : i32
        %get3A_1221 = arith.index_cast %get3A_1220 : i32 to index
        %get3A_1222 = arith.index_cast %add3A_1219 : i32 to index
        %get3A_1223 = arith.constant 16 : index
        %get3A_1224 = tpu.vector_load %arg6[%get3A_1221, %get3A_1222, %get3A_1223] {strides = array<i32>} : memref<2x100x32xf32, #tpu.memory_space<vmem>>, vector<1x1x16xf32>,
        %get3A_1225 = vector.shape_cast %get3A_1224 : vector<1x1x16xf32> to vector<16xf32>
        %add3A_1226 = arith.addf %add3A_1208, %get3A_1225 : vector<16xf32>
        %add3A_1227 = arith.constant 3 : i32
        %add3A_1228 = arith.addi %mul3A_1173, %add3A_1227 : i32
        %get3A_1229 = arith.constant 0 : i32
        %get3A_1230 = arith.index_cast %get3A_1229 : i32 to index
        %get3A_1231 = arith.index_cast %add3A_1228 : i32 to index
        %get3A_1232 = arith.constant 0 : index
        %get3A_1233 = tpu.vector_load %arg6[%get3A_1230, %get3A_1231, %get3A_1232] {strides = array<i32>} : memref<2x100x32xf32, #tpu.memory_space<vmem>>, vector<1x1x16xf32>,
        %get3A_1234 = vector.shape_cast %get3A_1233 : vector<1x1x16xf32> to vector<16xf32>
        %add3A_1235 = arith.addf %add3A_1217, %get3A_1234 : vector<16xf32>
        %add3A_1236 = arith.constant 3 : i32
        %add3A_1237 = arith.addi %mul3A_1173, %add3A_1236 : i32
        %get3A_1238 = arith.constant 0 : i32
        %get3A_1239 = arith.index_cast %get3A_1238 : i32 to index
        %get3A_1240 = arith.index_cast %add3A_1237 : i32 to index
        %get3A_1241 = arith.constant 16 : index
        %get3A_1242 = tpu.vector_load %arg6[%get3A_1239, %get3A_1240, %get3A_1241] {strides = array<i32>} : memref<2x100x32xf32, #tpu.memory_space<vmem>>, vector<1x1x16xf32>,
        %get3A_1243 = vector.shape_cast %get3A_1242 : vector<1x1x16xf32> to vector<16xf32>
        %add3A_1244 = arith.addf %add3A_1226, %get3A_1243 : vector<16xf32>
        scf.yield %add3A_1235, %add3A_1244 : vector<16xf32>, vector<16xf32>
      }
      %scan3A_773 = arith.constant 25 : i32
      %dma_start3A_774 = arith.constant 22 : i32
      %dma_start3A_775 = arith.constant 0 : i32
      %dma_start3A_776 = arith.constant 0 : i32
      %dma_start3A_777 = arith.constant 0 : i32
      %dma_start3A_778 = tpu.memref_slice %arg6[%dma_start3A_775, %dma_start3A_776, %dma_start3A_777] : memref<2x100x32xf32, #tpu.memory_space<vmem>> -> memref<1x100x32xf32, #tpu.memory_space<vmem>>
      %dma_start3A_779 = tpu.memref_squeeze %dma_start3A_778 : memref<1x100x32xf32, #tpu.memory_space<vmem>> -> memref<100x32xf32, #tpu.memory_space<vmem>>
      %dma_start3A_780 = arith.constant 0 : i32
      %dma_start3A_781 = tpu.memref_slice %arg5[%dma_start3A_774, %dma_start3A_780] : memref<32x100xi32, #tpu.memory_space<vmem>> -> memref<1x100xi32, #tpu.memory_space<vmem>>
      %dma_start3A_782 = tpu.memref_squeeze %dma_start3A_781 : memref<1x100xi32, #tpu.memory_space<vmem>> -> memref<100xi32, #tpu.memory_space<vmem>>
      %dma_start3A_783 = arith.constant 0 : i32
      %dma_start3A_784 = arith.constant 0 : i32
      %dma_start3A_785 = tpu.memref_slice %arg3[%dma_start3A_783, %dma_start3A_784] : memref<1000000x32xf32, #tpu.memory_space<hbm>> -> memref<1000000x32xf32, #tpu.memory_space<hbm>>
      tpu.enqueue_indirect_dma source(%dma_start3A_785 : memref<1000000x32xf32, #tpu.memory_space<hbm>>) target(%dma_start3A_779 : memref<100x32xf32, #tpu.memory_space<vmem>>) offsets(%dma_start3A_782 : memref<100xi32, #tpu.memory_space<vmem>>) semaphore(%arg8 : memref<!tpu.dma_semaphore, #tpu.memory_space<semaphore_mem>>)
      %dma_wait3A_786 = arith.constant 21 : i32
      %dma_wait3A_787 = arith.constant 1 : i32
      %dma_wait3A_788 = arith.constant 0 : i32
      %dma_wait3A_789 = arith.constant 0 : i32
      %dma_wait3A_790 = tpu.memref_slice %arg6[%dma_wait3A_787, %dma_wait3A_788, %dma_wait3A_789] : memref<2x100x32xf32, #tpu.memory_space<vmem>> -> memref<1x100x32xf32, #tpu.memory_space<vmem>>
      %dma_wait3A_791 = tpu.memref_squeeze %dma_wait3A_790 : memref<1x100x32xf32, #tpu.memory_space<vmem>> -> memref<100x32xf32, #tpu.memory_space<vmem>>
      %dma_wait3A_792 = arith.constant 0 : i32
      %dma_wait3A_793 = tpu.memref_slice %arg5[%dma_wait3A_786, %dma_wait3A_792] : memref<32x100xi32, #tpu.memory_space<vmem>> -> memref<1x100xi32, #tpu.memory_space<vmem>>
      %dma_wait3A_794 = tpu.memref_squeeze %dma_wait3A_793 : memref<1x100xi32, #tpu.memory_space<vmem>> -> memref<100xi32, #tpu.memory_space<vmem>>
      %dma_wait3A_795 = arith.constant 0 : i32
      %dma_wait3A_796 = arith.constant 0 : i32
      %dma_wait3A_797 = tpu.memref_slice %arg3[%dma_wait3A_795, %dma_wait3A_796] : memref<1000000x32xf32, #tpu.memory_space<hbm>> -> memref<1000000x32xf32, #tpu.memory_space<hbm>>
      tpu.wait_indirect_dma semaphore(%arg9 : memref<!tpu.dma_semaphore, #tpu.memory_space<semaphore_mem>>) src(%dma_wait3A_797 : memref<1000000x32xf32, #tpu.memory_space<hbm>>) dst(%dma_wait3A_791 : memref<100x32xf32, #tpu.memory_space<vmem>>)
      %scan3A_798 = arith.constant 0 : i32
      %scan3A_799 = arith.constant 25 : i32
      %scan3A_800 = arith.addi %scan3A_798, %scan3A_799 : i32
      %scan3A_801 = arith.constant 1 : i32
      %scan3A_802:2 = scf.for %scan3A_1169 = %scan3A_798 to %scan3A_800 step %scan3A_801 iter_args(%scan3A_1170 = %scan3A_772#0, %scan3A_1171 = %scan3A_772#1) -> (vector<16xf32>, vector<16xf32>)  : i32 {
        %mul3A_1172 = arith.constant 4 : i32
        %mul3A_1173 = arith.muli %scan3A_1169, %mul3A_1172 : i32
        %add3A_1174 = arith.constant 0 : i32
        %add3A_1175 = arith.addi %mul3A_1173, %add3A_1174 : i32
        %get3A = arith.constant 1 : i32
        %get3A_1176 = arith.index_cast %get3A : i32 to index
        %get3A_1177 = arith.index_cast %add3A_1175 : i32 to index
        %get3A_1178 = arith.constant 0 : index
        %get3A_1179 = tpu.vector_load %arg6[%get3A_1176, %get3A_1177, %get3A_1178] {strides = array<i32>} : memref<2x100x32xf32, #tpu.memory_space<vmem>>, vector<1x1x16xf32>,
        %get3A_1180 = vector.shape_cast %get3A_1179 : vector<1x1x16xf32> to vector<16xf32>
        %add3A_1181 = arith.addf %scan3A_1170, %get3A_1180 : vector<16xf32>
        %add3A_1182 = arith.constant 0 : i32
        %add3A_1183 = arith.addi %mul3A_1173, %add3A_1182 : i32
        %get3A_1184 = arith.constant 1 : i32
        %get3A_1185 = arith.index_cast %get3A_1184 : i32 to index
        %get3A_1186 = arith.index_cast %add3A_1183 : i32 to index
        %get3A_1187 = arith.constant 16 : index
        %get3A_1188 = tpu.vector_load %arg6[%get3A_1185, %get3A_1186, %get3A_1187] {strides = array<i32>} : memref<2x100x32xf32, #tpu.memory_space<vmem>>, vector<1x1x16xf32>,
        %get3A_1189 = vector.shape_cast %get3A_1188 : vector<1x1x16xf32> to vector<16xf32>
        %add3A_1190 = arith.addf %scan3A_1171, %get3A_1189 : vector<16xf32>
        %add3A_1191 = arith.constant 1 : i32
        %add3A_1192 = arith.addi %mul3A_1173, %add3A_1191 : i32
        %get3A_1193 = arith.constant 1 : i32
        %get3A_1194 = arith.index_cast %get3A_1193 : i32 to index
        %get3A_1195 = arith.index_cast %add3A_1192 : i32 to index
        %get3A_1196 = arith.constant 0 : index
        %get3A_1197 = tpu.vector_load %arg6[%get3A_1194, %get3A_1195, %get3A_1196] {strides = array<i32>} : memref<2x100x32xf32, #tpu.memory_space<vmem>>, vector<1x1x16xf32>,
        %get3A_1198 = vector.shape_cast %get3A_1197 : vector<1x1x16xf32> to vector<16xf32>
        %add3A_1199 = arith.addf %add3A_1181, %get3A_1198 : vector<16xf32>
        %add3A_1200 = arith.constant 1 : i32
        %add3A_1201 = arith.addi %mul3A_1173, %add3A_1200 : i32
        %get3A_1202 = arith.constant 1 : i32
        %get3A_1203 = arith.index_cast %get3A_1202 : i32 to index
        %get3A_1204 = arith.index_cast %add3A_1201 : i32 to index
        %get3A_1205 = arith.constant 16 : index
        %get3A_1206 = tpu.vector_load %arg6[%get3A_1203, %get3A_1204, %get3A_1205] {strides = array<i32>} : memref<2x100x32xf32, #tpu.memory_space<vmem>>, vector<1x1x16xf32>,
        %get3A_1207 = vector.shape_cast %get3A_1206 : vector<1x1x16xf32> to vector<16xf32>
        %add3A_1208 = arith.addf %add3A_1190, %get3A_1207 : vector<16xf32>
        %add3A_1209 = arith.constant 2 : i32
        %add3A_1210 = arith.addi %mul3A_1173, %add3A_1209 : i32
        %get3A_1211 = arith.constant 1 : i32
        %get3A_1212 = arith.index_cast %get3A_1211 : i32 to index
        %get3A_1213 = arith.index_cast %add3A_1210 : i32 to index
        %get3A_1214 = arith.constant 0 : index
        %get3A_1215 = tpu.vector_load %arg6[%get3A_1212, %get3A_1213, %get3A_1214] {strides = array<i32>} : memref<2x100x32xf32, #tpu.memory_space<vmem>>, vector<1x1x16xf32>,
        %get3A_1216 = vector.shape_cast %get3A_1215 : vector<1x1x16xf32> to vector<16xf32>
        %add3A_1217 = arith.addf %add3A_1199, %get3A_1216 : vector<16xf32>
        %add3A_1218 = arith.constant 2 : i32
        %add3A_1219 = arith.addi %mul3A_1173, %add3A_1218 : i32
        %get3A_1220 = arith.constant 1 : i32
        %get3A_1221 = arith.index_cast %get3A_1220 : i32 to index
        %get3A_1222 = arith.index_cast %add3A_1219 : i32 to index
        %get3A_1223 = arith.constant 16 : index
        %get3A_1224 = tpu.vector_load %arg6[%get3A_1221, %get3A_1222, %get3A_1223] {strides = array<i32>} : memref<2x100x32xf32, #tpu.memory_space<vmem>>, vector<1x1x16xf32>,
        %get3A_1225 = vector.shape_cast %get3A_1224 : vector<1x1x16xf32> to vector<16xf32>
        %add3A_1226 = arith.addf %add3A_1208, %get3A_1225 : vector<16xf32>
        %add3A_1227 = arith.constant 3 : i32
        %add3A_1228 = arith.addi %mul3A_1173, %add3A_1227 : i32
        %get3A_1229 = arith.constant 1 : i32
        %get3A_1230 = arith.index_cast %get3A_1229 : i32 to index
        %get3A_1231 = arith.index_cast %add3A_1228 : i32 to index
        %get3A_1232 = arith.constant 0 : index
        %get3A_1233 = tpu.vector_load %arg6[%get3A_1230, %get3A_1231, %get3A_1232] {strides = array<i32>} : memref<2x100x32xf32, #tpu.memory_space<vmem>>, vector<1x1x16xf32>,
        %get3A_1234 = vector.shape_cast %get3A_1233 : vector<1x1x16xf32> to vector<16xf32>
        %add3A_1235 = arith.addf %add3A_1217, %get3A_1234 : vector<16xf32>
        %add3A_1236 = arith.constant 3 : i32
        %add3A_1237 = arith.addi %mul3A_1173, %add3A_1236 : i32
        %get3A_1238 = arith.constant 1 : i32
        %get3A_1239 = arith.index_cast %get3A_1238 : i32 to index
        %get3A_1240 = arith.index_cast %add3A_1237 : i32 to index
        %get3A_1241 = arith.constant 16 : index
        %get3A_1242 = tpu.vector_load %arg6[%get3A_1239, %get3A_1240, %get3A_1241] {strides = array<i32>} : memref<2x100x32xf32, #tpu.memory_space<vmem>>, vector<1x1x16xf32>,
        %get3A_1243 = vector.shape_cast %get3A_1242 : vector<1x1x16xf32> to vector<16xf32>
        %add3A_1244 = arith.addf %add3A_1226, %get3A_1243 : vector<16xf32>
        scf.yield %add3A_1235, %add3A_1244 : vector<16xf32>, vector<16xf32>
      }
      %scan3A_803 = arith.constant 25 : i32
      %swap3A_804 = arith.constant 320 : index
      %swap3A_805 = tpu.vector_load %arg7[%swap3A_804] {strides = array<i32>} : memref<512xf32, #tpu.memory_space<vmem>>, vector<16xf32>,
      %swap3A_806 = vector.shape_cast %swap3A_805 : vector<16xf32> to vector<16xf32>
      %swap3A_807 = vector.shape_cast %scan3A_802#0 : vector<16xf32> to vector<16xf32>
      tpu.vector_store %arg7[%swap3A_804], %swap3A_807 {strides = array<i32>} : memref<512xf32, #tpu.memory_space<vmem>>, vector<16xf32>,
      %swap3A_808 = arith.constant 336 : index
      %swap3A_809 = tpu.vector_load %arg7[%swap3A_808] {strides = array<i32>} : memref<512xf32, #tpu.memory_space<vmem>>, vector<16xf32>,
      %swap3A_810 = vector.shape_cast %swap3A_809 : vector<16xf32> to vector<16xf32>
      %swap3A_811 = vector.shape_cast %scan3A_802#1 : vector<16xf32> to vector<16xf32>
      tpu.vector_store %arg7[%swap3A_808], %swap3A_811 {strides = array<i32>} : memref<512xf32, #tpu.memory_space<vmem>>, vector<16xf32>,
      %dma_start3A_812 = arith.constant 23 : i32
      %dma_start3A_813 = arith.constant 1 : i32
      %dma_start3A_814 = arith.constant 0 : i32
      %dma_start3A_815 = arith.constant 0 : i32
      %dma_start3A_816 = tpu.memref_slice %arg6[%dma_start3A_813, %dma_start3A_814, %dma_start3A_815] : memref<2x100x32xf32, #tpu.memory_space<vmem>> -> memref<1x100x32xf32, #tpu.memory_space<vmem>>
      %dma_start3A_817 = tpu.memref_squeeze %dma_start3A_816 : memref<1x100x32xf32, #tpu.memory_space<vmem>> -> memref<100x32xf32, #tpu.memory_space<vmem>>
      %dma_start3A_818 = arith.constant 0 : i32
      %dma_start3A_819 = tpu.memref_slice %arg5[%dma_start3A_812, %dma_start3A_818] : memref<32x100xi32, #tpu.memory_space<vmem>> -> memref<1x100xi32, #tpu.memory_space<vmem>>
      %dma_start3A_820 = tpu.memref_squeeze %dma_start3A_819 : memref<1x100xi32, #tpu.memory_space<vmem>> -> memref<100xi32, #tpu.memory_space<vmem>>
      %dma_start3A_821 = arith.constant 0 : i32
      %dma_start3A_822 = arith.constant 0 : i32
      %dma_start3A_823 = tpu.memref_slice %arg3[%dma_start3A_821, %dma_start3A_822] : memref<1000000x32xf32, #tpu.memory_space<hbm>> -> memref<1000000x32xf32, #tpu.memory_space<hbm>>
      tpu.enqueue_indirect_dma source(%dma_start3A_823 : memref<1000000x32xf32, #tpu.memory_space<hbm>>) target(%dma_start3A_817 : memref<100x32xf32, #tpu.memory_space<vmem>>) offsets(%dma_start3A_820 : memref<100xi32, #tpu.memory_space<vmem>>) semaphore(%arg9 : memref<!tpu.dma_semaphore, #tpu.memory_space<semaphore_mem>>)
      %dma_wait3A_824 = arith.constant 22 : i32
      %dma_wait3A_825 = arith.constant 0 : i32
      %dma_wait3A_826 = arith.constant 0 : i32
      %dma_wait3A_827 = arith.constant 0 : i32
      %dma_wait3A_828 = tpu.memref_slice %arg6[%dma_wait3A_825, %dma_wait3A_826, %dma_wait3A_827] : memref<2x100x32xf32, #tpu.memory_space<vmem>> -> memref<1x100x32xf32, #tpu.memory_space<vmem>>
      %dma_wait3A_829 = tpu.memref_squeeze %dma_wait3A_828 : memref<1x100x32xf32, #tpu.memory_space<vmem>> -> memref<100x32xf32, #tpu.memory_space<vmem>>
      %dma_wait3A_830 = arith.constant 0 : i32
      %dma_wait3A_831 = tpu.memref_slice %arg5[%dma_wait3A_824, %dma_wait3A_830] : memref<32x100xi32, #tpu.memory_space<vmem>> -> memref<1x100xi32, #tpu.memory_space<vmem>>
      %dma_wait3A_832 = tpu.memref_squeeze %dma_wait3A_831 : memref<1x100xi32, #tpu.memory_space<vmem>> -> memref<100xi32, #tpu.memory_space<vmem>>
      %dma_wait3A_833 = arith.constant 0 : i32
      %dma_wait3A_834 = arith.constant 0 : i32
      %dma_wait3A_835 = tpu.memref_slice %arg3[%dma_wait3A_833, %dma_wait3A_834] : memref<1000000x32xf32, #tpu.memory_space<hbm>> -> memref<1000000x32xf32, #tpu.memory_space<hbm>>
      tpu.wait_indirect_dma semaphore(%arg8 : memref<!tpu.dma_semaphore, #tpu.memory_space<semaphore_mem>>) src(%dma_wait3A_835 : memref<1000000x32xf32, #tpu.memory_space<hbm>>) dst(%dma_wait3A_829 : memref<100x32xf32, #tpu.memory_space<vmem>>)
      %broadcast_in_dim3A_836 = arith.constant 0.000000e+00 : f32
      %broadcast_in_dim3A_837 = vector.broadcast %broadcast_in_dim3A_836 : f32 to vector<16xf32>
      %broadcast_in_dim3A_838 = arith.constant 0.000000e+00 : f32
      %broadcast_in_dim3A_839 = vector.broadcast %broadcast_in_dim3A_838 : f32 to vector<16xf32>
      %scan3A_840 = arith.constant 0 : i32
      %scan3A_841 = arith.constant 25 : i32
      %scan3A_842 = arith.addi %scan3A_840, %scan3A_841 : i32
      %scan3A_843 = arith.constant 1 : i32
      %scan3A_844:2 = scf.for %scan3A_1169 = %scan3A_840 to %scan3A_842 step %scan3A_843 iter_args(%scan3A_1170 = %broadcast_in_dim3A_837, %scan3A_1171 = %broadcast_in_dim3A_839) -> (vector<16xf32>, vector<16xf32>)  : i32 {
        %mul3A_1172 = arith.constant 4 : i32
        %mul3A_1173 = arith.muli %scan3A_1169, %mul3A_1172 : i32
        %add3A_1174 = arith.constant 0 : i32
        %add3A_1175 = arith.addi %mul3A_1173, %add3A_1174 : i32
        %get3A = arith.constant 0 : i32
        %get3A_1176 = arith.index_cast %get3A : i32 to index
        %get3A_1177 = arith.index_cast %add3A_1175 : i32 to index
        %get3A_1178 = arith.constant 0 : index
        %get3A_1179 = tpu.vector_load %arg6[%get3A_1176, %get3A_1177, %get3A_1178] {strides = array<i32>} : memref<2x100x32xf32, #tpu.memory_space<vmem>>, vector<1x1x16xf32>,
        %get3A_1180 = vector.shape_cast %get3A_1179 : vector<1x1x16xf32> to vector<16xf32>
        %add3A_1181 = arith.addf %scan3A_1170, %get3A_1180 : vector<16xf32>
        %add3A_1182 = arith.constant 0 : i32
        %add3A_1183 = arith.addi %mul3A_1173, %add3A_1182 : i32
        %get3A_1184 = arith.constant 0 : i32
        %get3A_1185 = arith.index_cast %get3A_1184 : i32 to index
        %get3A_1186 = arith.index_cast %add3A_1183 : i32 to index
        %get3A_1187 = arith.constant 16 : index
        %get3A_1188 = tpu.vector_load %arg6[%get3A_1185, %get3A_1186, %get3A_1187] {strides = array<i32>} : memref<2x100x32xf32, #tpu.memory_space<vmem>>, vector<1x1x16xf32>,
        %get3A_1189 = vector.shape_cast %get3A_1188 : vector<1x1x16xf32> to vector<16xf32>
        %add3A_1190 = arith.addf %scan3A_1171, %get3A_1189 : vector<16xf32>
        %add3A_1191 = arith.constant 1 : i32
        %add3A_1192 = arith.addi %mul3A_1173, %add3A_1191 : i32
        %get3A_1193 = arith.constant 0 : i32
        %get3A_1194 = arith.index_cast %get3A_1193 : i32 to index
        %get3A_1195 = arith.index_cast %add3A_1192 : i32 to index
        %get3A_1196 = arith.constant 0 : index
        %get3A_1197 = tpu.vector_load %arg6[%get3A_1194, %get3A_1195, %get3A_1196] {strides = array<i32>} : memref<2x100x32xf32, #tpu.memory_space<vmem>>, vector<1x1x16xf32>,
        %get3A_1198 = vector.shape_cast %get3A_1197 : vector<1x1x16xf32> to vector<16xf32>
        %add3A_1199 = arith.addf %add3A_1181, %get3A_1198 : vector<16xf32>
        %add3A_1200 = arith.constant 1 : i32
        %add3A_1201 = arith.addi %mul3A_1173, %add3A_1200 : i32
        %get3A_1202 = arith.constant 0 : i32
        %get3A_1203 = arith.index_cast %get3A_1202 : i32 to index
        %get3A_1204 = arith.index_cast %add3A_1201 : i32 to index
        %get3A_1205 = arith.constant 16 : index
        %get3A_1206 = tpu.vector_load %arg6[%get3A_1203, %get3A_1204, %get3A_1205] {strides = array<i32>} : memref<2x100x32xf32, #tpu.memory_space<vmem>>, vector<1x1x16xf32>,
        %get3A_1207 = vector.shape_cast %get3A_1206 : vector<1x1x16xf32> to vector<16xf32>
        %add3A_1208 = arith.addf %add3A_1190, %get3A_1207 : vector<16xf32>
        %add3A_1209 = arith.constant 2 : i32
        %add3A_1210 = arith.addi %mul3A_1173, %add3A_1209 : i32
        %get3A_1211 = arith.constant 0 : i32
        %get3A_1212 = arith.index_cast %get3A_1211 : i32 to index
        %get3A_1213 = arith.index_cast %add3A_1210 : i32 to index
        %get3A_1214 = arith.constant 0 : index
        %get3A_1215 = tpu.vector_load %arg6[%get3A_1212, %get3A_1213, %get3A_1214] {strides = array<i32>} : memref<2x100x32xf32, #tpu.memory_space<vmem>>, vector<1x1x16xf32>,
        %get3A_1216 = vector.shape_cast %get3A_1215 : vector<1x1x16xf32> to vector<16xf32>
        %add3A_1217 = arith.addf %add3A_1199, %get3A_1216 : vector<16xf32>
        %add3A_1218 = arith.constant 2 : i32
        %add3A_1219 = arith.addi %mul3A_1173, %add3A_1218 : i32
        %get3A_1220 = arith.constant 0 : i32
        %get3A_1221 = arith.index_cast %get3A_1220 : i32 to index
        %get3A_1222 = arith.index_cast %add3A_1219 : i32 to index
        %get3A_1223 = arith.constant 16 : index
        %get3A_1224 = tpu.vector_load %arg6[%get3A_1221, %get3A_1222, %get3A_1223] {strides = array<i32>} : memref<2x100x32xf32, #tpu.memory_space<vmem>>, vector<1x1x16xf32>,
        %get3A_1225 = vector.shape_cast %get3A_1224 : vector<1x1x16xf32> to vector<16xf32>
        %add3A_1226 = arith.addf %add3A_1208, %get3A_1225 : vector<16xf32>
        %add3A_1227 = arith.constant 3 : i32
        %add3A_1228 = arith.addi %mul3A_1173, %add3A_1227 : i32
        %get3A_1229 = arith.constant 0 : i32
        %get3A_1230 = arith.index_cast %get3A_1229 : i32 to index
        %get3A_1231 = arith.index_cast %add3A_1228 : i32 to index
        %get3A_1232 = arith.constant 0 : index
        %get3A_1233 = tpu.vector_load %arg6[%get3A_1230, %get3A_1231, %get3A_1232] {strides = array<i32>} : memref<2x100x32xf32, #tpu.memory_space<vmem>>, vector<1x1x16xf32>,
        %get3A_1234 = vector.shape_cast %get3A_1233 : vector<1x1x16xf32> to vector<16xf32>
        %add3A_1235 = arith.addf %add3A_1217, %get3A_1234 : vector<16xf32>
        %add3A_1236 = arith.constant 3 : i32
        %add3A_1237 = arith.addi %mul3A_1173, %add3A_1236 : i32
        %get3A_1238 = arith.constant 0 : i32
        %get3A_1239 = arith.index_cast %get3A_1238 : i32 to index
        %get3A_1240 = arith.index_cast %add3A_1237 : i32 to index
        %get3A_1241 = arith.constant 16 : index
        %get3A_1242 = tpu.vector_load %arg6[%get3A_1239, %get3A_1240, %get3A_1241] {strides = array<i32>} : memref<2x100x32xf32, #tpu.memory_space<vmem>>, vector<1x1x16xf32>,
        %get3A_1243 = vector.shape_cast %get3A_1242 : vector<1x1x16xf32> to vector<16xf32>
        %add3A_1244 = arith.addf %add3A_1226, %get3A_1243 : vector<16xf32>
        scf.yield %add3A_1235, %add3A_1244 : vector<16xf32>, vector<16xf32>
      }
      %scan3A_845 = arith.constant 25 : i32
      %dma_start3A_846 = arith.constant 24 : i32
      %dma_start3A_847 = arith.constant 0 : i32
      %dma_start3A_848 = arith.constant 0 : i32
      %dma_start3A_849 = arith.constant 0 : i32
      %dma_start3A_850 = tpu.memref_slice %arg6[%dma_start3A_847, %dma_start3A_848, %dma_start3A_849] : memref<2x100x32xf32, #tpu.memory_space<vmem>> -> memref<1x100x32xf32, #tpu.memory_space<vmem>>
      %dma_start3A_851 = tpu.memref_squeeze %dma_start3A_850 : memref<1x100x32xf32, #tpu.memory_space<vmem>> -> memref<100x32xf32, #tpu.memory_space<vmem>>
      %dma_start3A_852 = arith.constant 0 : i32
      %dma_start3A_853 = tpu.memref_slice %arg5[%dma_start3A_846, %dma_start3A_852] : memref<32x100xi32, #tpu.memory_space<vmem>> -> memref<1x100xi32, #tpu.memory_space<vmem>>
      %dma_start3A_854 = tpu.memref_squeeze %dma_start3A_853 : memref<1x100xi32, #tpu.memory_space<vmem>> -> memref<100xi32, #tpu.memory_space<vmem>>
      %dma_start3A_855 = arith.constant 0 : i32
      %dma_start3A_856 = arith.constant 0 : i32
      %dma_start3A_857 = tpu.memref_slice %arg3[%dma_start3A_855, %dma_start3A_856] : memref<1000000x32xf32, #tpu.memory_space<hbm>> -> memref<1000000x32xf32, #tpu.memory_space<hbm>>
      tpu.enqueue_indirect_dma source(%dma_start3A_857 : memref<1000000x32xf32, #tpu.memory_space<hbm>>) target(%dma_start3A_851 : memref<100x32xf32, #tpu.memory_space<vmem>>) offsets(%dma_start3A_854 : memref<100xi32, #tpu.memory_space<vmem>>) semaphore(%arg8 : memref<!tpu.dma_semaphore, #tpu.memory_space<semaphore_mem>>)
      %dma_wait3A_858 = arith.constant 23 : i32
      %dma_wait3A_859 = arith.constant 1 : i32
      %dma_wait3A_860 = arith.constant 0 : i32
      %dma_wait3A_861 = arith.constant 0 : i32
      %dma_wait3A_862 = tpu.memref_slice %arg6[%dma_wait3A_859, %dma_wait3A_860, %dma_wait3A_861] : memref<2x100x32xf32, #tpu.memory_space<vmem>> -> memref<1x100x32xf32, #tpu.memory_space<vmem>>
      %dma_wait3A_863 = tpu.memref_squeeze %dma_wait3A_862 : memref<1x100x32xf32, #tpu.memory_space<vmem>> -> memref<100x32xf32, #tpu.memory_space<vmem>>
      %dma_wait3A_864 = arith.constant 0 : i32
      %dma_wait3A_865 = tpu.memref_slice %arg5[%dma_wait3A_858, %dma_wait3A_864] : memref<32x100xi32, #tpu.memory_space<vmem>> -> memref<1x100xi32, #tpu.memory_space<vmem>>
      %dma_wait3A_866 = tpu.memref_squeeze %dma_wait3A_865 : memref<1x100xi32, #tpu.memory_space<vmem>> -> memref<100xi32, #tpu.memory_space<vmem>>
      %dma_wait3A_867 = arith.constant 0 : i32
      %dma_wait3A_868 = arith.constant 0 : i32
      %dma_wait3A_869 = tpu.memref_slice %arg3[%dma_wait3A_867, %dma_wait3A_868] : memref<1000000x32xf32, #tpu.memory_space<hbm>> -> memref<1000000x32xf32, #tpu.memory_space<hbm>>
      tpu.wait_indirect_dma semaphore(%arg9 : memref<!tpu.dma_semaphore, #tpu.memory_space<semaphore_mem>>) src(%dma_wait3A_869 : memref<1000000x32xf32, #tpu.memory_space<hbm>>) dst(%dma_wait3A_863 : memref<100x32xf32, #tpu.memory_space<vmem>>)
      %scan3A_870 = arith.constant 0 : i32
      %scan3A_871 = arith.constant 25 : i32
      %scan3A_872 = arith.addi %scan3A_870, %scan3A_871 : i32
      %scan3A_873 = arith.constant 1 : i32
      %scan3A_874:2 = scf.for %scan3A_1169 = %scan3A_870 to %scan3A_872 step %scan3A_873 iter_args(%scan3A_1170 = %scan3A_844#0, %scan3A_1171 = %scan3A_844#1) -> (vector<16xf32>, vector<16xf32>)  : i32 {
        %mul3A_1172 = arith.constant 4 : i32
        %mul3A_1173 = arith.muli %scan3A_1169, %mul3A_1172 : i32
        %add3A_1174 = arith.constant 0 : i32
        %add3A_1175 = arith.addi %mul3A_1173, %add3A_1174 : i32
        %get3A = arith.constant 1 : i32
        %get3A_1176 = arith.index_cast %get3A : i32 to index
        %get3A_1177 = arith.index_cast %add3A_1175 : i32 to index
        %get3A_1178 = arith.constant 0 : index
        %get3A_1179 = tpu.vector_load %arg6[%get3A_1176, %get3A_1177, %get3A_1178] {strides = array<i32>} : memref<2x100x32xf32, #tpu.memory_space<vmem>>, vector<1x1x16xf32>,
        %get3A_1180 = vector.shape_cast %get3A_1179 : vector<1x1x16xf32> to vector<16xf32>
        %add3A_1181 = arith.addf %scan3A_1170, %get3A_1180 : vector<16xf32>
        %add3A_1182 = arith.constant 0 : i32
        %add3A_1183 = arith.addi %mul3A_1173, %add3A_1182 : i32
        %get3A_1184 = arith.constant 1 : i32
        %get3A_1185 = arith.index_cast %get3A_1184 : i32 to index
        %get3A_1186 = arith.index_cast %add3A_1183 : i32 to index
        %get3A_1187 = arith.constant 16 : index
        %get3A_1188 = tpu.vector_load %arg6[%get3A_1185, %get3A_1186, %get3A_1187] {strides = array<i32>} : memref<2x100x32xf32, #tpu.memory_space<vmem>>, vector<1x1x16xf32>,
        %get3A_1189 = vector.shape_cast %get3A_1188 : vector<1x1x16xf32> to vector<16xf32>
        %add3A_1190 = arith.addf %scan3A_1171, %get3A_1189 : vector<16xf32>
        %add3A_1191 = arith.constant 1 : i32
        %add3A_1192 = arith.addi %mul3A_1173, %add3A_1191 : i32
        %get3A_1193 = arith.constant 1 : i32
        %get3A_1194 = arith.index_cast %get3A_1193 : i32 to index
        %get3A_1195 = arith.index_cast %add3A_1192 : i32 to index
        %get3A_1196 = arith.constant 0 : index
        %get3A_1197 = tpu.vector_load %arg6[%get3A_1194, %get3A_1195, %get3A_1196] {strides = array<i32>} : memref<2x100x32xf32, #tpu.memory_space<vmem>>, vector<1x1x16xf32>,
        %get3A_1198 = vector.shape_cast %get3A_1197 : vector<1x1x16xf32> to vector<16xf32>
        %add3A_1199 = arith.addf %add3A_1181, %get3A_1198 : vector<16xf32>
        %add3A_1200 = arith.constant 1 : i32
        %add3A_1201 = arith.addi %mul3A_1173, %add3A_1200 : i32
        %get3A_1202 = arith.constant 1 : i32
        %get3A_1203 = arith.index_cast %get3A_1202 : i32 to index
        %get3A_1204 = arith.index_cast %add3A_1201 : i32 to index
        %get3A_1205 = arith.constant 16 : index
        %get3A_1206 = tpu.vector_load %arg6[%get3A_1203, %get3A_1204, %get3A_1205] {strides = array<i32>} : memref<2x100x32xf32, #tpu.memory_space<vmem>>, vector<1x1x16xf32>,
        %get3A_1207 = vector.shape_cast %get3A_1206 : vector<1x1x16xf32> to vector<16xf32>
        %add3A_1208 = arith.addf %add3A_1190, %get3A_1207 : vector<16xf32>
        %add3A_1209 = arith.constant 2 : i32
        %add3A_1210 = arith.addi %mul3A_1173, %add3A_1209 : i32
        %get3A_1211 = arith.constant 1 : i32
        %get3A_1212 = arith.index_cast %get3A_1211 : i32 to index
        %get3A_1213 = arith.index_cast %add3A_1210 : i32 to index
        %get3A_1214 = arith.constant 0 : index
        %get3A_1215 = tpu.vector_load %arg6[%get3A_1212, %get3A_1213, %get3A_1214] {strides = array<i32>} : memref<2x100x32xf32, #tpu.memory_space<vmem>>, vector<1x1x16xf32>,
        %get3A_1216 = vector.shape_cast %get3A_1215 : vector<1x1x16xf32> to vector<16xf32>
        %add3A_1217 = arith.addf %add3A_1199, %get3A_1216 : vector<16xf32>
        %add3A_1218 = arith.constant 2 : i32
        %add3A_1219 = arith.addi %mul3A_1173, %add3A_1218 : i32
        %get3A_1220 = arith.constant 1 : i32
        %get3A_1221 = arith.index_cast %get3A_1220 : i32 to index
        %get3A_1222 = arith.index_cast %add3A_1219 : i32 to index
        %get3A_1223 = arith.constant 16 : index
        %get3A_1224 = tpu.vector_load %arg6[%get3A_1221, %get3A_1222, %get3A_1223] {strides = array<i32>} : memref<2x100x32xf32, #tpu.memory_space<vmem>>, vector<1x1x16xf32>,
        %get3A_1225 = vector.shape_cast %get3A_1224 : vector<1x1x16xf32> to vector<16xf32>
        %add3A_1226 = arith.addf %add3A_1208, %get3A_1225 : vector<16xf32>
        %add3A_1227 = arith.constant 3 : i32
        %add3A_1228 = arith.addi %mul3A_1173, %add3A_1227 : i32
        %get3A_1229 = arith.constant 1 : i32
        %get3A_1230 = arith.index_cast %get3A_1229 : i32 to index
        %get3A_1231 = arith.index_cast %add3A_1228 : i32 to index
        %get3A_1232 = arith.constant 0 : index
        %get3A_1233 = tpu.vector_load %arg6[%get3A_1230, %get3A_1231, %get3A_1232] {strides = array<i32>} : memref<2x100x32xf32, #tpu.memory_space<vmem>>, vector<1x1x16xf32>,
        %get3A_1234 = vector.shape_cast %get3A_1233 : vector<1x1x16xf32> to vector<16xf32>
        %add3A_1235 = arith.addf %add3A_1217, %get3A_1234 : vector<16xf32>
        %add3A_1236 = arith.constant 3 : i32
        %add3A_1237 = arith.addi %mul3A_1173, %add3A_1236 : i32
        %get3A_1238 = arith.constant 1 : i32
        %get3A_1239 = arith.index_cast %get3A_1238 : i32 to index
        %get3A_1240 = arith.index_cast %add3A_1237 : i32 to index
        %get3A_1241 = arith.constant 16 : index
        %get3A_1242 = tpu.vector_load %arg6[%get3A_1239, %get3A_1240, %get3A_1241] {strides = array<i32>} : memref<2x100x32xf32, #tpu.memory_space<vmem>>, vector<1x1x16xf32>,
        %get3A_1243 = vector.shape_cast %get3A_1242 : vector<1x1x16xf32> to vector<16xf32>
        %add3A_1244 = arith.addf %add3A_1226, %get3A_1243 : vector<16xf32>
        scf.yield %add3A_1235, %add3A_1244 : vector<16xf32>, vector<16xf32>
      }
      %scan3A_875 = arith.constant 25 : i32
      %swap3A_876 = arith.constant 352 : index
      %swap3A_877 = tpu.vector_load %arg7[%swap3A_876] {strides = array<i32>} : memref<512xf32, #tpu.memory_space<vmem>>, vector<16xf32>,
      %swap3A_878 = vector.shape_cast %swap3A_877 : vector<16xf32> to vector<16xf32>
      %swap3A_879 = vector.shape_cast %scan3A_874#0 : vector<16xf32> to vector<16xf32>
      tpu.vector_store %arg7[%swap3A_876], %swap3A_879 {strides = array<i32>} : memref<512xf32, #tpu.memory_space<vmem>>, vector<16xf32>,
      %swap3A_880 = arith.constant 368 : index
      %swap3A_881 = tpu.vector_load %arg7[%swap3A_880] {strides = array<i32>} : memref<512xf32, #tpu.memory_space<vmem>>, vector<16xf32>,
      %swap3A_882 = vector.shape_cast %swap3A_881 : vector<16xf32> to vector<16xf32>
      %swap3A_883 = vector.shape_cast %scan3A_874#1 : vector<16xf32> to vector<16xf32>
      tpu.vector_store %arg7[%swap3A_880], %swap3A_883 {strides = array<i32>} : memref<512xf32, #tpu.memory_space<vmem>>, vector<16xf32>,
      %dma_start3A_884 = arith.constant 25 : i32
      %dma_start3A_885 = arith.constant 1 : i32
      %dma_start3A_886 = arith.constant 0 : i32
      %dma_start3A_887 = arith.constant 0 : i32
      %dma_start3A_888 = tpu.memref_slice %arg6[%dma_start3A_885, %dma_start3A_886, %dma_start3A_887] : memref<2x100x32xf32, #tpu.memory_space<vmem>> -> memref<1x100x32xf32, #tpu.memory_space<vmem>>
      %dma_start3A_889 = tpu.memref_squeeze %dma_start3A_888 : memref<1x100x32xf32, #tpu.memory_space<vmem>> -> memref<100x32xf32, #tpu.memory_space<vmem>>
      %dma_start3A_890 = arith.constant 0 : i32
      %dma_start3A_891 = tpu.memref_slice %arg5[%dma_start3A_884, %dma_start3A_890] : memref<32x100xi32, #tpu.memory_space<vmem>> -> memref<1x100xi32, #tpu.memory_space<vmem>>
      %dma_start3A_892 = tpu.memref_squeeze %dma_start3A_891 : memref<1x100xi32, #tpu.memory_space<vmem>> -> memref<100xi32, #tpu.memory_space<vmem>>
      %dma_start3A_893 = arith.constant 0 : i32
      %dma_start3A_894 = arith.constant 0 : i32
      %dma_start3A_895 = tpu.memref_slice %arg3[%dma_start3A_893, %dma_start3A_894] : memref<1000000x32xf32, #tpu.memory_space<hbm>> -> memref<1000000x32xf32, #tpu.memory_space<hbm>>
      tpu.enqueue_indirect_dma source(%dma_start3A_895 : memref<1000000x32xf32, #tpu.memory_space<hbm>>) target(%dma_start3A_889 : memref<100x32xf32, #tpu.memory_space<vmem>>) offsets(%dma_start3A_892 : memref<100xi32, #tpu.memory_space<vmem>>) semaphore(%arg9 : memref<!tpu.dma_semaphore, #tpu.memory_space<semaphore_mem>>)
      %dma_wait3A_896 = arith.constant 24 : i32
      %dma_wait3A_897 = arith.constant 0 : i32
      %dma_wait3A_898 = arith.constant 0 : i32
      %dma_wait3A_899 = arith.constant 0 : i32
      %dma_wait3A_900 = tpu.memref_slice %arg6[%dma_wait3A_897, %dma_wait3A_898, %dma_wait3A_899] : memref<2x100x32xf32, #tpu.memory_space<vmem>> -> memref<1x100x32xf32, #tpu.memory_space<vmem>>
      %dma_wait3A_901 = tpu.memref_squeeze %dma_wait3A_900 : memref<1x100x32xf32, #tpu.memory_space<vmem>> -> memref<100x32xf32, #tpu.memory_space<vmem>>
      %dma_wait3A_902 = arith.constant 0 : i32
      %dma_wait3A_903 = tpu.memref_slice %arg5[%dma_wait3A_896, %dma_wait3A_902] : memref<32x100xi32, #tpu.memory_space<vmem>> -> memref<1x100xi32, #tpu.memory_space<vmem>>
      %dma_wait3A_904 = tpu.memref_squeeze %dma_wait3A_903 : memref<1x100xi32, #tpu.memory_space<vmem>> -> memref<100xi32, #tpu.memory_space<vmem>>
      %dma_wait3A_905 = arith.constant 0 : i32
      %dma_wait3A_906 = arith.constant 0 : i32
      %dma_wait3A_907 = tpu.memref_slice %arg3[%dma_wait3A_905, %dma_wait3A_906] : memref<1000000x32xf32, #tpu.memory_space<hbm>> -> memref<1000000x32xf32, #tpu.memory_space<hbm>>
      tpu.wait_indirect_dma semaphore(%arg8 : memref<!tpu.dma_semaphore, #tpu.memory_space<semaphore_mem>>) src(%dma_wait3A_907 : memref<1000000x32xf32, #tpu.memory_space<hbm>>) dst(%dma_wait3A_901 : memref<100x32xf32, #tpu.memory_space<vmem>>)
      %broadcast_in_dim3A_908 = arith.constant 0.000000e+00 : f32
      %broadcast_in_dim3A_909 = vector.broadcast %broadcast_in_dim3A_908 : f32 to vector<16xf32>
      %broadcast_in_dim3A_910 = arith.constant 0.000000e+00 : f32
      %broadcast_in_dim3A_911 = vector.broadcast %broadcast_in_dim3A_910 : f32 to vector<16xf32>
      %scan3A_912 = arith.constant 0 : i32
      %scan3A_913 = arith.constant 25 : i32
      %scan3A_914 = arith.addi %scan3A_912, %scan3A_913 : i32
      %scan3A_915 = arith.constant 1 : i32
      %scan3A_916:2 = scf.for %scan3A_1169 = %scan3A_912 to %scan3A_914 step %scan3A_915 iter_args(%scan3A_1170 = %broadcast_in_dim3A_909, %scan3A_1171 = %broadcast_in_dim3A_911) -> (vector<16xf32>, vector<16xf32>)  : i32 {
        %mul3A_1172 = arith.constant 4 : i32
        %mul3A_1173 = arith.muli %scan3A_1169, %mul3A_1172 : i32
        %add3A_1174 = arith.constant 0 : i32
        %add3A_1175 = arith.addi %mul3A_1173, %add3A_1174 : i32
        %get3A = arith.constant 0 : i32
        %get3A_1176 = arith.index_cast %get3A : i32 to index
        %get3A_1177 = arith.index_cast %add3A_1175 : i32 to index
        %get3A_1178 = arith.constant 0 : index
        %get3A_1179 = tpu.vector_load %arg6[%get3A_1176, %get3A_1177, %get3A_1178] {strides = array<i32>} : memref<2x100x32xf32, #tpu.memory_space<vmem>>, vector<1x1x16xf32>,
        %get3A_1180 = vector.shape_cast %get3A_1179 : vector<1x1x16xf32> to vector<16xf32>
        %add3A_1181 = arith.addf %scan3A_1170, %get3A_1180 : vector<16xf32>
        %add3A_1182 = arith.constant 0 : i32
        %add3A_1183 = arith.addi %mul3A_1173, %add3A_1182 : i32
        %get3A_1184 = arith.constant 0 : i32
        %get3A_1185 = arith.index_cast %get3A_1184 : i32 to index
        %get3A_1186 = arith.index_cast %add3A_1183 : i32 to index
        %get3A_1187 = arith.constant 16 : index
        %get3A_1188 = tpu.vector_load %arg6[%get3A_1185, %get3A_1186, %get3A_1187] {strides = array<i32>} : memref<2x100x32xf32, #tpu.memory_space<vmem>>, vector<1x1x16xf32>,
        %get3A_1189 = vector.shape_cast %get3A_1188 : vector<1x1x16xf32> to vector<16xf32>
        %add3A_1190 = arith.addf %scan3A_1171, %get3A_1189 : vector<16xf32>
        %add3A_1191 = arith.constant 1 : i32
        %add3A_1192 = arith.addi %mul3A_1173, %add3A_1191 : i32
        %get3A_1193 = arith.constant 0 : i32
        %get3A_1194 = arith.index_cast %get3A_1193 : i32 to index
        %get3A_1195 = arith.index_cast %add3A_1192 : i32 to index
        %get3A_1196 = arith.constant 0 : index
        %get3A_1197 = tpu.vector_load %arg6[%get3A_1194, %get3A_1195, %get3A_1196] {strides = array<i32>} : memref<2x100x32xf32, #tpu.memory_space<vmem>>, vector<1x1x16xf32>,
        %get3A_1198 = vector.shape_cast %get3A_1197 : vector<1x1x16xf32> to vector<16xf32>
        %add3A_1199 = arith.addf %add3A_1181, %get3A_1198 : vector<16xf32>
        %add3A_1200 = arith.constant 1 : i32
        %add3A_1201 = arith.addi %mul3A_1173, %add3A_1200 : i32
        %get3A_1202 = arith.constant 0 : i32
        %get3A_1203 = arith.index_cast %get3A_1202 : i32 to index
        %get3A_1204 = arith.index_cast %add3A_1201 : i32 to index
        %get3A_1205 = arith.constant 16 : index
        %get3A_1206 = tpu.vector_load %arg6[%get3A_1203, %get3A_1204, %get3A_1205] {strides = array<i32>} : memref<2x100x32xf32, #tpu.memory_space<vmem>>, vector<1x1x16xf32>,
        %get3A_1207 = vector.shape_cast %get3A_1206 : vector<1x1x16xf32> to vector<16xf32>
        %add3A_1208 = arith.addf %add3A_1190, %get3A_1207 : vector<16xf32>
        %add3A_1209 = arith.constant 2 : i32
        %add3A_1210 = arith.addi %mul3A_1173, %add3A_1209 : i32
        %get3A_1211 = arith.constant 0 : i32
        %get3A_1212 = arith.index_cast %get3A_1211 : i32 to index
        %get3A_1213 = arith.index_cast %add3A_1210 : i32 to index
        %get3A_1214 = arith.constant 0 : index
        %get3A_1215 = tpu.vector_load %arg6[%get3A_1212, %get3A_1213, %get3A_1214] {strides = array<i32>} : memref<2x100x32xf32, #tpu.memory_space<vmem>>, vector<1x1x16xf32>,
        %get3A_1216 = vector.shape_cast %get3A_1215 : vector<1x1x16xf32> to vector<16xf32>
        %add3A_1217 = arith.addf %add3A_1199, %get3A_1216 : vector<16xf32>
        %add3A_1218 = arith.constant 2 : i32
        %add3A_1219 = arith.addi %mul3A_1173, %add3A_1218 : i32
        %get3A_1220 = arith.constant 0 : i32
        %get3A_1221 = arith.index_cast %get3A_1220 : i32 to index
        %get3A_1222 = arith.index_cast %add3A_1219 : i32 to index
        %get3A_1223 = arith.constant 16 : index
        %get3A_1224 = tpu.vector_load %arg6[%get3A_1221, %get3A_1222, %get3A_1223] {strides = array<i32>} : memref<2x100x32xf32, #tpu.memory_space<vmem>>, vector<1x1x16xf32>,
        %get3A_1225 = vector.shape_cast %get3A_1224 : vector<1x1x16xf32> to vector<16xf32>
        %add3A_1226 = arith.addf %add3A_1208, %get3A_1225 : vector<16xf32>
        %add3A_1227 = arith.constant 3 : i32
        %add3A_1228 = arith.addi %mul3A_1173, %add3A_1227 : i32
        %get3A_1229 = arith.constant 0 : i32
        %get3A_1230 = arith.index_cast %get3A_1229 : i32 to index
        %get3A_1231 = arith.index_cast %add3A_1228 : i32 to index
        %get3A_1232 = arith.constant 0 : index
        %get3A_1233 = tpu.vector_load %arg6[%get3A_1230, %get3A_1231, %get3A_1232] {strides = array<i32>} : memref<2x100x32xf32, #tpu.memory_space<vmem>>, vector<1x1x16xf32>,
        %get3A_1234 = vector.shape_cast %get3A_1233 : vector<1x1x16xf32> to vector<16xf32>
        %add3A_1235 = arith.addf %add3A_1217, %get3A_1234 : vector<16xf32>
        %add3A_1236 = arith.constant 3 : i32
        %add3A_1237 = arith.addi %mul3A_1173, %add3A_1236 : i32
        %get3A_1238 = arith.constant 0 : i32
        %get3A_1239 = arith.index_cast %get3A_1238 : i32 to index
        %get3A_1240 = arith.index_cast %add3A_1237 : i32 to index
        %get3A_1241 = arith.constant 16 : index
        %get3A_1242 = tpu.vector_load %arg6[%get3A_1239, %get3A_1240, %get3A_1241] {strides = array<i32>} : memref<2x100x32xf32, #tpu.memory_space<vmem>>, vector<1x1x16xf32>,
        %get3A_1243 = vector.shape_cast %get3A_1242 : vector<1x1x16xf32> to vector<16xf32>
        %add3A_1244 = arith.addf %add3A_1226, %get3A_1243 : vector<16xf32>
        scf.yield %add3A_1235, %add3A_1244 : vector<16xf32>, vector<16xf32>
      }
      %scan3A_917 = arith.constant 25 : i32
      %dma_start3A_918 = arith.constant 26 : i32
      %dma_start3A_919 = arith.constant 0 : i32
      %dma_start3A_920 = arith.constant 0 : i32
      %dma_start3A_921 = arith.constant 0 : i32
      %dma_start3A_922 = tpu.memref_slice %arg6[%dma_start3A_919, %dma_start3A_920, %dma_start3A_921] : memref<2x100x32xf32, #tpu.memory_space<vmem>> -> memref<1x100x32xf32, #tpu.memory_space<vmem>>
      %dma_start3A_923 = tpu.memref_squeeze %dma_start3A_922 : memref<1x100x32xf32, #tpu.memory_space<vmem>> -> memref<100x32xf32, #tpu.memory_space<vmem>>
      %dma_start3A_924 = arith.constant 0 : i32
      %dma_start3A_925 = tpu.memref_slice %arg5[%dma_start3A_918, %dma_start3A_924] : memref<32x100xi32, #tpu.memory_space<vmem>> -> memref<1x100xi32, #tpu.memory_space<vmem>>
      %dma_start3A_926 = tpu.memref_squeeze %dma_start3A_925 : memref<1x100xi32, #tpu.memory_space<vmem>> -> memref<100xi32, #tpu.memory_space<vmem>>
      %dma_start3A_927 = arith.constant 0 : i32
      %dma_start3A_928 = arith.constant 0 : i32
      %dma_start3A_929 = tpu.memref_slice %arg3[%dma_start3A_927, %dma_start3A_928] : memref<1000000x32xf32, #tpu.memory_space<hbm>> -> memref<1000000x32xf32, #tpu.memory_space<hbm>>
      tpu.enqueue_indirect_dma source(%dma_start3A_929 : memref<1000000x32xf32, #tpu.memory_space<hbm>>) target(%dma_start3A_923 : memref<100x32xf32, #tpu.memory_space<vmem>>) offsets(%dma_start3A_926 : memref<100xi32, #tpu.memory_space<vmem>>) semaphore(%arg8 : memref<!tpu.dma_semaphore, #tpu.memory_space<semaphore_mem>>)
      %dma_wait3A_930 = arith.constant 25 : i32
      %dma_wait3A_931 = arith.constant 1 : i32
      %dma_wait3A_932 = arith.constant 0 : i32
      %dma_wait3A_933 = arith.constant 0 : i32
      %dma_wait3A_934 = tpu.memref_slice %arg6[%dma_wait3A_931, %dma_wait3A_932, %dma_wait3A_933] : memref<2x100x32xf32, #tpu.memory_space<vmem>> -> memref<1x100x32xf32, #tpu.memory_space<vmem>>
      %dma_wait3A_935 = tpu.memref_squeeze %dma_wait3A_934 : memref<1x100x32xf32, #tpu.memory_space<vmem>> -> memref<100x32xf32, #tpu.memory_space<vmem>>
      %dma_wait3A_936 = arith.constant 0 : i32
      %dma_wait3A_937 = tpu.memref_slice %arg5[%dma_wait3A_930, %dma_wait3A_936] : memref<32x100xi32, #tpu.memory_space<vmem>> -> memref<1x100xi32, #tpu.memory_space<vmem>>
      %dma_wait3A_938 = tpu.memref_squeeze %dma_wait3A_937 : memref<1x100xi32, #tpu.memory_space<vmem>> -> memref<100xi32, #tpu.memory_space<vmem>>
      %dma_wait3A_939 = arith.constant 0 : i32
      %dma_wait3A_940 = arith.constant 0 : i32
      %dma_wait3A_941 = tpu.memref_slice %arg3[%dma_wait3A_939, %dma_wait3A_940] : memref<1000000x32xf32, #tpu.memory_space<hbm>> -> memref<1000000x32xf32, #tpu.memory_space<hbm>>
      tpu.wait_indirect_dma semaphore(%arg9 : memref<!tpu.dma_semaphore, #tpu.memory_space<semaphore_mem>>) src(%dma_wait3A_941 : memref<1000000x32xf32, #tpu.memory_space<hbm>>) dst(%dma_wait3A_935 : memref<100x32xf32, #tpu.memory_space<vmem>>)
      %scan3A_942 = arith.constant 0 : i32
      %scan3A_943 = arith.constant 25 : i32
      %scan3A_944 = arith.addi %scan3A_942, %scan3A_943 : i32
      %scan3A_945 = arith.constant 1 : i32
      %scan3A_946:2 = scf.for %scan3A_1169 = %scan3A_942 to %scan3A_944 step %scan3A_945 iter_args(%scan3A_1170 = %scan3A_916#0, %scan3A_1171 = %scan3A_916#1) -> (vector<16xf32>, vector<16xf32>)  : i32 {
        %mul3A_1172 = arith.constant 4 : i32
        %mul3A_1173 = arith.muli %scan3A_1169, %mul3A_1172 : i32
        %add3A_1174 = arith.constant 0 : i32
        %add3A_1175 = arith.addi %mul3A_1173, %add3A_1174 : i32
        %get3A = arith.constant 1 : i32
        %get3A_1176 = arith.index_cast %get3A : i32 to index
        %get3A_1177 = arith.index_cast %add3A_1175 : i32 to index
        %get3A_1178 = arith.constant 0 : index
        %get3A_1179 = tpu.vector_load %arg6[%get3A_1176, %get3A_1177, %get3A_1178] {strides = array<i32>} : memref<2x100x32xf32, #tpu.memory_space<vmem>>, vector<1x1x16xf32>,
        %get3A_1180 = vector.shape_cast %get3A_1179 : vector<1x1x16xf32> to vector<16xf32>
        %add3A_1181 = arith.addf %scan3A_1170, %get3A_1180 : vector<16xf32>
        %add3A_1182 = arith.constant 0 : i32
        %add3A_1183 = arith.addi %mul3A_1173, %add3A_1182 : i32
        %get3A_1184 = arith.constant 1 : i32
        %get3A_1185 = arith.index_cast %get3A_1184 : i32 to index
        %get3A_1186 = arith.index_cast %add3A_1183 : i32 to index
        %get3A_1187 = arith.constant 16 : index
        %get3A_1188 = tpu.vector_load %arg6[%get3A_1185, %get3A_1186, %get3A_1187] {strides = array<i32>} : memref<2x100x32xf32, #tpu.memory_space<vmem>>, vector<1x1x16xf32>,
        %get3A_1189 = vector.shape_cast %get3A_1188 : vector<1x1x16xf32> to vector<16xf32>
        %add3A_1190 = arith.addf %scan3A_1171, %get3A_1189 : vector<16xf32>
        %add3A_1191 = arith.constant 1 : i32
        %add3A_1192 = arith.addi %mul3A_1173, %add3A_1191 : i32
        %get3A_1193 = arith.constant 1 : i32
        %get3A_1194 = arith.index_cast %get3A_1193 : i32 to index
        %get3A_1195 = arith.index_cast %add3A_1192 : i32 to index
        %get3A_1196 = arith.constant 0 : index
        %get3A_1197 = tpu.vector_load %arg6[%get3A_1194, %get3A_1195, %get3A_1196] {strides = array<i32>} : memref<2x100x32xf32, #tpu.memory_space<vmem>>, vector<1x1x16xf32>,
        %get3A_1198 = vector.shape_cast %get3A_1197 : vector<1x1x16xf32> to vector<16xf32>
        %add3A_1199 = arith.addf %add3A_1181, %get3A_1198 : vector<16xf32>
        %add3A_1200 = arith.constant 1 : i32
        %add3A_1201 = arith.addi %mul3A_1173, %add3A_1200 : i32
        %get3A_1202 = arith.constant 1 : i32
        %get3A_1203 = arith.index_cast %get3A_1202 : i32 to index
        %get3A_1204 = arith.index_cast %add3A_1201 : i32 to index
        %get3A_1205 = arith.constant 16 : index
        %get3A_1206 = tpu.vector_load %arg6[%get3A_1203, %get3A_1204, %get3A_1205] {strides = array<i32>} : memref<2x100x32xf32, #tpu.memory_space<vmem>>, vector<1x1x16xf32>,
        %get3A_1207 = vector.shape_cast %get3A_1206 : vector<1x1x16xf32> to vector<16xf32>
        %add3A_1208 = arith.addf %add3A_1190, %get3A_1207 : vector<16xf32>
        %add3A_1209 = arith.constant 2 : i32
        %add3A_1210 = arith.addi %mul3A_1173, %add3A_1209 : i32
        %get3A_1211 = arith.constant 1 : i32
        %get3A_1212 = arith.index_cast %get3A_1211 : i32 to index
        %get3A_1213 = arith.index_cast %add3A_1210 : i32 to index
        %get3A_1214 = arith.constant 0 : index
        %get3A_1215 = tpu.vector_load %arg6[%get3A_1212, %get3A_1213, %get3A_1214] {strides = array<i32>} : memref<2x100x32xf32, #tpu.memory_space<vmem>>, vector<1x1x16xf32>,
        %get3A_1216 = vector.shape_cast %get3A_1215 : vector<1x1x16xf32> to vector<16xf32>
        %add3A_1217 = arith.addf %add3A_1199, %get3A_1216 : vector<16xf32>
        %add3A_1218 = arith.constant 2 : i32
        %add3A_1219 = arith.addi %mul3A_1173, %add3A_1218 : i32
        %get3A_1220 = arith.constant 1 : i32
        %get3A_1221 = arith.index_cast %get3A_1220 : i32 to index
        %get3A_1222 = arith.index_cast %add3A_1219 : i32 to index
        %get3A_1223 = arith.constant 16 : index
        %get3A_1224 = tpu.vector_load %arg6[%get3A_1221, %get3A_1222, %get3A_1223] {strides = array<i32>} : memref<2x100x32xf32, #tpu.memory_space<vmem>>, vector<1x1x16xf32>,
        %get3A_1225 = vector.shape_cast %get3A_1224 : vector<1x1x16xf32> to vector<16xf32>
        %add3A_1226 = arith.addf %add3A_1208, %get3A_1225 : vector<16xf32>
        %add3A_1227 = arith.constant 3 : i32
        %add3A_1228 = arith.addi %mul3A_1173, %add3A_1227 : i32
        %get3A_1229 = arith.constant 1 : i32
        %get3A_1230 = arith.index_cast %get3A_1229 : i32 to index
        %get3A_1231 = arith.index_cast %add3A_1228 : i32 to index
        %get3A_1232 = arith.constant 0 : index
        %get3A_1233 = tpu.vector_load %arg6[%get3A_1230, %get3A_1231, %get3A_1232] {strides = array<i32>} : memref<2x100x32xf32, #tpu.memory_space<vmem>>, vector<1x1x16xf32>,
        %get3A_1234 = vector.shape_cast %get3A_1233 : vector<1x1x16xf32> to vector<16xf32>
        %add3A_1235 = arith.addf %add3A_1217, %get3A_1234 : vector<16xf32>
        %add3A_1236 = arith.constant 3 : i32
        %add3A_1237 = arith.addi %mul3A_1173, %add3A_1236 : i32
        %get3A_1238 = arith.constant 1 : i32
        %get3A_1239 = arith.index_cast %get3A_1238 : i32 to index
        %get3A_1240 = arith.index_cast %add3A_1237 : i32 to index
        %get3A_1241 = arith.constant 16 : index
        %get3A_1242 = tpu.vector_load %arg6[%get3A_1239, %get3A_1240, %get3A_1241] {strides = array<i32>} : memref<2x100x32xf32, #tpu.memory_space<vmem>>, vector<1x1x16xf32>,
        %get3A_1243 = vector.shape_cast %get3A_1242 : vector<1x1x16xf32> to vector<16xf32>
        %add3A_1244 = arith.addf %add3A_1226, %get3A_1243 : vector<16xf32>
        scf.yield %add3A_1235, %add3A_1244 : vector<16xf32>, vector<16xf32>
      }
      %scan3A_947 = arith.constant 25 : i32
      %swap3A_948 = arith.constant 384 : index
      %swap3A_949 = tpu.vector_load %arg7[%swap3A_948] {strides = array<i32>} : memref<512xf32, #tpu.memory_space<vmem>>, vector<16xf32>,
      %swap3A_950 = vector.shape_cast %swap3A_949 : vector<16xf32> to vector<16xf32>
      %swap3A_951 = vector.shape_cast %scan3A_946#0 : vector<16xf32> to vector<16xf32>
      tpu.vector_store %arg7[%swap3A_948], %swap3A_951 {strides = array<i32>} : memref<512xf32, #tpu.memory_space<vmem>>, vector<16xf32>,
      %swap3A_952 = arith.constant 400 : index
      %swap3A_953 = tpu.vector_load %arg7[%swap3A_952] {strides = array<i32>} : memref<512xf32, #tpu.memory_space<vmem>>, vector<16xf32>,
      %swap3A_954 = vector.shape_cast %swap3A_953 : vector<16xf32> to vector<16xf32>
      %swap3A_955 = vector.shape_cast %scan3A_946#1 : vector<16xf32> to vector<16xf32>
      tpu.vector_store %arg7[%swap3A_952], %swap3A_955 {strides = array<i32>} : memref<512xf32, #tpu.memory_space<vmem>>, vector<16xf32>,
      %dma_start3A_956 = arith.constant 27 : i32
      %dma_start3A_957 = arith.constant 1 : i32
      %dma_start3A_958 = arith.constant 0 : i32
      %dma_start3A_959 = arith.constant 0 : i32
      %dma_start3A_960 = tpu.memref_slice %arg6[%dma_start3A_957, %dma_start3A_958, %dma_start3A_959] : memref<2x100x32xf32, #tpu.memory_space<vmem>> -> memref<1x100x32xf32, #tpu.memory_space<vmem>>
      %dma_start3A_961 = tpu.memref_squeeze %dma_start3A_960 : memref<1x100x32xf32, #tpu.memory_space<vmem>> -> memref<100x32xf32, #tpu.memory_space<vmem>>
      %dma_start3A_962 = arith.constant 0 : i32
      %dma_start3A_963 = tpu.memref_slice %arg5[%dma_start3A_956, %dma_start3A_962] : memref<32x100xi32, #tpu.memory_space<vmem>> -> memref<1x100xi32, #tpu.memory_space<vmem>>
      %dma_start3A_964 = tpu.memref_squeeze %dma_start3A_963 : memref<1x100xi32, #tpu.memory_space<vmem>> -> memref<100xi32, #tpu.memory_space<vmem>>
      %dma_start3A_965 = arith.constant 0 : i32
      %dma_start3A_966 = arith.constant 0 : i32
      %dma_start3A_967 = tpu.memref_slice %arg3[%dma_start3A_965, %dma_start3A_966] : memref<1000000x32xf32, #tpu.memory_space<hbm>> -> memref<1000000x32xf32, #tpu.memory_space<hbm>>
      tpu.enqueue_indirect_dma source(%dma_start3A_967 : memref<1000000x32xf32, #tpu.memory_space<hbm>>) target(%dma_start3A_961 : memref<100x32xf32, #tpu.memory_space<vmem>>) offsets(%dma_start3A_964 : memref<100xi32, #tpu.memory_space<vmem>>) semaphore(%arg9 : memref<!tpu.dma_semaphore, #tpu.memory_space<semaphore_mem>>)
      %dma_wait3A_968 = arith.constant 26 : i32
      %dma_wait3A_969 = arith.constant 0 : i32
      %dma_wait3A_970 = arith.constant 0 : i32
      %dma_wait3A_971 = arith.constant 0 : i32
      %dma_wait3A_972 = tpu.memref_slice %arg6[%dma_wait3A_969, %dma_wait3A_970, %dma_wait3A_971] : memref<2x100x32xf32, #tpu.memory_space<vmem>> -> memref<1x100x32xf32, #tpu.memory_space<vmem>>
      %dma_wait3A_973 = tpu.memref_squeeze %dma_wait3A_972 : memref<1x100x32xf32, #tpu.memory_space<vmem>> -> memref<100x32xf32, #tpu.memory_space<vmem>>
      %dma_wait3A_974 = arith.constant 0 : i32
      %dma_wait3A_975 = tpu.memref_slice %arg5[%dma_wait3A_968, %dma_wait3A_974] : memref<32x100xi32, #tpu.memory_space<vmem>> -> memref<1x100xi32, #tpu.memory_space<vmem>>
      %dma_wait3A_976 = tpu.memref_squeeze %dma_wait3A_975 : memref<1x100xi32, #tpu.memory_space<vmem>> -> memref<100xi32, #tpu.memory_space<vmem>>
      %dma_wait3A_977 = arith.constant 0 : i32
      %dma_wait3A_978 = arith.constant 0 : i32
      %dma_wait3A_979 = tpu.memref_slice %arg3[%dma_wait3A_977, %dma_wait3A_978] : memref<1000000x32xf32, #tpu.memory_space<hbm>> -> memref<1000000x32xf32, #tpu.memory_space<hbm>>
      tpu.wait_indirect_dma semaphore(%arg8 : memref<!tpu.dma_semaphore, #tpu.memory_space<semaphore_mem>>) src(%dma_wait3A_979 : memref<1000000x32xf32, #tpu.memory_space<hbm>>) dst(%dma_wait3A_973 : memref<100x32xf32, #tpu.memory_space<vmem>>)
      %broadcast_in_dim3A_980 = arith.constant 0.000000e+00 : f32
      %broadcast_in_dim3A_981 = vector.broadcast %broadcast_in_dim3A_980 : f32 to vector<16xf32>
      %broadcast_in_dim3A_982 = arith.constant 0.000000e+00 : f32
      %broadcast_in_dim3A_983 = vector.broadcast %broadcast_in_dim3A_982 : f32 to vector<16xf32>
      %scan3A_984 = arith.constant 0 : i32
      %scan3A_985 = arith.constant 25 : i32
      %scan3A_986 = arith.addi %scan3A_984, %scan3A_985 : i32
      %scan3A_987 = arith.constant 1 : i32
      %scan3A_988:2 = scf.for %scan3A_1169 = %scan3A_984 to %scan3A_986 step %scan3A_987 iter_args(%scan3A_1170 = %broadcast_in_dim3A_981, %scan3A_1171 = %broadcast_in_dim3A_983) -> (vector<16xf32>, vector<16xf32>)  : i32 {
        %mul3A_1172 = arith.constant 4 : i32
        %mul3A_1173 = arith.muli %scan3A_1169, %mul3A_1172 : i32
        %add3A_1174 = arith.constant 0 : i32
        %add3A_1175 = arith.addi %mul3A_1173, %add3A_1174 : i32
        %get3A = arith.constant 0 : i32
        %get3A_1176 = arith.index_cast %get3A : i32 to index
        %get3A_1177 = arith.index_cast %add3A_1175 : i32 to index
        %get3A_1178 = arith.constant 0 : index
        %get3A_1179 = tpu.vector_load %arg6[%get3A_1176, %get3A_1177, %get3A_1178] {strides = array<i32>} : memref<2x100x32xf32, #tpu.memory_space<vmem>>, vector<1x1x16xf32>,
        %get3A_1180 = vector.shape_cast %get3A_1179 : vector<1x1x16xf32> to vector<16xf32>
        %add3A_1181 = arith.addf %scan3A_1170, %get3A_1180 : vector<16xf32>
        %add3A_1182 = arith.constant 0 : i32
        %add3A_1183 = arith.addi %mul3A_1173, %add3A_1182 : i32
        %get3A_1184 = arith.constant 0 : i32
        %get3A_1185 = arith.index_cast %get3A_1184 : i32 to index
        %get3A_1186 = arith.index_cast %add3A_1183 : i32 to index
        %get3A_1187 = arith.constant 16 : index
        %get3A_1188 = tpu.vector_load %arg6[%get3A_1185, %get3A_1186, %get3A_1187] {strides = array<i32>} : memref<2x100x32xf32, #tpu.memory_space<vmem>>, vector<1x1x16xf32>,
        %get3A_1189 = vector.shape_cast %get3A_1188 : vector<1x1x16xf32> to vector<16xf32>
        %add3A_1190 = arith.addf %scan3A_1171, %get3A_1189 : vector<16xf32>
        %add3A_1191 = arith.constant 1 : i32
        %add3A_1192 = arith.addi %mul3A_1173, %add3A_1191 : i32
        %get3A_1193 = arith.constant 0 : i32
        %get3A_1194 = arith.index_cast %get3A_1193 : i32 to index
        %get3A_1195 = arith.index_cast %add3A_1192 : i32 to index
        %get3A_1196 = arith.constant 0 : index
        %get3A_1197 = tpu.vector_load %arg6[%get3A_1194, %get3A_1195, %get3A_1196] {strides = array<i32>} : memref<2x100x32xf32, #tpu.memory_space<vmem>>, vector<1x1x16xf32>,
        %get3A_1198 = vector.shape_cast %get3A_1197 : vector<1x1x16xf32> to vector<16xf32>
        %add3A_1199 = arith.addf %add3A_1181, %get3A_1198 : vector<16xf32>
        %add3A_1200 = arith.constant 1 : i32
        %add3A_1201 = arith.addi %mul3A_1173, %add3A_1200 : i32
        %get3A_1202 = arith.constant 0 : i32
        %get3A_1203 = arith.index_cast %get3A_1202 : i32 to index
        %get3A_1204 = arith.index_cast %add3A_1201 : i32 to index
        %get3A_1205 = arith.constant 16 : index
        %get3A_1206 = tpu.vector_load %arg6[%get3A_1203, %get3A_1204, %get3A_1205] {strides = array<i32>} : memref<2x100x32xf32, #tpu.memory_space<vmem>>, vector<1x1x16xf32>,
        %get3A_1207 = vector.shape_cast %get3A_1206 : vector<1x1x16xf32> to vector<16xf32>
        %add3A_1208 = arith.addf %add3A_1190, %get3A_1207 : vector<16xf32>
        %add3A_1209 = arith.constant 2 : i32
        %add3A_1210 = arith.addi %mul3A_1173, %add3A_1209 : i32
        %get3A_1211 = arith.constant 0 : i32
        %get3A_1212 = arith.index_cast %get3A_1211 : i32 to index
        %get3A_1213 = arith.index_cast %add3A_1210 : i32 to index
        %get3A_1214 = arith.constant 0 : index
        %get3A_1215 = tpu.vector_load %arg6[%get3A_1212, %get3A_1213, %get3A_1214] {strides = array<i32>} : memref<2x100x32xf32, #tpu.memory_space<vmem>>, vector<1x1x16xf32>,
        %get3A_1216 = vector.shape_cast %get3A_1215 : vector<1x1x16xf32> to vector<16xf32>
        %add3A_1217 = arith.addf %add3A_1199, %get3A_1216 : vector<16xf32>
        %add3A_1218 = arith.constant 2 : i32
        %add3A_1219 = arith.addi %mul3A_1173, %add3A_1218 : i32
        %get3A_1220 = arith.constant 0 : i32
        %get3A_1221 = arith.index_cast %get3A_1220 : i32 to index
        %get3A_1222 = arith.index_cast %add3A_1219 : i32 to index
        %get3A_1223 = arith.constant 16 : index
        %get3A_1224 = tpu.vector_load %arg6[%get3A_1221, %get3A_1222, %get3A_1223] {strides = array<i32>} : memref<2x100x32xf32, #tpu.memory_space<vmem>>, vector<1x1x16xf32>,
        %get3A_1225 = vector.shape_cast %get3A_1224 : vector<1x1x16xf32> to vector<16xf32>
        %add3A_1226 = arith.addf %add3A_1208, %get3A_1225 : vector<16xf32>
        %add3A_1227 = arith.constant 3 : i32
        %add3A_1228 = arith.addi %mul3A_1173, %add3A_1227 : i32
        %get3A_1229 = arith.constant 0 : i32
        %get3A_1230 = arith.index_cast %get3A_1229 : i32 to index
        %get3A_1231 = arith.index_cast %add3A_1228 : i32 to index
        %get3A_1232 = arith.constant 0 : index
        %get3A_1233 = tpu.vector_load %arg6[%get3A_1230, %get3A_1231, %get3A_1232] {strides = array<i32>} : memref<2x100x32xf32, #tpu.memory_space<vmem>>, vector<1x1x16xf32>,
        %get3A_1234 = vector.shape_cast %get3A_1233 : vector<1x1x16xf32> to vector<16xf32>
        %add3A_1235 = arith.addf %add3A_1217, %get3A_1234 : vector<16xf32>
        %add3A_1236 = arith.constant 3 : i32
        %add3A_1237 = arith.addi %mul3A_1173, %add3A_1236 : i32
        %get3A_1238 = arith.constant 0 : i32
        %get3A_1239 = arith.index_cast %get3A_1238 : i32 to index
        %get3A_1240 = arith.index_cast %add3A_1237 : i32 to index
        %get3A_1241 = arith.constant 16 : index
        %get3A_1242 = tpu.vector_load %arg6[%get3A_1239, %get3A_1240, %get3A_1241] {strides = array<i32>} : memref<2x100x32xf32, #tpu.memory_space<vmem>>, vector<1x1x16xf32>,
        %get3A_1243 = vector.shape_cast %get3A_1242 : vector<1x1x16xf32> to vector<16xf32>
        %add3A_1244 = arith.addf %add3A_1226, %get3A_1243 : vector<16xf32>
        scf.yield %add3A_1235, %add3A_1244 : vector<16xf32>, vector<16xf32>
      }
      %scan3A_989 = arith.constant 25 : i32
      %dma_start3A_990 = arith.constant 28 : i32
      %dma_start3A_991 = arith.constant 0 : i32
      %dma_start3A_992 = arith.constant 0 : i32
      %dma_start3A_993 = arith.constant 0 : i32
      %dma_start3A_994 = tpu.memref_slice %arg6[%dma_start3A_991, %dma_start3A_992, %dma_start3A_993] : memref<2x100x32xf32, #tpu.memory_space<vmem>> -> memref<1x100x32xf32, #tpu.memory_space<vmem>>
      %dma_start3A_995 = tpu.memref_squeeze %dma_start3A_994 : memref<1x100x32xf32, #tpu.memory_space<vmem>> -> memref<100x32xf32, #tpu.memory_space<vmem>>
      %dma_start3A_996 = arith.constant 0 : i32
      %dma_start3A_997 = tpu.memref_slice %arg5[%dma_start3A_990, %dma_start3A_996] : memref<32x100xi32, #tpu.memory_space<vmem>> -> memref<1x100xi32, #tpu.memory_space<vmem>>
      %dma_start3A_998 = tpu.memref_squeeze %dma_start3A_997 : memref<1x100xi32, #tpu.memory_space<vmem>> -> memref<100xi32, #tpu.memory_space<vmem>>
      %dma_start3A_999 = arith.constant 0 : i32
      %dma_start3A_1000 = arith.constant 0 : i32
      %dma_start3A_1001 = tpu.memref_slice %arg3[%dma_start3A_999, %dma_start3A_1000] : memref<1000000x32xf32, #tpu.memory_space<hbm>> -> memref<1000000x32xf32, #tpu.memory_space<hbm>>
      tpu.enqueue_indirect_dma source(%dma_start3A_1001 : memref<1000000x32xf32, #tpu.memory_space<hbm>>) target(%dma_start3A_995 : memref<100x32xf32, #tpu.memory_space<vmem>>) offsets(%dma_start3A_998 : memref<100xi32, #tpu.memory_space<vmem>>) semaphore(%arg8 : memref<!tpu.dma_semaphore, #tpu.memory_space<semaphore_mem>>)
      %dma_wait3A_1002 = arith.constant 27 : i32
      %dma_wait3A_1003 = arith.constant 1 : i32
      %dma_wait3A_1004 = arith.constant 0 : i32
      %dma_wait3A_1005 = arith.constant 0 : i32
      %dma_wait3A_1006 = tpu.memref_slice %arg6[%dma_wait3A_1003, %dma_wait3A_1004, %dma_wait3A_1005] : memref<2x100x32xf32, #tpu.memory_space<vmem>> -> memref<1x100x32xf32, #tpu.memory_space<vmem>>
      %dma_wait3A_1007 = tpu.memref_squeeze %dma_wait3A_1006 : memref<1x100x32xf32, #tpu.memory_space<vmem>> -> memref<100x32xf32, #tpu.memory_space<vmem>>
      %dma_wait3A_1008 = arith.constant 0 : i32
      %dma_wait3A_1009 = tpu.memref_slice %arg5[%dma_wait3A_1002, %dma_wait3A_1008] : memref<32x100xi32, #tpu.memory_space<vmem>> -> memref<1x100xi32, #tpu.memory_space<vmem>>
      %dma_wait3A_1010 = tpu.memref_squeeze %dma_wait3A_1009 : memref<1x100xi32, #tpu.memory_space<vmem>> -> memref<100xi32, #tpu.memory_space<vmem>>
      %dma_wait3A_1011 = arith.constant 0 : i32
      %dma_wait3A_1012 = arith.constant 0 : i32
      %dma_wait3A_1013 = tpu.memref_slice %arg3[%dma_wait3A_1011, %dma_wait3A_1012] : memref<1000000x32xf32, #tpu.memory_space<hbm>> -> memref<1000000x32xf32, #tpu.memory_space<hbm>>
      tpu.wait_indirect_dma semaphore(%arg9 : memref<!tpu.dma_semaphore, #tpu.memory_space<semaphore_mem>>) src(%dma_wait3A_1013 : memref<1000000x32xf32, #tpu.memory_space<hbm>>) dst(%dma_wait3A_1007 : memref<100x32xf32, #tpu.memory_space<vmem>>)
      %scan3A_1014 = arith.constant 0 : i32
      %scan3A_1015 = arith.constant 25 : i32
      %scan3A_1016 = arith.addi %scan3A_1014, %scan3A_1015 : i32
      %scan3A_1017 = arith.constant 1 : i32
      %scan3A_1018:2 = scf.for %scan3A_1169 = %scan3A_1014 to %scan3A_1016 step %scan3A_1017 iter_args(%scan3A_1170 = %scan3A_988#0, %scan3A_1171 = %scan3A_988#1) -> (vector<16xf32>, vector<16xf32>)  : i32 {
        %mul3A_1172 = arith.constant 4 : i32
        %mul3A_1173 = arith.muli %scan3A_1169, %mul3A_1172 : i32
        %add3A_1174 = arith.constant 0 : i32
        %add3A_1175 = arith.addi %mul3A_1173, %add3A_1174 : i32
        %get3A = arith.constant 1 : i32
        %get3A_1176 = arith.index_cast %get3A : i32 to index
        %get3A_1177 = arith.index_cast %add3A_1175 : i32 to index
        %get3A_1178 = arith.constant 0 : index
        %get3A_1179 = tpu.vector_load %arg6[%get3A_1176, %get3A_1177, %get3A_1178] {strides = array<i32>} : memref<2x100x32xf32, #tpu.memory_space<vmem>>, vector<1x1x16xf32>,
        %get3A_1180 = vector.shape_cast %get3A_1179 : vector<1x1x16xf32> to vector<16xf32>
        %add3A_1181 = arith.addf %scan3A_1170, %get3A_1180 : vector<16xf32>
        %add3A_1182 = arith.constant 0 : i32
        %add3A_1183 = arith.addi %mul3A_1173, %add3A_1182 : i32
        %get3A_1184 = arith.constant 1 : i32
        %get3A_1185 = arith.index_cast %get3A_1184 : i32 to index
        %get3A_1186 = arith.index_cast %add3A_1183 : i32 to index
        %get3A_1187 = arith.constant 16 : index
        %get3A_1188 = tpu.vector_load %arg6[%get3A_1185, %get3A_1186, %get3A_1187] {strides = array<i32>} : memref<2x100x32xf32, #tpu.memory_space<vmem>>, vector<1x1x16xf32>,
        %get3A_1189 = vector.shape_cast %get3A_1188 : vector<1x1x16xf32> to vector<16xf32>
        %add3A_1190 = arith.addf %scan3A_1171, %get3A_1189 : vector<16xf32>
        %add3A_1191 = arith.constant 1 : i32
        %add3A_1192 = arith.addi %mul3A_1173, %add3A_1191 : i32
        %get3A_1193 = arith.constant 1 : i32
        %get3A_1194 = arith.index_cast %get3A_1193 : i32 to index
        %get3A_1195 = arith.index_cast %add3A_1192 : i32 to index
        %get3A_1196 = arith.constant 0 : index
        %get3A_1197 = tpu.vector_load %arg6[%get3A_1194, %get3A_1195, %get3A_1196] {strides = array<i32>} : memref<2x100x32xf32, #tpu.memory_space<vmem>>, vector<1x1x16xf32>,
        %get3A_1198 = vector.shape_cast %get3A_1197 : vector<1x1x16xf32> to vector<16xf32>
        %add3A_1199 = arith.addf %add3A_1181, %get3A_1198 : vector<16xf32>
        %add3A_1200 = arith.constant 1 : i32
        %add3A_1201 = arith.addi %mul3A_1173, %add3A_1200 : i32
        %get3A_1202 = arith.constant 1 : i32
        %get3A_1203 = arith.index_cast %get3A_1202 : i32 to index
        %get3A_1204 = arith.index_cast %add3A_1201 : i32 to index
        %get3A_1205 = arith.constant 16 : index
        %get3A_1206 = tpu.vector_load %arg6[%get3A_1203, %get3A_1204, %get3A_1205] {strides = array<i32>} : memref<2x100x32xf32, #tpu.memory_space<vmem>>, vector<1x1x16xf32>,
        %get3A_1207 = vector.shape_cast %get3A_1206 : vector<1x1x16xf32> to vector<16xf32>
        %add3A_1208 = arith.addf %add3A_1190, %get3A_1207 : vector<16xf32>
        %add3A_1209 = arith.constant 2 : i32
        %add3A_1210 = arith.addi %mul3A_1173, %add3A_1209 : i32
        %get3A_1211 = arith.constant 1 : i32
        %get3A_1212 = arith.index_cast %get3A_1211 : i32 to index
        %get3A_1213 = arith.index_cast %add3A_1210 : i32 to index
        %get3A_1214 = arith.constant 0 : index
        %get3A_1215 = tpu.vector_load %arg6[%get3A_1212, %get3A_1213, %get3A_1214] {strides = array<i32>} : memref<2x100x32xf32, #tpu.memory_space<vmem>>, vector<1x1x16xf32>,
        %get3A_1216 = vector.shape_cast %get3A_1215 : vector<1x1x16xf32> to vector<16xf32>
        %add3A_1217 = arith.addf %add3A_1199, %get3A_1216 : vector<16xf32>
        %add3A_1218 = arith.constant 2 : i32
        %add3A_1219 = arith.addi %mul3A_1173, %add3A_1218 : i32
        %get3A_1220 = arith.constant 1 : i32
        %get3A_1221 = arith.index_cast %get3A_1220 : i32 to index
        %get3A_1222 = arith.index_cast %add3A_1219 : i32 to index
        %get3A_1223 = arith.constant 16 : index
        %get3A_1224 = tpu.vector_load %arg6[%get3A_1221, %get3A_1222, %get3A_1223] {strides = array<i32>} : memref<2x100x32xf32, #tpu.memory_space<vmem>>, vector<1x1x16xf32>,
        %get3A_1225 = vector.shape_cast %get3A_1224 : vector<1x1x16xf32> to vector<16xf32>
        %add3A_1226 = arith.addf %add3A_1208, %get3A_1225 : vector<16xf32>
        %add3A_1227 = arith.constant 3 : i32
        %add3A_1228 = arith.addi %mul3A_1173, %add3A_1227 : i32
        %get3A_1229 = arith.constant 1 : i32
        %get3A_1230 = arith.index_cast %get3A_1229 : i32 to index
        %get3A_1231 = arith.index_cast %add3A_1228 : i32 to index
        %get3A_1232 = arith.constant 0 : index
        %get3A_1233 = tpu.vector_load %arg6[%get3A_1230, %get3A_1231, %get3A_1232] {strides = array<i32>} : memref<2x100x32xf32, #tpu.memory_space<vmem>>, vector<1x1x16xf32>,
        %get3A_1234 = vector.shape_cast %get3A_1233 : vector<1x1x16xf32> to vector<16xf32>
        %add3A_1235 = arith.addf %add3A_1217, %get3A_1234 : vector<16xf32>
        %add3A_1236 = arith.constant 3 : i32
        %add3A_1237 = arith.addi %mul3A_1173, %add3A_1236 : i32
        %get3A_1238 = arith.constant 1 : i32
        %get3A_1239 = arith.index_cast %get3A_1238 : i32 to index
        %get3A_1240 = arith.index_cast %add3A_1237 : i32 to index
        %get3A_1241 = arith.constant 16 : index
        %get3A_1242 = tpu.vector_load %arg6[%get3A_1239, %get3A_1240, %get3A_1241] {strides = array<i32>} : memref<2x100x32xf32, #tpu.memory_space<vmem>>, vector<1x1x16xf32>,
        %get3A_1243 = vector.shape_cast %get3A_1242 : vector<1x1x16xf32> to vector<16xf32>
        %add3A_1244 = arith.addf %add3A_1226, %get3A_1243 : vector<16xf32>
        scf.yield %add3A_1235, %add3A_1244 : vector<16xf32>, vector<16xf32>
      }
      %scan3A_1019 = arith.constant 25 : i32
      %swap3A_1020 = arith.constant 416 : index
      %swap3A_1021 = tpu.vector_load %arg7[%swap3A_1020] {strides = array<i32>} : memref<512xf32, #tpu.memory_space<vmem>>, vector<16xf32>,
      %swap3A_1022 = vector.shape_cast %swap3A_1021 : vector<16xf32> to vector<16xf32>
      %swap3A_1023 = vector.shape_cast %scan3A_1018#0 : vector<16xf32> to vector<16xf32>
      tpu.vector_store %arg7[%swap3A_1020], %swap3A_1023 {strides = array<i32>} : memref<512xf32, #tpu.memory_space<vmem>>, vector<16xf32>,
      %swap3A_1024 = arith.constant 432 : index
      %swap3A_1025 = tpu.vector_load %arg7[%swap3A_1024] {strides = array<i32>} : memref<512xf32, #tpu.memory_space<vmem>>, vector<16xf32>,
      %swap3A_1026 = vector.shape_cast %swap3A_1025 : vector<16xf32> to vector<16xf32>
      %swap3A_1027 = vector.shape_cast %scan3A_1018#1 : vector<16xf32> to vector<16xf32>
      tpu.vector_store %arg7[%swap3A_1024], %swap3A_1027 {strides = array<i32>} : memref<512xf32, #tpu.memory_space<vmem>>, vector<16xf32>,
      %dma_start3A_1028 = arith.constant 29 : i32
      %dma_start3A_1029 = arith.constant 1 : i32
      %dma_start3A_1030 = arith.constant 0 : i32
      %dma_start3A_1031 = arith.constant 0 : i32
      %dma_start3A_1032 = tpu.memref_slice %arg6[%dma_start3A_1029, %dma_start3A_1030, %dma_start3A_1031] : memref<2x100x32xf32, #tpu.memory_space<vmem>> -> memref<1x100x32xf32, #tpu.memory_space<vmem>>
      %dma_start3A_1033 = tpu.memref_squeeze %dma_start3A_1032 : memref<1x100x32xf32, #tpu.memory_space<vmem>> -> memref<100x32xf32, #tpu.memory_space<vmem>>
      %dma_start3A_1034 = arith.constant 0 : i32
      %dma_start3A_1035 = tpu.memref_slice %arg5[%dma_start3A_1028, %dma_start3A_1034] : memref<32x100xi32, #tpu.memory_space<vmem>> -> memref<1x100xi32, #tpu.memory_space<vmem>>
      %dma_start3A_1036 = tpu.memref_squeeze %dma_start3A_1035 : memref<1x100xi32, #tpu.memory_space<vmem>> -> memref<100xi32, #tpu.memory_space<vmem>>
      %dma_start3A_1037 = arith.constant 0 : i32
      %dma_start3A_1038 = arith.constant 0 : i32
      %dma_start3A_1039 = tpu.memref_slice %arg3[%dma_start3A_1037, %dma_start3A_1038] : memref<1000000x32xf32, #tpu.memory_space<hbm>> -> memref<1000000x32xf32, #tpu.memory_space<hbm>>
      tpu.enqueue_indirect_dma source(%dma_start3A_1039 : memref<1000000x32xf32, #tpu.memory_space<hbm>>) target(%dma_start3A_1033 : memref<100x32xf32, #tpu.memory_space<vmem>>) offsets(%dma_start3A_1036 : memref<100xi32, #tpu.memory_space<vmem>>) semaphore(%arg9 : memref<!tpu.dma_semaphore, #tpu.memory_space<semaphore_mem>>)
      %dma_wait3A_1040 = arith.constant 28 : i32
      %dma_wait3A_1041 = arith.constant 0 : i32
      %dma_wait3A_1042 = arith.constant 0 : i32
      %dma_wait3A_1043 = arith.constant 0 : i32
      %dma_wait3A_1044 = tpu.memref_slice %arg6[%dma_wait3A_1041, %dma_wait3A_1042, %dma_wait3A_1043] : memref<2x100x32xf32, #tpu.memory_space<vmem>> -> memref<1x100x32xf32, #tpu.memory_space<vmem>>
      %dma_wait3A_1045 = tpu.memref_squeeze %dma_wait3A_1044 : memref<1x100x32xf32, #tpu.memory_space<vmem>> -> memref<100x32xf32, #tpu.memory_space<vmem>>
      %dma_wait3A_1046 = arith.constant 0 : i32
      %dma_wait3A_1047 = tpu.memref_slice %arg5[%dma_wait3A_1040, %dma_wait3A_1046] : memref<32x100xi32, #tpu.memory_space<vmem>> -> memref<1x100xi32, #tpu.memory_space<vmem>>
      %dma_wait3A_1048 = tpu.memref_squeeze %dma_wait3A_1047 : memref<1x100xi32, #tpu.memory_space<vmem>> -> memref<100xi32, #tpu.memory_space<vmem>>
      %dma_wait3A_1049 = arith.constant 0 : i32
      %dma_wait3A_1050 = arith.constant 0 : i32
      %dma_wait3A_1051 = tpu.memref_slice %arg3[%dma_wait3A_1049, %dma_wait3A_1050] : memref<1000000x32xf32, #tpu.memory_space<hbm>> -> memref<1000000x32xf32, #tpu.memory_space<hbm>>
      tpu.wait_indirect_dma semaphore(%arg8 : memref<!tpu.dma_semaphore, #tpu.memory_space<semaphore_mem>>) src(%dma_wait3A_1051 : memref<1000000x32xf32, #tpu.memory_space<hbm>>) dst(%dma_wait3A_1045 : memref<100x32xf32, #tpu.memory_space<vmem>>)
      %broadcast_in_dim3A_1052 = arith.constant 0.000000e+00 : f32
      %broadcast_in_dim3A_1053 = vector.broadcast %broadcast_in_dim3A_1052 : f32 to vector<16xf32>
      %broadcast_in_dim3A_1054 = arith.constant 0.000000e+00 : f32
      %broadcast_in_dim3A_1055 = vector.broadcast %broadcast_in_dim3A_1054 : f32 to vector<16xf32>
      %scan3A_1056 = arith.constant 0 : i32
      %scan3A_1057 = arith.constant 25 : i32
      %scan3A_1058 = arith.addi %scan3A_1056, %scan3A_1057 : i32
      %scan3A_1059 = arith.constant 1 : i32
      %scan3A_1060:2 = scf.for %scan3A_1169 = %scan3A_1056 to %scan3A_1058 step %scan3A_1059 iter_args(%scan3A_1170 = %broadcast_in_dim3A_1053, %scan3A_1171 = %broadcast_in_dim3A_1055) -> (vector<16xf32>, vector<16xf32>)  : i32 {
        %mul3A_1172 = arith.constant 4 : i32
        %mul3A_1173 = arith.muli %scan3A_1169, %mul3A_1172 : i32
        %add3A_1174 = arith.constant 0 : i32
        %add3A_1175 = arith.addi %mul3A_1173, %add3A_1174 : i32
        %get3A = arith.constant 0 : i32
        %get3A_1176 = arith.index_cast %get3A : i32 to index
        %get3A_1177 = arith.index_cast %add3A_1175 : i32 to index
        %get3A_1178 = arith.constant 0 : index
        %get3A_1179 = tpu.vector_load %arg6[%get3A_1176, %get3A_1177, %get3A_1178] {strides = array<i32>} : memref<2x100x32xf32, #tpu.memory_space<vmem>>, vector<1x1x16xf32>,
        %get3A_1180 = vector.shape_cast %get3A_1179 : vector<1x1x16xf32> to vector<16xf32>
        %add3A_1181 = arith.addf %scan3A_1170, %get3A_1180 : vector<16xf32>
        %add3A_1182 = arith.constant 0 : i32
        %add3A_1183 = arith.addi %mul3A_1173, %add3A_1182 : i32
        %get3A_1184 = arith.constant 0 : i32
        %get3A_1185 = arith.index_cast %get3A_1184 : i32 to index
        %get3A_1186 = arith.index_cast %add3A_1183 : i32 to index
        %get3A_1187 = arith.constant 16 : index
        %get3A_1188 = tpu.vector_load %arg6[%get3A_1185, %get3A_1186, %get3A_1187] {strides = array<i32>} : memref<2x100x32xf32, #tpu.memory_space<vmem>>, vector<1x1x16xf32>,
        %get3A_1189 = vector.shape_cast %get3A_1188 : vector<1x1x16xf32> to vector<16xf32>
        %add3A_1190 = arith.addf %scan3A_1171, %get3A_1189 : vector<16xf32>
        %add3A_1191 = arith.constant 1 : i32
        %add3A_1192 = arith.addi %mul3A_1173, %add3A_1191 : i32
        %get3A_1193 = arith.constant 0 : i32
        %get3A_1194 = arith.index_cast %get3A_1193 : i32 to index
        %get3A_1195 = arith.index_cast %add3A_1192 : i32 to index
        %get3A_1196 = arith.constant 0 : index
        %get3A_1197 = tpu.vector_load %arg6[%get3A_1194, %get3A_1195, %get3A_1196] {strides = array<i32>} : memref<2x100x32xf32, #tpu.memory_space<vmem>>, vector<1x1x16xf32>,
        %get3A_1198 = vector.shape_cast %get3A_1197 : vector<1x1x16xf32> to vector<16xf32>
        %add3A_1199 = arith.addf %add3A_1181, %get3A_1198 : vector<16xf32>
        %add3A_1200 = arith.constant 1 : i32
        %add3A_1201 = arith.addi %mul3A_1173, %add3A_1200 : i32
        %get3A_1202 = arith.constant 0 : i32
        %get3A_1203 = arith.index_cast %get3A_1202 : i32 to index
        %get3A_1204 = arith.index_cast %add3A_1201 : i32 to index
        %get3A_1205 = arith.constant 16 : index
        %get3A_1206 = tpu.vector_load %arg6[%get3A_1203, %get3A_1204, %get3A_1205] {strides = array<i32>} : memref<2x100x32xf32, #tpu.memory_space<vmem>>, vector<1x1x16xf32>,
        %get3A_1207 = vector.shape_cast %get3A_1206 : vector<1x1x16xf32> to vector<16xf32>
        %add3A_1208 = arith.addf %add3A_1190, %get3A_1207 : vector<16xf32>
        %add3A_1209 = arith.constant 2 : i32
        %add3A_1210 = arith.addi %mul3A_1173, %add3A_1209 : i32
        %get3A_1211 = arith.constant 0 : i32
        %get3A_1212 = arith.index_cast %get3A_1211 : i32 to index
        %get3A_1213 = arith.index_cast %add3A_1210 : i32 to index
        %get3A_1214 = arith.constant 0 : index
        %get3A_1215 = tpu.vector_load %arg6[%get3A_1212, %get3A_1213, %get3A_1214] {strides = array<i32>} : memref<2x100x32xf32, #tpu.memory_space<vmem>>, vector<1x1x16xf32>,
        %get3A_1216 = vector.shape_cast %get3A_1215 : vector<1x1x16xf32> to vector<16xf32>
        %add3A_1217 = arith.addf %add3A_1199, %get3A_1216 : vector<16xf32>
        %add3A_1218 = arith.constant 2 : i32
        %add3A_1219 = arith.addi %mul3A_1173, %add3A_1218 : i32
        %get3A_1220 = arith.constant 0 : i32
        %get3A_1221 = arith.index_cast %get3A_1220 : i32 to index
        %get3A_1222 = arith.index_cast %add3A_1219 : i32 to index
        %get3A_1223 = arith.constant 16 : index
        %get3A_1224 = tpu.vector_load %arg6[%get3A_1221, %get3A_1222, %get3A_1223] {strides = array<i32>} : memref<2x100x32xf32, #tpu.memory_space<vmem>>, vector<1x1x16xf32>,
        %get3A_1225 = vector.shape_cast %get3A_1224 : vector<1x1x16xf32> to vector<16xf32>
        %add3A_1226 = arith.addf %add3A_1208, %get3A_1225 : vector<16xf32>
        %add3A_1227 = arith.constant 3 : i32
        %add3A_1228 = arith.addi %mul3A_1173, %add3A_1227 : i32
        %get3A_1229 = arith.constant 0 : i32
        %get3A_1230 = arith.index_cast %get3A_1229 : i32 to index
        %get3A_1231 = arith.index_cast %add3A_1228 : i32 to index
        %get3A_1232 = arith.constant 0 : index
        %get3A_1233 = tpu.vector_load %arg6[%get3A_1230, %get3A_1231, %get3A_1232] {strides = array<i32>} : memref<2x100x32xf32, #tpu.memory_space<vmem>>, vector<1x1x16xf32>,
        %get3A_1234 = vector.shape_cast %get3A_1233 : vector<1x1x16xf32> to vector<16xf32>
        %add3A_1235 = arith.addf %add3A_1217, %get3A_1234 : vector<16xf32>
        %add3A_1236 = arith.constant 3 : i32
        %add3A_1237 = arith.addi %mul3A_1173, %add3A_1236 : i32
        %get3A_1238 = arith.constant 0 : i32
        %get3A_1239 = arith.index_cast %get3A_1238 : i32 to index
        %get3A_1240 = arith.index_cast %add3A_1237 : i32 to index
        %get3A_1241 = arith.constant 16 : index
        %get3A_1242 = tpu.vector_load %arg6[%get3A_1239, %get3A_1240, %get3A_1241] {strides = array<i32>} : memref<2x100x32xf32, #tpu.memory_space<vmem>>, vector<1x1x16xf32>,
        %get3A_1243 = vector.shape_cast %get3A_1242 : vector<1x1x16xf32> to vector<16xf32>
        %add3A_1244 = arith.addf %add3A_1226, %get3A_1243 : vector<16xf32>
        scf.yield %add3A_1235, %add3A_1244 : vector<16xf32>, vector<16xf32>
      }
      %scan3A_1061 = arith.constant 25 : i32
      %dma_start3A_1062 = arith.constant 30 : i32
      %dma_start3A_1063 = arith.constant 0 : i32
      %dma_start3A_1064 = arith.constant 0 : i32
      %dma_start3A_1065 = arith.constant 0 : i32
      %dma_start3A_1066 = tpu.memref_slice %arg6[%dma_start3A_1063, %dma_start3A_1064, %dma_start3A_1065] : memref<2x100x32xf32, #tpu.memory_space<vmem>> -> memref<1x100x32xf32, #tpu.memory_space<vmem>>
      %dma_start3A_1067 = tpu.memref_squeeze %dma_start3A_1066 : memref<1x100x32xf32, #tpu.memory_space<vmem>> -> memref<100x32xf32, #tpu.memory_space<vmem>>
      %dma_start3A_1068 = arith.constant 0 : i32
      %dma_start3A_1069 = tpu.memref_slice %arg5[%dma_start3A_1062, %dma_start3A_1068] : memref<32x100xi32, #tpu.memory_space<vmem>> -> memref<1x100xi32, #tpu.memory_space<vmem>>
      %dma_start3A_1070 = tpu.memref_squeeze %dma_start3A_1069 : memref<1x100xi32, #tpu.memory_space<vmem>> -> memref<100xi32, #tpu.memory_space<vmem>>
      %dma_start3A_1071 = arith.constant 0 : i32
      %dma_start3A_1072 = arith.constant 0 : i32
      %dma_start3A_1073 = tpu.memref_slice %arg3[%dma_start3A_1071, %dma_start3A_1072] : memref<1000000x32xf32, #tpu.memory_space<hbm>> -> memref<1000000x32xf32, #tpu.memory_space<hbm>>
      tpu.enqueue_indirect_dma source(%dma_start3A_1073 : memref<1000000x32xf32, #tpu.memory_space<hbm>>) target(%dma_start3A_1067 : memref<100x32xf32, #tpu.memory_space<vmem>>) offsets(%dma_start3A_1070 : memref<100xi32, #tpu.memory_space<vmem>>) semaphore(%arg8 : memref<!tpu.dma_semaphore, #tpu.memory_space<semaphore_mem>>)
      %dma_wait3A_1074 = arith.constant 29 : i32
      %dma_wait3A_1075 = arith.constant 1 : i32
      %dma_wait3A_1076 = arith.constant 0 : i32
      %dma_wait3A_1077 = arith.constant 0 : i32
      %dma_wait3A_1078 = tpu.memref_slice %arg6[%dma_wait3A_1075, %dma_wait3A_1076, %dma_wait3A_1077] : memref<2x100x32xf32, #tpu.memory_space<vmem>> -> memref<1x100x32xf32, #tpu.memory_space<vmem>>
      %dma_wait3A_1079 = tpu.memref_squeeze %dma_wait3A_1078 : memref<1x100x32xf32, #tpu.memory_space<vmem>> -> memref<100x32xf32, #tpu.memory_space<vmem>>
      %dma_wait3A_1080 = arith.constant 0 : i32
      %dma_wait3A_1081 = tpu.memref_slice %arg5[%dma_wait3A_1074, %dma_wait3A_1080] : memref<32x100xi32, #tpu.memory_space<vmem>> -> memref<1x100xi32, #tpu.memory_space<vmem>>
      %dma_wait3A_1082 = tpu.memref_squeeze %dma_wait3A_1081 : memref<1x100xi32, #tpu.memory_space<vmem>> -> memref<100xi32, #tpu.memory_space<vmem>>
      %dma_wait3A_1083 = arith.constant 0 : i32
      %dma_wait3A_1084 = arith.constant 0 : i32
      %dma_wait3A_1085 = tpu.memref_slice %arg3[%dma_wait3A_1083, %dma_wait3A_1084] : memref<1000000x32xf32, #tpu.memory_space<hbm>> -> memref<1000000x32xf32, #tpu.memory_space<hbm>>
      tpu.wait_indirect_dma semaphore(%arg9 : memref<!tpu.dma_semaphore, #tpu.memory_space<semaphore_mem>>) src(%dma_wait3A_1085 : memref<1000000x32xf32, #tpu.memory_space<hbm>>) dst(%dma_wait3A_1079 : memref<100x32xf32, #tpu.memory_space<vmem>>)
      %scan3A_1086 = arith.constant 0 : i32
      %scan3A_1087 = arith.constant 25 : i32
      %scan3A_1088 = arith.addi %scan3A_1086, %scan3A_1087 : i32
      %scan3A_1089 = arith.constant 1 : i32
      %scan3A_1090:2 = scf.for %scan3A_1169 = %scan3A_1086 to %scan3A_1088 step %scan3A_1089 iter_args(%scan3A_1170 = %scan3A_1060#0, %scan3A_1171 = %scan3A_1060#1) -> (vector<16xf32>, vector<16xf32>)  : i32 {
        %mul3A_1172 = arith.constant 4 : i32
        %mul3A_1173 = arith.muli %scan3A_1169, %mul3A_1172 : i32
        %add3A_1174 = arith.constant 0 : i32
        %add3A_1175 = arith.addi %mul3A_1173, %add3A_1174 : i32
        %get3A = arith.constant 1 : i32
        %get3A_1176 = arith.index_cast %get3A : i32 to index
        %get3A_1177 = arith.index_cast %add3A_1175 : i32 to index
        %get3A_1178 = arith.constant 0 : index
        %get3A_1179 = tpu.vector_load %arg6[%get3A_1176, %get3A_1177, %get3A_1178] {strides = array<i32>} : memref<2x100x32xf32, #tpu.memory_space<vmem>>, vector<1x1x16xf32>,
        %get3A_1180 = vector.shape_cast %get3A_1179 : vector<1x1x16xf32> to vector<16xf32>
        %add3A_1181 = arith.addf %scan3A_1170, %get3A_1180 : vector<16xf32>
        %add3A_1182 = arith.constant 0 : i32
        %add3A_1183 = arith.addi %mul3A_1173, %add3A_1182 : i32
        %get3A_1184 = arith.constant 1 : i32
        %get3A_1185 = arith.index_cast %get3A_1184 : i32 to index
        %get3A_1186 = arith.index_cast %add3A_1183 : i32 to index
        %get3A_1187 = arith.constant 16 : index
        %get3A_1188 = tpu.vector_load %arg6[%get3A_1185, %get3A_1186, %get3A_1187] {strides = array<i32>} : memref<2x100x32xf32, #tpu.memory_space<vmem>>, vector<1x1x16xf32>,
        %get3A_1189 = vector.shape_cast %get3A_1188 : vector<1x1x16xf32> to vector<16xf32>
        %add3A_1190 = arith.addf %scan3A_1171, %get3A_1189 : vector<16xf32>
        %add3A_1191 = arith.constant 1 : i32
        %add3A_1192 = arith.addi %mul3A_1173, %add3A_1191 : i32
        %get3A_1193 = arith.constant 1 : i32
        %get3A_1194 = arith.index_cast %get3A_1193 : i32 to index
        %get3A_1195 = arith.index_cast %add3A_1192 : i32 to index
        %get3A_1196 = arith.constant 0 : index
        %get3A_1197 = tpu.vector_load %arg6[%get3A_1194, %get3A_1195, %get3A_1196] {strides = array<i32>} : memref<2x100x32xf32, #tpu.memory_space<vmem>>, vector<1x1x16xf32>,
        %get3A_1198 = vector.shape_cast %get3A_1197 : vector<1x1x16xf32> to vector<16xf32>
        %add3A_1199 = arith.addf %add3A_1181, %get3A_1198 : vector<16xf32>
        %add3A_1200 = arith.constant 1 : i32
        %add3A_1201 = arith.addi %mul3A_1173, %add3A_1200 : i32
        %get3A_1202 = arith.constant 1 : i32
        %get3A_1203 = arith.index_cast %get3A_1202 : i32 to index
        %get3A_1204 = arith.index_cast %add3A_1201 : i32 to index
        %get3A_1205 = arith.constant 16 : index
        %get3A_1206 = tpu.vector_load %arg6[%get3A_1203, %get3A_1204, %get3A_1205] {strides = array<i32>} : memref<2x100x32xf32, #tpu.memory_space<vmem>>, vector<1x1x16xf32>,
        %get3A_1207 = vector.shape_cast %get3A_1206 : vector<1x1x16xf32> to vector<16xf32>
        %add3A_1208 = arith.addf %add3A_1190, %get3A_1207 : vector<16xf32>
        %add3A_1209 = arith.constant 2 : i32
        %add3A_1210 = arith.addi %mul3A_1173, %add3A_1209 : i32
        %get3A_1211 = arith.constant 1 : i32
        %get3A_1212 = arith.index_cast %get3A_1211 : i32 to index
        %get3A_1213 = arith.index_cast %add3A_1210 : i32 to index
        %get3A_1214 = arith.constant 0 : index
        %get3A_1215 = tpu.vector_load %arg6[%get3A_1212, %get3A_1213, %get3A_1214] {strides = array<i32>} : memref<2x100x32xf32, #tpu.memory_space<vmem>>, vector<1x1x16xf32>,
        %get3A_1216 = vector.shape_cast %get3A_1215 : vector<1x1x16xf32> to vector<16xf32>
        %add3A_1217 = arith.addf %add3A_1199, %get3A_1216 : vector<16xf32>
        %add3A_1218 = arith.constant 2 : i32
        %add3A_1219 = arith.addi %mul3A_1173, %add3A_1218 : i32
        %get3A_1220 = arith.constant 1 : i32
        %get3A_1221 = arith.index_cast %get3A_1220 : i32 to index
        %get3A_1222 = arith.index_cast %add3A_1219 : i32 to index
        %get3A_1223 = arith.constant 16 : index
        %get3A_1224 = tpu.vector_load %arg6[%get3A_1221, %get3A_1222, %get3A_1223] {strides = array<i32>} : memref<2x100x32xf32, #tpu.memory_space<vmem>>, vector<1x1x16xf32>,
        %get3A_1225 = vector.shape_cast %get3A_1224 : vector<1x1x16xf32> to vector<16xf32>
        %add3A_1226 = arith.addf %add3A_1208, %get3A_1225 : vector<16xf32>
        %add3A_1227 = arith.constant 3 : i32
        %add3A_1228 = arith.addi %mul3A_1173, %add3A_1227 : i32
        %get3A_1229 = arith.constant 1 : i32
        %get3A_1230 = arith.index_cast %get3A_1229 : i32 to index
        %get3A_1231 = arith.index_cast %add3A_1228 : i32 to index
        %get3A_1232 = arith.constant 0 : index
        %get3A_1233 = tpu.vector_load %arg6[%get3A_1230, %get3A_1231, %get3A_1232] {strides = array<i32>} : memref<2x100x32xf32, #tpu.memory_space<vmem>>, vector<1x1x16xf32>,
        %get3A_1234 = vector.shape_cast %get3A_1233 : vector<1x1x16xf32> to vector<16xf32>
        %add3A_1235 = arith.addf %add3A_1217, %get3A_1234 : vector<16xf32>
        %add3A_1236 = arith.constant 3 : i32
        %add3A_1237 = arith.addi %mul3A_1173, %add3A_1236 : i32
        %get3A_1238 = arith.constant 1 : i32
        %get3A_1239 = arith.index_cast %get3A_1238 : i32 to index
        %get3A_1240 = arith.index_cast %add3A_1237 : i32 to index
        %get3A_1241 = arith.constant 16 : index
        %get3A_1242 = tpu.vector_load %arg6[%get3A_1239, %get3A_1240, %get3A_1241] {strides = array<i32>} : memref<2x100x32xf32, #tpu.memory_space<vmem>>, vector<1x1x16xf32>,
        %get3A_1243 = vector.shape_cast %get3A_1242 : vector<1x1x16xf32> to vector<16xf32>
        %add3A_1244 = arith.addf %add3A_1226, %get3A_1243 : vector<16xf32>
        scf.yield %add3A_1235, %add3A_1244 : vector<16xf32>, vector<16xf32>
      }
      %scan3A_1091 = arith.constant 25 : i32
      %swap3A_1092 = arith.constant 448 : index
      %swap3A_1093 = tpu.vector_load %arg7[%swap3A_1092] {strides = array<i32>} : memref<512xf32, #tpu.memory_space<vmem>>, vector<16xf32>,
      %swap3A_1094 = vector.shape_cast %swap3A_1093 : vector<16xf32> to vector<16xf32>
      %swap3A_1095 = vector.shape_cast %scan3A_1090#0 : vector<16xf32> to vector<16xf32>
      tpu.vector_store %arg7[%swap3A_1092], %swap3A_1095 {strides = array<i32>} : memref<512xf32, #tpu.memory_space<vmem>>, vector<16xf32>,
      %swap3A_1096 = arith.constant 464 : index
      %swap3A_1097 = tpu.vector_load %arg7[%swap3A_1096] {strides = array<i32>} : memref<512xf32, #tpu.memory_space<vmem>>, vector<16xf32>,
      %swap3A_1098 = vector.shape_cast %swap3A_1097 : vector<16xf32> to vector<16xf32>
      %swap3A_1099 = vector.shape_cast %scan3A_1090#1 : vector<16xf32> to vector<16xf32>
      tpu.vector_store %arg7[%swap3A_1096], %swap3A_1099 {strides = array<i32>} : memref<512xf32, #tpu.memory_space<vmem>>, vector<16xf32>,
      %dma_start3A_1100 = arith.constant 31 : i32
      %dma_start3A_1101 = arith.constant 1 : i32
      %dma_start3A_1102 = arith.constant 0 : i32
      %dma_start3A_1103 = arith.constant 0 : i32
      %dma_start3A_1104 = tpu.memref_slice %arg6[%dma_start3A_1101, %dma_start3A_1102, %dma_start3A_1103] : memref<2x100x32xf32, #tpu.memory_space<vmem>> -> memref<1x100x32xf32, #tpu.memory_space<vmem>>
      %dma_start3A_1105 = tpu.memref_squeeze %dma_start3A_1104 : memref<1x100x32xf32, #tpu.memory_space<vmem>> -> memref<100x32xf32, #tpu.memory_space<vmem>>
      %dma_start3A_1106 = arith.constant 0 : i32
      %dma_start3A_1107 = tpu.memref_slice %arg5[%dma_start3A_1100, %dma_start3A_1106] : memref<32x100xi32, #tpu.memory_space<vmem>> -> memref<1x100xi32, #tpu.memory_space<vmem>>
      %dma_start3A_1108 = tpu.memref_squeeze %dma_start3A_1107 : memref<1x100xi32, #tpu.memory_space<vmem>> -> memref<100xi32, #tpu.memory_space<vmem>>
      %dma_start3A_1109 = arith.constant 0 : i32
      %dma_start3A_1110 = arith.constant 0 : i32
      %dma_start3A_1111 = tpu.memref_slice %arg3[%dma_start3A_1109, %dma_start3A_1110] : memref<1000000x32xf32, #tpu.memory_space<hbm>> -> memref<1000000x32xf32, #tpu.memory_space<hbm>>
      tpu.enqueue_indirect_dma source(%dma_start3A_1111 : memref<1000000x32xf32, #tpu.memory_space<hbm>>) target(%dma_start3A_1105 : memref<100x32xf32, #tpu.memory_space<vmem>>) offsets(%dma_start3A_1108 : memref<100xi32, #tpu.memory_space<vmem>>) semaphore(%arg9 : memref<!tpu.dma_semaphore, #tpu.memory_space<semaphore_mem>>)
      %dma_wait3A_1112 = arith.constant 30 : i32
      %dma_wait3A_1113 = arith.constant 0 : i32
      %dma_wait3A_1114 = arith.constant 0 : i32
      %dma_wait3A_1115 = arith.constant 0 : i32
      %dma_wait3A_1116 = tpu.memref_slice %arg6[%dma_wait3A_1113, %dma_wait3A_1114, %dma_wait3A_1115] : memref<2x100x32xf32, #tpu.memory_space<vmem>> -> memref<1x100x32xf32, #tpu.memory_space<vmem>>
      %dma_wait3A_1117 = tpu.memref_squeeze %dma_wait3A_1116 : memref<1x100x32xf32, #tpu.memory_space<vmem>> -> memref<100x32xf32, #tpu.memory_space<vmem>>
      %dma_wait3A_1118 = arith.constant 0 : i32
      %dma_wait3A_1119 = tpu.memref_slice %arg5[%dma_wait3A_1112, %dma_wait3A_1118] : memref<32x100xi32, #tpu.memory_space<vmem>> -> memref<1x100xi32, #tpu.memory_space<vmem>>
      %dma_wait3A_1120 = tpu.memref_squeeze %dma_wait3A_1119 : memref<1x100xi32, #tpu.memory_space<vmem>> -> memref<100xi32, #tpu.memory_space<vmem>>
      %dma_wait3A_1121 = arith.constant 0 : i32
      %dma_wait3A_1122 = arith.constant 0 : i32
      %dma_wait3A_1123 = tpu.memref_slice %arg3[%dma_wait3A_1121, %dma_wait3A_1122] : memref<1000000x32xf32, #tpu.memory_space<hbm>> -> memref<1000000x32xf32, #tpu.memory_space<hbm>>
      tpu.wait_indirect_dma semaphore(%arg8 : memref<!tpu.dma_semaphore, #tpu.memory_space<semaphore_mem>>) src(%dma_wait3A_1123 : memref<1000000x32xf32, #tpu.memory_space<hbm>>) dst(%dma_wait3A_1117 : memref<100x32xf32, #tpu.memory_space<vmem>>)
      %broadcast_in_dim3A_1124 = arith.constant 0.000000e+00 : f32
      %broadcast_in_dim3A_1125 = vector.broadcast %broadcast_in_dim3A_1124 : f32 to vector<16xf32>
      %broadcast_in_dim3A_1126 = arith.constant 0.000000e+00 : f32
      %broadcast_in_dim3A_1127 = vector.broadcast %broadcast_in_dim3A_1126 : f32 to vector<16xf32>
      %scan3A_1128 = arith.constant 0 : i32
      %scan3A_1129 = arith.constant 25 : i32
      %scan3A_1130 = arith.addi %scan3A_1128, %scan3A_1129 : i32
      %scan3A_1131 = arith.constant 1 : i32
      %scan3A_1132:2 = scf.for %scan3A_1169 = %scan3A_1128 to %scan3A_1130 step %scan3A_1131 iter_args(%scan3A_1170 = %broadcast_in_dim3A_1125, %scan3A_1171 = %broadcast_in_dim3A_1127) -> (vector<16xf32>, vector<16xf32>)  : i32 {
        %mul3A_1172 = arith.constant 4 : i32
        %mul3A_1173 = arith.muli %scan3A_1169, %mul3A_1172 : i32
        %add3A_1174 = arith.constant 0 : i32
        %add3A_1175 = arith.addi %mul3A_1173, %add3A_1174 : i32
        %get3A = arith.constant 0 : i32
        %get3A_1176 = arith.index_cast %get3A : i32 to index
        %get3A_1177 = arith.index_cast %add3A_1175 : i32 to index
        %get3A_1178 = arith.constant 0 : index
        %get3A_1179 = tpu.vector_load %arg6[%get3A_1176, %get3A_1177, %get3A_1178] {strides = array<i32>} : memref<2x100x32xf32, #tpu.memory_space<vmem>>, vector<1x1x16xf32>,
        %get3A_1180 = vector.shape_cast %get3A_1179 : vector<1x1x16xf32> to vector<16xf32>
        %add3A_1181 = arith.addf %scan3A_1170, %get3A_1180 : vector<16xf32>
        %add3A_1182 = arith.constant 0 : i32
        %add3A_1183 = arith.addi %mul3A_1173, %add3A_1182 : i32
        %get3A_1184 = arith.constant 0 : i32
        %get3A_1185 = arith.index_cast %get3A_1184 : i32 to index
        %get3A_1186 = arith.index_cast %add3A_1183 : i32 to index
        %get3A_1187 = arith.constant 16 : index
        %get3A_1188 = tpu.vector_load %arg6[%get3A_1185, %get3A_1186, %get3A_1187] {strides = array<i32>} : memref<2x100x32xf32, #tpu.memory_space<vmem>>, vector<1x1x16xf32>,
        %get3A_1189 = vector.shape_cast %get3A_1188 : vector<1x1x16xf32> to vector<16xf32>
        %add3A_1190 = arith.addf %scan3A_1171, %get3A_1189 : vector<16xf32>
        %add3A_1191 = arith.constant 1 : i32
        %add3A_1192 = arith.addi %mul3A_1173, %add3A_1191 : i32
        %get3A_1193 = arith.constant 0 : i32
        %get3A_1194 = arith.index_cast %get3A_1193 : i32 to index
        %get3A_1195 = arith.index_cast %add3A_1192 : i32 to index
        %get3A_1196 = arith.constant 0 : index
        %get3A_1197 = tpu.vector_load %arg6[%get3A_1194, %get3A_1195, %get3A_1196] {strides = array<i32>} : memref<2x100x32xf32, #tpu.memory_space<vmem>>, vector<1x1x16xf32>,
        %get3A_1198 = vector.shape_cast %get3A_1197 : vector<1x1x16xf32> to vector<16xf32>
        %add3A_1199 = arith.addf %add3A_1181, %get3A_1198 : vector<16xf32>
        %add3A_1200 = arith.constant 1 : i32
        %add3A_1201 = arith.addi %mul3A_1173, %add3A_1200 : i32
        %get3A_1202 = arith.constant 0 : i32
        %get3A_1203 = arith.index_cast %get3A_1202 : i32 to index
        %get3A_1204 = arith.index_cast %add3A_1201 : i32 to index
        %get3A_1205 = arith.constant 16 : index
        %get3A_1206 = tpu.vector_load %arg6[%get3A_1203, %get3A_1204, %get3A_1205] {strides = array<i32>} : memref<2x100x32xf32, #tpu.memory_space<vmem>>, vector<1x1x16xf32>,
        %get3A_1207 = vector.shape_cast %get3A_1206 : vector<1x1x16xf32> to vector<16xf32>
        %add3A_1208 = arith.addf %add3A_1190, %get3A_1207 : vector<16xf32>
        %add3A_1209 = arith.constant 2 : i32
        %add3A_1210 = arith.addi %mul3A_1173, %add3A_1209 : i32
        %get3A_1211 = arith.constant 0 : i32
        %get3A_1212 = arith.index_cast %get3A_1211 : i32 to index
        %get3A_1213 = arith.index_cast %add3A_1210 : i32 to index
        %get3A_1214 = arith.constant 0 : index
        %get3A_1215 = tpu.vector_load %arg6[%get3A_1212, %get3A_1213, %get3A_1214] {strides = array<i32>} : memref<2x100x32xf32, #tpu.memory_space<vmem>>, vector<1x1x16xf32>,
        %get3A_1216 = vector.shape_cast %get3A_1215 : vector<1x1x16xf32> to vector<16xf32>
        %add3A_1217 = arith.addf %add3A_1199, %get3A_1216 : vector<16xf32>
        %add3A_1218 = arith.constant 2 : i32
        %add3A_1219 = arith.addi %mul3A_1173, %add3A_1218 : i32
        %get3A_1220 = arith.constant 0 : i32
        %get3A_1221 = arith.index_cast %get3A_1220 : i32 to index
        %get3A_1222 = arith.index_cast %add3A_1219 : i32 to index
        %get3A_1223 = arith.constant 16 : index
        %get3A_1224 = tpu.vector_load %arg6[%get3A_1221, %get3A_1222, %get3A_1223] {strides = array<i32>} : memref<2x100x32xf32, #tpu.memory_space<vmem>>, vector<1x1x16xf32>,
        %get3A_1225 = vector.shape_cast %get3A_1224 : vector<1x1x16xf32> to vector<16xf32>
        %add3A_1226 = arith.addf %add3A_1208, %get3A_1225 : vector<16xf32>
        %add3A_1227 = arith.constant 3 : i32
        %add3A_1228 = arith.addi %mul3A_1173, %add3A_1227 : i32
        %get3A_1229 = arith.constant 0 : i32
        %get3A_1230 = arith.index_cast %get3A_1229 : i32 to index
        %get3A_1231 = arith.index_cast %add3A_1228 : i32 to index
        %get3A_1232 = arith.constant 0 : index
        %get3A_1233 = tpu.vector_load %arg6[%get3A_1230, %get3A_1231, %get3A_1232] {strides = array<i32>} : memref<2x100x32xf32, #tpu.memory_space<vmem>>, vector<1x1x16xf32>,
        %get3A_1234 = vector.shape_cast %get3A_1233 : vector<1x1x16xf32> to vector<16xf32>
        %add3A_1235 = arith.addf %add3A_1217, %get3A_1234 : vector<16xf32>
        %add3A_1236 = arith.constant 3 : i32
        %add3A_1237 = arith.addi %mul3A_1173, %add3A_1236 : i32
        %get3A_1238 = arith.constant 0 : i32
        %get3A_1239 = arith.index_cast %get3A_1238 : i32 to index
        %get3A_1240 = arith.index_cast %add3A_1237 : i32 to index
        %get3A_1241 = arith.constant 16 : index
        %get3A_1242 = tpu.vector_load %arg6[%get3A_1239, %get3A_1240, %get3A_1241] {strides = array<i32>} : memref<2x100x32xf32, #tpu.memory_space<vmem>>, vector<1x1x16xf32>,
        %get3A_1243 = vector.shape_cast %get3A_1242 : vector<1x1x16xf32> to vector<16xf32>
        %add3A_1244 = arith.addf %add3A_1226, %get3A_1243 : vector<16xf32>
        scf.yield %add3A_1235, %add3A_1244 : vector<16xf32>, vector<16xf32>
      }
      %scan3A_1133 = arith.constant 25 : i32
      %dma_wait3A_1134 = arith.constant 31 : i32
      %dma_wait3A_1135 = arith.constant 1 : i32
      %dma_wait3A_1136 = arith.constant 0 : i32
      %dma_wait3A_1137 = arith.constant 0 : i32
      %dma_wait3A_1138 = tpu.memref_slice %arg6[%dma_wait3A_1135, %dma_wait3A_1136, %dma_wait3A_1137] : memref<2x100x32xf32, #tpu.memory_space<vmem>> -> memref<1x100x32xf32, #tpu.memory_space<vmem>>
      %dma_wait3A_1139 = tpu.memref_squeeze %dma_wait3A_1138 : memref<1x100x32xf32, #tpu.memory_space<vmem>> -> memref<100x32xf32, #tpu.memory_space<vmem>>
      %dma_wait3A_1140 = arith.constant 0 : i32
      %dma_wait3A_1141 = tpu.memref_slice %arg5[%dma_wait3A_1134, %dma_wait3A_1140] : memref<32x100xi32, #tpu.memory_space<vmem>> -> memref<1x100xi32, #tpu.memory_space<vmem>>
      %dma_wait3A_1142 = tpu.memref_squeeze %dma_wait3A_1141 : memref<1x100xi32, #tpu.memory_space<vmem>> -> memref<100xi32, #tpu.memory_space<vmem>>
      %dma_wait3A_1143 = arith.constant 0 : i32
      %dma_wait3A_1144 = arith.constant 0 : i32
      %dma_wait3A_1145 = tpu.memref_slice %arg3[%dma_wait3A_1143, %dma_wait3A_1144] : memref<1000000x32xf32, #tpu.memory_space<hbm>> -> memref<1000000x32xf32, #tpu.memory_space<hbm>>
      tpu.wait_indirect_dma semaphore(%arg9 : memref<!tpu.dma_semaphore, #tpu.memory_space<semaphore_mem>>) src(%dma_wait3A_1145 : memref<1000000x32xf32, #tpu.memory_space<hbm>>) dst(%dma_wait3A_1139 : memref<100x32xf32, #tpu.memory_space<vmem>>)
      %scan3A_1146 = arith.constant 0 : i32
      %scan3A_1147 = arith.constant 25 : i32
      %scan3A_1148 = arith.addi %scan3A_1146, %scan3A_1147 : i32
      %scan3A_1149 = arith.constant 1 : i32
      %scan3A_1150:2 = scf.for %scan3A_1169 = %scan3A_1146 to %scan3A_1148 step %scan3A_1149 iter_args(%scan3A_1170 = %scan3A_1132#0, %scan3A_1171 = %scan3A_1132#1) -> (vector<16xf32>, vector<16xf32>)  : i32 {
        %mul3A_1172 = arith.constant 4 : i32
        %mul3A_1173 = arith.muli %scan3A_1169, %mul3A_1172 : i32
        %add3A_1174 = arith.constant 0 : i32
        %add3A_1175 = arith.addi %mul3A_1173, %add3A_1174 : i32
        %get3A = arith.constant 1 : i32
        %get3A_1176 = arith.index_cast %get3A : i32 to index
        %get3A_1177 = arith.index_cast %add3A_1175 : i32 to index
        %get3A_1178 = arith.constant 0 : index
        %get3A_1179 = tpu.vector_load %arg6[%get3A_1176, %get3A_1177, %get3A_1178] {strides = array<i32>} : memref<2x100x32xf32, #tpu.memory_space<vmem>>, vector<1x1x16xf32>,
        %get3A_1180 = vector.shape_cast %get3A_1179 : vector<1x1x16xf32> to vector<16xf32>
        %add3A_1181 = arith.addf %scan3A_1170, %get3A_1180 : vector<16xf32>
        %add3A_1182 = arith.constant 0 : i32
        %add3A_1183 = arith.addi %mul3A_1173, %add3A_1182 : i32
        %get3A_1184 = arith.constant 1 : i32
        %get3A_1185 = arith.index_cast %get3A_1184 : i32 to index
        %get3A_1186 = arith.index_cast %add3A_1183 : i32 to index
        %get3A_1187 = arith.constant 16 : index
        %get3A_1188 = tpu.vector_load %arg6[%get3A_1185, %get3A_1186, %get3A_1187] {strides = array<i32>} : memref<2x100x32xf32, #tpu.memory_space<vmem>>, vector<1x1x16xf32>,
        %get3A_1189 = vector.shape_cast %get3A_1188 : vector<1x1x16xf32> to vector<16xf32>
        %add3A_1190 = arith.addf %scan3A_1171, %get3A_1189 : vector<16xf32>
        %add3A_1191 = arith.constant 1 : i32
        %add3A_1192 = arith.addi %mul3A_1173, %add3A_1191 : i32
        %get3A_1193 = arith.constant 1 : i32
        %get3A_1194 = arith.index_cast %get3A_1193 : i32 to index
        %get3A_1195 = arith.index_cast %add3A_1192 : i32 to index
        %get3A_1196 = arith.constant 0 : index
        %get3A_1197 = tpu.vector_load %arg6[%get3A_1194, %get3A_1195, %get3A_1196] {strides = array<i32>} : memref<2x100x32xf32, #tpu.memory_space<vmem>>, vector<1x1x16xf32>,
        %get3A_1198 = vector.shape_cast %get3A_1197 : vector<1x1x16xf32> to vector<16xf32>
        %add3A_1199 = arith.addf %add3A_1181, %get3A_1198 : vector<16xf32>
        %add3A_1200 = arith.constant 1 : i32
        %add3A_1201 = arith.addi %mul3A_1173, %add3A_1200 : i32
        %get3A_1202 = arith.constant 1 : i32
        %get3A_1203 = arith.index_cast %get3A_1202 : i32 to index
        %get3A_1204 = arith.index_cast %add3A_1201 : i32 to index
        %get3A_1205 = arith.constant 16 : index
        %get3A_1206 = tpu.vector_load %arg6[%get3A_1203, %get3A_1204, %get3A_1205] {strides = array<i32>} : memref<2x100x32xf32, #tpu.memory_space<vmem>>, vector<1x1x16xf32>,
        %get3A_1207 = vector.shape_cast %get3A_1206 : vector<1x1x16xf32> to vector<16xf32>
        %add3A_1208 = arith.addf %add3A_1190, %get3A_1207 : vector<16xf32>
        %add3A_1209 = arith.constant 2 : i32
        %add3A_1210 = arith.addi %mul3A_1173, %add3A_1209 : i32
        %get3A_1211 = arith.constant 1 : i32
        %get3A_1212 = arith.index_cast %get3A_1211 : i32 to index
        %get3A_1213 = arith.index_cast %add3A_1210 : i32 to index
        %get3A_1214 = arith.constant 0 : index
        %get3A_1215 = tpu.vector_load %arg6[%get3A_1212, %get3A_1213, %get3A_1214] {strides = array<i32>} : memref<2x100x32xf32, #tpu.memory_space<vmem>>, vector<1x1x16xf32>,
        %get3A_1216 = vector.shape_cast %get3A_1215 : vector<1x1x16xf32> to vector<16xf32>
        %add3A_1217 = arith.addf %add3A_1199, %get3A_1216 : vector<16xf32>
        %add3A_1218 = arith.constant 2 : i32
        %add3A_1219 = arith.addi %mul3A_1173, %add3A_1218 : i32
        %get3A_1220 = arith.constant 1 : i32
        %get3A_1221 = arith.index_cast %get3A_1220 : i32 to index
        %get3A_1222 = arith.index_cast %add3A_1219 : i32 to index
        %get3A_1223 = arith.constant 16 : index
        %get3A_1224 = tpu.vector_load %arg6[%get3A_1221, %get3A_1222, %get3A_1223] {strides = array<i32>} : memref<2x100x32xf32, #tpu.memory_space<vmem>>, vector<1x1x16xf32>,
        %get3A_1225 = vector.shape_cast %get3A_1224 : vector<1x1x16xf32> to vector<16xf32>
        %add3A_1226 = arith.addf %add3A_1208, %get3A_1225 : vector<16xf32>
        %add3A_1227 = arith.constant 3 : i32
        %add3A_1228 = arith.addi %mul3A_1173, %add3A_1227 : i32
        %get3A_1229 = arith.constant 1 : i32
        %get3A_1230 = arith.index_cast %get3A_1229 : i32 to index
        %get3A_1231 = arith.index_cast %add3A_1228 : i32 to index
        %get3A_1232 = arith.constant 0 : index
        %get3A_1233 = tpu.vector_load %arg6[%get3A_1230, %get3A_1231, %get3A_1232] {strides = array<i32>} : memref<2x100x32xf32, #tpu.memory_space<vmem>>, vector<1x1x16xf32>,
        %get3A_1234 = vector.shape_cast %get3A_1233 : vector<1x1x16xf32> to vector<16xf32>
        %add3A_1235 = arith.addf %add3A_1217, %get3A_1234 : vector<16xf32>
        %add3A_1236 = arith.constant 3 : i32
        %add3A_1237 = arith.addi %mul3A_1173, %add3A_1236 : i32
        %get3A_1238 = arith.constant 1 : i32
        %get3A_1239 = arith.index_cast %get3A_1238 : i32 to index
        %get3A_1240 = arith.index_cast %add3A_1237 : i32 to index
        %get3A_1241 = arith.constant 16 : index
        %get3A_1242 = tpu.vector_load %arg6[%get3A_1239, %get3A_1240, %get3A_1241] {strides = array<i32>} : memref<2x100x32xf32, #tpu.memory_space<vmem>>, vector<1x1x16xf32>,
        %get3A_1243 = vector.shape_cast %get3A_1242 : vector<1x1x16xf32> to vector<16xf32>
        %add3A_1244 = arith.addf %add3A_1226, %get3A_1243 : vector<16xf32>
        scf.yield %add3A_1235, %add3A_1244 : vector<16xf32>, vector<16xf32>
      }
      %scan3A_1151 = arith.constant 25 : i32
      %swap3A_1152 = arith.constant 480 : index
      %swap3A_1153 = tpu.vector_load %arg7[%swap3A_1152] {strides = array<i32>} : memref<512xf32, #tpu.memory_space<vmem>>, vector<16xf32>,
      %swap3A_1154 = vector.shape_cast %swap3A_1153 : vector<16xf32> to vector<16xf32>
      %swap3A_1155 = vector.shape_cast %scan3A_1150#0 : vector<16xf32> to vector<16xf32>
      tpu.vector_store %arg7[%swap3A_1152], %swap3A_1155 {strides = array<i32>} : memref<512xf32, #tpu.memory_space<vmem>>, vector<16xf32>,
      %swap3A_1156 = arith.constant 496 : index
      %swap3A_1157 = tpu.vector_load %arg7[%swap3A_1156] {strides = array<i32>} : memref<512xf32, #tpu.memory_space<vmem>>, vector<16xf32>,
      %swap3A_1158 = vector.shape_cast %swap3A_1157 : vector<16xf32> to vector<16xf32>
      %swap3A_1159 = vector.shape_cast %scan3A_1150#1 : vector<16xf32> to vector<16xf32>
      tpu.vector_store %arg7[%swap3A_1156], %swap3A_1159 {strides = array<i32>} : memref<512xf32, #tpu.memory_space<vmem>>, vector<16xf32>,
      %mul3A_1160 = arith.constant 512 : i32
      %mul3A_1161 = arith.muli %add3A, %mul3A_1160 : i32
      %mul3A_1162 = arith.constant 32 : i32
      %mul3A_1163 = arith.muli %mul3A_1161, %mul3A_1162 : i32
      %mul3A_1164 = arith.constant 16 : i32
      %mul3A_1165 = arith.muli %scan3A_6, %mul3A_1164 : i32
      %mul3A_1166 = arith.constant 32 : i32
      %mul3A_1167 = arith.muli %mul3A_1165, %mul3A_1166 : i32
      %add3A_1168 = arith.addi %mul3A_1163, %mul3A_1167 : i32
      "tpu.region"() ({
        %run_scoped3A = tpu.sem_alloc : memref<!tpu.dma_semaphore, #tpu.memory_space<semaphore_mem>>
        %dma_start3A_1169 = tpu.memref_slice %arg4[%add3A_1168] : memref<524288xf32, #tpu.memory_space<hbm>> -> memref<512xf32, #tpu.memory_space<hbm>>
        %dma_start3A_1170 = tpu.memref_slice %arg4[%add3A_1168] : memref<524288xf32, #tpu.memory_space<hbm>> -> memref<512xf32, #tpu.memory_space<hbm>>
        tpu.enqueue_dma source(%arg7 : memref<512xf32, #tpu.memory_space<vmem>>) target(%dma_start3A_1170 : memref<512xf32, #tpu.memory_space<hbm>>) target_semaphore(%run_scoped3A : memref<!tpu.dma_semaphore, #tpu.memory_space<semaphore_mem>>)
        %dma_wait3A_1171 = tpu.memref_slice %arg4[%add3A_1168] : memref<524288xf32, #tpu.memory_space<hbm>> -> memref<512xf32, #tpu.memory_space<hbm>>
        %dma_wait3A_1172 = tpu.memref_slice %arg4[%add3A_1168] : memref<524288xf32, #tpu.memory_space<hbm>> -> memref<512xf32, #tpu.memory_space<hbm>>
        tpu.wait_dma2 semaphore(%run_scoped3A : memref<!tpu.dma_semaphore, #tpu.memory_space<semaphore_mem>>) src(%arg7 : memref<512xf32, #tpu.memory_space<vmem>>) dst(%dma_wait3A_1172 : memref<512xf32, #tpu.memory_space<hbm>>)
        tpu.yield
      }) : () -> ()
    }
    %scan3A_5 = arith.constant 32 : i32
    return
  }
}

module attributes {stable_mosaic.version = 14 : i64} {
  func.func @body(%arg0: memref<16384x32xf32, #tpu.memory_space<vmem>>, %arg1: memref<32x4xf32, #tpu.memory_space<vmem>>, %arg2: memref<1x4xf32, #tpu.memory_space<vmem>>, %arg3: memref<16384x4xf32, #tpu.memory_space<vmem>>) attributes {dimension_semantics = [], scalar_prefetch = 0 : i64, scratch_operands = 0 : i64, tpu.core_type = #tpu.core_type<tc>} {
    %get3A = arith.constant 0 : index
    %get3A_0 = arith.constant 0 : index
    %get3A_1 = vector.load %arg0[%get3A, %get3A_0] : memref<16384x32xf32, #tpu.memory_space<vmem>>, vector<16384x32xf32>
    %get3A_2 = arith.constant 0 : index
    %get3A_3 = arith.constant 0 : index
    %get3A_4 = vector.load %arg1[%get3A_2, %get3A_3] : memref<32x4xf32, #tpu.memory_space<vmem>>, vector<32x4xf32>
    %dot_general3A = arith.constant dense<0.000000e+00> : vector<16384x4xf32>
    %dot_general3A_5 = tpu.matmul %get3A_1, %get3A_4, %dot_general3A {dimension_numbers = #tpu.dot_dimension_numbers<[1], [0], [0], [1], [0, 0, 1, 1], [], []>, transpose_lhs_hint = false} : vector<16384x32xf32>, vector<32x4xf32>, vector<16384x4xf32> -> vector<16384x4xf32>
    %get3A_6 = arith.constant 0 : index
    %get3A_7 = arith.constant 0 : index
    %get3A_8 = vector.load %arg2[%get3A_6, %get3A_7] : memref<1x4xf32, #tpu.memory_space<vmem>>, vector<1x4xf32>
    %add3A = vector.broadcast %get3A_8 : vector<1x4xf32> to vector<16384x4xf32>
    %add3A_9 = arith.addf %dot_general3A_5, %add3A : vector<16384x4xf32>
    %swap3A = arith.constant 0 : index
    %swap3A_10 = arith.constant 0 : index
    %swap3A_11 = vector.load %arg3[%swap3A, %swap3A_10] : memref<16384x4xf32, #tpu.memory_space<vmem>>, vector<16384x4xf32>
    tpu.vector_store %arg3[%swap3A, %swap3A_10], %add3A_9 {strides = array<i32>} : memref<16384x4xf32, #tpu.memory_space<vmem>>, vector<16384x4xf32>,
    return
  }
}

</mosaic_0001>

<sc_bundles>
// kernel: kernel.4.cloned.1.call-start
scs
__scs_entry_jumppad:
0x0: {  	(pc) =	sbr.rel $0x88, $3  }
0x1: {  	(tag) =	ssettag $0x0;
	lr =	simm.s32 $0x1  }
0x2: {  	[smem:$0x3F9D] =	sst lr;
	_ =	strace $0xD0000000  }
0x3: {  	_ = 	snop  }
0x4: {  	_ = 	snop  }
0x5: {  	_ = 	snop  }
0x6: {  	_ = 	snop  }
0x7: {  	_ = 	snop  }
__scs_overlays_trampoline_lowered:
0x8: {  	[smem:$0x3FAC] =	sst s0  }
0x9: {  	[smem:$0x3FAD] =	sst s1  }
0xa: {  	[smem:$0x3FAE] =	sst s2  }
0xb: {  	[smem:$0x3FAF] =	sst s3  }
0xc: {  	[smem:$0x3FB0] =	sst s4  }
0xd: {  	[smem:$0x3FB1] =	sst s5  }
0xe: {  	[smem:$0x3FB2] =	sst s6  }
0xf: {  	[smem:$0x3FB3] =	sst s7  }
0x10: {  	[smem:$0x3FB4] =	sst s8  }
0x11: {  	[smem:$0x3FB5] =	sst s9;
	s0 =	simm.s32 @!p0 $0x0  }
0x12: {  	s1 =	sld [smem:$0x3F9B];
	s0 =	simm.s32 @p0 $0x1  }
0x13: {  	[smem:$0x3FB6] =	sst s0;
	s0 =	simm.s32 @!p1 $0x0  }
0x14: {  	s2 =	sld [smem:$0x3F9A];
	s0 =	simm.s32 @p1 $0x1  }
0x15: {  	[smem:$0x3FB7] =	sst s0;
	s0 =	simm.s32 @!p2 $0x0  }
0x16: {  	s3 =	sld [smem:$0x3FDB];
	s0 =	simm.s32 @p2 $0x1  }
0x17: {  	s4 =	simm.s32 $0x1BF5;
	[smem:$0x3FB9] =	sst s0  }
0x18: {  	s0 =	sld [smem:$0x3F9C];
	_ =	swait.ge [sflag:s4], $0x0  }
0x19: {  	s7 =	sld [smem:$0x3F9D]  }
0x1a: {  	s8 =	sadd.s32 $0xFFFFE003, lr  }
0x1b: {  	s9 =	sadd.s32 $0xFFFFFEF7, lr;
	s5 =	simm.s32 $0xFFFFFFFF;
	p2 =	slt.u32 s8, $0xFFFFF086  }
0x1c: {  	p1 =	slt.u32 s9, $0xF7A;
	s5 =	simm.s32 @!p2 $0x0  }
0x1d: {  	s5 =	simm.s32 @p1 $0x1;
	p0 =	seq.s32 s7, s2  }
0x1e: {  	s7 =	smul.u32 @!p0 $0xF7A, s2;
	p2 =	seq.s32 @!p0 s5, $0x0  }
0x1f: {  	s9 =	smul.u32 $0xF7A, s1;
	s8 =	simm.s32 @!p0 $0x1BF5;
	p2 =	por !p2, p0  }
0x20: {  	[sflag:s8] =	ssyncset.s32 @!p0 $0xFFFFF086;
	s6 =	sadd.s32 @!p0 s3, s7;
	s7 =	simm.s32 @!p0 $0x108  }
0x21: {  	s3 =	sadd.s32 s3, s9;
	s6 =	sadd.s32 @!p0 $0x88, s6;
	s7 =	simm.s32 @p2 $0x1082  }
0x22: {  	[simem:s7], [sflag:s8] =	dma.local @!p0 [hbm:s6], $0xF7A  }
0x23: {  	s9 =	sor.u32 $0xD0000000, s2;
	s6 =	simm.s32 $0x108;
	_ =	swait.ge @!p0 [sflag:s8], $0x0  }
0x24: {  	s3 =	sadd.s32 $0x88, s3;
	s6 =	simm.s32 @!p1 $0x1082;
	[sflag:s4] =	ssyncset.s32 $0xFFFFF086  }
0x25: {  	[simem:s6], [sflag:s4] =	dma.local [hbm:s3], $0xF7A  }
0x26: {  	[smem:$0x3F9D] =	sst s1;
	(tag) =	ssettag s2;
	_ =	strace s9  }
0x27: {  	s1 =	sld [smem:$0x3FAD]  }
0x28: {  	s2 =	sld [smem:$0x3FAE]  }
0x29: {  	s4 =	sld [smem:$0x3FB0]  }
0x2a: {  	p0 =	seq.s32 s5, $0x0;
	s5 =	sld [smem:$0x3FB1]  }
0x2b: {  	s6 =	sld [smem:$0x3FB2]  }
0x2c: {  	s7 =	sld [smem:$0x3FB3]  }
0x2d: {  	s3 =	simm.s32 $0x108;
	s8 =	sld [smem:$0x3FB4]  }
0x2e: {  	s3 =	simm.s32 @!p0 $0x1082;
	s9 =	sld [smem:$0x3FB5]  }
0x2f: {  	lr =	sadd.s32 s0, s3;
	s0 =	sld [smem:$0x3FAC]  }
0x30: {  	s3 =	sld [smem:$0x3FAF]  }
0x31: {  	[smem:$0x3FB8] =	sst s10  }
0x32: {  	s10 =	sld [smem:$0x3FB6];
	_ =	sdelay $0x3  }
0x33: {  	p0 =	seq.s32 s10, $0x1;
	s10 =	sld [smem:$0x3FB8];
	_ =	sdelay $0x3  }
0x34: {  	[smem:$0x3FB8] =	sst s10  }
0x35: {  	s10 =	sld [smem:$0x3FB7];
	_ =	sdelay $0x3  }
0x36: {  	p1 =	seq.s32 s10, $0x1;
	s10 =	sld [smem:$0x3FB8];
	_ =	sdelay $0x3  }
0x37: {  	[smem:$0x3FB8] =	sst s10  }
0x38: {  	s10 =	sld [smem:$0x3FB9]  }
0x39: {  	_ = 	snop;
	(pc) =	sbr.ind lr, $3  }
0x3a: {  	_ = 	snop  }
0x3b: {  	_ = 	snop  }
0x3c: {  	p2 =	seq.s32 s10, $0x1;
	s10 =	sld [smem:$0x3FB8]  }
0x3d: {  	_ =	shalt  }
0x3e: {  	_ =	shalt  }
0x3f: {  	_ =	shalt  }
0x40: {  	_ =	shalt  }
0x41: {  	_ =	shalt  }
0x42: {  	_ =	shalt  }
0x43: {  	_ =	shalt  }
0x44: {  	_ =	shalt  }
0x45: {  	_ =	shalt  }
0x46: {  	_ =	shalt  }
0x47: {  	_ =	shalt  }
0x48: {  	_ =	shalt  }
0x49: {  	_ =	shalt  }
0x4a: {  	_ =	shalt  }
0x4b: {  	_ =	shalt  }
0x4c: {  	_ =	shalt  }
0x4d: {  	_ =	shalt  }
0x4e: {  	_ =	shalt  }
0x4f: {  	_ =	shalt  }
0x50: {  	_ =	shalt  }
0x51: {  	_ =	shalt  }
0x52: {  	_ =	shalt  }
0x53: {  	_ =	shalt  }
0x54: {  	_ =	shalt  }
0x55: {  	_ =	shalt  }
0x56: {  	_ =	shalt  }
0x57: {  	_ =	shalt  }
0x58: {  	_ =	shalt  }
0x59: {  	_ =	shalt  }
0x5a: {  	_ =	shalt  }
0x5b: {  	_ =	shalt  }
0x5c: {  	_ =	shalt  }
0x5d: {  	_ =	shalt  }
0x5e: {  	_ =	shalt  }
0x5f: {  	_ =	shalt  }
0x60: {  	_ =	shalt  }
0x61: {  	_ =	shalt  }
0x62: {  	_ =	shalt  }
0x63: {  	_ =	shalt  }
0x64: {  	_ =	shalt  }
0x65: {  	_ =	shalt  }
0x66: {  	_ =	shalt  }
0x67: {  	_ =	shalt  }
0x68: {  	_ =	shalt  }
0x69: {  	_ =	shalt  }
0x6a: {  	_ =	shalt  }
0x6b: {  	_ =	shalt  }
0x6c: {  	_ =	shalt  }
0x6d: {  	_ =	shalt  }
0x6e: {  	_ =	shalt  }
0x6f: {  	_ =	shalt  }
0x70: {  	_ =	shalt  }
0x71: {  	_ =	shalt  }
0x72: {  	_ =	shalt  }
0x73: {  	_ =	shalt  }
0x74: {  	_ =	shalt  }
0x75: {  	_ =	shalt  }
0x76: {  	_ =	shalt  }
0x77: {  	_ =	shalt  }
0x78: {  	_ =	shalt  }
0x79: {  	_ =	shalt  }
0x7a: {  	_ =	shalt  }
0x7b: {  	_ =	shalt  }
0x7c: {  	_ =	shalt  }
0x7d: {  	_ =	shalt  }
0x7e: {  	_ =	shalt  }
0x7f: {  	_ =	shalt  }
0x80: {  	_ =	shalt  }
0x81: {  	_ =	shalt  }
0x82: {  	_ =	shalt  }
0x83: {  	_ =	shalt  }
0x84: {  	_ =	shalt  }
0x85: {  	_ =	shalt  }
0x86: {  	_ =	shalt  }
0x87: {  	_ =	shalt  }
.Lfunc_end0:
.L_simem_size_0:
called_computation_lowered:
.L_overlay_start_0:
0x88: {  	s2 =	sld [smem:$0x3FD9]  }
0x89: {  	s3 =	sld [smem:$0x3FFE];
	_ =	sdelay $0x1  }
0x8a: {  	s1 =	srdreg.scid  }
0x8b: {  	s0 =	sand.u32 $0x1, s1  }
0x8c: {  	s16 =	sshll.u32 s0, $0xA;
	s2 =	sadd.s32 s3, s2  }
0x8d: {  	s2 =	sadd.s32 s2, s16  }
0x8e: {  	[smem:$0x3FC4] =	sst s2  }
0x8f: {  	_ = 	snop  }
0x90: {  	(tm) =	ssettm $0x1  }
0x91: {  	s17 =	sld [smem:$0x3FFB];
	_ =	sdelay $0x3  }
0x92: {  	_ =	strace s17  }
0x93: {  	s2 =	sld [smem:$0x3FFC];
	_ =	sdelay $0x3  }
0x94: {  	_ =	strace s2  }
0x95: {  	s2 =	sld [smem:$0x3FFD];
	_ =	sdelay $0x3  }
0x96: {  	_ =	strace s2  }
0x97: {  	_ =	strace $0x8FFFFFFF  }
0x98: {  	s18 =	sld [smem:$0x3FDB];
	_ =	sdelay $0x1  }
0x99: {  	s19 =	simm.s32 $_scs_section_size  }
0x9a: {  	s4 =	simm.s32 $_size__tile_overlayer_lowered;
	s5 =	simm.s32 $_tile_overlayer_lowered  }
0x9b: {  	s22 =	simm.s32 $0x1BFF;
	s21 =	sshll.u32 s5, $0x1;
	s2 =	sadd.s32 s19, s18  }
0x9c: {  	s6 =	simm.s32 $0x0;
	s20 =	sshll.u32 s4, $0x1;
	s4 =	sadd.s32 s21, s2  }
0x9d: {  	[timem:s6], [sflag:s22] =	dma.local [hbm:s4], s20  }
0x9e: {  	_ =	swait.ge [sflag:s22], s20  }
0x9f: {  	s3 =	ssub.s32 $0x0, s20;
	[sflag:s22] =	ssyncset.done $0x0  }
0xa0: {  	[sflag:s22] =	ssyncadd.s32 s3;
	_ =	sdelay $0x1  }
0xa1: {  	s23 =	simm.s32 $0x1B8B  }
0xa2: {  	_ =	swait.ge [sflag:s23], $0x1  }
0xa3: {  	[sflag:s23] =	ssyncset.done $0x0  }
0xa4: {  	s25 =	simm.s32 $0x1B8E;
	s24 =	sld [smem:$0x3FFE];
	[sflag:s23] =	ssyncadd.s32 $0xFFFFFFFF  }
0xa5: {  	s26 =	simm.s32 $execute0_lowered;
	[smem:$0x3FD2] =	sst s25  }
0xa6: {  	s4 =	sshll.u32 s26, $0x1;
	_ =	strace $0x80000046;
	[dreg:$0x1] =	wrdreg $0xFFFFFFFF  }
0xa7: {  	s28 =	simm.s32 $_size_execute0_lowered;
	s2 =	sadd.s32 s2, s4;
	[dreg:$0x0] =	wrdreg $0x0  }
0xa8: {  	s4 =	sshll.u32 s28, $0x1;
	[dreg:$0x2] =	wrdreg s2  }
0xa9: {  	[dreg:$0x3] =	wrdreg s4  }
0xaa: {  	[dreg:$0x4] =	wrdreg $0xC0  }
0xab: {  	_ =	task [dreg:s6], $0x5FFFF  }
0xac: {  	[dreg:$0x1] =	wrdreg $0xFFFFFFFF  }
0xad: {  	[dreg:$0x0] =	wrdreg $0x60  }
0xae: {  	[dreg:$0x2] =	wrdreg s24  }
0xaf: {  	[dreg:$0x3] =	wrdreg $0x9  }
0xb0: {  	_ =	task.clear_ibuf [dreg:s6], $0x4FFFF;
	_ =	strace $0x90000046  }
0xb1: {  	s29 =	simm.s32 $0x9;
	_ =	strace $0x80000048  }
0xb2: {  	_ =	swait.ge [sflag:s29], $0x1  }
0xb3: {  	[sflag:s29] =	ssyncadd.s32 $0xFFFFFFFF  }
0xb4: {  	_ =	strace $0x90000048  }
0xb5: {  	_ =	sfence  }
0xb6: {  	s30 =	sld [smem:$0x0];
	_ =	sdelay $0x2  }
0xb7: {  	s31 =	sshll.u32 s1, $0xD;
	s1 =	sshrl.u32 s1, $0x2  }
0xb8: {  	s3 =	sand.u32 $0x4000, s31;
	s1 =	sadd.s32 s1, s30  }
0xb9: {  	s0 =	sor.u32 s3, s0;
	s1 =	sshll.u32 s1, $0x11  }
0xba: {  	s0 =	sor.u32 s1, s0  }
0xbb: {  	s0 =	sadd.s32 $0x8F2B, s0  }
0xbc: {  	[sflag:s0] =	ssyncadd.remote.s32 $0x1  }
0xbd: {  	_ =	sfence.sel $0xFFFF  }
0xbe: {  	[dreg:$0x0] =	wrdreg $0xFFFFFFFF;
	(pc) =	sbr.abs _section_cstart, $3  }
0xbf: {  	[dreg:$0x1] =	wrdreg $0xFFFFFFFF  }
0xc0: {  	_ =	task.clear_ibuf [dreg:s6], $0x2FFFF;
	_ =	strace $0x9FFFFFFF  }
0xc1: {  	(tm) =	ssettm $0x7FFFFFFF  }
tec
execute0_lowered:
.L_overlay_start_1:
0x0: {  	(tag) =	ssettag $0x1  }
0x1: {  	s0 =	rddreg [dreg:$0x0];
	s3 =	simm.s32 $0x0;
	s1 =	srdreg.scid  }
0x2: {  	s2 =	stileid.u32;
	s8 =	simm.s32 $0x3;
	s9 =	simm.s32 $0x64  }
0x3: {  	s10 =	simm.s32 $0xD00;
	s12 =	simm.s32 $0x1980;
	s13 =	simm.s32 $0x1  }
0x4: {  	s15 =	simm.s32 $0x2;
	s29 =	simm.s32 $0x618;
	s30 =	simm.s32 $0x680  }
0x5: {  	s31 =	simm.s32 $0x6E8;
	s7 =	simm.s32 $0x820;
	s11 =	simm.s32 $0x8F0  }
0x6: {  	s14 =	simm.s32 $0x958;
	s16 =	simm.s32 $0x9C0;
	s17 =	simm.s32 $0xA28  }
0x7: {  	s18 =	simm.s32 $0xA90;
	s19 =	simm.s32 $0xAF8;
	s20 =	simm.s32 $0xB60  }
0x8: {  	s21 =	simm.s32 $0xBC8;
	s22 =	simm.s32 $0xC30;
	s23 =	simm.s32 $0xC98  }
0x9: {  	s24 =	simm.s32 $0x2600;
	s26 =	simm.s32 $0x0;
	[smem:$0x7FF] =	sst s3  }
0xa: {  	s1 =	sand.u32 $0x1, s1;
	s2 =	sshll.u32 s2, $0x1;
	s3 =	sadd.s32 $0xA00, s0  }
0xb: {  	s4 =	sadd.s32 $0xF42E00, s0;
	s2 =	sor.u32 s1, s2;
	s1 =	ssub.s32 $0x2, s1  }
0xc: {  	_ =	strace $0x80000047;
	s5 =	sshll.u32 s2, $0xB;
	s6 =	sshrl.u32 s1, $0x1  }
0xd: {  	s0 =	sadd.s32 s5, s0;
	s1 =	ssub.s32 s1, s6;
	s5 =	sshll.u32 s2, $0xA  }
0xe: {  	s2 =	simm.s32 $0x888;
	s6 =	sadd.s32 $0x68A00, s0;
	s28 =	smax.u32 s1, $0x1  }
0xf: {  	s0 =	simm.s32 $0x750;
	s1 =	simm.s32 $0x7B8;
	[dreg:$0x2] =	wrdreg s28  }
.LBB2_1:
0x10: {  	[dreg:$0x3] =	wrdreg s26;
	s25 =	simm.s32 $0x0  }
.LBB2_2:
0x11: {  	s26 =	sshll.u32 s25, $0x5  }
0x12: {  	s26 =	sadd.s32 s5, s26  }
0x13: {  	s26 =	smul.u32 $0xD, s26;
	_ =	sdelay $0x1  }
0x14: {  	s28 =	simm.s32 $0x0;
	s26 =	sadd.s32 s3, s26  }
0x15: {  	[tilespmem:s28], [sflag:$0x3] =	stream.linear.gather [hbm4b:s26+s28], $0xD00, $0x38;
	[tilespmem:$0x2800] =	vst v63  }
0x16: {  	_ =	swait.ge [sflag:s8], $0xD00  }
0x17: {  	[sflag:s8] =	ssyncset.done $0x0  }
0x18: {  	[sflag:s8] =	ssyncadd.s32 $0xFFFFF300  }
0x19: {  	[tilespmem:s10], [sflag:$0x1] =	stream.indirect.gather [hbm4b:s4+s9], $0x20, s28, s9, $0xb8;
	[tilespmem:$0x2800] =	vst v63  }
0x1a: {  	s26 =	simm.s32 $0x68  }
0x1b: {  	[tilespmem:s12], [sflag:$0x2] =	stream.indirect.gather [hbm4b:s4+s9], $0x20, s26, s9, $0xb8;
	[tilespmem:$0x2800] =	vst v63  }
0x1c: {  	_ =	swait.ge [sflag:s13], $0xC80  }
0x1d: {  	[sflag:s13] =	ssyncset.done $0x0  }
0x1e: {  	s28 =	simm.s32 $0x0;
	[sflag:s13] =	ssyncadd.s32 $0xFFFFF380  }
0x1f: {  	v1 =	vld [tilespmem:s28+$0xD00]  }
0x20: {  	v2 =	vld [tilespmem:s28+$0xD10]  }
0x21: {  	v5 =	vld [tilespmem:s28+$0xD20]  }
0x22: {  	v6 =	vld [tilespmem:s28+$0xD30]  }
0x23: {  	v0 =	vld [tilespmem:s28+$0xD40]  }
0x24: {  	v4 =	vimm.f32 $0.0e+00;
	v3 =	vld [tilespmem:s28+$0xD50]  }
0x25: {  	v7 =	vadd.f32 v1, v4;
	v8 =	vadd.f32 v2, v4;
	v2 =	vld [tilespmem:s28+$0xD60]  }
0x26: {  	s26 =	simm.s32 $0x80;
	v4 =	vld [tilespmem:s28+$0xD70]  }
0x27: {  	v1 =	vld [tilespmem:s26+$0xD00];
	s28 =	simm.s32 $0x400;
	v5 =	vadd.f32 v5, v7;
	v6 =	vadd.f32 v6, v8  }
.LBB2_3:
0x28: {  	p0 =	sne.s32 s28, $0x3000;
	v7 =	vld [tilespmem:s26+$0xD10]  }
0x29: {  	v8 =	vld [tilespmem:s26+$0xD20];
	v5 =	vadd.f32 v0, v5;
	v3 =	vadd.f32 v3, v6  }
0x2a: {  	v6 =	vld [tilespmem:s26+$0xD30]  }
.Ltmp0:
0x2b: {  	v0 =	vld [tilespmem:s26+$0xD40];
	v2 =	vadd.f32 v2, v5;
	v4 =	vadd.f32 v4, v3;
	(pc) =	sbr.rel @p0 .LBB2_3-.Ltmp0, $4  }
0x2c: {  	v3 =	vld [tilespmem:s26+$0xD50]  }
0x2d: {  	v5 =	vadd.f32 v1, v2;
	v7 =	vadd.f32 v7, v4;
	v2 =	vld [tilespmem:s26+$0xD60]  }
0x2e: {  	v4 =	vld [tilespmem:s26+$0xD70];
	s26 =	sshra.s32 s28, $0x2  }
0x2f: {  	s28 =	sadd.s32 $0x200, s28;
	v1 =	vld [tilespmem:s26+$0xD00];
	v5 =	vadd.f32 v8, v5;
	v6 =	vadd.f32 v6, v7  }
0x30: {  	v7 =	vld [tilespmem:s26+$0xD10]  }
0x31: {  	v8 =	vld [tilespmem:s26+$0xD20]  }
0x32: {  	v9 =	vld [tilespmem:s26+$0xD30]  }
0x33: {  	v10 =	vld [tilespmem:s26+$0xD40]  }
0x34: {  	v11 =	vld [tilespmem:s26+$0xD50]  }
0x35: {  	v0 =	vadd.f32 v0, v5;
	v3 =	vadd.f32 v3, v6;
	v5 =	vld [tilespmem:s26+$0xD60]  }
0x36: {  	v6 =	vld [tilespmem:s26+$0xD70];
	s26 =	simm.s32 $0xD0  }
0x37: {  	[tilespmem:s10], [sflag:$0x1] =	stream.indirect.gather [hbm4b:s4+s9], $0x20, s26, s9, $0xb8;
	v0 =	vadd.f32 v2, v0;
	v2 =	vadd.f32 v4, v3;
	[tilespmem:$0x2800] =	vst v63  }
0x38: {  	_ =	swait.ge [sflag:s15], $0xC80  }
0x39: {  	[sflag:s15] =	ssyncset.done $0x0;
	v0 =	vadd.f32 v1, v0;
	v1 =	vadd.f32 v7, v2  }
0x3a: {  	s28 =	simm.s32 $0x0;
	[sflag:s15] =	ssyncadd.s32 $0xFFFFF380  }
0x3b: {  	v3 =	vld [tilespmem:s28+$0x1980];
	v0 =	vadd.f32 v8, v0;
	v1 =	vadd.f32 v9, v1  }
0x3c: {  	v4 =	vld [tilespmem:s28+$0x1990]  }
0x3d: {  	v7 =	vld [tilespmem:s28+$0x19A0];
	v0 =	vadd.f32 v10, v0;
	v1 =	vadd.f32 v11, v1  }
0x3e: {  	v8 =	vld [tilespmem:s28+$0x19B0]  }
0x3f: {  	v2 =	vld [tilespmem:s28+$0x19D0];
	v5 =	vadd.f32 v5, v0;
	v1 =	vadd.f32 v6, v1  }
0x40: {  	v0 =	vld [tilespmem:s28+$0x19C0]  }
0x41: {  	v5 =	vadd.f32 v3, v5;
	v63 =	vadd.f32 v4, v1;
	v3 =	vld [tilespmem:s28+$0x19E0]  }
0x42: {  	s26 =	simm.s32 $0x80;
	v4 =	vld [tilespmem:s28+$0x19F0]  }
0x43: {  	v1 =	vld [tilespmem:s26+$0x1980];
	s28 =	simm.s32 $0x400;
	v6 =	vadd.f32 v7, v5;
	v5 =	vadd.f32 v8, v63  }
.LBB2_5:
0x44: {  	p0 =	sne.s32 s28, $0x3000;
	v7 =	vld [tilespmem:s26+$0x1990]  }
0x45: {  	v8 =	vld [tilespmem:s26+$0x19A0];
	v6 =	vadd.f32 v0, v6;
	v2 =	vadd.f32 v2, v5  }
0x46: {  	v5 =	vld [tilespmem:s26+$0x19B0]  }
.Ltmp1:
0x47: {  	v0 =	vld [tilespmem:s26+$0x19C0];
	v3 =	vadd.f32 v3, v6;
	v4 =	vadd.f32 v4, v2;
	(pc) =	sbr.rel @p0 .LBB2_5-.Ltmp1, $4  }
0x48: {  	v2 =	vld [tilespmem:s26+$0x19D0]  }
0x49: {  	v6 =	vadd.f32 v1, v3;
	v7 =	vadd.f32 v7, v4;
	v3 =	vld [tilespmem:s26+$0x19E0]  }
0x4a: {  	v4 =	vld [tilespmem:s26+$0x19F0];
	s26 =	sshra.s32 s28, $0x2  }
0x4b: {  	s28 =	sadd.s32 $0x200, s28;
	v1 =	vld [tilespmem:s26+$0x1980];
	v6 =	vadd.f32 v8, v6;
	v5 =	vadd.f32 v5, v7  }
0x4c: {  	_ = 	snop  }
0x4d: {  	v7 =	vld [tilespmem:s26+$0x1990];
	v0 =	vadd.f32 v0, v6  }
0x4e: {  	v6 =	vld [tilespmem:s26+$0x19A0];
	v2 =	vadd.f32 v2, v5  }
0x4f: {  	v5 =	vld [tilespmem:s26+$0x19B0];
	v0 =	vadd.f32 v3, v0  }
0x50: {  	v3 =	vld [tilespmem:s26+$0x19C0];
	v2 =	vadd.f32 v4, v2  }
0x51: {  	v4 =	vld [tilespmem:s26+$0x19D0];
	v0 =	vadd.f32 v1, v0  }
0x52: {  	v1 =	vadd.f32 v7, v2;
	v2 =	vld [tilespmem:s26+$0x19E0]  }
0x53: {  	v7 =	vld [tilespmem:s26+$0x19F0];
	v0 =	vadd.f32 v6, v0  }
0x54: {  	v1 =	vadd.f32 v5, v1  }
0x55: {  	v0 =	vadd.f32 v3, v0  }
0x56: {  	v1 =	vadd.f32 v4, v1  }
0x57: {  	v0 =	vadd.f32 v2, v0  }
0x58: {  	v1 =	vadd.f32 v7, v1  }
0x59: {  	[tilespmem:$0x2600] =	vst v0  }
0x5a: {  	s26 =	simm.s32 $0x138;
	[tilespmem:$0x2610] =	vst v1  }
0x5b: {  	[tilespmem:s12], [sflag:$0x2] =	stream.indirect.gather [hbm4b:s4+s9], $0x20, s26, s9, $0xb8;
	[tilespmem:$0x2800] =	vst v63  }
0x5c: {  	_ =	swait.ge [sflag:s13], $0xC80  }
0x5d: {  	[sflag:s13] =	ssyncset.done $0x0  }
0x5e: {  	s28 =	simm.s32 $0x0;
	[sflag:s13] =	ssyncadd.s32 $0xFFFFF380  }
0x5f: {  	v1 =	vld [tilespmem:s28+$0xD00]  }
0x60: {  	v2 =	vld [tilespmem:s28+$0xD10]  }
0x61: {  	v5 =	vld [tilespmem:s28+$0xD20]  }
0x62: {  	v6 =	vld [tilespmem:s28+$0xD30]  }
0x63: {  	v0 =	vld [tilespmem:s28+$0xD40]  }
0x64: {  	v4 =	vimm.f32 $0.0e+00;
	v3 =	vld [tilespmem:s28+$0xD50]  }
0x65: {  	v7 =	vadd.f32 v1, v4;
	v8 =	vadd.f32 v2, v4;
	v2 =	vld [tilespmem:s28+$0xD60]  }
0x66: {  	s26 =	simm.s32 $0x80;
	v4 =	vld [tilespmem:s28+$0xD70]  }
0x67: {  	v1 =	vld [tilespmem:s26+$0xD00];
	s28 =	simm.s32 $0x400;
	v5 =	vadd.f32 v5, v7;
	v6 =	vadd.f32 v6, v8  }
.LBB2_7:
0x68: {  	p0 =	sne.s32 s28, $0x3000;
	v7 =	vld [tilespmem:s26+$0xD10]  }
0x69: {  	v8 =	vld [tilespmem:s26+$0xD20];
	v5 =	vadd.f32 v0, v5;
	v3 =	vadd.f32 v3, v6  }
0x6a: {  	v6 =	vld [tilespmem:s26+$0xD30]  }
.Ltmp2:
0x6b: {  	v0 =	vld [tilespmem:s26+$0xD40];
	v2 =	vadd.f32 v2, v5;
	v4 =	vadd.f32 v4, v3;
	(pc) =	sbr.rel @p0 .LBB2_7-.Ltmp2, $4  }
0x6c: {  	v3 =	vld [tilespmem:s26+$0xD50]  }
0x6d: {  	v5 =	vadd.f32 v1, v2;
	v7 =	vadd.f32 v7, v4;
	v2 =	vld [tilespmem:s26+$0xD60]  }
0x6e: {  	v4 =	vld [tilespmem:s26+$0xD70];
	s26 =	sshra.s32 s28, $0x2  }
0x6f: {  	s28 =	sadd.s32 $0x200, s28;
	v1 =	vld [tilespmem:s26+$0xD00];
	v5 =	vadd.f32 v8, v5;
	v6 =	vadd.f32 v6, v7  }
0x70: {  	v7 =	vld [tilespmem:s26+$0xD10]  }
0x71: {  	v8 =	vld [tilespmem:s26+$0xD20]  }
0x72: {  	v9 =	vld [tilespmem:s26+$0xD30]  }
0x73: {  	v10 =	vld [tilespmem:s26+$0xD40]  }
0x74: {  	v11 =	vld [tilespmem:s26+$0xD50]  }
0x75: {  	v0 =	vadd.f32 v0, v5;
	v3 =	vadd.f32 v3, v6;
	v5 =	vld [tilespmem:s26+$0xD60]  }
0x76: {  	v6 =	vld [tilespmem:s26+$0xD70];
	s26 =	simm.s32 $0x1A0  }
0x77: {  	[tilespmem:s10], [sflag:$0x1] =	stream.indirect.gather [hbm4b:s4+s9], $0x20, s26, s9, $0xb8;
	v0 =	vadd.f32 v2, v0;
	v2 =	vadd.f32 v4, v3;
	[tilespmem:$0x2800] =	vst v63  }
0x78: {  	_ =	swait.ge [sflag:s15], $0xC80  }
0x79: {  	[sflag:s15] =	ssyncset.done $0x0;
	v0 =	vadd.f32 v1, v0;
	v1 =	vadd.f32 v7, v2  }
0x7a: {  	s28 =	simm.s32 $0x0;
	[sflag:s15] =	ssyncadd.s32 $0xFFFFF380  }
0x7b: {  	v3 =	vld [tilespmem:s28+$0x1980];
	v0 =	vadd.f32 v8, v0;
	v1 =	vadd.f32 v9, v1  }
0x7c: {  	v4 =	vld [tilespmem:s28+$0x1990]  }
0x7d: {  	v7 =	vld [tilespmem:s28+$0x19A0];
	v0 =	vadd.f32 v10, v0;
	v1 =	vadd.f32 v11, v1  }
0x7e: {  	v8 =	vld [tilespmem:s28+$0x19B0]  }
0x7f: {  	v2 =	vld [tilespmem:s28+$0x19D0];
	v5 =	vadd.f32 v5, v0;
	v1 =	vadd.f32 v6, v1  }
0x80: {  	v0 =	vld [tilespmem:s28+$0x19C0]  }
0x81: {  	v5 =	vadd.f32 v3, v5;
	v63 =	vadd.f32 v4, v1;
	v3 =	vld [tilespmem:s28+$0x19E0]  }
0x82: {  	s26 =	simm.s32 $0x80;
	v4 =	vld [tilespmem:s28+$0x19F0]  }
0x83: {  	v1 =	vld [tilespmem:s26+$0x1980];
	s28 =	simm.s32 $0x400;
	v6 =	vadd.f32 v7, v5;
	v5 =	vadd.f32 v8, v63  }
.LBB2_9:
0x84: {  	p0 =	sne.s32 s28, $0x3000;
	v7 =	vld [tilespmem:s26+$0x1990]  }
0x85: {  	v8 =	vld [tilespmem:s26+$0x19A0];
	v6 =	vadd.f32 v0, v6;
	v2 =	vadd.f32 v2, v5  }
0x86: {  	v5 =	vld [tilespmem:s26+$0x19B0]  }
.Ltmp3:
0x87: {  	v0 =	vld [tilespmem:s26+$0x19C0];
	v3 =	vadd.f32 v3, v6;
	v4 =	vadd.f32 v4, v2;
	(pc) =	sbr.rel @p0 .LBB2_9-.Ltmp3, $4  }
0x88: {  	v2 =	vld [tilespmem:s26+$0x19D0]  }
0x89: {  	v6 =	vadd.f32 v1, v3;
	v7 =	vadd.f32 v7, v4;
	v3 =	vld [tilespmem:s26+$0x19E0]  }
0x8a: {  	v4 =	vld [tilespmem:s26+$0x19F0];
	s26 =	sshra.s32 s28, $0x2  }
0x8b: {  	s28 =	sadd.s32 $0x200, s28;
	v1 =	vld [tilespmem:s26+$0x1980];
	v6 =	vadd.f32 v8, v6;
	v5 =	vadd.f32 v5, v7  }
0x8c: {  	_ = 	snop  }
0x8d: {  	v7 =	vld [tilespmem:s26+$0x1990];
	v0 =	vadd.f32 v0, v6  }
0x8e: {  	v6 =	vld [tilespmem:s26+$0x19A0];
	v2 =	vadd.f32 v2, v5  }
0x8f: {  	v5 =	vld [tilespmem:s26+$0x19B0];
	v0 =	vadd.f32 v3, v0  }
0x90: {  	v3 =	vld [tilespmem:s26+$0x19C0];
	v2 =	vadd.f32 v4, v2  }
0x91: {  	v4 =	vld [tilespmem:s26+$0x19D0];
	v0 =	vadd.f32 v1, v0  }
0x92: {  	v1 =	vadd.f32 v7, v2;
	v2 =	vld [tilespmem:s26+$0x19E0]  }
0x93: {  	v7 =	vld [tilespmem:s26+$0x19F0];
	v0 =	vadd.f32 v6, v0  }
0x94: {  	v1 =	vadd.f32 v5, v1  }
0x95: {  	v0 =	vadd.f32 v3, v0  }
0x96: {  	v1 =	vadd.f32 v4, v1  }
0x97: {  	v0 =	vadd.f32 v2, v0  }
0x98: {  	v1 =	vadd.f32 v7, v1  }
0x99: {  	[tilespmem:$0x2620] =	vst v0  }
0x9a: {  	s26 =	simm.s32 $0x208;
	[tilespmem:$0x2630] =	vst v1  }
0x9b: {  	[tilespmem:s12], [sflag:$0x2] =	stream.indirect.gather [hbm4b:s4+s9], $0x20, s26, s9, $0xb8;
	[tilespmem:$0x2800] =	vst v63  }
0x9c: {  	_ =	swait.ge [sflag:s13], $0xC80  }
0x9d: {  	[sflag:s13] =	ssyncset.done $0x0  }
0x9e: {  	s28 =	simm.s32 $0x0;
	[sflag:s13] =	ssyncadd.s32 $0xFFFFF380  }
0x9f: {  	v1 =	vld [tilespmem:s28+$0xD00]  }
0xa0: {  	v2 =	vld [tilespmem:s28+$0xD10]  }
0xa1: {  	v5 =	vld [tilespmem:s28+$0xD20]  }
0xa2: {  	v6 =	vld [tilespmem:s28+$0xD30]  }
0xa3: {  	v0 =	vld [tilespmem:s28+$0xD40]  }
0xa4: {  	v4 =	vimm.f32 $0.0e+00;
	v3 =	vld [tilespmem:s28+$0xD50]  }
0xa5: {  	v7 =	vadd.f32 v1, v4;
	v8 =	vadd.f32 v2, v4;
	v2 =	vld [tilespmem:s28+$0xD60]  }
0xa6: {  	s26 =	simm.s32 $0x80;
	v4 =	vld [tilespmem:s28+$0xD70]  }
0xa7: {  	v1 =	vld [tilespmem:s26+$0xD00];
	s28 =	simm.s32 $0x400;
	v5 =	vadd.f32 v5, v7;
	v6 =	vadd.f32 v6, v8  }
.LBB2_11:
0xa8: {  	p0 =	sne.s32 s28, $0x3000;
	v7 =	vld [tilespmem:s26+$0xD10]  }
0xa9: {  	v8 =	vld [tilespmem:s26+$0xD20];
	v5 =	vadd.f32 v0, v5;
	v3 =	vadd.f32 v3, v6  }
0xaa: {  	v6 =	vld [tilespmem:s26+$0xD30]  }
.Ltmp4:
0xab: {  	v0 =	vld [tilespmem:s26+$0xD40];
	v2 =	vadd.f32 v2, v5;
	v4 =	vadd.f32 v4, v3;
	(pc) =	sbr.rel @p0 .LBB2_11-.Ltmp4, $4  }
0xac: {  	v3 =	vld [tilespmem:s26+$0xD50]  }
0xad: {  	v5 =	vadd.f32 v1, v2;
	v7 =	vadd.f32 v7, v4;
	v2 =	vld [tilespmem:s26+$0xD60]  }
0xae: {  	v4 =	vld [tilespmem:s26+$0xD70];
	s26 =	sshra.s32 s28, $0x2  }
0xaf: {  	s28 =	sadd.s32 $0x200, s28;
	v1 =	vld [tilespmem:s26+$0xD00];
	v5 =	vadd.f32 v8, v5;
	v6 =	vadd.f32 v6, v7  }
0xb0: {  	v7 =	vld [tilespmem:s26+$0xD10]  }
0xb1: {  	v8 =	vld [tilespmem:s26+$0xD20]  }
0xb2: {  	v9 =	vld [tilespmem:s26+$0xD30]  }
0xb3: {  	v10 =	vld [tilespmem:s26+$0xD40]  }
0xb4: {  	v11 =	vld [tilespmem:s26+$0xD50]  }
0xb5: {  	v0 =	vadd.f32 v0, v5;
	v3 =	vadd.f32 v3, v6;
	v5 =	vld [tilespmem:s26+$0xD60]  }
0xb6: {  	v6 =	vld [tilespmem:s26+$0xD70];
	s26 =	simm.s32 $0x270  }
0xb7: {  	[tilespmem:s10], [sflag:$0x1] =	stream.indirect.gather [hbm4b:s4+s9], $0x20, s26, s9, $0xb8;
	v0 =	vadd.f32 v2, v0;
	v2 =	vadd.f32 v4, v3;
	[tilespmem:$0x2800] =	vst v63  }
0xb8: {  	_ =	swait.ge [sflag:s15], $0xC80  }
0xb9: {  	[sflag:s15] =	ssyncset.done $0x0;
	v0 =	vadd.f32 v1, v0;
	v1 =	vadd.f32 v7, v2  }
0xba: {  	s28 =	simm.s32 $0x0;
	[sflag:s15] =	ssyncadd.s32 $0xFFFFF380  }
0xbb: {  	v3 =	vld [tilespmem:s28+$0x1980];
	v0 =	vadd.f32 v8, v0;
	v1 =	vadd.f32 v9, v1  }
0xbc: {  	v4 =	vld [tilespmem:s28+$0x1990]  }
0xbd: {  	v7 =	vld [tilespmem:s28+$0x19A0];
	v0 =	vadd.f32 v10, v0;
	v1 =	vadd.f32 v11, v1  }
0xbe: {  	v8 =	vld [tilespmem:s28+$0x19B0]  }
0xbf: {  	v2 =	vld [tilespmem:s28+$0x19D0];
	v5 =	vadd.f32 v5, v0;
	v1 =	vadd.f32 v6, v1  }
0xc0: {  	v0 =	vld [tilespmem:s28+$0x19C0]  }
0xc1: {  	v5 =	vadd.f32 v3, v5;
	v63 =	vadd.f32 v4, v1;
	v3 =	vld [tilespmem:s28+$0x19E0]  }
0xc2: {  	s26 =	simm.s32 $0x80;
	v4 =	vld [tilespmem:s28+$0x19F0]  }
0xc3: {  	v1 =	vld [tilespmem:s26+$0x1980];
	s28 =	simm.s32 $0x400;
	v6 =	vadd.f32 v7, v5;
	v5 =	vadd.f32 v8, v63  }
.LBB2_13:
0xc4: {  	p0 =	sne.s32 s28, $0x3000;
	v7 =	vld [tilespmem:s26+$0x1990]  }
0xc5: {  	v8 =	vld [tilespmem:s26+$0x19A0];
	v6 =	vadd.f32 v0, v6;
	v2 =	vadd.f32 v2, v5  }
0xc6: {  	v5 =	vld [tilespmem:s26+$0x19B0]  }
.Ltmp5:
0xc7: {  	v0 =	vld [tilespmem:s26+$0x19C0];
	v3 =	vadd.f32 v3, v6;
	v4 =	vadd.f32 v4, v2;
	(pc) =	sbr.rel @p0 .LBB2_13-.Ltmp5, $4  }
0xc8: {  	v2 =	vld [tilespmem:s26+$0x19D0]  }
0xc9: {  	v6 =	vadd.f32 v1, v3;
	v7 =	vadd.f32 v7, v4;
	v3 =	vld [tilespmem:s26+$0x19E0]  }
0xca: {  	v4 =	vld [tilespmem:s26+$0x19F0];
	s26 =	sshra.s32 s28, $0x2  }
0xcb: {  	s28 =	sadd.s32 $0x200, s28;
	v1 =	vld [tilespmem:s26+$0x1980];
	v6 =	vadd.f32 v8, v6;
	v5 =	vadd.f32 v5, v7  }
0xcc: {  	_ = 	snop  }
0xcd: {  	v7 =	vld [tilespmem:s26+$0x1990];
	v0 =	vadd.f32 v0, v6  }
0xce: {  	v6 =	vld [tilespmem:s26+$0x19A0];
	v2 =	vadd.f32 v2, v5  }
0xcf: {  	v5 =	vld [tilespmem:s26+$0x19B0];
	v0 =	vadd.f32 v3, v0  }
0xd0: {  	v3 =	vld [tilespmem:s26+$0x19C0];
	v2 =	vadd.f32 v4, v2  }
0xd1: {  	v4 =	vld [tilespmem:s26+$0x19D0];
	v0 =	vadd.f32 v1, v0  }
0xd2: {  	v1 =	vadd.f32 v7, v2;
	v2 =	vld [tilespmem:s26+$0x19E0]  }
0xd3: {  	v7 =	vld [tilespmem:s26+$0x19F0];
	v0 =	vadd.f32 v6, v0  }
0xd4: {  	v1 =	vadd.f32 v5, v1  }
0xd5: {  	v0 =	vadd.f32 v3, v0  }
0xd6: {  	v1 =	vadd.f32 v4, v1  }
0xd7: {  	v0 =	vadd.f32 v2, v0  }
0xd8: {  	v1 =	vadd.f32 v7, v1  }
0xd9: {  	[tilespmem:$0x2640] =	vst v0  }
0xda: {  	s26 =	simm.s32 $0x2D8;
	[tilespmem:$0x2650] =	vst v1  }
0xdb: {  	[tilespmem:s12], [sflag:$0x2] =	stream.indirect.gather [hbm4b:s4+s9], $0x20, s26, s9, $0xb8;
	[tilespmem:$0x2800] =	vst v63  }
0xdc: {  	_ =	swait.ge [sflag:s13], $0xC80  }
0xdd: {  	[sflag:s13] =	ssyncset.done $0x0  }
0xde: {  	s28 =	simm.s32 $0x0;
	[sflag:s13] =	ssyncadd.s32 $0xFFFFF380  }
0xdf: {  	v1 =	vld [tilespmem:s28+$0xD00]  }
0xe0: {  	v2 =	vld [tilespmem:s28+$0xD10]  }
0xe1: {  	v5 =	vld [tilespmem:s28+$0xD20]  }
0xe2: {  	v6 =	vld [tilespmem:s28+$0xD30]  }
0xe3: {  	v0 =	vld [tilespmem:s28+$0xD40]  }
0xe4: {  	v4 =	vimm.f32 $0.0e+00;
	v3 =	vld [tilespmem:s28+$0xD50]  }
0xe5: {  	v7 =	vadd.f32 v1, v4;
	v8 =	vadd.f32 v2, v4;
	v2 =	vld [tilespmem:s28+$0xD60]  }
0xe6: {  	s26 =	simm.s32 $0x80;
	v4 =	vld [tilespmem:s28+$0xD70]  }
0xe7: {  	v1 =	vld [tilespmem:s26+$0xD00];
	s28 =	simm.s32 $0x400;
	v5 =	vadd.f32 v5, v7;
	v6 =	vadd.f32 v6, v8  }
.LBB2_15:
0xe8: {  	p0 =	sne.s32 s28, $0x3000;
	v7 =	vld [tilespmem:s26+$0xD10]  }
0xe9: {  	v8 =	vld [tilespmem:s26+$0xD20];
	v5 =	vadd.f32 v0, v5;
	v3 =	vadd.f32 v3, v6  }
0xea: {  	v6 =	vld [tilespmem:s26+$0xD30]  }
.Ltmp6:
0xeb: {  	v0 =	vld [tilespmem:s26+$0xD40];
	v2 =	vadd.f32 v2, v5;
	v4 =	vadd.f32 v4, v3;
	(pc) =	sbr.rel @p0 .LBB2_15-.Ltmp6, $4  }
0xec: {  	v3 =	vld [tilespmem:s26+$0xD50]  }
0xed: {  	v5 =	vadd.f32 v1, v2;
	v7 =	vadd.f32 v7, v4;
	v2 =	vld [tilespmem:s26+$0xD60]  }
0xee: {  	v4 =	vld [tilespmem:s26+$0xD70];
	s26 =	sshra.s32 s28, $0x2  }
0xef: {  	s28 =	sadd.s32 $0x200, s28;
	v1 =	vld [tilespmem:s26+$0xD00];
	v5 =	vadd.f32 v8, v5;
	v6 =	vadd.f32 v6, v7  }
0xf0: {  	v7 =	vld [tilespmem:s26+$0xD10]  }
0xf1: {  	v8 =	vld [tilespmem:s26+$0xD20]  }
0xf2: {  	v9 =	vld [tilespmem:s26+$0xD30]  }
0xf3: {  	v10 =	vld [tilespmem:s26+$0xD40]  }
0xf4: {  	v11 =	vld [tilespmem:s26+$0xD50]  }
0xf5: {  	v0 =	vadd.f32 v0, v5;
	v3 =	vadd.f32 v3, v6;
	v5 =	vld [tilespmem:s26+$0xD60]  }
0xf6: {  	v6 =	vld [tilespmem:s26+$0xD70];
	s26 =	simm.s32 $0x340  }
0xf7: {  	[tilespmem:s10], [sflag:$0x1] =	stream.indirect.gather [hbm4b:s4+s9], $0x20, s26, s9, $0xb8;
	v0 =	vadd.f32 v2, v0;
	v2 =	vadd.f32 v4, v3;
	[tilespmem:$0x2800] =	vst v63  }
0xf8: {  	_ =	swait.ge [sflag:s15], $0xC80  }
0xf9: {  	[sflag:s15] =	ssyncset.done $0x0;
	v0 =	vadd.f32 v1, v0;
	v1 =	vadd.f32 v7, v2  }
0xfa: {  	s28 =	simm.s32 $0x0;
	[sflag:s15] =	ssyncadd.s32 $0xFFFFF380  }
0xfb: {  	v3 =	vld [tilespmem:s28+$0x1980];
	v0 =	vadd.f32 v8, v0;
	v1 =	vadd.f32 v9, v1  }
0xfc: {  	v4 =	vld [tilespmem:s28+$0x1990]  }
0xfd: {  	v7 =	vld [tilespmem:s28+$0x19A0];
	v0 =	vadd.f32 v10, v0;
	v1 =	vadd.f32 v11, v1  }
0xfe: {  	v8 =	vld [tilespmem:s28+$0x19B0]  }
0xff: {  	v2 =	vld [tilespmem:s28+$0x19D0];
	v5 =	vadd.f32 v5, v0;
	v1 =	vadd.f32 v6, v1  }
0x100: {  	v0 =	vld [tilespmem:s28+$0x19C0]  }
0x101: {  	v5 =	vadd.f32 v3, v5;
	v63 =	vadd.f32 v4, v1;
	v3 =	vld [tilespmem:s28+$0x19E0]  }
0x102: {  	s26 =	simm.s32 $0x80;
	v4 =	vld [tilespmem:s28+$0x19F0]  }
0x103: {  	v1 =	vld [tilespmem:s26+$0x1980];
	s28 =	simm.s32 $0x400;
	v6 =	vadd.f32 v7, v5;
	v5 =	vadd.f32 v8, v63  }
.LBB2_17:
0x104: {  	p0 =	sne.s32 s28, $0x3000;
	v7 =	vld [tilespmem:s26+$0x1990]  }
0x105: {  	v8 =	vld [tilespmem:s26+$0x19A0];
	v6 =	vadd.f32 v0, v6;
	v2 =	vadd.f32 v2, v5  }
0x106: {  	v5 =	vld [tilespmem:s26+$0x19B0]  }
.Ltmp7:
0x107: {  	v0 =	vld [tilespmem:s26+$0x19C0];
	v3 =	vadd.f32 v3, v6;
	v4 =	vadd.f32 v4, v2;
	(pc) =	sbr.rel @p0 .LBB2_17-.Ltmp7, $4  }
0x108: {  	v2 =	vld [tilespmem:s26+$0x19D0]  }
0x109: {  	v6 =	vadd.f32 v1, v3;
	v7 =	vadd.f32 v7, v4;
	v3 =	vld [tilespmem:s26+$0x19E0]  }
0x10a: {  	v4 =	vld [tilespmem:s26+$0x19F0];
	s26 =	sshra.s32 s28, $0x2  }
0x10b: {  	s28 =	sadd.s32 $0x200, s28;
	v1 =	vld [tilespmem:s26+$0x1980];
	v6 =	vadd.f32 v8, v6;
	v5 =	vadd.f32 v5, v7  }
0x10c: {  	_ = 	snop  }
0x10d: {  	v7 =	vld [tilespmem:s26+$0x1990];
	v0 =	vadd.f32 v0, v6  }
0x10e: {  	v6 =	vld [tilespmem:s26+$0x19A0];
	v2 =	vadd.f32 v2, v5  }
0x10f: {  	v5 =	vld [tilespmem:s26+$0x19B0];
	v0 =	vadd.f32 v3, v0  }
0x110: {  	v3 =	vld [tilespmem:s26+$0x19C0];
	v2 =	vadd.f32 v4, v2  }
0x111: {  	v4 =	vld [tilespmem:s26+$0x19D0];
	v0 =	vadd.f32 v1, v0  }
0x112: {  	v1 =	vadd.f32 v7, v2;
	v2 =	vld [tilespmem:s26+$0x19E0]  }
0x113: {  	v7 =	vld [tilespmem:s26+$0x19F0];
	v0 =	vadd.f32 v6, v0  }
0x114: {  	v1 =	vadd.f32 v5, v1  }
0x115: {  	v0 =	vadd.f32 v3, v0  }
0x116: {  	v1 =	vadd.f32 v4, v1  }
0x117: {  	v0 =	vadd.f32 v2, v0  }
0x118: {  	v1 =	vadd.f32 v7, v1  }
0x119: {  	[tilespmem:$0x2660] =	vst v0  }
0x11a: {  	s26 =	simm.s32 $0x3A8;
	[tilespmem:$0x2670] =	vst v1  }
0x11b: {  	[tilespmem:s12], [sflag:$0x2] =	stream.indirect.gather [hbm4b:s4+s9], $0x20, s26, s9, $0xb8;
	[tilespmem:$0x2800] =	vst v63  }
0x11c: {  	_ =	swait.ge [sflag:s13], $0xC80  }
0x11d: {  	[sflag:s13] =	ssyncset.done $0x0  }
0x11e: {  	s28 =	simm.s32 $0x0;
	[sflag:s13] =	ssyncadd.s32 $0xFFFFF380  }
0x11f: {  	v1 =	vld [tilespmem:s28+$0xD00]  }
0x120: {  	v2 =	vld [tilespmem:s28+$0xD10]  }
0x121: {  	v5 =	vld [tilespmem:s28+$0xD20]  }
0x122: {  	v6 =	vld [tilespmem:s28+$0xD30]  }
0x123: {  	v0 =	vld [tilespmem:s28+$0xD40]  }
0x124: {  	v4 =	vimm.f32 $0.0e+00;
	v3 =	vld [tilespmem:s28+$0xD50]  }
0x125: {  	v7 =	vadd.f32 v1, v4;
	v8 =	vadd.f32 v2, v4;
	v2 =	vld [tilespmem:s28+$0xD60]  }
0x126: {  	s26 =	simm.s32 $0x80;
	v4 =	vld [tilespmem:s28+$0xD70]  }
0x127: {  	v1 =	vld [tilespmem:s26+$0xD00];
	s28 =	simm.s32 $0x400;
	v5 =	vadd.f32 v5, v7;
	v6 =	vadd.f32 v6, v8  }
.LBB2_19:
0x128: {  	p0 =	sne.s32 s28, $0x3000;
	v7 =	vld [tilespmem:s26+$0xD10]  }
0x129: {  	v8 =	vld [tilespmem:s26+$0xD20];
	v5 =	vadd.f32 v0, v5;
	v3 =	vadd.f32 v3, v6  }
0x12a: {  	v6 =	vld [tilespmem:s26+$0xD30]  }
.Ltmp8:
0x12b: {  	v0 =	vld [tilespmem:s26+$0xD40];
	v2 =	vadd.f32 v2, v5;
	v4 =	vadd.f32 v4, v3;
	(pc) =	sbr.rel @p0 .LBB2_19-.Ltmp8, $4  }
0x12c: {  	v3 =	vld [tilespmem:s26+$0xD50]  }
0x12d: {  	v5 =	vadd.f32 v1, v2;
	v7 =	vadd.f32 v7, v4;
	v2 =	vld [tilespmem:s26+$0xD60]  }
0x12e: {  	v4 =	vld [tilespmem:s26+$0xD70];
	s26 =	sshra.s32 s28, $0x2  }
0x12f: {  	s28 =	sadd.s32 $0x200, s28;
	v1 =	vld [tilespmem:s26+$0xD00];
	v5 =	vadd.f32 v8, v5;
	v6 =	vadd.f32 v6, v7  }
0x130: {  	v7 =	vld [tilespmem:s26+$0xD10]  }
0x131: {  	v8 =	vld [tilespmem:s26+$0xD20]  }
0x132: {  	v9 =	vld [tilespmem:s26+$0xD30]  }
0x133: {  	v10 =	vld [tilespmem:s26+$0xD40]  }
0x134: {  	v11 =	vld [tilespmem:s26+$0xD50]  }
0x135: {  	v0 =	vadd.f32 v0, v5;
	v3 =	vadd.f32 v3, v6;
	v5 =	vld [tilespmem:s26+$0xD60]  }
0x136: {  	v6 =	vld [tilespmem:s26+$0xD70];
	s26 =	simm.s32 $0x410  }
0x137: {  	[tilespmem:s10], [sflag:$0x1] =	stream.indirect.gather [hbm4b:s4+s9], $0x20, s26, s9, $0xb8;
	v0 =	vadd.f32 v2, v0;
	v2 =	vadd.f32 v4, v3;
	[tilespmem:$0x2800] =	vst v63  }
0x138: {  	_ =	swait.ge [sflag:s15], $0xC80  }
0x139: {  	[sflag:s15] =	ssyncset.done $0x0;
	v0 =	vadd.f32 v1, v0;
	v1 =	vadd.f32 v7, v2  }
0x13a: {  	s28 =	simm.s32 $0x0;
	[sflag:s15] =	ssyncadd.s32 $0xFFFFF380  }
0x13b: {  	v3 =	vld [tilespmem:s28+$0x1980];
	v0 =	vadd.f32 v8, v0;
	v1 =	vadd.f32 v9, v1  }
0x13c: {  	v4 =	vld [tilespmem:s28+$0x1990]  }
0x13d: {  	v7 =	vld [tilespmem:s28+$0x19A0];
	v0 =	vadd.f32 v10, v0;
	v1 =	vadd.f32 v11, v1  }
0x13e: {  	v8 =	vld [tilespmem:s28+$0x19B0]  }
0x13f: {  	v2 =	vld [tilespmem:s28+$0x19D0];
	v5 =	vadd.f32 v5, v0;
	v1 =	vadd.f32 v6, v1  }
0x140: {  	v0 =	vld [tilespmem:s28+$0x19C0]  }
0x141: {  	v5 =	vadd.f32 v3, v5;
	v63 =	vadd.f32 v4, v1;
	v3 =	vld [tilespmem:s28+$0x19E0]  }
0x142: {  	s26 =	simm.s32 $0x80;
	v4 =	vld [tilespmem:s28+$0x19F0]  }
0x143: {  	v1 =	vld [tilespmem:s26+$0x1980];
	s28 =	simm.s32 $0x400;
	v6 =	vadd.f32 v7, v5;
	v5 =	vadd.f32 v8, v63  }
.LBB2_21:
0x144: {  	p0 =	sne.s32 s28, $0x3000;
	v7 =	vld [tilespmem:s26+$0x1990]  }
0x145: {  	v8 =	vld [tilespmem:s26+$0x19A0];
	v6 =	vadd.f32 v0, v6;
	v2 =	vadd.f32 v2, v5  }
0x146: {  	v5 =	vld [tilespmem:s26+$0x19B0]  }
.Ltmp9:
0x147: {  	v0 =	vld [tilespmem:s26+$0x19C0];
	v3 =	vadd.f32 v3, v6;
	v4 =	vadd.f32 v4, v2;
	(pc) =	sbr.rel @p0 .LBB2_21-.Ltmp9, $4  }
0x148: {  	v2 =	vld [tilespmem:s26+$0x19D0]  }
0x149: {  	v6 =	vadd.f32 v1, v3;
	v7 =	vadd.f32 v7, v4;
	v3 =	vld [tilespmem:s26+$0x19E0]  }
0x14a: {  	v4 =	vld [tilespmem:s26+$0x19F0];
	s26 =	sshra.s32 s28, $0x2  }
0x14b: {  	s28 =	sadd.s32 $0x200, s28;
	v1 =	vld [tilespmem:s26+$0x1980];
	v6 =	vadd.f32 v8, v6;
	v5 =	vadd.f32 v5, v7  }
0x14c: {  	_ = 	snop  }
0x14d: {  	v7 =	vld [tilespmem:s26+$0x1990];
	v0 =	vadd.f32 v0, v6  }
0x14e: {  	v6 =	vld [tilespmem:s26+$0x19A0];
	v2 =	vadd.f32 v2, v5  }
0x14f: {  	v5 =	vld [tilespmem:s26+$0x19B0];
	v0 =	vadd.f32 v3, v0  }
0x150: {  	v3 =	vld [tilespmem:s26+$0x19C0];
	v2 =	vadd.f32 v4, v2  }
0x151: {  	v4 =	vld [tilespmem:s26+$0x19D0];
	v0 =	vadd.f32 v1, v0  }
0x152: {  	v1 =	vadd.f32 v7, v2;
	v2 =	vld [tilespmem:s26+$0x19E0]  }
0x153: {  	v7 =	vld [tilespmem:s26+$0x19F0];
	v0 =	vadd.f32 v6, v0  }
0x154: {  	v1 =	vadd.f32 v5, v1  }
0x155: {  	v0 =	vadd.f32 v3, v0  }
0x156: {  	v1 =	vadd.f32 v4, v1  }
0x157: {  	v0 =	vadd.f32 v2, v0  }
0x158: {  	v1 =	vadd.f32 v7, v1  }
0x159: {  	[tilespmem:$0x2680] =	vst v0  }
0x15a: {  	s26 =	simm.s32 $0x478;
	[tilespmem:$0x2690] =	vst v1  }
0x15b: {  	[tilespmem:s12], [sflag:$0x2] =	stream.indirect.gather [hbm4b:s4+s9], $0x20, s26, s9, $0xb8;
	[tilespmem:$0x2800] =	vst v63  }
0x15c: {  	_ =	swait.ge [sflag:s13], $0xC80  }
0x15d: {  	[sflag:s13] =	ssyncset.done $0x0  }
0x15e: {  	s28 =	simm.s32 $0x0;
	[sflag:s13] =	ssyncadd.s32 $0xFFFFF380  }
0x15f: {  	v1 =	vld [tilespmem:s28+$0xD00]  }
0x160: {  	v2 =	vld [tilespmem:s28+$0xD10]  }
0x161: {  	v5 =	vld [tilespmem:s28+$0xD20]  }
0x162: {  	v6 =	vld [tilespmem:s28+$0xD30]  }
0x163: {  	v0 =	vld [tilespmem:s28+$0xD40]  }
0x164: {  	v4 =	vimm.f32 $0.0e+00;
	v3 =	vld [tilespmem:s28+$0xD50]  }
0x165: {  	v7 =	vadd.f32 v1, v4;
	v8 =	vadd.f32 v2, v4;
	v2 =	vld [tilespmem:s28+$0xD60]  }
0x166: {  	s26 =	simm.s32 $0x80;
	v4 =	vld [tilespmem:s28+$0xD70]  }
0x167: {  	v1 =	vld [tilespmem:s26+$0xD00];
	s28 =	simm.s32 $0x400;
	v5 =	vadd.f32 v5, v7;
	v6 =	vadd.f32 v6, v8  }
.LBB2_23:
0x168: {  	p0 =	sne.s32 s28, $0x3000;
	v7 =	vld [tilespmem:s26+$0xD10]  }
0x169: {  	v8 =	vld [tilespmem:s26+$0xD20];
	v5 =	vadd.f32 v0, v5;
	v3 =	vadd.f32 v3, v6  }
0x16a: {  	v6 =	vld [tilespmem:s26+$0xD30]  }
.Ltmp10:
0x16b: {  	v0 =	vld [tilespmem:s26+$0xD40];
	v2 =	vadd.f32 v2, v5;
	v4 =	vadd.f32 v4, v3;
	(pc) =	sbr.rel @p0 .LBB2_23-.Ltmp10, $4  }
0x16c: {  	v3 =	vld [tilespmem:s26+$0xD50]  }
0x16d: {  	v5 =	vadd.f32 v1, v2;
	v7 =	vadd.f32 v7, v4;
	v2 =	vld [tilespmem:s26+$0xD60]  }
0x16e: {  	v4 =	vld [tilespmem:s26+$0xD70];
	s26 =	sshra.s32 s28, $0x2  }
0x16f: {  	s28 =	sadd.s32 $0x200, s28;
	v1 =	vld [tilespmem:s26+$0xD00];
	v5 =	vadd.f32 v8, v5;
	v6 =	vadd.f32 v6, v7  }
0x170: {  	v7 =	vld [tilespmem:s26+$0xD10]  }
0x171: {  	v8 =	vld [tilespmem:s26+$0xD20]  }
0x172: {  	v9 =	vld [tilespmem:s26+$0xD30]  }
0x173: {  	v10 =	vld [tilespmem:s26+$0xD40]  }
0x174: {  	v11 =	vld [tilespmem:s26+$0xD50]  }
0x175: {  	v0 =	vadd.f32 v0, v5;
	v3 =	vadd.f32 v3, v6;
	v5 =	vld [tilespmem:s26+$0xD60]  }
0x176: {  	v6 =	vld [tilespmem:s26+$0xD70];
	s26 =	simm.s32 $0x4E0  }
0x177: {  	[tilespmem:s10], [sflag:$0x1] =	stream.indirect.gather [hbm4b:s4+s9], $0x20, s26, s9, $0xb8;
	v0 =	vadd.f32 v2, v0;
	v2 =	vadd.f32 v4, v3;
	[tilespmem:$0x2800] =	vst v63  }
0x178: {  	_ =	swait.ge [sflag:s15], $0xC80  }
0x179: {  	[sflag:s15] =	ssyncset.done $0x0;
	v0 =	vadd.f32 v1, v0;
	v1 =	vadd.f32 v7, v2  }
0x17a: {  	s28 =	simm.s32 $0x0;
	[sflag:s15] =	ssyncadd.s32 $0xFFFFF380  }
0x17b: {  	v3 =	vld [tilespmem:s28+$0x1980];
	v0 =	vadd.f32 v8, v0;
	v1 =	vadd.f32 v9, v1  }
0x17c: {  	v4 =	vld [tilespmem:s28+$0x1990]  }
0x17d: {  	v7 =	vld [tilespmem:s28+$0x19A0];
	v0 =	vadd.f32 v10, v0;
	v1 =	vadd.f32 v11, v1  }
0x17e: {  	v8 =	vld [tilespmem:s28+$0x19B0]  }
0x17f: {  	v2 =	vld [tilespmem:s28+$0x19D0];
	v5 =	vadd.f32 v5, v0;
	v1 =	vadd.f32 v6, v1  }
0x180: {  	v0 =	vld [tilespmem:s28+$0x19C0]  }
0x181: {  	v5 =	vadd.f32 v3, v5;
	v63 =	vadd.f32 v4, v1;
	v3 =	vld [tilespmem:s28+$0x19E0]  }
0x182: {  	s26 =	simm.s32 $0x80;
	v4 =	vld [tilespmem:s28+$0x19F0]  }
0x183: {  	v1 =	vld [tilespmem:s26+$0x1980];
	s28 =	simm.s32 $0x400;
	v6 =	vadd.f32 v7, v5;
	v5 =	vadd.f32 v8, v63  }
.LBB2_25:
0x184: {  	p0 =	sne.s32 s28, $0x3000;
	v7 =	vld [tilespmem:s26+$0x1990]  }
0x185: {  	v8 =	vld [tilespmem:s26+$0x19A0];
	v6 =	vadd.f32 v0, v6;
	v2 =	vadd.f32 v2, v5  }
0x186: {  	v5 =	vld [tilespmem:s26+$0x19B0]  }
.Ltmp11:
0x187: {  	v0 =	vld [tilespmem:s26+$0x19C0];
	v3 =	vadd.f32 v3, v6;
	v4 =	vadd.f32 v4, v2;
	(pc) =	sbr.rel @p0 .LBB2_25-.Ltmp11, $4  }
0x188: {  	v2 =	vld [tilespmem:s26+$0x19D0]  }
0x189: {  	v6 =	vadd.f32 v1, v3;
	v7 =	vadd.f32 v7, v4;
	v3 =	vld [tilespmem:s26+$0x19E0]  }
0x18a: {  	v4 =	vld [tilespmem:s26+$0x19F0];
	s26 =	sshra.s32 s28, $0x2  }
0x18b: {  	s28 =	sadd.s32 $0x200, s28;
	v1 =	vld [tilespmem:s26+$0x1980];
	v6 =	vadd.f32 v8, v6;
	v5 =	vadd.f32 v5, v7  }
0x18c: {  	_ = 	snop  }
0x18d: {  	v7 =	vld [tilespmem:s26+$0x1990];
	v0 =	vadd.f32 v0, v6  }
0x18e: {  	v6 =	vld [tilespmem:s26+$0x19A0];
	v2 =	vadd.f32 v2, v5  }
0x18f: {  	v5 =	vld [tilespmem:s26+$0x19B0];
	v0 =	vadd.f32 v3, v0  }
0x190: {  	v3 =	vld [tilespmem:s26+$0x19C0];
	v2 =	vadd.f32 v4, v2  }
0x191: {  	v4 =	vld [tilespmem:s26+$0x19D0];
	v0 =	vadd.f32 v1, v0  }
0x192: {  	v1 =	vadd.f32 v7, v2;
	v2 =	vld [tilespmem:s26+$0x19E0]  }
0x193: {  	v7 =	vld [tilespmem:s26+$0x19F0];
	v0 =	vadd.f32 v6, v0  }
0x194: {  	v1 =	vadd.f32 v5, v1  }
0x195: {  	v0 =	vadd.f32 v3, v0  }
0x196: {  	v1 =	vadd.f32 v4, v1  }
0x197: {  	v0 =	vadd.f32 v2, v0  }
0x198: {  	v1 =	vadd.f32 v7, v1  }
0x199: {  	[tilespmem:$0x26A0] =	vst v0  }
0x19a: {  	s26 =	simm.s32 $0x548;
	[tilespmem:$0x26B0] =	vst v1  }
0x19b: {  	[tilespmem:s12], [sflag:$0x2] =	stream.indirect.gather [hbm4b:s4+s9], $0x20, s26, s9, $0xb8;
	[tilespmem:$0x2800] =	vst v63  }
0x19c: {  	_ =	swait.ge [sflag:s13], $0xC80  }
0x19d: {  	[sflag:s13] =	ssyncset.done $0x0  }
0x19e: {  	s28 =	simm.s32 $0x0;
	[sflag:s13] =	ssyncadd.s32 $0xFFFFF380  }
0x19f: {  	v1 =	vld [tilespmem:s28+$0xD00]  }
0x1a0: {  	v2 =	vld [tilespmem:s28+$0xD10]  }
0x1a1: {  	v5 =	vld [tilespmem:s28+$0xD20]  }
0x1a2: {  	v6 =	vld [tilespmem:s28+$0xD30]  }
0x1a3: {  	v0 =	vld [tilespmem:s28+$0xD40]  }
0x1a4: {  	v4 =	vimm.f32 $0.0e+00;
	v3 =	vld [tilespmem:s28+$0xD50]  }
0x1a5: {  	v7 =	vadd.f32 v1, v4;
	v8 =	vadd.f32 v2, v4;
	v2 =	vld [tilespmem:s28+$0xD60]  }
0x1a6: {  	s26 =	simm.s32 $0x80;
	v4 =	vld [tilespmem:s28+$0xD70]  }
0x1a7: {  	v1 =	vld [tilespmem:s26+$0xD00];
	s28 =	simm.s32 $0x400;
	v5 =	vadd.f32 v5, v7;
	v6 =	vadd.f32 v6, v8  }
.LBB2_27:
0x1a8: {  	p0 =	sne.s32 s28, $0x3000;
	v7 =	vld [tilespmem:s26+$0xD10]  }
0x1a9: {  	v8 =	vld [tilespmem:s26+$0xD20];
	v5 =	vadd.f32 v0, v5;
	v3 =	vadd.f32 v3, v6  }
0x1aa: {  	v6 =	vld [tilespmem:s26+$0xD30]  }
.Ltmp12:
0x1ab: {  	v0 =	vld [tilespmem:s26+$0xD40];
	v2 =	vadd.f32 v2, v5;
	v4 =	vadd.f32 v4, v3;
	(pc) =	sbr.rel @p0 .LBB2_27-.Ltmp12, $4  }
0x1ac: {  	v3 =	vld [tilespmem:s26+$0xD50]  }
0x1ad: {  	v5 =	vadd.f32 v1, v2;
	v7 =	vadd.f32 v7, v4;
	v2 =	vld [tilespmem:s26+$0xD60]  }
0x1ae: {  	v4 =	vld [tilespmem:s26+$0xD70];
	s26 =	sshra.s32 s28, $0x2  }
0x1af: {  	s28 =	sadd.s32 $0x200, s28;
	v1 =	vld [tilespmem:s26+$0xD00];
	v5 =	vadd.f32 v8, v5;
	v6 =	vadd.f32 v6, v7  }
0x1b0: {  	v7 =	vld [tilespmem:s26+$0xD10]  }
0x1b1: {  	v8 =	vld [tilespmem:s26+$0xD20]  }
0x1b2: {  	v9 =	vld [tilespmem:s26+$0xD30]  }
0x1b3: {  	v10 =	vld [tilespmem:s26+$0xD40]  }
0x1b4: {  	v11 =	vld [tilespmem:s26+$0xD50]  }
0x1b5: {  	v0 =	vadd.f32 v0, v5;
	v3 =	vadd.f32 v3, v6;
	v5 =	vld [tilespmem:s26+$0xD60]  }
0x1b6: {  	v6 =	vld [tilespmem:s26+$0xD70];
	s26 =	simm.s32 $0x5B0  }
0x1b7: {  	[tilespmem:s10], [sflag:$0x1] =	stream.indirect.gather [hbm4b:s4+s9], $0x20, s26, s9, $0xb8;
	v0 =	vadd.f32 v2, v0;
	v2 =	vadd.f32 v4, v3;
	[tilespmem:$0x2800] =	vst v63  }
0x1b8: {  	_ =	swait.ge [sflag:s15], $0xC80  }
0x1b9: {  	[sflag:s15] =	ssyncset.done $0x0;
	v0 =	vadd.f32 v1, v0;
	v1 =	vadd.f32 v7, v2  }
0x1ba: {  	s28 =	simm.s32 $0x0;
	[sflag:s15] =	ssyncadd.s32 $0xFFFFF380  }
0x1bb: {  	v3 =	vld [tilespmem:s28+$0x1980];
	v0 =	vadd.f32 v8, v0;
	v1 =	vadd.f32 v9, v1  }
0x1bc: {  	v4 =	vld [tilespmem:s28+$0x1990]  }
0x1bd: {  	v7 =	vld [tilespmem:s28+$0x19A0];
	v0 =	vadd.f32 v10, v0;
	v1 =	vadd.f32 v11, v1  }
0x1be: {  	v8 =	vld [tilespmem:s28+$0x19B0]  }
0x1bf: {  	v2 =	vld [tilespmem:s28+$0x19D0];
	v5 =	vadd.f32 v5, v0;
	v1 =	vadd.f32 v6, v1  }
0x1c0: {  	v0 =	vld [tilespmem:s28+$0x19C0]  }
0x1c1: {  	v5 =	vadd.f32 v3, v5;
	v63 =	vadd.f32 v4, v1;
	v3 =	vld [tilespmem:s28+$0x19E0]  }
0x1c2: {  	s26 =	simm.s32 $0x80;
	v4 =	vld [tilespmem:s28+$0x19F0]  }
0x1c3: {  	v1 =	vld [tilespmem:s26+$0x1980];
	s28 =	simm.s32 $0x400;
	v6 =	vadd.f32 v7, v5;
	v5 =	vadd.f32 v8, v63  }
.LBB2_29:
0x1c4: {  	p0 =	sne.s32 s28, $0x3000;
	v7 =	vld [tilespmem:s26+$0x1990]  }
0x1c5: {  	v8 =	vld [tilespmem:s26+$0x19A0];
	v6 =	vadd.f32 v0, v6;
	v2 =	vadd.f32 v2, v5  }
0x1c6: {  	v5 =	vld [tilespmem:s26+$0x19B0]  }
.Ltmp13:
0x1c7: {  	v0 =	vld [tilespmem:s26+$0x19C0];
	v3 =	vadd.f32 v3, v6;
	v4 =	vadd.f32 v4, v2;
	(pc) =	sbr.rel @p0 .LBB2_29-.Ltmp13, $4  }
0x1c8: {  	v2 =	vld [tilespmem:s26+$0x19D0]  }
0x1c9: {  	v6 =	vadd.f32 v1, v3;
	v7 =	vadd.f32 v7, v4;
	v3 =	vld [tilespmem:s26+$0x19E0]  }
0x1ca: {  	v4 =	vld [tilespmem:s26+$0x19F0];
	s26 =	sshra.s32 s28, $0x2  }
0x1cb: {  	s28 =	sadd.s32 $0x200, s28;
	v1 =	vld [tilespmem:s26+$0x1980];
	v6 =	vadd.f32 v8, v6;
	v5 =	vadd.f32 v5, v7  }
0x1cc: {  	_ = 	snop  }
0x1cd: {  	v7 =	vld [tilespmem:s26+$0x1990];
	v0 =	vadd.f32 v0, v6  }
0x1ce: {  	v6 =	vld [tilespmem:s26+$0x19A0];
	v2 =	vadd.f32 v2, v5  }
0x1cf: {  	v5 =	vld [tilespmem:s26+$0x19B0];
	v0 =	vadd.f32 v3, v0  }
0x1d0: {  	v3 =	vld [tilespmem:s26+$0x19C0];
	v2 =	vadd.f32 v4, v2  }
0x1d1: {  	v4 =	vld [tilespmem:s26+$0x19D0];
	v0 =	vadd.f32 v1, v0  }
0x1d2: {  	v1 =	vadd.f32 v7, v2;
	v2 =	vld [tilespmem:s26+$0x19E0]  }
0x1d3: {  	v7 =	vld [tilespmem:s26+$0x19F0];
	v0 =	vadd.f32 v6, v0  }
0x1d4: {  	v1 =	vadd.f32 v5, v1  }
0x1d5: {  	v0 =	vadd.f32 v3, v0  }
0x1d6: {  	v1 =	vadd.f32 v4, v1  }
0x1d7: {  	v0 =	vadd.f32 v2, v0  }
0x1d8: {  	v1 =	vadd.f32 v7, v1  }
0x1d9: {  	[tilespmem:$0x26C0] =	vst v0  }
0x1da: {  	[tilespmem:$0x26D0] =	vst v1  }
0x1db: {  	[tilespmem:s12], [sflag:$0x2] =	stream.indirect.gather [hbm4b:s4+s9], $0x20, s29, s9, $0xb8;
	[tilespmem:$0x2800] =	vst v63  }
0x1dc: {  	_ =	swait.ge [sflag:s13], $0xC80  }
0x1dd: {  	[sflag:s13] =	ssyncset.done $0x0  }
0x1de: {  	s28 =	simm.s32 $0x0;
	[sflag:s13] =	ssyncadd.s32 $0xFFFFF380  }
0x1df: {  	v1 =	vld [tilespmem:s28+$0xD00]  }
0x1e0: {  	v2 =	vld [tilespmem:s28+$0xD10]  }
0x1e1: {  	v5 =	vld [tilespmem:s28+$0xD20]  }
0x1e2: {  	v6 =	vld [tilespmem:s28+$0xD30]  }
0x1e3: {  	v0 =	vld [tilespmem:s28+$0xD40]  }
0x1e4: {  	v4 =	vimm.f32 $0.0e+00;
	v3 =	vld [tilespmem:s28+$0xD50]  }
0x1e5: {  	v7 =	vadd.f32 v1, v4;
	v8 =	vadd.f32 v2, v4;
	v2 =	vld [tilespmem:s28+$0xD60]  }
0x1e6: {  	s26 =	simm.s32 $0x80;
	v4 =	vld [tilespmem:s28+$0xD70]  }
0x1e7: {  	v1 =	vld [tilespmem:s26+$0xD00];
	s28 =	simm.s32 $0x400;
	v5 =	vadd.f32 v5, v7;
	v6 =	vadd.f32 v6, v8  }
.LBB2_31:
0x1e8: {  	p0 =	sne.s32 s28, $0x3000;
	v7 =	vld [tilespmem:s26+$0xD10]  }
0x1e9: {  	v8 =	vld [tilespmem:s26+$0xD20];
	v5 =	vadd.f32 v0, v5;
	v3 =	vadd.f32 v3, v6  }
0x1ea: {  	v6 =	vld [tilespmem:s26+$0xD30]  }
.Ltmp14:
0x1eb: {  	v0 =	vld [tilespmem:s26+$0xD40];
	v2 =	vadd.f32 v2, v5;
	v4 =	vadd.f32 v4, v3;
	(pc) =	sbr.rel @p0 .LBB2_31-.Ltmp14, $4  }
0x1ec: {  	v3 =	vld [tilespmem:s26+$0xD50]  }
0x1ed: {  	v5 =	vadd.f32 v1, v2;
	v7 =	vadd.f32 v7, v4;
	v2 =	vld [tilespmem:s26+$0xD60]  }
0x1ee: {  	v4 =	vld [tilespmem:s26+$0xD70];
	s26 =	sshra.s32 s28, $0x2  }
0x1ef: {  	s28 =	sadd.s32 $0x200, s28;
	v1 =	vld [tilespmem:s26+$0xD00];
	v5 =	vadd.f32 v8, v5;
	v6 =	vadd.f32 v6, v7  }
0x1f0: {  	v7 =	vld [tilespmem:s26+$0xD10]  }
0x1f1: {  	v8 =	vld [tilespmem:s26+$0xD20]  }
0x1f2: {  	v9 =	vld [tilespmem:s26+$0xD30]  }
0x1f3: {  	v10 =	vld [tilespmem:s26+$0xD40]  }
0x1f4: {  	v11 =	vld [tilespmem:s26+$0xD50];
	v0 =	vadd.f32 v0, v5;
	v3 =	vadd.f32 v3, v6  }
0x1f5: {  	v5 =	vld [tilespmem:s26+$0xD60]  }
0x1f6: {  	v6 =	vld [tilespmem:s26+$0xD70];
	[tilespmem:s10], [sflag:$0x1] =	stream.indirect.gather [hbm4b:s4+s9], $0x20, s30, s9, $0xb8;
	v0 =	vadd.f32 v2, v0;
	v2 =	vadd.f32 v4, v3  }
0x1f7: {  	_ =	swait.ge [sflag:s15], $0xC80  }
0x1f8: {  	[sflag:s15] =	ssyncset.done $0x0;
	v0 =	vadd.f32 v1, v0;
	v1 =	vadd.f32 v7, v2  }
0x1f9: {  	s28 =	simm.s32 $0x0;
	[sflag:s15] =	ssyncadd.s32 $0xFFFFF380  }
0x1fa: {  	v3 =	vld [tilespmem:s28+$0x1980];
	v0 =	vadd.f32 v8, v0;
	v1 =	vadd.f32 v9, v1  }
0x1fb: {  	v4 =	vld [tilespmem:s28+$0x1990]  }
0x1fc: {  	v7 =	vld [tilespmem:s28+$0x19A0];
	v0 =	vadd.f32 v10, v0;
	v1 =	vadd.f32 v11, v1  }
0x1fd: {  	v8 =	vld [tilespmem:s28+$0x19B0]  }
0x1fe: {  	v2 =	vld [tilespmem:s28+$0x19D0];
	v5 =	vadd.f32 v5, v0;
	v1 =	vadd.f32 v6, v1  }
0x1ff: {  	v0 =	vld [tilespmem:s28+$0x19C0]  }
0x200: {  	v5 =	vadd.f32 v3, v5;
	v63 =	vadd.f32 v4, v1;
	v3 =	vld [tilespmem:s28+$0x19E0]  }
0x201: {  	s26 =	simm.s32 $0x80;
	v4 =	vld [tilespmem:s28+$0x19F0]  }
0x202: {  	v1 =	vld [tilespmem:s26+$0x1980];
	s28 =	simm.s32 $0x400;
	v6 =	vadd.f32 v7, v5;
	v5 =	vadd.f32 v8, v63  }
.LBB2_33:
0x203: {  	p0 =	sne.s32 s28, $0x3000;
	v7 =	vld [tilespmem:s26+$0x1990]  }
0x204: {  	v8 =	vld [tilespmem:s26+$0x19A0];
	v6 =	vadd.f32 v0, v6;
	v2 =	vadd.f32 v2, v5  }
0x205: {  	v5 =	vld [tilespmem:s26+$0x19B0]  }
.Ltmp15:
0x206: {  	v0 =	vld [tilespmem:s26+$0x19C0];
	v3 =	vadd.f32 v3, v6;
	v4 =	vadd.f32 v4, v2;
	(pc) =	sbr.rel @p0 .LBB2_33-.Ltmp15, $4  }
0x207: {  	v2 =	vld [tilespmem:s26+$0x19D0]  }
0x208: {  	v6 =	vadd.f32 v1, v3;
	v7 =	vadd.f32 v7, v4;
	v3 =	vld [tilespmem:s26+$0x19E0]  }
0x209: {  	v4 =	vld [tilespmem:s26+$0x19F0];
	s26 =	sshra.s32 s28, $0x2  }
0x20a: {  	s28 =	sadd.s32 $0x200, s28;
	v1 =	vld [tilespmem:s26+$0x1980];
	v6 =	vadd.f32 v8, v6;
	v5 =	vadd.f32 v5, v7  }
0x20b: {  	_ = 	snop  }
0x20c: {  	v7 =	vld [tilespmem:s26+$0x1990];
	v0 =	vadd.f32 v0, v6  }
0x20d: {  	v6 =	vld [tilespmem:s26+$0x19A0];
	v2 =	vadd.f32 v2, v5  }
0x20e: {  	v5 =	vld [tilespmem:s26+$0x19B0];
	v0 =	vadd.f32 v3, v0  }
0x20f: {  	v3 =	vld [tilespmem:s26+$0x19C0];
	v2 =	vadd.f32 v4, v2  }
0x210: {  	v4 =	vld [tilespmem:s26+$0x19D0];
	v0 =	vadd.f32 v1, v0  }
0x211: {  	v1 =	vadd.f32 v7, v2;
	v2 =	vld [tilespmem:s26+$0x19E0]  }
0x212: {  	v7 =	vld [tilespmem:s26+$0x19F0];
	v0 =	vadd.f32 v6, v0  }
0x213: {  	v1 =	vadd.f32 v5, v1  }
0x214: {  	v0 =	vadd.f32 v3, v0  }
0x215: {  	v1 =	vadd.f32 v4, v1  }
0x216: {  	v0 =	vadd.f32 v2, v0  }
0x217: {  	v1 =	vadd.f32 v7, v1  }
0x218: {  	[tilespmem:$0x26E0] =	vst v0  }
0x219: {  	[tilespmem:$0x26F0] =	vst v1  }
0x21a: {  	[tilespmem:s12], [sflag:$0x2] =	stream.indirect.gather [hbm4b:s4+s9], $0x20, s31, s9, $0xb8;
	[tilespmem:$0x2800] =	vst v63  }
0x21b: {  	_ =	swait.ge [sflag:s13], $0xC80  }
0x21c: {  	[sflag:s13] =	ssyncset.done $0x0  }
0x21d: {  	s28 =	simm.s32 $0x0;
	[sflag:s13] =	ssyncadd.s32 $0xFFFFF380  }
0x21e: {  	v1 =	vld [tilespmem:s28+$0xD00]  }
0x21f: {  	v2 =	vld [tilespmem:s28+$0xD10]  }
0x220: {  	v5 =	vld [tilespmem:s28+$0xD20]  }
0x221: {  	v6 =	vld [tilespmem:s28+$0xD30]  }
0x222: {  	v0 =	vld [tilespmem:s28+$0xD40]  }
0x223: {  	v4 =	vimm.f32 $0.0e+00;
	v3 =	vld [tilespmem:s28+$0xD50]  }
0x224: {  	v7 =	vadd.f32 v1, v4;
	v8 =	vadd.f32 v2, v4;
	v2 =	vld [tilespmem:s28+$0xD60]  }
0x225: {  	s26 =	simm.s32 $0x80;
	v4 =	vld [tilespmem:s28+$0xD70]  }
0x226: {  	v1 =	vld [tilespmem:s26+$0xD00];
	s28 =	simm.s32 $0x400;
	v5 =	vadd.f32 v5, v7;
	v6 =	vadd.f32 v6, v8  }
.LBB2_35:
0x227: {  	p0 =	sne.s32 s28, $0x3000;
	v7 =	vld [tilespmem:s26+$0xD10]  }
0x228: {  	v8 =	vld [tilespmem:s26+$0xD20];
	v5 =	vadd.f32 v0, v5;
	v3 =	vadd.f32 v3, v6  }
0x229: {  	v6 =	vld [tilespmem:s26+$0xD30]  }
.Ltmp16:
0x22a: {  	v0 =	vld [tilespmem:s26+$0xD40];
	v2 =	vadd.f32 v2, v5;
	v4 =	vadd.f32 v4, v3;
	(pc) =	sbr.rel @p0 .LBB2_35-.Ltmp16, $4  }
0x22b: {  	v3 =	vld [tilespmem:s26+$0xD50]  }
0x22c: {  	v5 =	vadd.f32 v1, v2;
	v7 =	vadd.f32 v7, v4;
	v2 =	vld [tilespmem:s26+$0xD60]  }
0x22d: {  	v4 =	vld [tilespmem:s26+$0xD70];
	s26 =	sshra.s32 s28, $0x2  }
0x22e: {  	s28 =	sadd.s32 $0x200, s28;
	v1 =	vld [tilespmem:s26+$0xD00];
	v5 =	vadd.f32 v8, v5;
	v6 =	vadd.f32 v6, v7  }
0x22f: {  	v7 =	vld [tilespmem:s26+$0xD10]  }
0x230: {  	v8 =	vld [tilespmem:s26+$0xD20]  }
0x231: {  	v9 =	vld [tilespmem:s26+$0xD30]  }
0x232: {  	v10 =	vld [tilespmem:s26+$0xD40]  }
0x233: {  	v11 =	vld [tilespmem:s26+$0xD50];
	v0 =	vadd.f32 v0, v5;
	v3 =	vadd.f32 v3, v6  }
0x234: {  	v5 =	vld [tilespmem:s26+$0xD60]  }
0x235: {  	v6 =	vld [tilespmem:s26+$0xD70];
	[tilespmem:s10], [sflag:$0x1] =	stream.indirect.gather [hbm4b:s4+s9], $0x20, s0, s9, $0xb8;
	v0 =	vadd.f32 v2, v0;
	v2 =	vadd.f32 v4, v3  }
0x236: {  	_ =	swait.ge [sflag:s15], $0xC80  }
0x237: {  	[sflag:s15] =	ssyncset.done $0x0;
	v0 =	vadd.f32 v1, v0;
	v1 =	vadd.f32 v7, v2  }
0x238: {  	s28 =	simm.s32 $0x0;
	[sflag:s15] =	ssyncadd.s32 $0xFFFFF380  }
0x239: {  	v3 =	vld [tilespmem:s28+$0x1980];
	v0 =	vadd.f32 v8, v0;
	v1 =	vadd.f32 v9, v1  }
0x23a: {  	v4 =	vld [tilespmem:s28+$0x1990]  }
0x23b: {  	v7 =	vld [tilespmem:s28+$0x19A0];
	v0 =	vadd.f32 v10, v0;
	v1 =	vadd.f32 v11, v1  }
0x23c: {  	v8 =	vld [tilespmem:s28+$0x19B0]  }
0x23d: {  	v2 =	vld [tilespmem:s28+$0x19D0];
	v5 =	vadd.f32 v5, v0;
	v1 =	vadd.f32 v6, v1  }
0x23e: {  	v0 =	vld [tilespmem:s28+$0x19C0]  }
0x23f: {  	v5 =	vadd.f32 v3, v5;
	v63 =	vadd.f32 v4, v1;
	v3 =	vld [tilespmem:s28+$0x19E0]  }
0x240: {  	s26 =	simm.s32 $0x80;
	v4 =	vld [tilespmem:s28+$0x19F0]  }
0x241: {  	v1 =	vld [tilespmem:s26+$0x1980];
	s28 =	simm.s32 $0x400;
	v6 =	vadd.f32 v7, v5;
	v5 =	vadd.f32 v8, v63  }
.LBB2_37:
0x242: {  	p0 =	sne.s32 s28, $0x3000;
	v7 =	vld [tilespmem:s26+$0x1990]  }
0x243: {  	v8 =	vld [tilespmem:s26+$0x19A0];
	v6 =	vadd.f32 v0, v6;
	v2 =	vadd.f32 v2, v5  }
0x244: {  	v5 =	vld [tilespmem:s26+$0x19B0]  }
.Ltmp17:
0x245: {  	v0 =	vld [tilespmem:s26+$0x19C0];
	v3 =	vadd.f32 v3, v6;
	v4 =	vadd.f32 v4, v2;
	(pc) =	sbr.rel @p0 .LBB2_37-.Ltmp17, $4  }
0x246: {  	v2 =	vld [tilespmem:s26+$0x19D0]  }
0x247: {  	v6 =	vadd.f32 v1, v3;
	v7 =	vadd.f32 v7, v4;
	v3 =	vld [tilespmem:s26+$0x19E0]  }
0x248: {  	v4 =	vld [tilespmem:s26+$0x19F0];
	s26 =	sshra.s32 s28, $0x2  }
0x249: {  	s28 =	sadd.s32 $0x200, s28;
	v1 =	vld [tilespmem:s26+$0x1980];
	v6 =	vadd.f32 v8, v6;
	v5 =	vadd.f32 v5, v7  }
0x24a: {  	_ = 	snop  }
0x24b: {  	v7 =	vld [tilespmem:s26+$0x1990];
	v0 =	vadd.f32 v0, v6  }
0x24c: {  	v6 =	vld [tilespmem:s26+$0x19A0];
	v2 =	vadd.f32 v2, v5  }
0x24d: {  	v5 =	vld [tilespmem:s26+$0x19B0];
	v0 =	vadd.f32 v3, v0  }
0x24e: {  	v3 =	vld [tilespmem:s26+$0x19C0];
	v2 =	vadd.f32 v4, v2  }
0x24f: {  	v4 =	vld [tilespmem:s26+$0x19D0];
	v0 =	vadd.f32 v1, v0  }
0x250: {  	v1 =	vadd.f32 v7, v2;
	v2 =	vld [tilespmem:s26+$0x19E0]  }
0x251: {  	v7 =	vld [tilespmem:s26+$0x19F0];
	v0 =	vadd.f32 v6, v0  }
0x252: {  	v1 =	vadd.f32 v5, v1  }
0x253: {  	v0 =	vadd.f32 v3, v0  }
0x254: {  	v1 =	vadd.f32 v4, v1  }
0x255: {  	v0 =	vadd.f32 v2, v0  }
0x256: {  	v1 =	vadd.f32 v7, v1  }
0x257: {  	[tilespmem:$0x2700] =	vst v0  }
0x258: {  	[tilespmem:$0x2710] =	vst v1  }
0x259: {  	[tilespmem:s12], [sflag:$0x2] =	stream.indirect.gather [hbm4b:s4+s9], $0x20, s1, s9, $0xb8;
	[tilespmem:$0x2800] =	vst v63  }
0x25a: {  	_ =	swait.ge [sflag:s13], $0xC80  }
0x25b: {  	[sflag:s13] =	ssyncset.done $0x0  }
0x25c: {  	s28 =	simm.s32 $0x0;
	[sflag:s13] =	ssyncadd.s32 $0xFFFFF380  }
0x25d: {  	v1 =	vld [tilespmem:s28+$0xD00]  }
0x25e: {  	v2 =	vld [tilespmem:s28+$0xD10]  }
0x25f: {  	v5 =	vld [tilespmem:s28+$0xD20]  }
0x260: {  	v6 =	vld [tilespmem:s28+$0xD30]  }
0x261: {  	v0 =	vld [tilespmem:s28+$0xD40]  }
0x262: {  	v4 =	vimm.f32 $0.0e+00;
	v3 =	vld [tilespmem:s28+$0xD50]  }
0x263: {  	v7 =	vadd.f32 v1, v4;
	v8 =	vadd.f32 v2, v4;
	v2 =	vld [tilespmem:s28+$0xD60]  }
0x264: {  	s26 =	simm.s32 $0x80;
	v4 =	vld [tilespmem:s28+$0xD70]  }
0x265: {  	v1 =	vld [tilespmem:s26+$0xD00];
	s28 =	simm.s32 $0x400;
	v5 =	vadd.f32 v5, v7;
	v6 =	vadd.f32 v6, v8  }
.LBB2_39:
0x266: {  	p0 =	sne.s32 s28, $0x3000;
	v7 =	vld [tilespmem:s26+$0xD10]  }
0x267: {  	v8 =	vld [tilespmem:s26+$0xD20];
	v5 =	vadd.f32 v0, v5;
	v3 =	vadd.f32 v3, v6  }
0x268: {  	v6 =	vld [tilespmem:s26+$0xD30]  }
.Ltmp18:
0x269: {  	v0 =	vld [tilespmem:s26+$0xD40];
	v2 =	vadd.f32 v2, v5;
	v4 =	vadd.f32 v4, v3;
	(pc) =	sbr.rel @p0 .LBB2_39-.Ltmp18, $4  }
0x26a: {  	v3 =	vld [tilespmem:s26+$0xD50]  }
0x26b: {  	v5 =	vadd.f32 v1, v2;
	v7 =	vadd.f32 v7, v4;
	v2 =	vld [tilespmem:s26+$0xD60]  }
0x26c: {  	v4 =	vld [tilespmem:s26+$0xD70];
	s26 =	sshra.s32 s28, $0x2  }
0x26d: {  	s28 =	sadd.s32 $0x200, s28;
	v1 =	vld [tilespmem:s26+$0xD00];
	v5 =	vadd.f32 v8, v5;
	v6 =	vadd.f32 v6, v7  }
0x26e: {  	v7 =	vld [tilespmem:s26+$0xD10]  }
0x26f: {  	v8 =	vld [tilespmem:s26+$0xD20]  }
0x270: {  	v9 =	vld [tilespmem:s26+$0xD30]  }
0x271: {  	v10 =	vld [tilespmem:s26+$0xD40]  }
0x272: {  	v11 =	vld [tilespmem:s26+$0xD50];
	v0 =	vadd.f32 v0, v5;
	v3 =	vadd.f32 v3, v6  }
0x273: {  	v5 =	vld [tilespmem:s26+$0xD60]  }
0x274: {  	v6 =	vld [tilespmem:s26+$0xD70];
	[tilespmem:s10], [sflag:$0x1] =	stream.indirect.gather [hbm4b:s4+s9], $0x20, s7, s9, $0xb8;
	v0 =	vadd.f32 v2, v0;
	v2 =	vadd.f32 v4, v3  }
0x275: {  	_ =	swait.ge [sflag:s15], $0xC80  }
0x276: {  	[sflag:s15] =	ssyncset.done $0x0;
	v0 =	vadd.f32 v1, v0;
	v1 =	vadd.f32 v7, v2  }
0x277: {  	s28 =	simm.s32 $0x0;
	[sflag:s15] =	ssyncadd.s32 $0xFFFFF380  }
0x278: {  	v3 =	vld [tilespmem:s28+$0x1980];
	v0 =	vadd.f32 v8, v0;
	v1 =	vadd.f32 v9, v1  }
0x279: {  	v4 =	vld [tilespmem:s28+$0x1990]  }
0x27a: {  	v7 =	vld [tilespmem:s28+$0x19A0];
	v0 =	vadd.f32 v10, v0;
	v1 =	vadd.f32 v11, v1  }
0x27b: {  	v8 =	vld [tilespmem:s28+$0x19B0]  }
0x27c: {  	v2 =	vld [tilespmem:s28+$0x19D0];
	v5 =	vadd.f32 v5, v0;
	v1 =	vadd.f32 v6, v1  }
0x27d: {  	v0 =	vld [tilespmem:s28+$0x19C0]  }
0x27e: {  	v5 =	vadd.f32 v3, v5;
	v63 =	vadd.f32 v4, v1;
	v3 =	vld [tilespmem:s28+$0x19E0]  }
0x27f: {  	s26 =	simm.s32 $0x80;
	v4 =	vld [tilespmem:s28+$0x19F0]  }
0x280: {  	v1 =	vld [tilespmem:s26+$0x1980];
	s28 =	simm.s32 $0x400;
	v6 =	vadd.f32 v7, v5;
	v5 =	vadd.f32 v8, v63  }
.LBB2_41:
0x281: {  	p0 =	sne.s32 s28, $0x3000;
	v7 =	vld [tilespmem:s26+$0x1990]  }
0x282: {  	v8 =	vld [tilespmem:s26+$0x19A0];
	v6 =	vadd.f32 v0, v6;
	v2 =	vadd.f32 v2, v5  }
0x283: {  	v5 =	vld [tilespmem:s26+$0x19B0]  }
.Ltmp19:
0x284: {  	v0 =	vld [tilespmem:s26+$0x19C0];
	v3 =	vadd.f32 v3, v6;
	v4 =	vadd.f32 v4, v2;
	(pc) =	sbr.rel @p0 .LBB2_41-.Ltmp19, $4  }
0x285: {  	v2 =	vld [tilespmem:s26+$0x19D0]  }
0x286: {  	v6 =	vadd.f32 v1, v3;
	v7 =	vadd.f32 v7, v4;
	v3 =	vld [tilespmem:s26+$0x19E0]  }
0x287: {  	v4 =	vld [tilespmem:s26+$0x19F0];
	s26 =	sshra.s32 s28, $0x2  }
0x288: {  	s28 =	sadd.s32 $0x200, s28;
	v1 =	vld [tilespmem:s26+$0x1980];
	v6 =	vadd.f32 v8, v6;
	v5 =	vadd.f32 v5, v7  }
0x289: {  	_ = 	snop  }
0x28a: {  	v7 =	vld [tilespmem:s26+$0x1990];
	v0 =	vadd.f32 v0, v6  }
0x28b: {  	v6 =	vld [tilespmem:s26+$0x19A0];
	v2 =	vadd.f32 v2, v5  }
0x28c: {  	v5 =	vld [tilespmem:s26+$0x19B0];
	v0 =	vadd.f32 v3, v0  }
0x28d: {  	v3 =	vld [tilespmem:s26+$0x19C0];
	v2 =	vadd.f32 v4, v2  }
0x28e: {  	v4 =	vld [tilespmem:s26+$0x19D0];
	v0 =	vadd.f32 v1, v0  }
0x28f: {  	v1 =	vadd.f32 v7, v2;
	v2 =	vld [tilespmem:s26+$0x19E0]  }
0x290: {  	v7 =	vld [tilespmem:s26+$0x19F0];
	v0 =	vadd.f32 v6, v0  }
0x291: {  	v1 =	vadd.f32 v5, v1  }
0x292: {  	v0 =	vadd.f32 v3, v0  }
0x293: {  	v1 =	vadd.f32 v4, v1  }
0x294: {  	v0 =	vadd.f32 v2, v0  }
0x295: {  	v1 =	vadd.f32 v7, v1  }
0x296: {  	[tilespmem:$0x2720] =	vst v0  }
0x297: {  	[tilespmem:$0x2730] =	vst v1  }
0x298: {  	[tilespmem:s12], [sflag:$0x2] =	stream.indirect.gather [hbm4b:s4+s9], $0x20, s2, s9, $0xb8;
	[tilespmem:$0x2800] =	vst v63  }
0x299: {  	_ =	swait.ge [sflag:s13], $0xC80  }
0x29a: {  	[sflag:s13] =	ssyncset.done $0x0  }
0x29b: {  	s28 =	simm.s32 $0x0;
	[sflag:s13] =	ssyncadd.s32 $0xFFFFF380  }
0x29c: {  	v1 =	vld [tilespmem:s28+$0xD00]  }
0x29d: {  	v2 =	vld [tilespmem:s28+$0xD10]  }
0x29e: {  	v5 =	vld [tilespmem:s28+$0xD20]  }
0x29f: {  	v6 =	vld [tilespmem:s28+$0xD30]  }
0x2a0: {  	v0 =	vld [tilespmem:s28+$0xD40]  }
0x2a1: {  	v4 =	vimm.f32 $0.0e+00;
	v3 =	vld [tilespmem:s28+$0xD50]  }
0x2a2: {  	v7 =	vadd.f32 v1, v4;
	v8 =	vadd.f32 v2, v4;
	v2 =	vld [tilespmem:s28+$0xD60]  }
0x2a3: {  	s26 =	simm.s32 $0x80;
	v4 =	vld [tilespmem:s28+$0xD70]  }
0x2a4: {  	v1 =	vld [tilespmem:s26+$0xD00];
	s28 =	simm.s32 $0x400;
	v5 =	vadd.f32 v5, v7;
	v6 =	vadd.f32 v6, v8  }
.LBB2_43:
0x2a5: {  	p0 =	sne.s32 s28, $0x3000;
	v7 =	vld [tilespmem:s26+$0xD10]  }
0x2a6: {  	v8 =	vld [tilespmem:s26+$0xD20];
	v5 =	vadd.f32 v0, v5;
	v3 =	vadd.f32 v3, v6  }
0x2a7: {  	v6 =	vld [tilespmem:s26+$0xD30]  }
.Ltmp20:
0x2a8: {  	v0 =	vld [tilespmem:s26+$0xD40];
	v2 =	vadd.f32 v2, v5;
	v4 =	vadd.f32 v4, v3;
	(pc) =	sbr.rel @p0 .LBB2_43-.Ltmp20, $4  }
0x2a9: {  	v3 =	vld [tilespmem:s26+$0xD50]  }
0x2aa: {  	v5 =	vadd.f32 v1, v2;
	v7 =	vadd.f32 v7, v4;
	v2 =	vld [tilespmem:s26+$0xD60]  }
0x2ab: {  	v4 =	vld [tilespmem:s26+$0xD70];
	s26 =	sshra.s32 s28, $0x2  }
0x2ac: {  	s28 =	sadd.s32 $0x200, s28;
	v1 =	vld [tilespmem:s26+$0xD00];
	v5 =	vadd.f32 v8, v5;
	v6 =	vadd.f32 v6, v7  }
0x2ad: {  	v7 =	vld [tilespmem:s26+$0xD10]  }
0x2ae: {  	v8 =	vld [tilespmem:s26+$0xD20]  }
0x2af: {  	v9 =	vld [tilespmem:s26+$0xD30]  }
0x2b0: {  	v10 =	vld [tilespmem:s26+$0xD40]  }
0x2b1: {  	v11 =	vld [tilespmem:s26+$0xD50];
	v0 =	vadd.f32 v0, v5;
	v3 =	vadd.f32 v3, v6  }
0x2b2: {  	v5 =	vld [tilespmem:s26+$0xD60]  }
0x2b3: {  	v6 =	vld [tilespmem:s26+$0xD70];
	[tilespmem:s10], [sflag:$0x1] =	stream.indirect.gather [hbm4b:s4+s9], $0x20, s11, s9, $0xb8;
	v0 =	vadd.f32 v2, v0;
	v2 =	vadd.f32 v4, v3  }
0x2b4: {  	_ =	swait.ge [sflag:s15], $0xC80  }
0x2b5: {  	[sflag:s15] =	ssyncset.done $0x0;
	v0 =	vadd.f32 v1, v0;
	v1 =	vadd.f32 v7, v2  }
0x2b6: {  	s28 =	simm.s32 $0x0;
	[sflag:s15] =	ssyncadd.s32 $0xFFFFF380  }
0x2b7: {  	v3 =	vld [tilespmem:s28+$0x1980];
	v0 =	vadd.f32 v8, v0;
	v1 =	vadd.f32 v9, v1  }
0x2b8: {  	v4 =	vld [tilespmem:s28+$0x1990]  }
0x2b9: {  	v7 =	vld [tilespmem:s28+$0x19A0];
	v0 =	vadd.f32 v10, v0;
	v1 =	vadd.f32 v11, v1  }
0x2ba: {  	v8 =	vld [tilespmem:s28+$0x19B0]  }
0x2bb: {  	v2 =	vld [tilespmem:s28+$0x19D0];
	v5 =	vadd.f32 v5, v0;
	v1 =	vadd.f32 v6, v1  }
0x2bc: {  	v0 =	vld [tilespmem:s28+$0x19C0]  }
0x2bd: {  	v5 =	vadd.f32 v3, v5;
	v63 =	vadd.f32 v4, v1;
	v3 =	vld [tilespmem:s28+$0x19E0]  }
0x2be: {  	s26 =	simm.s32 $0x80;
	v4 =	vld [tilespmem:s28+$0x19F0]  }
0x2bf: {  	v1 =	vld [tilespmem:s26+$0x1980];
	s28 =	simm.s32 $0x400;
	v6 =	vadd.f32 v7, v5;
	v5 =	vadd.f32 v8, v63  }
.LBB2_45:
0x2c0: {  	p0 =	sne.s32 s28, $0x3000;
	v7 =	vld [tilespmem:s26+$0x1990]  }
0x2c1: {  	v8 =	vld [tilespmem:s26+$0x19A0];
	v6 =	vadd.f32 v0, v6;
	v2 =	vadd.f32 v2, v5  }
0x2c2: {  	v5 =	vld [tilespmem:s26+$0x19B0]  }
.Ltmp21:
0x2c3: {  	v0 =	vld [tilespmem:s26+$0x19C0];
	v3 =	vadd.f32 v3, v6;
	v4 =	vadd.f32 v4, v2;
	(pc) =	sbr.rel @p0 .LBB2_45-.Ltmp21, $4  }
0x2c4: {  	v2 =	vld [tilespmem:s26+$0x19D0]  }
0x2c5: {  	v6 =	vadd.f32 v1, v3;
	v7 =	vadd.f32 v7, v4;
	v3 =	vld [tilespmem:s26+$0x19E0]  }
0x2c6: {  	v4 =	vld [tilespmem:s26+$0x19F0];
	s26 =	sshra.s32 s28, $0x2  }
0x2c7: {  	s28 =	sadd.s32 $0x200, s28;
	v1 =	vld [tilespmem:s26+$0x1980];
	v6 =	vadd.f32 v8, v6;
	v5 =	vadd.f32 v5, v7  }
0x2c8: {  	_ = 	snop  }
0x2c9: {  	v7 =	vld [tilespmem:s26+$0x1990];
	v0 =	vadd.f32 v0, v6  }
0x2ca: {  	v6 =	vld [tilespmem:s26+$0x19A0];
	v2 =	vadd.f32 v2, v5  }
0x2cb: {  	v5 =	vld [tilespmem:s26+$0x19B0];
	v0 =	vadd.f32 v3, v0  }
0x2cc: {  	v3 =	vld [tilespmem:s26+$0x19C0];
	v2 =	vadd.f32 v4, v2  }
0x2cd: {  	v4 =	vld [tilespmem:s26+$0x19D0];
	v0 =	vadd.f32 v1, v0  }
0x2ce: {  	v1 =	vadd.f32 v7, v2;
	v2 =	vld [tilespmem:s26+$0x19E0]  }
0x2cf: {  	v7 =	vld [tilespmem:s26+$0x19F0];
	v0 =	vadd.f32 v6, v0  }
0x2d0: {  	v1 =	vadd.f32 v5, v1  }
0x2d1: {  	v0 =	vadd.f32 v3, v0  }
0x2d2: {  	v1 =	vadd.f32 v4, v1  }
0x2d3: {  	v0 =	vadd.f32 v2, v0  }
0x2d4: {  	v1 =	vadd.f32 v7, v1  }
0x2d5: {  	[tilespmem:$0x2740] =	vst v0  }
0x2d6: {  	[tilespmem:$0x2750] =	vst v1  }
0x2d7: {  	[tilespmem:s12], [sflag:$0x2] =	stream.indirect.gather [hbm4b:s4+s9], $0x20, s14, s9, $0xb8;
	[tilespmem:$0x2800] =	vst v63  }
0x2d8: {  	_ =	swait.ge [sflag:s13], $0xC80  }
0x2d9: {  	[sflag:s13] =	ssyncset.done $0x0  }
0x2da: {  	s28 =	simm.s32 $0x0;
	[sflag:s13] =	ssyncadd.s32 $0xFFFFF380  }
0x2db: {  	v1 =	vld [tilespmem:s28+$0xD00]  }
0x2dc: {  	v2 =	vld [tilespmem:s28+$0xD10]  }
0x2dd: {  	v5 =	vld [tilespmem:s28+$0xD20]  }
0x2de: {  	v6 =	vld [tilespmem:s28+$0xD30]  }
0x2df: {  	v0 =	vld [tilespmem:s28+$0xD40]  }
0x2e0: {  	v4 =	vimm.f32 $0.0e+00;
	v3 =	vld [tilespmem:s28+$0xD50]  }
0x2e1: {  	v7 =	vadd.f32 v1, v4;
	v8 =	vadd.f32 v2, v4;
	v2 =	vld [tilespmem:s28+$0xD60]  }
0x2e2: {  	s26 =	simm.s32 $0x80;
	v4 =	vld [tilespmem:s28+$0xD70]  }
0x2e3: {  	v1 =	vld [tilespmem:s26+$0xD00];
	s28 =	simm.s32 $0x400;
	v5 =	vadd.f32 v5, v7;
	v6 =	vadd.f32 v6, v8  }
.LBB2_47:
0x2e4: {  	p0 =	sne.s32 s28, $0x3000;
	v7 =	vld [tilespmem:s26+$0xD10]  }
0x2e5: {  	v8 =	vld [tilespmem:s26+$0xD20];
	v5 =	vadd.f32 v0, v5;
	v3 =	vadd.f32 v3, v6  }
0x2e6: {  	v6 =	vld [tilespmem:s26+$0xD30]  }
.Ltmp22:
0x2e7: {  	v0 =	vld [tilespmem:s26+$0xD40];
	v2 =	vadd.f32 v2, v5;
	v4 =	vadd.f32 v4, v3;
	(pc) =	sbr.rel @p0 .LBB2_47-.Ltmp22, $4  }
0x2e8: {  	v3 =	vld [tilespmem:s26+$0xD50]  }
0x2e9: {  	v5 =	vadd.f32 v1, v2;
	v7 =	vadd.f32 v7, v4;
	v2 =	vld [tilespmem:s26+$0xD60]  }
0x2ea: {  	v4 =	vld [tilespmem:s26+$0xD70];
	s26 =	sshra.s32 s28, $0x2  }
0x2eb: {  	s28 =	sadd.s32 $0x200, s28;
	v1 =	vld [tilespmem:s26+$0xD00];
	v5 =	vadd.f32 v8, v5;
	v6 =	vadd.f32 v6, v7  }
0x2ec: {  	v7 =	vld [tilespmem:s26+$0xD10]  }
0x2ed: {  	v8 =	vld [tilespmem:s26+$0xD20]  }
0x2ee: {  	v9 =	vld [tilespmem:s26+$0xD30]  }
0x2ef: {  	v10 =	vld [tilespmem:s26+$0xD40]  }
0x2f0: {  	v11 =	vld [tilespmem:s26+$0xD50];
	v0 =	vadd.f32 v0, v5;
	v3 =	vadd.f32 v3, v6  }
0x2f1: {  	v5 =	vld [tilespmem:s26+$0xD60]  }
0x2f2: {  	v6 =	vld [tilespmem:s26+$0xD70];
	[tilespmem:s10], [sflag:$0x1] =	stream.indirect.gather [hbm4b:s4+s9], $0x20, s16, s9, $0xb8;
	v0 =	vadd.f32 v2, v0;
	v2 =	vadd.f32 v4, v3  }
0x2f3: {  	_ =	swait.ge [sflag:s15], $0xC80  }
0x2f4: {  	[sflag:s15] =	ssyncset.done $0x0;
	v0 =	vadd.f32 v1, v0;
	v1 =	vadd.f32 v7, v2  }
0x2f5: {  	s28 =	simm.s32 $0x0;
	[sflag:s15] =	ssyncadd.s32 $0xFFFFF380  }
0x2f6: {  	v3 =	vld [tilespmem:s28+$0x1980];
	v0 =	vadd.f32 v8, v0;
	v1 =	vadd.f32 v9, v1  }
0x2f7: {  	v4 =	vld [tilespmem:s28+$0x1990]  }
0x2f8: {  	v7 =	vld [tilespmem:s28+$0x19A0];
	v0 =	vadd.f32 v10, v0;
	v1 =	vadd.f32 v11, v1  }
0x2f9: {  	v8 =	vld [tilespmem:s28+$0x19B0]  }
0x2fa: {  	v2 =	vld [tilespmem:s28+$0x19D0];
	v5 =	vadd.f32 v5, v0;
	v1 =	vadd.f32 v6, v1  }
0x2fb: {  	v0 =	vld [tilespmem:s28+$0x19C0]  }
0x2fc: {  	v5 =	vadd.f32 v3, v5;
	v63 =	vadd.f32 v4, v1;
	v3 =	vld [tilespmem:s28+$0x19E0]  }
0x2fd: {  	s26 =	simm.s32 $0x80;
	v4 =	vld [tilespmem:s28+$0x19F0]  }
0x2fe: {  	v1 =	vld [tilespmem:s26+$0x1980];
	s28 =	simm.s32 $0x400;
	v6 =	vadd.f32 v7, v5;
	v5 =	vadd.f32 v8, v63  }
.LBB2_49:
0x2ff: {  	p0 =	sne.s32 s28, $0x3000;
	v7 =	vld [tilespmem:s26+$0x1990]  }
0x300: {  	v8 =	vld [tilespmem:s26+$0x19A0];
	v6 =	vadd.f32 v0, v6;
	v2 =	vadd.f32 v2, v5  }
0x301: {  	v5 =	vld [tilespmem:s26+$0x19B0]  }
.Ltmp23:
0x302: {  	v0 =	vld [tilespmem:s26+$0x19C0];
	v3 =	vadd.f32 v3, v6;
	v4 =	vadd.f32 v4, v2;
	(pc) =	sbr.rel @p0 .LBB2_49-.Ltmp23, $4  }
0x303: {  	v2 =	vld [tilespmem:s26+$0x19D0]  }
0x304: {  	v6 =	vadd.f32 v1, v3;
	v7 =	vadd.f32 v7, v4;
	v3 =	vld [tilespmem:s26+$0x19E0]  }
0x305: {  	v4 =	vld [tilespmem:s26+$0x19F0];
	s26 =	sshra.s32 s28, $0x2  }
0x306: {  	s28 =	sadd.s32 $0x200, s28;
	v1 =	vld [tilespmem:s26+$0x1980];
	v6 =	vadd.f32 v8, v6;
	v5 =	vadd.f32 v5, v7  }
0x307: {  	_ = 	snop  }
0x308: {  	v7 =	vld [tilespmem:s26+$0x1990];
	v0 =	vadd.f32 v0, v6  }
0x309: {  	v6 =	vld [tilespmem:s26+$0x19A0];
	v2 =	vadd.f32 v2, v5  }
0x30a: {  	v5 =	vld [tilespmem:s26+$0x19B0];
	v0 =	vadd.f32 v3, v0  }
0x30b: {  	v3 =	vld [tilespmem:s26+$0x19C0];
	v2 =	vadd.f32 v4, v2  }
0x30c: {  	v4 =	vld [tilespmem:s26+$0x19D0];
	v0 =	vadd.f32 v1, v0  }
0x30d: {  	v1 =	vadd.f32 v7, v2;
	v2 =	vld [tilespmem:s26+$0x19E0]  }
0x30e: {  	v7 =	vld [tilespmem:s26+$0x19F0];
	v0 =	vadd.f32 v6, v0  }
0x30f: {  	v1 =	vadd.f32 v5, v1  }
0x310: {  	v0 =	vadd.f32 v3, v0  }
0x311: {  	v1 =	vadd.f32 v4, v1  }
0x312: {  	v0 =	vadd.f32 v2, v0  }
0x313: {  	v1 =	vadd.f32 v7, v1  }
0x314: {  	[tilespmem:$0x2760] =	vst v0  }
0x315: {  	[tilespmem:$0x2770] =	vst v1  }
0x316: {  	[tilespmem:s12], [sflag:$0x2] =	stream.indirect.gather [hbm4b:s4+s9], $0x20, s17, s9, $0xb8;
	[tilespmem:$0x2800] =	vst v63  }
0x317: {  	_ =	swait.ge [sflag:s13], $0xC80  }
0x318: {  	[sflag:s13] =	ssyncset.done $0x0  }
0x319: {  	s28 =	simm.s32 $0x0;
	[sflag:s13] =	ssyncadd.s32 $0xFFFFF380  }
0x31a: {  	v1 =	vld [tilespmem:s28+$0xD00]  }
0x31b: {  	v2 =	vld [tilespmem:s28+$0xD10]  }
0x31c: {  	v5 =	vld [tilespmem:s28+$0xD20]  }
0x31d: {  	v6 =	vld [tilespmem:s28+$0xD30]  }
0x31e: {  	v0 =	vld [tilespmem:s28+$0xD40]  }
0x31f: {  	v4 =	vimm.f32 $0.0e+00;
	v3 =	vld [tilespmem:s28+$0xD50]  }
0x320: {  	v7 =	vadd.f32 v1, v4;
	v8 =	vadd.f32 v2, v4;
	v2 =	vld [tilespmem:s28+$0xD60]  }
0x321: {  	s26 =	simm.s32 $0x80;
	v4 =	vld [tilespmem:s28+$0xD70]  }
0x322: {  	v1 =	vld [tilespmem:s26+$0xD00];
	s28 =	simm.s32 $0x400;
	v5 =	vadd.f32 v5, v7;
	v6 =	vadd.f32 v6, v8  }
.LBB2_51:
0x323: {  	p0 =	sne.s32 s28, $0x3000;
	v7 =	vld [tilespmem:s26+$0xD10]  }
0x324: {  	v8 =	vld [tilespmem:s26+$0xD20];
	v5 =	vadd.f32 v0, v5;
	v3 =	vadd.f32 v3, v6  }
0x325: {  	v6 =	vld [tilespmem:s26+$0xD30]  }
.Ltmp24:
0x326: {  	v0 =	vld [tilespmem:s26+$0xD40];
	v2 =	vadd.f32 v2, v5;
	v4 =	vadd.f32 v4, v3;
	(pc) =	sbr.rel @p0 .LBB2_51-.Ltmp24, $4  }
0x327: {  	v3 =	vld [tilespmem:s26+$0xD50]  }
0x328: {  	v5 =	vadd.f32 v1, v2;
	v7 =	vadd.f32 v7, v4;
	v2 =	vld [tilespmem:s26+$0xD60]  }
0x329: {  	v4 =	vld [tilespmem:s26+$0xD70];
	s26 =	sshra.s32 s28, $0x2  }
0x32a: {  	s28 =	sadd.s32 $0x200, s28;
	v1 =	vld [tilespmem:s26+$0xD00];
	v5 =	vadd.f32 v8, v5;
	v6 =	vadd.f32 v6, v7  }
0x32b: {  	v7 =	vld [tilespmem:s26+$0xD10]  }
0x32c: {  	v8 =	vld [tilespmem:s26+$0xD20]  }
0x32d: {  	v9 =	vld [tilespmem:s26+$0xD30]  }
0x32e: {  	v10 =	vld [tilespmem:s26+$0xD40]  }
0x32f: {  	v11 =	vld [tilespmem:s26+$0xD50];
	v0 =	vadd.f32 v0, v5;
	v3 =	vadd.f32 v3, v6  }
0x330: {  	v5 =	vld [tilespmem:s26+$0xD60]  }
0x331: {  	v6 =	vld [tilespmem:s26+$0xD70];
	[tilespmem:s10], [sflag:$0x1] =	stream.indirect.gather [hbm4b:s4+s9], $0x20, s18, s9, $0xb8;
	v0 =	vadd.f32 v2, v0;
	v2 =	vadd.f32 v4, v3  }
0x332: {  	_ =	swait.ge [sflag:s15], $0xC80  }
0x333: {  	[sflag:s15] =	ssyncset.done $0x0;
	v0 =	vadd.f32 v1, v0;
	v1 =	vadd.f32 v7, v2  }
0x334: {  	s28 =	simm.s32 $0x0;
	[sflag:s15] =	ssyncadd.s32 $0xFFFFF380  }
0x335: {  	v3 =	vld [tilespmem:s28+$0x1980];
	v0 =	vadd.f32 v8, v0;
	v1 =	vadd.f32 v9, v1  }
0x336: {  	v4 =	vld [tilespmem:s28+$0x1990]  }
0x337: {  	v7 =	vld [tilespmem:s28+$0x19A0];
	v0 =	vadd.f32 v10, v0;
	v1 =	vadd.f32 v11, v1  }
0x338: {  	v8 =	vld [tilespmem:s28+$0x19B0]  }
0x339: {  	v2 =	vld [tilespmem:s28+$0x19D0];
	v5 =	vadd.f32 v5, v0;
	v1 =	vadd.f32 v6, v1  }
0x33a: {  	v0 =	vld [tilespmem:s28+$0x19C0]  }
0x33b: {  	v5 =	vadd.f32 v3, v5;
	v63 =	vadd.f32 v4, v1;
	v3 =	vld [tilespmem:s28+$0x19E0]  }
0x33c: {  	s26 =	simm.s32 $0x80;
	v4 =	vld [tilespmem:s28+$0x19F0]  }
0x33d: {  	v1 =	vld [tilespmem:s26+$0x1980];
	s28 =	simm.s32 $0x400;
	v6 =	vadd.f32 v7, v5;
	v5 =	vadd.f32 v8, v63  }
.LBB2_53:
0x33e: {  	p0 =	sne.s32 s28, $0x3000;
	v7 =	vld [tilespmem:s26+$0x1990]  }
0x33f: {  	v8 =	vld [tilespmem:s26+$0x19A0];
	v6 =	vadd.f32 v0, v6;
	v2 =	vadd.f32 v2, v5  }
0x340: {  	v5 =	vld [tilespmem:s26+$0x19B0]  }
.Ltmp25:
0x341: {  	v0 =	vld [tilespmem:s26+$0x19C0];
	v3 =	vadd.f32 v3, v6;
	v4 =	vadd.f32 v4, v2;
	(pc) =	sbr.rel @p0 .LBB2_53-.Ltmp25, $4  }
0x342: {  	v2 =	vld [tilespmem:s26+$0x19D0]  }
0x343: {  	v6 =	vadd.f32 v1, v3;
	v7 =	vadd.f32 v7, v4;
	v3 =	vld [tilespmem:s26+$0x19E0]  }
0x344: {  	v4 =	vld [tilespmem:s26+$0x19F0];
	s26 =	sshra.s32 s28, $0x2  }
0x345: {  	s28 =	sadd.s32 $0x200, s28;
	v1 =	vld [tilespmem:s26+$0x1980];
	v6 =	vadd.f32 v8, v6;
	v5 =	vadd.f32 v5, v7  }
0x346: {  	_ = 	snop  }
0x347: {  	v7 =	vld [tilespmem:s26+$0x1990];
	v0 =	vadd.f32 v0, v6  }
0x348: {  	v6 =	vld [tilespmem:s26+$0x19A0];
	v2 =	vadd.f32 v2, v5  }
0x349: {  	v5 =	vld [tilespmem:s26+$0x19B0];
	v0 =	vadd.f32 v3, v0  }
0x34a: {  	v3 =	vld [tilespmem:s26+$0x19C0];
	v2 =	vadd.f32 v4, v2  }
0x34b: {  	v4 =	vld [tilespmem:s26+$0x19D0];
	v0 =	vadd.f32 v1, v0  }
0x34c: {  	v1 =	vadd.f32 v7, v2;
	v2 =	vld [tilespmem:s26+$0x19E0]  }
0x34d: {  	v7 =	vld [tilespmem:s26+$0x19F0];
	v0 =	vadd.f32 v6, v0  }
0x34e: {  	v1 =	vadd.f32 v5, v1  }
0x34f: {  	v0 =	vadd.f32 v3, v0  }
0x350: {  	v1 =	vadd.f32 v4, v1  }
0x351: {  	v0 =	vadd.f32 v2, v0  }
0x352: {  	v1 =	vadd.f32 v7, v1  }
0x353: {  	[tilespmem:$0x2780] =	vst v0  }
0x354: {  	[tilespmem:$0x2790] =	vst v1  }
0x355: {  	[tilespmem:s12], [sflag:$0x2] =	stream.indirect.gather [hbm4b:s4+s9], $0x20, s19, s9, $0xb8;
	[tilespmem:$0x2800] =	vst v63  }
0x356: {  	_ =	swait.ge [sflag:s13], $0xC80  }
0x357: {  	[sflag:s13] =	ssyncset.done $0x0  }
0x358: {  	s28 =	simm.s32 $0x0;
	[sflag:s13] =	ssyncadd.s32 $0xFFFFF380  }
0x359: {  	v1 =	vld [tilespmem:s28+$0xD00]  }
0x35a: {  	v2 =	vld [tilespmem:s28+$0xD10]  }
0x35b: {  	v5 =	vld [tilespmem:s28+$0xD20]  }
0x35c: {  	v6 =	vld [tilespmem:s28+$0xD30]  }
0x35d: {  	v0 =	vld [tilespmem:s28+$0xD40]  }
0x35e: {  	v4 =	vimm.f32 $0.0e+00;
	v3 =	vld [tilespmem:s28+$0xD50]  }
0x35f: {  	v7 =	vadd.f32 v1, v4;
	v8 =	vadd.f32 v2, v4;
	v2 =	vld [tilespmem:s28+$0xD60]  }
0x360: {  	s26 =	simm.s32 $0x80;
	v4 =	vld [tilespmem:s28+$0xD70]  }
0x361: {  	v1 =	vld [tilespmem:s26+$0xD00];
	s28 =	simm.s32 $0x400;
	v5 =	vadd.f32 v5, v7;
	v6 =	vadd.f32 v6, v8  }
.LBB2_55:
0x362: {  	p0 =	sne.s32 s28, $0x3000;
	v7 =	vld [tilespmem:s26+$0xD10]  }
0x363: {  	v8 =	vld [tilespmem:s26+$0xD20];
	v5 =	vadd.f32 v0, v5;
	v3 =	vadd.f32 v3, v6  }
0x364: {  	v6 =	vld [tilespmem:s26+$0xD30]  }
.Ltmp26:
0x365: {  	v0 =	vld [tilespmem:s26+$0xD40];
	v2 =	vadd.f32 v2, v5;
	v4 =	vadd.f32 v4, v3;
	(pc) =	sbr.rel @p0 .LBB2_55-.Ltmp26, $4  }
0x366: {  	v3 =	vld [tilespmem:s26+$0xD50]  }
0x367: {  	v5 =	vadd.f32 v1, v2;
	v7 =	vadd.f32 v7, v4;
	v2 =	vld [tilespmem:s26+$0xD60]  }
0x368: {  	v4 =	vld [tilespmem:s26+$0xD70];
	s26 =	sshra.s32 s28, $0x2  }
0x369: {  	s28 =	sadd.s32 $0x200, s28;
	v1 =	vld [tilespmem:s26+$0xD00];
	v5 =	vadd.f32 v8, v5;
	v6 =	vadd.f32 v6, v7  }
0x36a: {  	v7 =	vld [tilespmem:s26+$0xD10]  }
0x36b: {  	v8 =	vld [tilespmem:s26+$0xD20]  }
0x36c: {  	v9 =	vld [tilespmem:s26+$0xD30]  }
0x36d: {  	v10 =	vld [tilespmem:s26+$0xD40]  }
0x36e: {  	v11 =	vld [tilespmem:s26+$0xD50];
	v0 =	vadd.f32 v0, v5;
	v3 =	vadd.f32 v3, v6  }
0x36f: {  	v5 =	vld [tilespmem:s26+$0xD60]  }
0x370: {  	v6 =	vld [tilespmem:s26+$0xD70];
	[tilespmem:s10], [sflag:$0x1] =	stream.indirect.gather [hbm4b:s4+s9], $0x20, s20, s9, $0xb8;
	v0 =	vadd.f32 v2, v0;
	v2 =	vadd.f32 v4, v3  }
0x371: {  	_ =	swait.ge [sflag:s15], $0xC80  }
0x372: {  	[sflag:s15] =	ssyncset.done $0x0;
	v0 =	vadd.f32 v1, v0;
	v1 =	vadd.f32 v7, v2  }
0x373: {  	s28 =	simm.s32 $0x0;
	[sflag:s15] =	ssyncadd.s32 $0xFFFFF380  }
0x374: {  	v3 =	vld [tilespmem:s28+$0x1980];
	v0 =	vadd.f32 v8, v0;
	v1 =	vadd.f32 v9, v1  }
0x375: {  	v4 =	vld [tilespmem:s28+$0x1990]  }
0x376: {  	v7 =	vld [tilespmem:s28+$0x19A0];
	v0 =	vadd.f32 v10, v0;
	v1 =	vadd.f32 v11, v1  }
0x377: {  	v8 =	vld [tilespmem:s28+$0x19B0]  }
0x378: {  	v2 =	vld [tilespmem:s28+$0x19D0];
	v5 =	vadd.f32 v5, v0;
	v1 =	vadd.f32 v6, v1  }
0x379: {  	v0 =	vld [tilespmem:s28+$0x19C0]  }
0x37a: {  	v5 =	vadd.f32 v3, v5;
	v63 =	vadd.f32 v4, v1;
	v3 =	vld [tilespmem:s28+$0x19E0]  }
0x37b: {  	s26 =	simm.s32 $0x80;
	v4 =	vld [tilespmem:s28+$0x19F0]  }
0x37c: {  	v1 =	vld [tilespmem:s26+$0x1980];
	s28 =	simm.s32 $0x400;
	v6 =	vadd.f32 v7, v5;
	v5 =	vadd.f32 v8, v63  }
.LBB2_57:
0x37d: {  	p0 =	sne.s32 s28, $0x3000;
	v7 =	vld [tilespmem:s26+$0x1990]  }
0x37e: {  	v8 =	vld [tilespmem:s26+$0x19A0];
	v6 =	vadd.f32 v0, v6;
	v2 =	vadd.f32 v2, v5  }
0x37f: {  	v5 =	vld [tilespmem:s26+$0x19B0]  }
.Ltmp27:
0x380: {  	v0 =	vld [tilespmem:s26+$0x19C0];
	v3 =	vadd.f32 v3, v6;
	v4 =	vadd.f32 v4, v2;
	(pc) =	sbr.rel @p0 .LBB2_57-.Ltmp27, $4  }
0x381: {  	v2 =	vld [tilespmem:s26+$0x19D0]  }
0x382: {  	v6 =	vadd.f32 v1, v3;
	v7 =	vadd.f32 v7, v4;
	v3 =	vld [tilespmem:s26+$0x19E0]  }
0x383: {  	v4 =	vld [tilespmem:s26+$0x19F0];
	s26 =	sshra.s32 s28, $0x2  }
0x384: {  	s28 =	sadd.s32 $0x200, s28;
	v1 =	vld [tilespmem:s26+$0x1980];
	v6 =	vadd.f32 v8, v6;
	v5 =	vadd.f32 v5, v7  }
0x385: {  	_ = 	snop  }
0x386: {  	v7 =	vld [tilespmem:s26+$0x1990];
	v0 =	vadd.f32 v0, v6  }
0x387: {  	v6 =	vld [tilespmem:s26+$0x19A0];
	v2 =	vadd.f32 v2, v5  }
0x388: {  	v5 =	vld [tilespmem:s26+$0x19B0];
	v0 =	vadd.f32 v3, v0  }
0x389: {  	v3 =	vld [tilespmem:s26+$0x19C0];
	v2 =	vadd.f32 v4, v2  }
0x38a: {  	v4 =	vld [tilespmem:s26+$0x19D0];
	v0 =	vadd.f32 v1, v0  }
0x38b: {  	v1 =	vadd.f32 v7, v2;
	v2 =	vld [tilespmem:s26+$0x19E0]  }
0x38c: {  	v7 =	vld [tilespmem:s26+$0x19F0];
	v0 =	vadd.f32 v6, v0  }
0x38d: {  	v1 =	vadd.f32 v5, v1  }
0x38e: {  	v0 =	vadd.f32 v3, v0  }
0x38f: {  	v1 =	vadd.f32 v4, v1  }
0x390: {  	v0 =	vadd.f32 v2, v0  }
0x391: {  	v1 =	vadd.f32 v7, v1  }
0x392: {  	[tilespmem:$0x27A0] =	vst v0  }
0x393: {  	[tilespmem:$0x27B0] =	vst v1  }
0x394: {  	[tilespmem:s12], [sflag:$0x2] =	stream.indirect.gather [hbm4b:s4+s9], $0x20, s21, s9, $0xb8;
	[tilespmem:$0x2800] =	vst v63  }
0x395: {  	_ =	swait.ge [sflag:s13], $0xC80  }
0x396: {  	[sflag:s13] =	ssyncset.done $0x0  }
0x397: {  	s28 =	simm.s32 $0x0;
	[sflag:s13] =	ssyncadd.s32 $0xFFFFF380  }
0x398: {  	v1 =	vld [tilespmem:s28+$0xD00]  }
0x399: {  	v2 =	vld [tilespmem:s28+$0xD10]  }
0x39a: {  	v5 =	vld [tilespmem:s28+$0xD20]  }
0x39b: {  	v6 =	vld [tilespmem:s28+$0xD30]  }
0x39c: {  	v0 =	vld [tilespmem:s28+$0xD40]  }
0x39d: {  	v4 =	vimm.f32 $0.0e+00;
	v3 =	vld [tilespmem:s28+$0xD50]  }
0x39e: {  	v7 =	vadd.f32 v1, v4;
	v8 =	vadd.f32 v2, v4;
	v2 =	vld [tilespmem:s28+$0xD60]  }
0x39f: {  	s26 =	simm.s32 $0x80;
	v4 =	vld [tilespmem:s28+$0xD70]  }
0x3a0: {  	v1 =	vld [tilespmem:s26+$0xD00];
	s28 =	simm.s32 $0x400;
	v5 =	vadd.f32 v5, v7;
	v6 =	vadd.f32 v6, v8  }
.LBB2_59:
0x3a1: {  	p0 =	sne.s32 s28, $0x3000;
	v7 =	vld [tilespmem:s26+$0xD10]  }
0x3a2: {  	v8 =	vld [tilespmem:s26+$0xD20];
	v5 =	vadd.f32 v0, v5;
	v3 =	vadd.f32 v3, v6  }
0x3a3: {  	v6 =	vld [tilespmem:s26+$0xD30]  }
.Ltmp28:
0x3a4: {  	v0 =	vld [tilespmem:s26+$0xD40];
	v2 =	vadd.f32 v2, v5;
	v4 =	vadd.f32 v4, v3;
	(pc) =	sbr.rel @p0 .LBB2_59-.Ltmp28, $4  }
0x3a5: {  	v3 =	vld [tilespmem:s26+$0xD50]  }
0x3a6: {  	v5 =	vadd.f32 v1, v2;
	v7 =	vadd.f32 v7, v4;
	v2 =	vld [tilespmem:s26+$0xD60]  }
0x3a7: {  	v4 =	vld [tilespmem:s26+$0xD70];
	s26 =	sshra.s32 s28, $0x2  }
0x3a8: {  	s28 =	sadd.s32 $0x200, s28;
	v1 =	vld [tilespmem:s26+$0xD00];
	v5 =	vadd.f32 v8, v5;
	v6 =	vadd.f32 v6, v7  }
0x3a9: {  	v7 =	vld [tilespmem:s26+$0xD10]  }
0x3aa: {  	v8 =	vld [tilespmem:s26+$0xD20]  }
0x3ab: {  	v9 =	vld [tilespmem:s26+$0xD30]  }
0x3ac: {  	v10 =	vld [tilespmem:s26+$0xD40]  }
0x3ad: {  	v11 =	vld [tilespmem:s26+$0xD50];
	v0 =	vadd.f32 v0, v5;
	v3 =	vadd.f32 v3, v6  }
0x3ae: {  	v5 =	vld [tilespmem:s26+$0xD60]  }
0x3af: {  	v6 =	vld [tilespmem:s26+$0xD70];
	[tilespmem:s10], [sflag:$0x1] =	stream.indirect.gather [hbm4b:s4+s9], $0x20, s22, s9, $0xb8;
	v0 =	vadd.f32 v2, v0;
	v2 =	vadd.f32 v4, v3  }
0x3b0: {  	_ =	swait.ge [sflag:s15], $0xC80  }
0x3b1: {  	[sflag:s15] =	ssyncset.done $0x0;
	v0 =	vadd.f32 v1, v0;
	v1 =	vadd.f32 v7, v2  }
0x3b2: {  	s28 =	simm.s32 $0x0;
	[sflag:s15] =	ssyncadd.s32 $0xFFFFF380  }
0x3b3: {  	v3 =	vld [tilespmem:s28+$0x1980];
	v0 =	vadd.f32 v8, v0;
	v1 =	vadd.f32 v9, v1  }
0x3b4: {  	v4 =	vld [tilespmem:s28+$0x1990]  }
0x3b5: {  	v7 =	vld [tilespmem:s28+$0x19A0];
	v0 =	vadd.f32 v10, v0;
	v1 =	vadd.f32 v11, v1  }
0x3b6: {  	v8 =	vld [tilespmem:s28+$0x19B0]  }
0x3b7: {  	v2 =	vld [tilespmem:s28+$0x19D0];
	v5 =	vadd.f32 v5, v0;
	v1 =	vadd.f32 v6, v1  }
0x3b8: {  	v0 =	vld [tilespmem:s28+$0x19C0]  }
0x3b9: {  	v5 =	vadd.f32 v3, v5;
	v63 =	vadd.f32 v4, v1;
	v3 =	vld [tilespmem:s28+$0x19E0]  }
0x3ba: {  	s26 =	simm.s32 $0x80;
	v4 =	vld [tilespmem:s28+$0x19F0]  }
0x3bb: {  	v1 =	vld [tilespmem:s26+$0x1980];
	s28 =	simm.s32 $0x400;
	v6 =	vadd.f32 v7, v5;
	v5 =	vadd.f32 v8, v63  }
.LBB2_61:
0x3bc: {  	p0 =	sne.s32 s28, $0x3000;
	v7 =	vld [tilespmem:s26+$0x1990]  }
0x3bd: {  	v8 =	vld [tilespmem:s26+$0x19A0];
	v6 =	vadd.f32 v0, v6;
	v2 =	vadd.f32 v2, v5  }
0x3be: {  	v5 =	vld [tilespmem:s26+$0x19B0]  }
.Ltmp29:
0x3bf: {  	v0 =	vld [tilespmem:s26+$0x19C0];
	v3 =	vadd.f32 v3, v6;
	v4 =	vadd.f32 v4, v2;
	(pc) =	sbr.rel @p0 .LBB2_61-.Ltmp29, $4  }
0x3c0: {  	v2 =	vld [tilespmem:s26+$0x19D0]  }
0x3c1: {  	v6 =	vadd.f32 v1, v3;
	v7 =	vadd.f32 v7, v4;
	v3 =	vld [tilespmem:s26+$0x19E0]  }
0x3c2: {  	v4 =	vld [tilespmem:s26+$0x19F0];
	s26 =	sshra.s32 s28, $0x2  }
0x3c3: {  	s28 =	sadd.s32 $0x200, s28;
	v1 =	vld [tilespmem:s26+$0x1980];
	v6 =	vadd.f32 v8, v6;
	v5 =	vadd.f32 v5, v7  }
0x3c4: {  	_ = 	snop  }
0x3c5: {  	v7 =	vld [tilespmem:s26+$0x1990];
	v0 =	vadd.f32 v0, v6  }
0x3c6: {  	v6 =	vld [tilespmem:s26+$0x19A0];
	v2 =	vadd.f32 v2, v5  }
0x3c7: {  	v5 =	vld [tilespmem:s26+$0x19B0];
	v0 =	vadd.f32 v3, v0  }
0x3c8: {  	v3 =	vld [tilespmem:s26+$0x19C0];
	v2 =	vadd.f32 v4, v2  }
0x3c9: {  	v4 =	vld [tilespmem:s26+$0x19D0];
	v0 =	vadd.f32 v1, v0  }
0x3ca: {  	v1 =	vadd.f32 v7, v2;
	v2 =	vld [tilespmem:s26+$0x19E0]  }
0x3cb: {  	v7 =	vld [tilespmem:s26+$0x19F0];
	v0 =	vadd.f32 v6, v0  }
0x3cc: {  	v1 =	vadd.f32 v5, v1  }
0x3cd: {  	v0 =	vadd.f32 v3, v0  }
0x3ce: {  	v1 =	vadd.f32 v4, v1  }
0x3cf: {  	v0 =	vadd.f32 v2, v0  }
0x3d0: {  	v1 =	vadd.f32 v7, v1  }
0x3d1: {  	[tilespmem:$0x27C0] =	vst v0  }
0x3d2: {  	[tilespmem:$0x27D0] =	vst v1  }
0x3d3: {  	[tilespmem:s12], [sflag:$0x2] =	stream.indirect.gather [hbm4b:s4+s9], $0x20, s23, s9, $0xb8;
	[tilespmem:$0x2800] =	vst v63  }
0x3d4: {  	_ =	swait.ge [sflag:s13], $0xC80  }
0x3d5: {  	[sflag:s13] =	ssyncset.done $0x0  }
0x3d6: {  	s28 =	simm.s32 $0x0;
	[sflag:s13] =	ssyncadd.s32 $0xFFFFF380  }
0x3d7: {  	v1 =	vld [tilespmem:s28+$0xD00]  }
0x3d8: {  	v2 =	vld [tilespmem:s28+$0xD10]  }
0x3d9: {  	v5 =	vld [tilespmem:s28+$0xD20]  }
0x3da: {  	v6 =	vld [tilespmem:s28+$0xD30]  }
0x3db: {  	v0 =	vld [tilespmem:s28+$0xD40]  }
0x3dc: {  	v4 =	vimm.f32 $0.0e+00;
	v3 =	vld [tilespmem:s28+$0xD50]  }
0x3dd: {  	v7 =	vadd.f32 v1, v4;
	v8 =	vadd.f32 v2, v4;
	v2 =	vld [tilespmem:s28+$0xD60]  }
0x3de: {  	s26 =	simm.s32 $0x80;
	v4 =	vld [tilespmem:s28+$0xD70]  }
0x3df: {  	v1 =	vld [tilespmem:s26+$0xD00];
	s28 =	simm.s32 $0x400;
	v5 =	vadd.f32 v5, v7;
	v6 =	vadd.f32 v6, v8  }
.LBB2_63:
0x3e0: {  	p0 =	sne.s32 s28, $0x3000;
	v7 =	vld [tilespmem:s26+$0xD10]  }
0x3e1: {  	v8 =	vld [tilespmem:s26+$0xD20];
	v5 =	vadd.f32 v0, v5;
	v3 =	vadd.f32 v3, v6  }
0x3e2: {  	v6 =	vld [tilespmem:s26+$0xD30]  }
.Ltmp30:
0x3e3: {  	v0 =	vld [tilespmem:s26+$0xD40];
	v2 =	vadd.f32 v2, v5;
	v4 =	vadd.f32 v4, v3;
	(pc) =	sbr.rel @p0 .LBB2_63-.Ltmp30, $4  }
0x3e4: {  	v3 =	vld [tilespmem:s26+$0xD50]  }
0x3e5: {  	v5 =	vadd.f32 v1, v2;
	v7 =	vadd.f32 v7, v4;
	v2 =	vld [tilespmem:s26+$0xD60]  }
0x3e6: {  	v4 =	vld [tilespmem:s26+$0xD70];
	s26 =	sshra.s32 s28, $0x2  }
0x3e7: {  	s28 =	sadd.s32 $0x200, s28;
	v1 =	vld [tilespmem:s26+$0xD00];
	v5 =	vadd.f32 v8, v5;
	v6 =	vadd.f32 v6, v7  }
0x3e8: {  	v7 =	vld [tilespmem:s26+$0xD10]  }
0x3e9: {  	v8 =	vld [tilespmem:s26+$0xD20]  }
0x3ea: {  	v9 =	vld [tilespmem:s26+$0xD30]  }
0x3eb: {  	v10 =	vld [tilespmem:s26+$0xD40];
	v0 =	vadd.f32 v0, v5;
	v3 =	vadd.f32 v3, v6  }
0x3ec: {  	v5 =	vld [tilespmem:s26+$0xD50]  }
0x3ed: {  	v6 =	vld [tilespmem:s26+$0xD60];
	v0 =	vadd.f32 v2, v0;
	v2 =	vadd.f32 v4, v3  }
0x3ee: {  	v3 =	vld [tilespmem:s26+$0xD70];
	_ =	swait.ge [sflag:s15], $0xC80  }
0x3ef: {  	[sflag:s15] =	ssyncset.done $0x0;
	v0 =	vadd.f32 v1, v0;
	v1 =	vadd.f32 v7, v2  }
0x3f0: {  	s28 =	simm.s32 $0x0;
	[sflag:s15] =	ssyncadd.s32 $0xFFFFF380  }
0x3f1: {  	v4 =	vld [tilespmem:s28+$0x1980];
	v0 =	vadd.f32 v8, v0;
	v1 =	vadd.f32 v9, v1  }
0x3f2: {  	v7 =	vld [tilespmem:s28+$0x1990]  }
0x3f3: {  	v8 =	vld [tilespmem:s28+$0x19B0];
	v0 =	vadd.f32 v10, v0;
	v1 =	vadd.f32 v5, v1  }
0x3f4: {  	v5 =	vld [tilespmem:s28+$0x19A0]  }
0x3f5: {  	v2 =	vld [tilespmem:s28+$0x19D0];
	v6 =	vadd.f32 v6, v0;
	v1 =	vadd.f32 v3, v1  }
0x3f6: {  	v0 =	vld [tilespmem:s28+$0x19C0]  }
0x3f7: {  	v3 =	vld [tilespmem:s28+$0x19E0];
	v6 =	vadd.f32 v4, v6;
	v7 =	vadd.f32 v7, v1  }
0x3f8: {  	s26 =	simm.s32 $0x80;
	v4 =	vld [tilespmem:s28+$0x19F0]  }
0x3f9: {  	v1 =	vld [tilespmem:s26+$0x1980];
	s28 =	simm.s32 $0x400;
	v6 =	vadd.f32 v5, v6;
	v5 =	vadd.f32 v8, v7  }
.LBB2_65:
0x3fa: {  	p0 =	sne.s32 s28, $0x3000;
	v7 =	vld [tilespmem:s26+$0x1990]  }
0x3fb: {  	v8 =	vld [tilespmem:s26+$0x19A0];
	v6 =	vadd.f32 v0, v6;
	v2 =	vadd.f32 v2, v5  }
0x3fc: {  	v5 =	vld [tilespmem:s26+$0x19B0]  }
.Ltmp31:
0x3fd: {  	v0 =	vld [tilespmem:s26+$0x19C0];
	v3 =	vadd.f32 v3, v6;
	v4 =	vadd.f32 v4, v2;
	(pc) =	sbr.rel @p0 .LBB2_65-.Ltmp31, $4  }
0x3fe: {  	v2 =	vld [tilespmem:s26+$0x19D0]  }
0x3ff: {  	v6 =	vadd.f32 v1, v3;
	v7 =	vadd.f32 v7, v4;
	v3 =	vld [tilespmem:s26+$0x19E0]  }
0x400: {  	v4 =	vld [tilespmem:s26+$0x19F0];
	s26 =	sshra.s32 s28, $0x2  }
0x401: {  	s28 =	sadd.s32 $0x200, s28;
	v1 =	vld [tilespmem:s26+$0x1980];
	v6 =	vadd.f32 v8, v6;
	v5 =	vadd.f32 v5, v7  }
0x402: {  	_ = 	snop  }
0x403: {  	v7 =	vld [tilespmem:s26+$0x1990];
	v0 =	vadd.f32 v0, v6  }
0x404: {  	v57 =	vld [tilespmem:s26+$0x19A0];
	v2 =	vadd.f32 v2, v5  }
0x405: {  	v58 =	vld [tilespmem:s26+$0x19B0];
	v0 =	vadd.f32 v3, v0  }
0x406: {  	v59 =	vld [tilespmem:s26+$0x19C0];
	v2 =	vadd.f32 v4, v2  }
0x407: {  	v60 =	vld [tilespmem:s26+$0x19D0];
	v0 =	vadd.f32 v1, v0  }
0x408: {  	v62 =	vld [tilespmem:s26+$0x19E0];
	v61 =	vadd.f32 v7, v2  }
0x409: {  	v63 =	vld [tilespmem:s26+$0x19F0];
	v0 =	vadd.f32 v57, v0  }
0x40a: {  	v1 =	vadd.f32 v58, v61  }
0x40b: {  	v0 =	vadd.f32 v59, v0  }
0x40c: {  	v1 =	vadd.f32 v60, v1  }
0x40d: {  	v0 =	vadd.f32 v62, v0  }
0x40e: {  	s28 =	sshll.u32 s25, $0x6;
	s25 =	sadd.s32 $0x1, s25;
	v1 =	vadd.f32 v63, v1  }
0x40f: {  	p0 =	sne.s32 s25, $0x20;
	[tilespmem:$0x27E0] =	vst v0  }
.Ltmp32:
0x410: {  	s26 =	sadd.s32 s28, s6;
	s28 =	simm.s32 $0x0;
	[tilespmem:$0x27F0] =	vst v1;
	(pc) =	sbr.rel @p0 .LBB2_2-.Ltmp32, $4  }
0x411: {  	[hbm4b:s26+s28] =	stream.linear.scatter [tilespmem:s24], [sflag:$0x3], $0x200, $0x38;
	[tilespmem:$0x2800] =	vst v63  }
0x412: {  	_ =	swait.ge [sflag:s8], $0x200  }
0x413: {  	[sflag:s8] =	ssyncset.done $0x0  }
0x414: {  	[sflag:s8] =	ssyncadd.s32 $0xFFFFFE00  }
0x415: {  	s26 =	rddreg [dreg:$0x3]  }
0x416: {  	s25 =	rddreg [dreg:$0x2];
	s26 =	sadd.s32 $0x1, s26  }
0x417: {  	p0 =	sne.s32 s26, s25  }
.Ltmp33:
0x418: {  	_ = 	snop;
	(pc) =	sbr.rel @p0 .LBB2_1-.Ltmp33, $1  }
0x419: {  	_ =	sdelay $0x3  }
0x41a: {  	_ =	sfence.sel $0x180000  }
0x41b: {  	[bflag:$0x0] =	sbarrier.arrive $0xFFFF  }
0x41c: {  	_ =	strace $0x90000047  }
0x41d: {  	s0 =	stileid.u32;
	[bflag:$0x2] =	sbarrier.arrive $0xFFFF  }
0x41e: {  	p0 =	sne.s32 s0, $0x0;
	s0 =	rddreg [dreg:$0x1]  }
0x41f: {  	s0 =	sadd.s32 @!p0 $0x100000, s0  }
0x420: {  	[sflag:s0] =	ssyncadd.tile.s32 @!p0 $0x1;
	_ =	shalt  }
.Lfunc_end2:
_tile_overlayer_lowered:
.L_overlay_start_2:
0x421: {  	(tag) =	ssettag $0x2  }
0x422: {  	s0 =	rddreg [dreg:$0x0];
	s2 =	stileid.u32  }
0x423: {  	s1 =	rddreg [dreg:$0x1];
	p0 =	sne.s32 s2, $0x0  }
0x424: {  	s3 =	rddreg [dreg:$0x2];
	[bflag:$0x3] =	sbarrier.arrive $0xFFFF;
	s2 =	simm.s32 @!p0 $0x1C03  }
0x425: {  	[timem:s3], [sflag:s2] =	dma.local @!p0 [hbm:s0], s1  }
0x426: {  	s0 =	simm.s32 @!p0 $0x3  }
0x427: {  	_ =	swait.ge @!p0 [sflag:s0], s1  }
0x428: {  	s1 =	ssub.s32 @!p0 $0x0, s1;
	[sflag:s0] =	ssyncset.done @!p0 $0x0  }
0x429: {  	[sflag:s0] =	ssyncadd.s32 @!p0 s1  }
0x42a: {  	[bflag:$0x3] =	sbarrier.arrive $0xFFFF  }
0x42b: {  	_ =	shalt  }

</sc_bundles>
